<compile_context>
chip_gen: v7x
topology: tpu7x:2x2x1
jax: 0.10.2.dev20260603
libtpu: 0.0.44.dev20260713+nightly
codegen_flags: <defaults>
</compile_context>

<pallas_src>
import jax
import jax.numpy as jnp
from jax import lax
from jax.experimental import pallas as pl
from jax.experimental.pallas import tpu as pltpu
from jax.experimental.pallas import tpu_sc as plsc

_B = 16384
_E = 210
_NC = 2
_NS = 16
_NW = _NC * _NS
_SW = 2 * 128 * 128
_CW = _SW // 2
_HI = 222.0
_ROWS = 2 * _E * 128
_GRID = 10
_BR = _ROWS // _GRID


def _p1_body(zp_hbm, zy_hbm, tab_hbm, rd_hbm,
             tab_v, bp0, bp1, by0, by1, rd_v,
             sp0, sp1, sy0, sy1):
    w = lax.axis_index("s") * _NC + lax.axis_index("c")
    pltpu.sync_copy(tab_hbm, tab_v)

    lo = jnp.where(w < 18, 7 * w, 6 * w + 18)
    ns = jnp.where(w < 18, 7, 6)
    base = lo * _SW

    pltpu.make_async_copy(zp_hbm.at[pl.ds(base, _CW)], bp0, sp0).start()
    pltpu.make_async_copy(zy_hbm.at[pl.ds(base, _CW)], by0, sy0).start()
    pltpu.make_async_copy(zp_hbm.at[pl.ds(base + _CW, _CW)], bp1, sp1).start()
    pltpu.make_async_copy(zy_hbm.at[pl.ds(base + _CW, _CW)], by1, sy1).start()

    def compute_chunk(h, bp, by, first):
        def bt_body(bt2):
            offb = bt2 * 256
            r0 = h * 8192 + bt2 * 128
            for g in range(8):
                o = offb + g * 16
                x = bp[pl.ds(o, 16)]
                a = bp[pl.ds(o + 128, 16)]
                ti = by[pl.ds(o, 16)]
                ta = by[pl.ds(o + 128, 16)]
                valid = (x > 0.0) & (x <= _HI)
                xi = jnp.where(valid, x, 0.0).astype(jnp.int32)
                delta = (plsc.load_gather(tab_v, [ti.astype(jnp.int32)]) * ta
                         - plsc.load_gather(tab_v, [xi]) * a)
                if first:
                    rd_v[pl.ds(r0 + g * 16, 16)] = delta
                else:
                    plsc.addupdate(rd_v.at[pl.ds(r0 + g * 16, 16)], delta)

        plsc.parallel_loop(0, 64, 1, unroll=2)(bt_body)

    def pair_iter(c0, more, first):
        pltpu.make_async_copy(zp_hbm.at[pl.ds(0, _CW)], bp0, sp0).wait()
        pltpu.make_async_copy(zy_hbm.at[pl.ds(0, _CW)], by0, sy0).wait()
        compute_chunk(0, bp0, by0, first)

        @pl.when(more)
        def _():
            off = base + (c0 + 2) * _CW
            pltpu.make_async_copy(zp_hbm.at[pl.ds(off, _CW)], bp0, sp0).start()
            pltpu.make_async_copy(zy_hbm.at[pl.ds(off, _CW)], by0, sy0).start()

        pltpu.make_async_copy(zp_hbm.at[pl.ds(0, _CW)], bp1, sp1).wait()
        pltpu.make_async_copy(zy_hbm.at[pl.ds(0, _CW)], by1, sy1).wait()
        compute_chunk(1, bp1, by1, first)

        @pl.when(more)
        def _():
            off = base + (c0 + 3) * _CW
            pltpu.make_async_copy(zp_hbm.at[pl.ds(off, _CW)], bp1, sp1).start()
            pltpu.make_async_copy(zy_hbm.at[pl.ds(off, _CW)], by1, sy1).start()

    pair_iter(0, 1 < ns, True)

    def pair_body(j, carry):
        pair_iter(2 * j, j + 1 < ns, False)
        return carry

    lax.fori_loop(1, ns, pair_body, 0)

    pltpu.sync_copy(rd_v, rd_hbm.at[w])


def _mask_body(zp_ref, o_ref):
    blk = zp_ref[...]
    t = jnp.tanh(blk * 4.0)
    t2 = t.reshape(_BR // 2, 2, 128)
    x2 = blk.reshape(_BR // 2, 2, 128)[:, 0, :]
    zn = jnp.sum(t) - 2.0 * jnp.sum(t2[:, 0, :] * t2[:, 1, :])
    ir = jnp.sum(jnp.maximum(x2 - _HI, 0.0))
    lane = jax.lax.broadcasted_iota(jnp.int32, (1, 128), 1)
    part = jnp.where(lane == 0, zn, jnp.where(lane == 1, ir, 0.0))

    @pl.when(pl.program_id(0) == 0)
    def _():
        o_ref[...] = part

    @pl.when(pl.program_id(0) > 0)
    def _():
        o_ref[...] = o_ref[...] + part


def _p2_body(rd_ref, mask_ref, o_ref):
    s = jnp.sum(rd_ref[...], axis=0, keepdims=True)
    val = jnp.sum(s * s) + jnp.sum(mask_ref[...])
    o_ref[...] = jnp.reshape(val, (1, 1))


def kernel(y_pred, y, data):
    zp = y_pred.reshape(128, 128, 7, 3, 10, 2).transpose(2, 3, 4, 0, 5, 1).reshape(-1)
    zy = y.reshape(128, 128, 7, 3, 10, 2).transpose(2, 3, 4, 0, 5, 1).reshape(-1)
    tab = jnp.concatenate([data[:, 0], jnp.zeros((1,), jnp.float32)]) * (1.0 / 700.0)

    p1 = pl.kernel(
        _p1_body,
        out_type=jax.ShapeDtypeStruct((_NW, _B), jnp.float32),
        mesh=plsc.VectorSubcoreMesh(core_axis_name="c", subcore_axis_name="s"),
        compiler_params=pltpu.CompilerParams(needs_layout_passes=False),
        scratch_types=[
            pltpu.VMEM((224,), jnp.float32),
            pltpu.VMEM((_CW,), jnp.float32),
            pltpu.VMEM((_CW,), jnp.float32),
            pltpu.VMEM((_CW,), jnp.float32),
            pltpu.VMEM((_CW,), jnp.float32),
            pltpu.VMEM((_B,), jnp.float32),
            pltpu.SemaphoreType.DMA,
            pltpu.SemaphoreType.DMA,
            pltpu.SemaphoreType.DMA,
            pltpu.SemaphoreType.DMA,
        ],
    )
    mask_part = pl.pallas_call(
        _mask_body,
        grid=(_GRID,),
        in_specs=[pl.BlockSpec((_BR, 128), lambda i: (i, 0))],
        out_specs=pl.BlockSpec((1, 128), lambda i: (0, 0)),
        out_shape=jax.ShapeDtypeStruct((1, 128), jnp.float32),
    )(zp.reshape(_ROWS, 128))

    rd = p1(zp, zy, tab)

    out2 = pl.pallas_call(
        _p2_body,
        out_shape=jax.ShapeDtypeStruct((1, 1), jnp.float32),
    )(rd, mask_part)
    return out2[0, 0] / _B

# --- scband reference (transcript-rebuilt; emitter-appended) ---
"""Pipeline reference for scband-menu-loss-62191126446670 (READ-ONLY COPY).

The authoritative reference and input builder live on the scoring server;
editing this copy changes nothing except your own understanding.
"""

import jax, jax.numpy as jnp
import numpy as np

ZERO_NONZERO_PENALTY = 1.0
HIGHEST_ID = 222

def setup_inputs(seed: int = 0) -> dict:
    key = jax.random.key(seed)
    k1, k2, k3 = jax.random.split(key, 3)
    B = 16384
    y_pred = jax.random.uniform(k1, (B, 7, 3, 10, 2), dtype=jnp.float32) * 250.0
    # y holds ids in [...,0] (float-encoded integers in valid range) and amounts in [...,1]
    ids = jax.random.randint(k2, (B, 7, 3, 10), 0, HIGHEST_ID + 1).astype(jnp.float32)
    amounts = jax.random.uniform(k3, (B, 7, 3, 10), dtype=jnp.float32) * 200.0
    y = jnp.stack([ids, amounts], axis=-1)
    kd = jax.random.fold_in(key, 7)
    data = jax.random.uniform(kd, (HIGHEST_ID + 1, 19), dtype=jnp.float32) * 500.0
    data = data.at[0].set(0.0)
    return {"y_pred": y_pred, "y": y, "data": data}

def reference(y_pred, y, data):
    pred_ids = y_pred[..., 0]
    pred_amounts = y_pred[..., 1]
    true_ids = y[..., 0]
    true_amounts = y[..., 1]

    id_zero_mask = 1.0 - jnp.tanh(4.0 * pred_ids)
    amount_nonzero_mask = jnp.tanh(4.0 * pred_amounts)
    case1 = id_zero_mask * amount_nonzero_mask
    id_nonzero_mask = 1.0 - id_zero_mask
    amount_zero_mask = 1.0 - amount_nonzero_mask
    case2 = id_nonzero_mask * amount_zero_mask
    zeros_nonzeros = ZERO_NONZERO_PENALTY * (case1 + case2)
    id_range_mask = jax.nn.relu(pred_ids - HIGHEST_ID)
    zeros_nonzeros = zeros_nonzeros.sum(axis=(1, 2, 3)).mean()
    id_range = id_range_mask.sum(axis=(1, 2, 3)).mean()

    B = y.shape[0]
    calories_for_true_ids = jnp.take(data[:, 0], true_ids.reshape(-1).astype(jnp.int64), axis=0).reshape(B, -1)
    true_amounts_f = true_amounts.reshape(B, -1)
    calories_in_true_menu = (calories_for_true_ids * true_amounts_f / 100.0).sum(axis=1) / 7.0

    valid_ids_mask = (pred_ids > 0) & (pred_ids <= HIGHEST_ID)
    pred_ids_clone = jnp.where(valid_ids_mask, pred_ids, 0.0)
    Bp = y_pred.shape[0]
    calories_for_pred_ids = jnp.take(data[:, 0], pred_ids_clone.reshape(-1).astype(jnp.int64), axis=0).reshape(Bp, -1)
    pred_amounts_f = pred_amounts.reshape(Bp, -1)
    calories_in_pred_menu = (calories_for_pred_ids * pred_amounts_f / 100.0).sum(axis=1) / 7.0

    calories_diff = ((calories_in_true_menu - calories_in_pred_menu) ** 2).mean()
    loss = zeros_nonzeros + id_range + calories_diff
    return loss

if __name__ == "__main__":
    import jax
    _d = setup_inputs()
    print(jax.jit(kernel)(*tuple(_d.values())))

</pallas_src>

<mosaic_0001>
#map = affine_map<(d0, d1) -> (0)>
#map1 = affine_map<(d0, d1) -> (0, 0)>
module attributes {stable_mosaic.version = 14 : i64} {
  func.func @_p1_body(%arg0: i32, %arg1: i32, %arg2: memref<6881280xf32, #tpu.memory_space<hbm>>, %arg3: memref<6881280xf32, #tpu.memory_space<hbm>>, %arg4: memref<224xf32, #tpu.memory_space<hbm>>, %arg5: memref<32x16384xf32, #tpu.memory_space<hbm>>, %arg6: memref<224xf32, #tpu.memory_space<vmem>>, %arg7: memref<16384xf32, #tpu.memory_space<vmem>>, %arg8: memref<16384xf32, #tpu.memory_space<vmem>>, %arg9: memref<16384xf32, #tpu.memory_space<vmem>>, %arg10: memref<16384xf32, #tpu.memory_space<vmem>>, %arg11: memref<16384xf32, #tpu.memory_space<vmem>>, %arg12: memref<!tpu.dma_semaphore, #tpu.memory_space<semaphore_mem>>, %arg13: memref<!tpu.dma_semaphore, #tpu.memory_space<semaphore_mem>>, %arg14: memref<!tpu.dma_semaphore, #tpu.memory_space<semaphore_mem>>, %arg15: memref<!tpu.dma_semaphore, #tpu.memory_space<semaphore_mem>>) attributes {dimension_semantics = [#tpu.dimension_semantics<core_parallel>, #tpu.dimension_semantics<subcore_parallel>], iteration_bounds = array<i64: 2, 16>, scalar_prefetch = 0 : i64, scratch_operands = 10 : i64, tpu.core_type = #tpu.core_type<sc_vector_subcore>, window_params = [{transform_indices = #map}, {transform_indices = #map}, {transform_indices = #map}, {transform_indices = #map1}]} {
    %mul3A = arith.constant 2 : i32
    %mul3A_0 = arith.muli %arg1, %mul3A : i32
    %add3A = arith.addi %mul3A_0, %arg0 : i32
    "tpu.region"() ({
      %run_scoped3A = tpu.sem_alloc : memref<!tpu.dma_semaphore, #tpu.memory_space<semaphore_mem>>
      tpu.enqueue_dma source(%arg4 : memref<224xf32, #tpu.memory_space<hbm>>) target(%arg6 : memref<224xf32, #tpu.memory_space<vmem>>) target_semaphore(%run_scoped3A : memref<!tpu.dma_semaphore, #tpu.memory_space<semaphore_mem>>)
      tpu.wait_dma2 semaphore(%run_scoped3A : memref<!tpu.dma_semaphore, #tpu.memory_space<semaphore_mem>>) src(%arg4 : memref<224xf32, #tpu.memory_space<hbm>>) dst(%arg6 : memref<224xf32, #tpu.memory_space<vmem>>)
      tpu.yield
    }) : () -> ()
    %lt3A = arith.constant 18 : i32
    %lt3A_1 = arith.cmpi slt, %add3A, %lt3A : i32
    %mul3A_2 = arith.constant 7 : i32
    %mul3A_3 = arith.muli %mul3A_2, %add3A : i32
    %mul3A_4 = arith.constant 6 : i32
    %mul3A_5 = arith.muli %mul3A_4, %add3A : i32
    %add3A_6 = arith.constant 18 : i32
    %add3A_7 = arith.addi %mul3A_5, %add3A_6 : i32
    %select_n3A = arith.select %lt3A_1, %mul3A_3, %add3A_7 : i32
    %lt3A_8 = arith.constant 18 : i32
    %lt3A_9 = arith.cmpi slt, %add3A, %lt3A_8 : i32
    %jit3A = arith.constant 7 : i32
    %jit3A_10 = arith.constant 6 : i32
    %select_n3A_11 = arith.select %lt3A_9, %jit3A, %jit3A_10 : i32
    %mul3A_12 = arith.constant 32768 : i32
    %mul3A_13 = arith.muli %select_n3A, %mul3A_12 : i32
    %dma_start3A = tpu.memref_slice %arg2[%mul3A_13] : memref<6881280xf32, #tpu.memory_space<hbm>> -> memref<16384xf32, #tpu.memory_space<hbm>>
    %dma_start3A_14 = tpu.memref_slice %arg2[%mul3A_13] : memref<6881280xf32, #tpu.memory_space<hbm>> -> memref<16384xf32, #tpu.memory_space<hbm>>
    tpu.enqueue_dma source(%dma_start3A_14 : memref<16384xf32, #tpu.memory_space<hbm>>) target(%arg7 : memref<16384xf32, #tpu.memory_space<vmem>>) target_semaphore(%arg12 : memref<!tpu.dma_semaphore, #tpu.memory_space<semaphore_mem>>)
    %dma_start3A_15 = tpu.memref_slice %arg3[%mul3A_13] : memref<6881280xf32, #tpu.memory_space<hbm>> -> memref<16384xf32, #tpu.memory_space<hbm>>
    %dma_start3A_16 = tpu.memref_slice %arg3[%mul3A_13] : memref<6881280xf32, #tpu.memory_space<hbm>> -> memref<16384xf32, #tpu.memory_space<hbm>>
    tpu.enqueue_dma source(%dma_start3A_16 : memref<16384xf32, #tpu.memory_space<hbm>>) target(%arg9 : memref<16384xf32, #tpu.memory_space<vmem>>) target_semaphore(%arg14 : memref<!tpu.dma_semaphore, #tpu.memory_space<semaphore_mem>>)
    %add3A_17 = arith.constant 16384 : i32
    %add3A_18 = arith.addi %mul3A_13, %add3A_17 : i32
    %dma_start3A_19 = tpu.memref_slice %arg2[%add3A_18] : memref<6881280xf32, #tpu.memory_space<hbm>> -> memref<16384xf32, #tpu.memory_space<hbm>>
    %dma_start3A_20 = tpu.memref_slice %arg2[%add3A_18] : memref<6881280xf32, #tpu.memory_space<hbm>> -> memref<16384xf32, #tpu.memory_space<hbm>>
    tpu.enqueue_dma source(%dma_start3A_20 : memref<16384xf32, #tpu.memory_space<hbm>>) target(%arg8 : memref<16384xf32, #tpu.memory_space<vmem>>) target_semaphore(%arg13 : memref<!tpu.dma_semaphore, #tpu.memory_space<semaphore_mem>>)
    %add3A_21 = arith.constant 16384 : i32
    %add3A_22 = arith.addi %mul3A_13, %add3A_21 : i32
    %dma_start3A_23 = tpu.memref_slice %arg3[%add3A_22] : memref<6881280xf32, #tpu.memory_space<hbm>> -> memref<16384xf32, #tpu.memory_space<hbm>>
    %dma_start3A_24 = tpu.memref_slice %arg3[%add3A_22] : memref<6881280xf32, #tpu.memory_space<hbm>> -> memref<16384xf32, #tpu.memory_space<hbm>>
    tpu.enqueue_dma source(%dma_start3A_24 : memref<16384xf32, #tpu.memory_space<hbm>>) target(%arg10 : memref<16384xf32, #tpu.memory_space<vmem>>) target_semaphore(%arg15 : memref<!tpu.dma_semaphore, #tpu.memory_space<semaphore_mem>>)
    %gt3A = arith.constant 1 : i32
    %gt3A_25 = arith.cmpi sgt, %select_n3A_11, %gt3A : i32
    %dma_wait3A = arith.constant 0 : i32
    %dma_wait3A_26 = tpu.memref_slice %arg2[%dma_wait3A] : memref<6881280xf32, #tpu.memory_space<hbm>> -> memref<16384xf32, #tpu.memory_space<hbm>>
    %dma_wait3A_27 = arith.constant 0 : i32
    %dma_wait3A_28 = tpu.memref_slice %arg2[%dma_wait3A_27] : memref<6881280xf32, #tpu.memory_space<hbm>> -> memref<16384xf32, #tpu.memory_space<hbm>>
    tpu.wait_dma2 semaphore(%arg12 : memref<!tpu.dma_semaphore, #tpu.memory_space<semaphore_mem>>) src(%dma_wait3A_28 : memref<16384xf32, #tpu.memory_space<hbm>>) dst(%arg7 : memref<16384xf32, #tpu.memory_space<vmem>>)
    %dma_wait3A_29 = arith.constant 0 : i32
    %dma_wait3A_30 = tpu.memref_slice %arg3[%dma_wait3A_29] : memref<6881280xf32, #tpu.memory_space<hbm>> -> memref<16384xf32, #tpu.memory_space<hbm>>
    %dma_wait3A_31 = arith.constant 0 : i32
    %dma_wait3A_32 = tpu.memref_slice %arg3[%dma_wait3A_31] : memref<6881280xf32, #tpu.memory_space<hbm>> -> memref<16384xf32, #tpu.memory_space<hbm>>
    tpu.wait_dma2 semaphore(%arg14 : memref<!tpu.dma_semaphore, #tpu.memory_space<semaphore_mem>>) src(%dma_wait3A_32 : memref<16384xf32, #tpu.memory_space<hbm>>) dst(%arg9 : memref<16384xf32, #tpu.memory_space<vmem>>)
    %parallel_loop3A = arith.constant 0 : i32
    %parallel_loop3A_33 = arith.constant 64 : i32
    %parallel_loop3A_34 = arith.constant 1 : i32
    scf.for %parallel_loop3A_59 = %parallel_loop3A to %parallel_loop3A_33 step %parallel_loop3A_34  : i32 {
      %parallel_loop3A_60 = arith.constant 256 : i32
      %parallel_loop3A_61 = arith.muli %parallel_loop3A_59, %parallel_loop3A_60 : i32
      %parallel_loop3A_62 = arith.constant 128 : i32
      %parallel_loop3A_63 = arith.muli %parallel_loop3A_59, %parallel_loop3A_62 : i32
      %parallel_loop3A_64 = arith.constant 0 : i32
      %parallel_loop3A_65 = arith.addi %parallel_loop3A_64, %parallel_loop3A_63 : i32
      %parallel_loop3A_66 = arith.constant 0 : i32
      %parallel_loop3A_67 = arith.addi %parallel_loop3A_61, %parallel_loop3A_66 : i32
      %parallel_loop3A_68 = arith.index_cast %parallel_loop3A_67 : i32 to index
      %parallel_loop3A_69 = tpu.vector_load %arg7[%parallel_loop3A_68] {strides = array<i32>} : memref<16384xf32, #tpu.memory_space<vmem>>, vector<16xf32>,
      %parallel_loop3A_70 = arith.constant 128 : i32
      %parallel_loop3A_71 = arith.addi %parallel_loop3A_67, %parallel_loop3A_70 : i32
      %parallel_loop3A_72 = arith.index_cast %parallel_loop3A_71 : i32 to index
      %parallel_loop3A_73 = tpu.vector_load %arg7[%parallel_loop3A_72] {strides = array<i32>} : memref<16384xf32, #tpu.memory_space<vmem>>, vector<16xf32>,
      %parallel_loop3A_74 = arith.index_cast %parallel_loop3A_67 : i32 to index
      %parallel_loop3A_75 = tpu.vector_load %arg9[%parallel_loop3A_74] {strides = array<i32>} : memref<16384xf32, #tpu.memory_space<vmem>>, vector<16xf32>,
      %parallel_loop3A_76 = arith.constant 128 : i32
      %parallel_loop3A_77 = arith.addi %parallel_loop3A_67, %parallel_loop3A_76 : i32
      %parallel_loop3A_78 = arith.index_cast %parallel_loop3A_77 : i32 to index
      %parallel_loop3A_79 = tpu.vector_load %arg9[%parallel_loop3A_78] {strides = array<i32>} : memref<16384xf32, #tpu.memory_space<vmem>>, vector<16xf32>,
      %parallel_loop3A_80 = arith.constant 0.000000e+00 : f32
      %parallel_loop3A_81 = vector.broadcast %parallel_loop3A_80 : f32 to vector<16xf32>
      %parallel_loop3A_82 = arith.cmpf ogt, %parallel_loop3A_69, %parallel_loop3A_81 : vector<16xf32>
      %parallel_loop3A_83 = arith.constant 2.220000e+02 : f32
      %parallel_loop3A_84 = vector.broadcast %parallel_loop3A_83 : f32 to vector<16xf32>
      %parallel_loop3A_85 = arith.cmpf ole, %parallel_loop3A_69, %parallel_loop3A_84 : vector<16xf32>
      %parallel_loop3A_86 = arith.andi %parallel_loop3A_82, %parallel_loop3A_85 : vector<16xi1>
      %parallel_loop3A_87 = arith.constant 0.000000e+00 : f32
      %parallel_loop3A_88 = vector.broadcast %parallel_loop3A_87 : f32 to vector<16xf32>
      %parallel_loop3A_89 = arith.select %parallel_loop3A_86, %parallel_loop3A_69, %parallel_loop3A_88 : vector<16xi1>, vector<16xf32>
      %parallel_loop3A_90 = arith.fptosi %parallel_loop3A_89 : vector<16xf32> to vector<16xi32>
      %parallel_loop3A_91 = arith.fptosi %parallel_loop3A_75 : vector<16xf32> to vector<16xi32>
      %parallel_loop3A_92 = tpu.vector_load_idx %arg6[%parallel_loop3A_91] : memref<224xf32, #tpu.memory_space<vmem>>[vector<16xi32>], vector<16xf32>,
      %parallel_loop3A_93 = arith.mulf %parallel_loop3A_92, %parallel_loop3A_79 : vector<16xf32>
      %parallel_loop3A_94 = tpu.vector_load_idx %arg6[%parallel_loop3A_90] : memref<224xf32, #tpu.memory_space<vmem>>[vector<16xi32>], vector<16xf32>,
      %parallel_loop3A_95 = arith.mulf %parallel_loop3A_94, %parallel_loop3A_73 : vector<16xf32>
      %parallel_loop3A_96 = arith.subf %parallel_loop3A_93, %parallel_loop3A_95 : vector<16xf32>
      %parallel_loop3A_97 = arith.constant 0 : i32
      %parallel_loop3A_98 = arith.addi %parallel_loop3A_65, %parallel_loop3A_97 : i32
      %parallel_loop3A_99 = arith.index_cast %parallel_loop3A_98 : i32 to index
      %parallel_loop3A_100 = tpu.vector_load %arg11[%parallel_loop3A_99] {strides = array<i32>} : memref<16384xf32, #tpu.memory_space<vmem>>, vector<16xf32>,
      tpu.vector_store %arg11[%parallel_loop3A_99], %parallel_loop3A_96 {strides = array<i32>} : memref<16384xf32, #tpu.memory_space<vmem>>, vector<16xf32>,
      %parallel_loop3A_101 = arith.constant 16 : i32
      %parallel_loop3A_102 = arith.addi %parallel_loop3A_61, %parallel_loop3A_101 : i32
      %parallel_loop3A_103 = arith.index_cast %parallel_loop3A_102 : i32 to index
      %parallel_loop3A_104 = tpu.vector_load %arg7[%parallel_loop3A_103] {strides = array<i32>} : memref<16384xf32, #tpu.memory_space<vmem>>, vector<16xf32>,
      %parallel_loop3A_105 = arith.constant 128 : i32
      %parallel_loop3A_106 = arith.addi %parallel_loop3A_102, %parallel_loop3A_105 : i32
      %parallel_loop3A_107 = arith.index_cast %parallel_loop3A_106 : i32 to index
      %parallel_loop3A_108 = tpu.vector_load %arg7[%parallel_loop3A_107] {strides = array<i32>} : memref<16384xf32, #tpu.memory_space<vmem>>, vector<16xf32>,
      %parallel_loop3A_109 = arith.index_cast %parallel_loop3A_102 : i32 to index
      %parallel_loop3A_110 = tpu.vector_load %arg9[%parallel_loop3A_109] {strides = array<i32>} : memref<16384xf32, #tpu.memory_space<vmem>>, vector<16xf32>,
      %parallel_loop3A_111 = arith.constant 128 : i32
      %parallel_loop3A_112 = arith.addi %parallel_loop3A_102, %parallel_loop3A_111 : i32
      %parallel_loop3A_113 = arith.index_cast %parallel_loop3A_112 : i32 to index
      %parallel_loop3A_114 = tpu.vector_load %arg9[%parallel_loop3A_113] {strides = array<i32>} : memref<16384xf32, #tpu.memory_space<vmem>>, vector<16xf32>,
      %parallel_loop3A_115 = arith.constant 0.000000e+00 : f32
      %parallel_loop3A_116 = vector.broadcast %parallel_loop3A_115 : f32 to vector<16xf32>
      %parallel_loop3A_117 = arith.cmpf ogt, %parallel_loop3A_104, %parallel_loop3A_116 : vector<16xf32>
      %parallel_loop3A_118 = arith.constant 2.220000e+02 : f32
      %parallel_loop3A_119 = vector.broadcast %parallel_loop3A_118 : f32 to vector<16xf32>
      %parallel_loop3A_120 = arith.cmpf ole, %parallel_loop3A_104, %parallel_loop3A_119 : vector<16xf32>
      %parallel_loop3A_121 = arith.andi %parallel_loop3A_117, %parallel_loop3A_120 : vector<16xi1>
      %parallel_loop3A_122 = arith.constant 0.000000e+00 : f32
      %parallel_loop3A_123 = vector.broadcast %parallel_loop3A_122 : f32 to vector<16xf32>
      %parallel_loop3A_124 = arith.select %parallel_loop3A_121, %parallel_loop3A_104, %parallel_loop3A_123 : vector<16xi1>, vector<16xf32>
      %parallel_loop3A_125 = arith.fptosi %parallel_loop3A_124 : vector<16xf32> to vector<16xi32>
      %parallel_loop3A_126 = arith.fptosi %parallel_loop3A_110 : vector<16xf32> to vector<16xi32>
      %parallel_loop3A_127 = tpu.vector_load_idx %arg6[%parallel_loop3A_126] : memref<224xf32, #tpu.memory_space<vmem>>[vector<16xi32>], vector<16xf32>,
      %parallel_loop3A_128 = arith.mulf %parallel_loop3A_127, %parallel_loop3A_114 : vector<16xf32>
      %parallel_loop3A_129 = tpu.vector_load_idx %arg6[%parallel_loop3A_125] : memref<224xf32, #tpu.memory_space<vmem>>[vector<16xi32>], vector<16xf32>,
      %parallel_loop3A_130 = arith.mulf %parallel_loop3A_129, %parallel_loop3A_108 : vector<16xf32>
      %parallel_loop3A_131 = arith.subf %parallel_loop3A_128, %parallel_loop3A_130 : vector<16xf32>
      %parallel_loop3A_132 = arith.constant 16 : i32
      %parallel_loop3A_133 = arith.addi %parallel_loop3A_65, %parallel_loop3A_132 : i32
      %parallel_loop3A_134 = arith.index_cast %parallel_loop3A_133 : i32 to index
      %parallel_loop3A_135 = tpu.vector_load %arg11[%parallel_loop3A_134] {strides = array<i32>} : memref<16384xf32, #tpu.memory_space<vmem>>, vector<16xf32>,
      tpu.vector_store %arg11[%parallel_loop3A_134], %parallel_loop3A_131 {strides = array<i32>} : memref<16384xf32, #tpu.memory_space<vmem>>, vector<16xf32>,
      %parallel_loop3A_136 = arith.constant 32 : i32
      %parallel_loop3A_137 = arith.addi %parallel_loop3A_61, %parallel_loop3A_136 : i32
      %parallel_loop3A_138 = arith.index_cast %parallel_loop3A_137 : i32 to index
      %parallel_loop3A_139 = tpu.vector_load %arg7[%parallel_loop3A_138] {strides = array<i32>} : memref<16384xf32, #tpu.memory_space<vmem>>, vector<16xf32>,
      %parallel_loop3A_140 = arith.constant 128 : i32
      %parallel_loop3A_141 = arith.addi %parallel_loop3A_137, %parallel_loop3A_140 : i32
      %parallel_loop3A_142 = arith.index_cast %parallel_loop3A_141 : i32 to index
      %parallel_loop3A_143 = tpu.vector_load %arg7[%parallel_loop3A_142] {strides = array<i32>} : memref<16384xf32, #tpu.memory_space<vmem>>, vector<16xf32>,
      %parallel_loop3A_144 = arith.index_cast %parallel_loop3A_137 : i32 to index
      %parallel_loop3A_145 = tpu.vector_load %arg9[%parallel_loop3A_144] {strides = array<i32>} : memref<16384xf32, #tpu.memory_space<vmem>>, vector<16xf32>,
      %parallel_loop3A_146 = arith.constant 128 : i32
      %parallel_loop3A_147 = arith.addi %parallel_loop3A_137, %parallel_loop3A_146 : i32
      %parallel_loop3A_148 = arith.index_cast %parallel_loop3A_147 : i32 to index
      %parallel_loop3A_149 = tpu.vector_load %arg9[%parallel_loop3A_148] {strides = array<i32>} : memref<16384xf32, #tpu.memory_space<vmem>>, vector<16xf32>,
      %parallel_loop3A_150 = arith.constant 0.000000e+00 : f32
      %parallel_loop3A_151 = vector.broadcast %parallel_loop3A_150 : f32 to vector<16xf32>
      %parallel_loop3A_152 = arith.cmpf ogt, %parallel_loop3A_139, %parallel_loop3A_151 : vector<16xf32>
      %parallel_loop3A_153 = arith.constant 2.220000e+02 : f32
      %parallel_loop3A_154 = vector.broadcast %parallel_loop3A_153 : f32 to vector<16xf32>
      %parallel_loop3A_155 = arith.cmpf ole, %parallel_loop3A_139, %parallel_loop3A_154 : vector<16xf32>
      %parallel_loop3A_156 = arith.andi %parallel_loop3A_152, %parallel_loop3A_155 : vector<16xi1>
      %parallel_loop3A_157 = arith.constant 0.000000e+00 : f32
      %parallel_loop3A_158 = vector.broadcast %parallel_loop3A_157 : f32 to vector<16xf32>
      %parallel_loop3A_159 = arith.select %parallel_loop3A_156, %parallel_loop3A_139, %parallel_loop3A_158 : vector<16xi1>, vector<16xf32>
      %parallel_loop3A_160 = arith.fptosi %parallel_loop3A_159 : vector<16xf32> to vector<16xi32>
      %parallel_loop3A_161 = arith.fptosi %parallel_loop3A_145 : vector<16xf32> to vector<16xi32>
      %parallel_loop3A_162 = tpu.vector_load_idx %arg6[%parallel_loop3A_161] : memref<224xf32, #tpu.memory_space<vmem>>[vector<16xi32>], vector<16xf32>,
      %parallel_loop3A_163 = arith.mulf %parallel_loop3A_162, %parallel_loop3A_149 : vector<16xf32>
      %parallel_loop3A_164 = tpu.vector_load_idx %arg6[%parallel_loop3A_160] : memref<224xf32, #tpu.memory_space<vmem>>[vector<16xi32>], vector<16xf32>,
      %parallel_loop3A_165 = arith.mulf %parallel_loop3A_164, %parallel_loop3A_143 : vector<16xf32>
      %parallel_loop3A_166 = arith.subf %parallel_loop3A_163, %parallel_loop3A_165 : vector<16xf32>
      %parallel_loop3A_167 = arith.constant 32 : i32
      %parallel_loop3A_168 = arith.addi %parallel_loop3A_65, %parallel_loop3A_167 : i32
      %parallel_loop3A_169 = arith.index_cast %parallel_loop3A_168 : i32 to index
      %parallel_loop3A_170 = tpu.vector_load %arg11[%parallel_loop3A_169] {strides = array<i32>} : memref<16384xf32, #tpu.memory_space<vmem>>, vector<16xf32>,
      tpu.vector_store %arg11[%parallel_loop3A_169], %parallel_loop3A_166 {strides = array<i32>} : memref<16384xf32, #tpu.memory_space<vmem>>, vector<16xf32>,
      %parallel_loop3A_171 = arith.constant 48 : i32
      %parallel_loop3A_172 = arith.addi %parallel_loop3A_61, %parallel_loop3A_171 : i32
      %parallel_loop3A_173 = arith.index_cast %parallel_loop3A_172 : i32 to index
      %parallel_loop3A_174 = tpu.vector_load %arg7[%parallel_loop3A_173] {strides = array<i32>} : memref<16384xf32, #tpu.memory_space<vmem>>, vector<16xf32>,
      %parallel_loop3A_175 = arith.constant 128 : i32
      %parallel_loop3A_176 = arith.addi %parallel_loop3A_172, %parallel_loop3A_175 : i32
      %parallel_loop3A_177 = arith.index_cast %parallel_loop3A_176 : i32 to index
      %parallel_loop3A_178 = tpu.vector_load %arg7[%parallel_loop3A_177] {strides = array<i32>} : memref<16384xf32, #tpu.memory_space<vmem>>, vector<16xf32>,
      %parallel_loop3A_179 = arith.index_cast %parallel_loop3A_172 : i32 to index
      %parallel_loop3A_180 = tpu.vector_load %arg9[%parallel_loop3A_179] {strides = array<i32>} : memref<16384xf32, #tpu.memory_space<vmem>>, vector<16xf32>,
      %parallel_loop3A_181 = arith.constant 128 : i32
      %parallel_loop3A_182 = arith.addi %parallel_loop3A_172, %parallel_loop3A_181 : i32
      %parallel_loop3A_183 = arith.index_cast %parallel_loop3A_182 : i32 to index
      %parallel_loop3A_184 = tpu.vector_load %arg9[%parallel_loop3A_183] {strides = array<i32>} : memref<16384xf32, #tpu.memory_space<vmem>>, vector<16xf32>,
      %parallel_loop3A_185 = arith.constant 0.000000e+00 : f32
      %parallel_loop3A_186 = vector.broadcast %parallel_loop3A_185 : f32 to vector<16xf32>
      %parallel_loop3A_187 = arith.cmpf ogt, %parallel_loop3A_174, %parallel_loop3A_186 : vector<16xf32>
      %parallel_loop3A_188 = arith.constant 2.220000e+02 : f32
      %parallel_loop3A_189 = vector.broadcast %parallel_loop3A_188 : f32 to vector<16xf32>
      %parallel_loop3A_190 = arith.cmpf ole, %parallel_loop3A_174, %parallel_loop3A_189 : vector<16xf32>
      %parallel_loop3A_191 = arith.andi %parallel_loop3A_187, %parallel_loop3A_190 : vector<16xi1>
      %parallel_loop3A_192 = arith.constant 0.000000e+00 : f32
      %parallel_loop3A_193 = vector.broadcast %parallel_loop3A_192 : f32 to vector<16xf32>
      %parallel_loop3A_194 = arith.select %parallel_loop3A_191, %parallel_loop3A_174, %parallel_loop3A_193 : vector<16xi1>, vector<16xf32>
      %parallel_loop3A_195 = arith.fptosi %parallel_loop3A_194 : vector<16xf32> to vector<16xi32>
      %parallel_loop3A_196 = arith.fptosi %parallel_loop3A_180 : vector<16xf32> to vector<16xi32>
      %parallel_loop3A_197 = tpu.vector_load_idx %arg6[%parallel_loop3A_196] : memref<224xf32, #tpu.memory_space<vmem>>[vector<16xi32>], vector<16xf32>,
      %parallel_loop3A_198 = arith.mulf %parallel_loop3A_197, %parallel_loop3A_184 : vector<16xf32>
      %parallel_loop3A_199 = tpu.vector_load_idx %arg6[%parallel_loop3A_195] : memref<224xf32, #tpu.memory_space<vmem>>[vector<16xi32>], vector<16xf32>,
      %parallel_loop3A_200 = arith.mulf %parallel_loop3A_199, %parallel_loop3A_178 : vector<16xf32>
      %parallel_loop3A_201 = arith.subf %parallel_loop3A_198, %parallel_loop3A_200 : vector<16xf32>
      %parallel_loop3A_202 = arith.constant 48 : i32
      %parallel_loop3A_203 = arith.addi %parallel_loop3A_65, %parallel_loop3A_202 : i32
      %parallel_loop3A_204 = arith.index_cast %parallel_loop3A_203 : i32 to index
      %parallel_loop3A_205 = tpu.vector_load %arg11[%parallel_loop3A_204] {strides = array<i32>} : memref<16384xf32, #tpu.memory_space<vmem>>, vector<16xf32>,
      tpu.vector_store %arg11[%parallel_loop3A_204], %parallel_loop3A_201 {strides = array<i32>} : memref<16384xf32, #tpu.memory_space<vmem>>, vector<16xf32>,
      %parallel_loop3A_206 = arith.constant 64 : i32
      %parallel_loop3A_207 = arith.addi %parallel_loop3A_61, %parallel_loop3A_206 : i32
      %parallel_loop3A_208 = arith.index_cast %parallel_loop3A_207 : i32 to index
      %parallel_loop3A_209 = tpu.vector_load %arg7[%parallel_loop3A_208] {strides = array<i32>} : memref<16384xf32, #tpu.memory_space<vmem>>, vector<16xf32>,
      %parallel_loop3A_210 = arith.constant 128 : i32
      %parallel_loop3A_211 = arith.addi %parallel_loop3A_207, %parallel_loop3A_210 : i32
      %parallel_loop3A_212 = arith.index_cast %parallel_loop3A_211 : i32 to index
      %parallel_loop3A_213 = tpu.vector_load %arg7[%parallel_loop3A_212] {strides = array<i32>} : memref<16384xf32, #tpu.memory_space<vmem>>, vector<16xf32>,
      %parallel_loop3A_214 = arith.index_cast %parallel_loop3A_207 : i32 to index
      %parallel_loop3A_215 = tpu.vector_load %arg9[%parallel_loop3A_214] {strides = array<i32>} : memref<16384xf32, #tpu.memory_space<vmem>>, vector<16xf32>,
      %parallel_loop3A_216 = arith.constant 128 : i32
      %parallel_loop3A_217 = arith.addi %parallel_loop3A_207, %parallel_loop3A_216 : i32
      %parallel_loop3A_218 = arith.index_cast %parallel_loop3A_217 : i32 to index
      %parallel_loop3A_219 = tpu.vector_load %arg9[%parallel_loop3A_218] {strides = array<i32>} : memref<16384xf32, #tpu.memory_space<vmem>>, vector<16xf32>,
      %parallel_loop3A_220 = arith.constant 0.000000e+00 : f32
      %parallel_loop3A_221 = vector.broadcast %parallel_loop3A_220 : f32 to vector<16xf32>
      %parallel_loop3A_222 = arith.cmpf ogt, %parallel_loop3A_209, %parallel_loop3A_221 : vector<16xf32>
      %parallel_loop3A_223 = arith.constant 2.220000e+02 : f32
      %parallel_loop3A_224 = vector.broadcast %parallel_loop3A_223 : f32 to vector<16xf32>
      %parallel_loop3A_225 = arith.cmpf ole, %parallel_loop3A_209, %parallel_loop3A_224 : vector<16xf32>
      %parallel_loop3A_226 = arith.andi %parallel_loop3A_222, %parallel_loop3A_225 : vector<16xi1>
      %parallel_loop3A_227 = arith.constant 0.000000e+00 : f32
      %parallel_loop3A_228 = vector.broadcast %parallel_loop3A_227 : f32 to vector<16xf32>
      %parallel_loop3A_229 = arith.select %parallel_loop3A_226, %parallel_loop3A_209, %parallel_loop3A_228 : vector<16xi1>, vector<16xf32>
      %parallel_loop3A_230 = arith.fptosi %parallel_loop3A_229 : vector<16xf32> to vector<16xi32>
      %parallel_loop3A_231 = arith.fptosi %parallel_loop3A_215 : vector<16xf32> to vector<16xi32>
      %parallel_loop3A_232 = tpu.vector_load_idx %arg6[%parallel_loop3A_231] : memref<224xf32, #tpu.memory_space<vmem>>[vector<16xi32>], vector<16xf32>,
      %parallel_loop3A_233 = arith.mulf %parallel_loop3A_232, %parallel_loop3A_219 : vector<16xf32>
      %parallel_loop3A_234 = tpu.vector_load_idx %arg6[%parallel_loop3A_230] : memref<224xf32, #tpu.memory_space<vmem>>[vector<16xi32>], vector<16xf32>,
      %parallel_loop3A_235 = arith.mulf %parallel_loop3A_234, %parallel_loop3A_213 : vector<16xf32>
      %parallel_loop3A_236 = arith.subf %parallel_loop3A_233, %parallel_loop3A_235 : vector<16xf32>
      %parallel_loop3A_237 = arith.constant 64 : i32
      %parallel_loop3A_238 = arith.addi %parallel_loop3A_65, %parallel_loop3A_237 : i32
      %parallel_loop3A_239 = arith.index_cast %parallel_loop3A_238 : i32 to index
      %parallel_loop3A_240 = tpu.vector_load %arg11[%parallel_loop3A_239] {strides = array<i32>} : memref<16384xf32, #tpu.memory_space<vmem>>, vector<16xf32>,
      tpu.vector_store %arg11[%parallel_loop3A_239], %parallel_loop3A_236 {strides = array<i32>} : memref<16384xf32, #tpu.memory_space<vmem>>, vector<16xf32>,
      %parallel_loop3A_241 = arith.constant 80 : i32
      %parallel_loop3A_242 = arith.addi %parallel_loop3A_61, %parallel_loop3A_241 : i32
      %parallel_loop3A_243 = arith.index_cast %parallel_loop3A_242 : i32 to index
      %parallel_loop3A_244 = tpu.vector_load %arg7[%parallel_loop3A_243] {strides = array<i32>} : memref<16384xf32, #tpu.memory_space<vmem>>, vector<16xf32>,
      %parallel_loop3A_245 = arith.constant 128 : i32
      %parallel_loop3A_246 = arith.addi %parallel_loop3A_242, %parallel_loop3A_245 : i32
      %parallel_loop3A_247 = arith.index_cast %parallel_loop3A_246 : i32 to index
      %parallel_loop3A_248 = tpu.vector_load %arg7[%parallel_loop3A_247] {strides = array<i32>} : memref<16384xf32, #tpu.memory_space<vmem>>, vector<16xf32>,
      %parallel_loop3A_249 = arith.index_cast %parallel_loop3A_242 : i32 to index
      %parallel_loop3A_250 = tpu.vector_load %arg9[%parallel_loop3A_249] {strides = array<i32>} : memref<16384xf32, #tpu.memory_space<vmem>>, vector<16xf32>,
      %parallel_loop3A_251 = arith.constant 128 : i32
      %parallel_loop3A_252 = arith.addi %parallel_loop3A_242, %parallel_loop3A_251 : i32
      %parallel_loop3A_253 = arith.index_cast %parallel_loop3A_252 : i32 to index
      %parallel_loop3A_254 = tpu.vector_load %arg9[%parallel_loop3A_253] {strides = array<i32>} : memref<16384xf32, #tpu.memory_space<vmem>>, vector<16xf32>,
      %parallel_loop3A_255 = arith.constant 0.000000e+00 : f32
      %parallel_loop3A_256 = vector.broadcast %parallel_loop3A_255 : f32 to vector<16xf32>
      %parallel_loop3A_257 = arith.cmpf ogt, %parallel_loop3A_244, %parallel_loop3A_256 : vector<16xf32>
      %parallel_loop3A_258 = arith.constant 2.220000e+02 : f32
      %parallel_loop3A_259 = vector.broadcast %parallel_loop3A_258 : f32 to vector<16xf32>
      %parallel_loop3A_260 = arith.cmpf ole, %parallel_loop3A_244, %parallel_loop3A_259 : vector<16xf32>
      %parallel_loop3A_261 = arith.andi %parallel_loop3A_257, %parallel_loop3A_260 : vector<16xi1>
      %parallel_loop3A_262 = arith.constant 0.000000e+00 : f32
      %parallel_loop3A_263 = vector.broadcast %parallel_loop3A_262 : f32 to vector<16xf32>
      %parallel_loop3A_264 = arith.select %parallel_loop3A_261, %parallel_loop3A_244, %parallel_loop3A_263 : vector<16xi1>, vector<16xf32>
      %parallel_loop3A_265 = arith.fptosi %parallel_loop3A_264 : vector<16xf32> to vector<16xi32>
      %parallel_loop3A_266 = arith.fptosi %parallel_loop3A_250 : vector<16xf32> to vector<16xi32>
      %parallel_loop3A_267 = tpu.vector_load_idx %arg6[%parallel_loop3A_266] : memref<224xf32, #tpu.memory_space<vmem>>[vector<16xi32>], vector<16xf32>,
      %parallel_loop3A_268 = arith.mulf %parallel_loop3A_267, %parallel_loop3A_254 : vector<16xf32>
      %parallel_loop3A_269 = tpu.vector_load_idx %arg6[%parallel_loop3A_265] : memref<224xf32, #tpu.memory_space<vmem>>[vector<16xi32>], vector<16xf32>,
      %parallel_loop3A_270 = arith.mulf %parallel_loop3A_269, %parallel_loop3A_248 : vector<16xf32>
      %parallel_loop3A_271 = arith.subf %parallel_loop3A_268, %parallel_loop3A_270 : vector<16xf32>
      %parallel_loop3A_272 = arith.constant 80 : i32
      %parallel_loop3A_273 = arith.addi %parallel_loop3A_65, %parallel_loop3A_272 : i32
      %parallel_loop3A_274 = arith.index_cast %parallel_loop3A_273 : i32 to index
      %parallel_loop3A_275 = tpu.vector_load %arg11[%parallel_loop3A_274] {strides = array<i32>} : memref<16384xf32, #tpu.memory_space<vmem>>, vector<16xf32>,
      tpu.vector_store %arg11[%parallel_loop3A_274], %parallel_loop3A_271 {strides = array<i32>} : memref<16384xf32, #tpu.memory_space<vmem>>, vector<16xf32>,
      %parallel_loop3A_276 = arith.constant 96 : i32
      %parallel_loop3A_277 = arith.addi %parallel_loop3A_61, %parallel_loop3A_276 : i32
      %parallel_loop3A_278 = arith.index_cast %parallel_loop3A_277 : i32 to index
      %parallel_loop3A_279 = tpu.vector_load %arg7[%parallel_loop3A_278] {strides = array<i32>} : memref<16384xf32, #tpu.memory_space<vmem>>, vector<16xf32>,
      %parallel_loop3A_280 = arith.constant 128 : i32
      %parallel_loop3A_281 = arith.addi %parallel_loop3A_277, %parallel_loop3A_280 : i32
      %parallel_loop3A_282 = arith.index_cast %parallel_loop3A_281 : i32 to index
      %parallel_loop3A_283 = tpu.vector_load %arg7[%parallel_loop3A_282] {strides = array<i32>} : memref<16384xf32, #tpu.memory_space<vmem>>, vector<16xf32>,
      %parallel_loop3A_284 = arith.index_cast %parallel_loop3A_277 : i32 to index
      %parallel_loop3A_285 = tpu.vector_load %arg9[%parallel_loop3A_284] {strides = array<i32>} : memref<16384xf32, #tpu.memory_space<vmem>>, vector<16xf32>,
      %parallel_loop3A_286 = arith.constant 128 : i32
      %parallel_loop3A_287 = arith.addi %parallel_loop3A_277, %parallel_loop3A_286 : i32
      %parallel_loop3A_288 = arith.index_cast %parallel_loop3A_287 : i32 to index
      %parallel_loop3A_289 = tpu.vector_load %arg9[%parallel_loop3A_288] {strides = array<i32>} : memref<16384xf32, #tpu.memory_space<vmem>>, vector<16xf32>,
      %parallel_loop3A_290 = arith.constant 0.000000e+00 : f32
      %parallel_loop3A_291 = vector.broadcast %parallel_loop3A_290 : f32 to vector<16xf32>
      %parallel_loop3A_292 = arith.cmpf ogt, %parallel_loop3A_279, %parallel_loop3A_291 : vector<16xf32>
      %parallel_loop3A_293 = arith.constant 2.220000e+02 : f32
      %parallel_loop3A_294 = vector.broadcast %parallel_loop3A_293 : f32 to vector<16xf32>
      %parallel_loop3A_295 = arith.cmpf ole, %parallel_loop3A_279, %parallel_loop3A_294 : vector<16xf32>
      %parallel_loop3A_296 = arith.andi %parallel_loop3A_292, %parallel_loop3A_295 : vector<16xi1>
      %parallel_loop3A_297 = arith.constant 0.000000e+00 : f32
      %parallel_loop3A_298 = vector.broadcast %parallel_loop3A_297 : f32 to vector<16xf32>
      %parallel_loop3A_299 = arith.select %parallel_loop3A_296, %parallel_loop3A_279, %parallel_loop3A_298 : vector<16xi1>, vector<16xf32>
      %parallel_loop3A_300 = arith.fptosi %parallel_loop3A_299 : vector<16xf32> to vector<16xi32>
      %parallel_loop3A_301 = arith.fptosi %parallel_loop3A_285 : vector<16xf32> to vector<16xi32>
      %parallel_loop3A_302 = tpu.vector_load_idx %arg6[%parallel_loop3A_301] : memref<224xf32, #tpu.memory_space<vmem>>[vector<16xi32>], vector<16xf32>,
      %parallel_loop3A_303 = arith.mulf %parallel_loop3A_302, %parallel_loop3A_289 : vector<16xf32>
      %parallel_loop3A_304 = tpu.vector_load_idx %arg6[%parallel_loop3A_300] : memref<224xf32, #tpu.memory_space<vmem>>[vector<16xi32>], vector<16xf32>,
      %parallel_loop3A_305 = arith.mulf %parallel_loop3A_304, %parallel_loop3A_283 : vector<16xf32>
      %parallel_loop3A_306 = arith.subf %parallel_loop3A_303, %parallel_loop3A_305 : vector<16xf32>
      %parallel_loop3A_307 = arith.constant 96 : i32
      %parallel_loop3A_308 = arith.addi %parallel_loop3A_65, %parallel_loop3A_307 : i32
      %parallel_loop3A_309 = arith.index_cast %parallel_loop3A_308 : i32 to index
      %parallel_loop3A_310 = tpu.vector_load %arg11[%parallel_loop3A_309] {strides = array<i32>} : memref<16384xf32, #tpu.memory_space<vmem>>, vector<16xf32>,
      tpu.vector_store %arg11[%parallel_loop3A_309], %parallel_loop3A_306 {strides = array<i32>} : memref<16384xf32, #tpu.memory_space<vmem>>, vector<16xf32>,
      %parallel_loop3A_311 = arith.constant 112 : i32
      %parallel_loop3A_312 = arith.addi %parallel_loop3A_61, %parallel_loop3A_311 : i32
      %parallel_loop3A_313 = arith.index_cast %parallel_loop3A_312 : i32 to index
      %parallel_loop3A_314 = tpu.vector_load %arg7[%parallel_loop3A_313] {strides = array<i32>} : memref<16384xf32, #tpu.memory_space<vmem>>, vector<16xf32>,
      %parallel_loop3A_315 = arith.constant 128 : i32
      %parallel_loop3A_316 = arith.addi %parallel_loop3A_312, %parallel_loop3A_315 : i32
      %parallel_loop3A_317 = arith.index_cast %parallel_loop3A_316 : i32 to index
      %parallel_loop3A_318 = tpu.vector_load %arg7[%parallel_loop3A_317] {strides = array<i32>} : memref<16384xf32, #tpu.memory_space<vmem>>, vector<16xf32>,
      %parallel_loop3A_319 = arith.index_cast %parallel_loop3A_312 : i32 to index
      %parallel_loop3A_320 = tpu.vector_load %arg9[%parallel_loop3A_319] {strides = array<i32>} : memref<16384xf32, #tpu.memory_space<vmem>>, vector<16xf32>,
      %parallel_loop3A_321 = arith.constant 128 : i32
      %parallel_loop3A_322 = arith.addi %parallel_loop3A_312, %parallel_loop3A_321 : i32
      %parallel_loop3A_323 = arith.index_cast %parallel_loop3A_322 : i32 to index
      %parallel_loop3A_324 = tpu.vector_load %arg9[%parallel_loop3A_323] {strides = array<i32>} : memref<16384xf32, #tpu.memory_space<vmem>>, vector<16xf32>,
      %parallel_loop3A_325 = arith.constant 0.000000e+00 : f32
      %parallel_loop3A_326 = vector.broadcast %parallel_loop3A_325 : f32 to vector<16xf32>
      %parallel_loop3A_327 = arith.cmpf ogt, %parallel_loop3A_314, %parallel_loop3A_326 : vector<16xf32>
      %parallel_loop3A_328 = arith.constant 2.220000e+02 : f32
      %parallel_loop3A_329 = vector.broadcast %parallel_loop3A_328 : f32 to vector<16xf32>
      %parallel_loop3A_330 = arith.cmpf ole, %parallel_loop3A_314, %parallel_loop3A_329 : vector<16xf32>
      %parallel_loop3A_331 = arith.andi %parallel_loop3A_327, %parallel_loop3A_330 : vector<16xi1>
      %parallel_loop3A_332 = arith.constant 0.000000e+00 : f32
      %parallel_loop3A_333 = vector.broadcast %parallel_loop3A_332 : f32 to vector<16xf32>
      %parallel_loop3A_334 = arith.select %parallel_loop3A_331, %parallel_loop3A_314, %parallel_loop3A_333 : vector<16xi1>, vector<16xf32>
      %parallel_loop3A_335 = arith.fptosi %parallel_loop3A_334 : vector<16xf32> to vector<16xi32>
      %parallel_loop3A_336 = arith.fptosi %parallel_loop3A_320 : vector<16xf32> to vector<16xi32>
      %parallel_loop3A_337 = tpu.vector_load_idx %arg6[%parallel_loop3A_336] : memref<224xf32, #tpu.memory_space<vmem>>[vector<16xi32>], vector<16xf32>,
      %parallel_loop3A_338 = arith.mulf %parallel_loop3A_337, %parallel_loop3A_324 : vector<16xf32>
      %parallel_loop3A_339 = tpu.vector_load_idx %arg6[%parallel_loop3A_335] : memref<224xf32, #tpu.memory_space<vmem>>[vector<16xi32>], vector<16xf32>,
      %parallel_loop3A_340 = arith.mulf %parallel_loop3A_339, %parallel_loop3A_318 : vector<16xf32>
      %parallel_loop3A_341 = arith.subf %parallel_loop3A_338, %parallel_loop3A_340 : vector<16xf32>
      %parallel_loop3A_342 = arith.constant 112 : i32
      %parallel_loop3A_343 = arith.addi %parallel_loop3A_65, %parallel_loop3A_342 : i32
      %parallel_loop3A_344 = arith.index_cast %parallel_loop3A_343 : i32 to index
      %parallel_loop3A_345 = tpu.vector_load %arg11[%parallel_loop3A_344] {strides = array<i32>} : memref<16384xf32, #tpu.memory_space<vmem>>, vector<16xf32>,
      tpu.vector_store %arg11[%parallel_loop3A_344], %parallel_loop3A_341 {strides = array<i32>} : memref<16384xf32, #tpu.memory_space<vmem>>, vector<16xf32>,
    } {sc.loop_unroll_factor = 2 : i64, sc.parallel_access}
    %convert_element_type3A = arith.extui %gt3A_25 : i1 to i32
    %cond3A = arith.constant 0 : i32
    %cond3A_35 = arith.cmpi ne, %convert_element_type3A, %cond3A : i32
    scf.if %cond3A_35 {
      %add3A_59 = arith.constant 32768 : i32
      %add3A_60 = arith.addi %mul3A_13, %add3A_59 : i32
      %dma_start3A_61 = tpu.memref_slice %arg2[%add3A_60] : memref<6881280xf32, #tpu.memory_space<hbm>> -> memref<16384xf32, #tpu.memory_space<hbm>>
      %dma_start3A_62 = tpu.memref_slice %arg2[%add3A_60] : memref<6881280xf32, #tpu.memory_space<hbm>> -> memref<16384xf32, #tpu.memory_space<hbm>>
      tpu.enqueue_dma source(%dma_start3A_62 : memref<16384xf32, #tpu.memory_space<hbm>>) target(%arg7 : memref<16384xf32, #tpu.memory_space<vmem>>) target_semaphore(%arg12 : memref<!tpu.dma_semaphore, #tpu.memory_space<semaphore_mem>>)
      %dma_start3A_63 = tpu.memref_slice %arg3[%add3A_60] : memref<6881280xf32, #tpu.memory_space<hbm>> -> memref<16384xf32, #tpu.memory_space<hbm>>
      %dma_start3A_64 = tpu.memref_slice %arg3[%add3A_60] : memref<6881280xf32, #tpu.memory_space<hbm>> -> memref<16384xf32, #tpu.memory_space<hbm>>
      tpu.enqueue_dma source(%dma_start3A_64 : memref<16384xf32, #tpu.memory_space<hbm>>) target(%arg9 : memref<16384xf32, #tpu.memory_space<vmem>>) target_semaphore(%arg14 : memref<!tpu.dma_semaphore, #tpu.memory_space<semaphore_mem>>)
    } else {
    }
    %dma_wait3A_36 = arith.constant 0 : i32
    %dma_wait3A_37 = tpu.memref_slice %arg2[%dma_wait3A_36] : memref<6881280xf32, #tpu.memory_space<hbm>> -> memref<16384xf32, #tpu.memory_space<hbm>>
    %dma_wait3A_38 = arith.constant 0 : i32
    %dma_wait3A_39 = tpu.memref_slice %arg2[%dma_wait3A_38] : memref<6881280xf32, #tpu.memory_space<hbm>> -> memref<16384xf32, #tpu.memory_space<hbm>>
    tpu.wait_dma2 semaphore(%arg13 : memref<!tpu.dma_semaphore, #tpu.memory_space<semaphore_mem>>) src(%dma_wait3A_39 : memref<16384xf32, #tpu.memory_space<hbm>>) dst(%arg8 : memref<16384xf32, #tpu.memory_space<vmem>>)
    %dma_wait3A_40 = arith.constant 0 : i32
    %dma_wait3A_41 = tpu.memref_slice %arg3[%dma_wait3A_40] : memref<6881280xf32, #tpu.memory_space<hbm>> -> memref<16384xf32, #tpu.memory_space<hbm>>
    %dma_wait3A_42 = arith.constant 0 : i32
    %dma_wait3A_43 = tpu.memref_slice %arg3[%dma_wait3A_42] : memref<6881280xf32, #tpu.memory_space<hbm>> -> memref<16384xf32, #tpu.memory_space<hbm>>
    tpu.wait_dma2 semaphore(%arg15 : memref<!tpu.dma_semaphore, #tpu.memory_space<semaphore_mem>>) src(%dma_wait3A_43 : memref<16384xf32, #tpu.memory_space<hbm>>) dst(%arg10 : memref<16384xf32, #tpu.memory_space<vmem>>)
    %parallel_loop3A_44 = arith.constant 0 : i32
    %parallel_loop3A_45 = arith.constant 64 : i32
    %parallel_loop3A_46 = arith.constant 1 : i32
    scf.for %parallel_loop3A_59 = %parallel_loop3A_44 to %parallel_loop3A_45 step %parallel_loop3A_46  : i32 {
      %parallel_loop3A_60 = arith.constant 256 : i32
      %parallel_loop3A_61 = arith.muli %parallel_loop3A_59, %parallel_loop3A_60 : i32
      %parallel_loop3A_62 = arith.constant 128 : i32
      %parallel_loop3A_63 = arith.muli %parallel_loop3A_59, %parallel_loop3A_62 : i32
      %parallel_loop3A_64 = arith.constant 8192 : i32
      %parallel_loop3A_65 = arith.addi %parallel_loop3A_64, %parallel_loop3A_63 : i32
      %parallel_loop3A_66 = arith.constant 0 : i32
      %parallel_loop3A_67 = arith.addi %parallel_loop3A_61, %parallel_loop3A_66 : i32
      %parallel_loop3A_68 = arith.index_cast %parallel_loop3A_67 : i32 to index
      %parallel_loop3A_69 = tpu.vector_load %arg8[%parallel_loop3A_68] {strides = array<i32>} : memref<16384xf32, #tpu.memory_space<vmem>>, vector<16xf32>,
      %parallel_loop3A_70 = arith.constant 128 : i32
      %parallel_loop3A_71 = arith.addi %parallel_loop3A_67, %parallel_loop3A_70 : i32
      %parallel_loop3A_72 = arith.index_cast %parallel_loop3A_71 : i32 to index
      %parallel_loop3A_73 = tpu.vector_load %arg8[%parallel_loop3A_72] {strides = array<i32>} : memref<16384xf32, #tpu.memory_space<vmem>>, vector<16xf32>,
      %parallel_loop3A_74 = arith.index_cast %parallel_loop3A_67 : i32 to index
      %parallel_loop3A_75 = tpu.vector_load %arg10[%parallel_loop3A_74] {strides = array<i32>} : memref<16384xf32, #tpu.memory_space<vmem>>, vector<16xf32>,
      %parallel_loop3A_76 = arith.constant 128 : i32
      %parallel_loop3A_77 = arith.addi %parallel_loop3A_67, %parallel_loop3A_76 : i32
      %parallel_loop3A_78 = arith.index_cast %parallel_loop3A_77 : i32 to index
      %parallel_loop3A_79 = tpu.vector_load %arg10[%parallel_loop3A_78] {strides = array<i32>} : memref<16384xf32, #tpu.memory_space<vmem>>, vector<16xf32>,
      %parallel_loop3A_80 = arith.constant 0.000000e+00 : f32
      %parallel_loop3A_81 = vector.broadcast %parallel_loop3A_80 : f32 to vector<16xf32>
      %parallel_loop3A_82 = arith.cmpf ogt, %parallel_loop3A_69, %parallel_loop3A_81 : vector<16xf32>
      %parallel_loop3A_83 = arith.constant 2.220000e+02 : f32
      %parallel_loop3A_84 = vector.broadcast %parallel_loop3A_83 : f32 to vector<16xf32>
      %parallel_loop3A_85 = arith.cmpf ole, %parallel_loop3A_69, %parallel_loop3A_84 : vector<16xf32>
      %parallel_loop3A_86 = arith.andi %parallel_loop3A_82, %parallel_loop3A_85 : vector<16xi1>
      %parallel_loop3A_87 = arith.constant 0.000000e+00 : f32
      %parallel_loop3A_88 = vector.broadcast %parallel_loop3A_87 : f32 to vector<16xf32>
      %parallel_loop3A_89 = arith.select %parallel_loop3A_86, %parallel_loop3A_69, %parallel_loop3A_88 : vector<16xi1>, vector<16xf32>
      %parallel_loop3A_90 = arith.fptosi %parallel_loop3A_89 : vector<16xf32> to vector<16xi32>
      %parallel_loop3A_91 = arith.fptosi %parallel_loop3A_75 : vector<16xf32> to vector<16xi32>
      %parallel_loop3A_92 = tpu.vector_load_idx %arg6[%parallel_loop3A_91] : memref<224xf32, #tpu.memory_space<vmem>>[vector<16xi32>], vector<16xf32>,
      %parallel_loop3A_93 = arith.mulf %parallel_loop3A_92, %parallel_loop3A_79 : vector<16xf32>
      %parallel_loop3A_94 = tpu.vector_load_idx %arg6[%parallel_loop3A_90] : memref<224xf32, #tpu.memory_space<vmem>>[vector<16xi32>], vector<16xf32>,
      %parallel_loop3A_95 = arith.mulf %parallel_loop3A_94, %parallel_loop3A_73 : vector<16xf32>
      %parallel_loop3A_96 = arith.subf %parallel_loop3A_93, %parallel_loop3A_95 : vector<16xf32>
      %parallel_loop3A_97 = arith.constant 0 : i32
      %parallel_loop3A_98 = arith.addi %parallel_loop3A_65, %parallel_loop3A_97 : i32
      %parallel_loop3A_99 = arith.index_cast %parallel_loop3A_98 : i32 to index
      %parallel_loop3A_100 = tpu.vector_load %arg11[%parallel_loop3A_99] {strides = array<i32>} : memref<16384xf32, #tpu.memory_space<vmem>>, vector<16xf32>,
      tpu.vector_store %arg11[%parallel_loop3A_99], %parallel_loop3A_96 {strides = array<i32>} : memref<16384xf32, #tpu.memory_space<vmem>>, vector<16xf32>,
      %parallel_loop3A_101 = arith.constant 16 : i32
      %parallel_loop3A_102 = arith.addi %parallel_loop3A_61, %parallel_loop3A_101 : i32
      %parallel_loop3A_103 = arith.index_cast %parallel_loop3A_102 : i32 to index
      %parallel_loop3A_104 = tpu.vector_load %arg8[%parallel_loop3A_103] {strides = array<i32>} : memref<16384xf32, #tpu.memory_space<vmem>>, vector<16xf32>,
      %parallel_loop3A_105 = arith.constant 128 : i32
      %parallel_loop3A_106 = arith.addi %parallel_loop3A_102, %parallel_loop3A_105 : i32
      %parallel_loop3A_107 = arith.index_cast %parallel_loop3A_106 : i32 to index
      %parallel_loop3A_108 = tpu.vector_load %arg8[%parallel_loop3A_107] {strides = array<i32>} : memref<16384xf32, #tpu.memory_space<vmem>>, vector<16xf32>,
      %parallel_loop3A_109 = arith.index_cast %parallel_loop3A_102 : i32 to index
      %parallel_loop3A_110 = tpu.vector_load %arg10[%parallel_loop3A_109] {strides = array<i32>} : memref<16384xf32, #tpu.memory_space<vmem>>, vector<16xf32>,
      %parallel_loop3A_111 = arith.constant 128 : i32
      %parallel_loop3A_112 = arith.addi %parallel_loop3A_102, %parallel_loop3A_111 : i32
      %parallel_loop3A_113 = arith.index_cast %parallel_loop3A_112 : i32 to index
      %parallel_loop3A_114 = tpu.vector_load %arg10[%parallel_loop3A_113] {strides = array<i32>} : memref<16384xf32, #tpu.memory_space<vmem>>, vector<16xf32>,
      %parallel_loop3A_115 = arith.constant 0.000000e+00 : f32
      %parallel_loop3A_116 = vector.broadcast %parallel_loop3A_115 : f32 to vector<16xf32>
      %parallel_loop3A_117 = arith.cmpf ogt, %parallel_loop3A_104, %parallel_loop3A_116 : vector<16xf32>
      %parallel_loop3A_118 = arith.constant 2.220000e+02 : f32
      %parallel_loop3A_119 = vector.broadcast %parallel_loop3A_118 : f32 to vector<16xf32>
      %parallel_loop3A_120 = arith.cmpf ole, %parallel_loop3A_104, %parallel_loop3A_119 : vector<16xf32>
      %parallel_loop3A_121 = arith.andi %parallel_loop3A_117, %parallel_loop3A_120 : vector<16xi1>
      %parallel_loop3A_122 = arith.constant 0.000000e+00 : f32
      %parallel_loop3A_123 = vector.broadcast %parallel_loop3A_122 : f32 to vector<16xf32>
      %parallel_loop3A_124 = arith.select %parallel_loop3A_121, %parallel_loop3A_104, %parallel_loop3A_123 : vector<16xi1>, vector<16xf32>
      %parallel_loop3A_125 = arith.fptosi %parallel_loop3A_124 : vector<16xf32> to vector<16xi32>
      %parallel_loop3A_126 = arith.fptosi %parallel_loop3A_110 : vector<16xf32> to vector<16xi32>
      %parallel_loop3A_127 = tpu.vector_load_idx %arg6[%parallel_loop3A_126] : memref<224xf32, #tpu.memory_space<vmem>>[vector<16xi32>], vector<16xf32>,
      %parallel_loop3A_128 = arith.mulf %parallel_loop3A_127, %parallel_loop3A_114 : vector<16xf32>
      %parallel_loop3A_129 = tpu.vector_load_idx %arg6[%parallel_loop3A_125] : memref<224xf32, #tpu.memory_space<vmem>>[vector<16xi32>], vector<16xf32>,
      %parallel_loop3A_130 = arith.mulf %parallel_loop3A_129, %parallel_loop3A_108 : vector<16xf32>
      %parallel_loop3A_131 = arith.subf %parallel_loop3A_128, %parallel_loop3A_130 : vector<16xf32>
      %parallel_loop3A_132 = arith.constant 16 : i32
      %parallel_loop3A_133 = arith.addi %parallel_loop3A_65, %parallel_loop3A_132 : i32
      %parallel_loop3A_134 = arith.index_cast %parallel_loop3A_133 : i32 to index
      %parallel_loop3A_135 = tpu.vector_load %arg11[%parallel_loop3A_134] {strides = array<i32>} : memref<16384xf32, #tpu.memory_space<vmem>>, vector<16xf32>,
      tpu.vector_store %arg11[%parallel_loop3A_134], %parallel_loop3A_131 {strides = array<i32>} : memref<16384xf32, #tpu.memory_space<vmem>>, vector<16xf32>,
      %parallel_loop3A_136 = arith.constant 32 : i32
      %parallel_loop3A_137 = arith.addi %parallel_loop3A_61, %parallel_loop3A_136 : i32
      %parallel_loop3A_138 = arith.index_cast %parallel_loop3A_137 : i32 to index
      %parallel_loop3A_139 = tpu.vector_load %arg8[%parallel_loop3A_138] {strides = array<i32>} : memref<16384xf32, #tpu.memory_space<vmem>>, vector<16xf32>,
      %parallel_loop3A_140 = arith.constant 128 : i32
      %parallel_loop3A_141 = arith.addi %parallel_loop3A_137, %parallel_loop3A_140 : i32
      %parallel_loop3A_142 = arith.index_cast %parallel_loop3A_141 : i32 to index
      %parallel_loop3A_143 = tpu.vector_load %arg8[%parallel_loop3A_142] {strides = array<i32>} : memref<16384xf32, #tpu.memory_space<vmem>>, vector<16xf32>,
      %parallel_loop3A_144 = arith.index_cast %parallel_loop3A_137 : i32 to index
      %parallel_loop3A_145 = tpu.vector_load %arg10[%parallel_loop3A_144] {strides = array<i32>} : memref<16384xf32, #tpu.memory_space<vmem>>, vector<16xf32>,
      %parallel_loop3A_146 = arith.constant 128 : i32
      %parallel_loop3A_147 = arith.addi %parallel_loop3A_137, %parallel_loop3A_146 : i32
      %parallel_loop3A_148 = arith.index_cast %parallel_loop3A_147 : i32 to index
      %parallel_loop3A_149 = tpu.vector_load %arg10[%parallel_loop3A_148] {strides = array<i32>} : memref<16384xf32, #tpu.memory_space<vmem>>, vector<16xf32>,
      %parallel_loop3A_150 = arith.constant 0.000000e+00 : f32
      %parallel_loop3A_151 = vector.broadcast %parallel_loop3A_150 : f32 to vector<16xf32>
      %parallel_loop3A_152 = arith.cmpf ogt, %parallel_loop3A_139, %parallel_loop3A_151 : vector<16xf32>
      %parallel_loop3A_153 = arith.constant 2.220000e+02 : f32
      %parallel_loop3A_154 = vector.broadcast %parallel_loop3A_153 : f32 to vector<16xf32>
      %parallel_loop3A_155 = arith.cmpf ole, %parallel_loop3A_139, %parallel_loop3A_154 : vector<16xf32>
      %parallel_loop3A_156 = arith.andi %parallel_loop3A_152, %parallel_loop3A_155 : vector<16xi1>
      %parallel_loop3A_157 = arith.constant 0.000000e+00 : f32
      %parallel_loop3A_158 = vector.broadcast %parallel_loop3A_157 : f32 to vector<16xf32>
      %parallel_loop3A_159 = arith.select %parallel_loop3A_156, %parallel_loop3A_139, %parallel_loop3A_158 : vector<16xi1>, vector<16xf32>
      %parallel_loop3A_160 = arith.fptosi %parallel_loop3A_159 : vector<16xf32> to vector<16xi32>
      %parallel_loop3A_161 = arith.fptosi %parallel_loop3A_145 : vector<16xf32> to vector<16xi32>
      %parallel_loop3A_162 = tpu.vector_load_idx %arg6[%parallel_loop3A_161] : memref<224xf32, #tpu.memory_space<vmem>>[vector<16xi32>], vector<16xf32>,
      %parallel_loop3A_163 = arith.mulf %parallel_loop3A_162, %parallel_loop3A_149 : vector<16xf32>
      %parallel_loop3A_164 = tpu.vector_load_idx %arg6[%parallel_loop3A_160] : memref<224xf32, #tpu.memory_space<vmem>>[vector<16xi32>], vector<16xf32>,
      %parallel_loop3A_165 = arith.mulf %parallel_loop3A_164, %parallel_loop3A_143 : vector<16xf32>
      %parallel_loop3A_166 = arith.subf %parallel_loop3A_163, %parallel_loop3A_165 : vector<16xf32>
      %parallel_loop3A_167 = arith.constant 32 : i32
      %parallel_loop3A_168 = arith.addi %parallel_loop3A_65, %parallel_loop3A_167 : i32
      %parallel_loop3A_169 = arith.index_cast %parallel_loop3A_168 : i32 to index
      %parallel_loop3A_170 = tpu.vector_load %arg11[%parallel_loop3A_169] {strides = array<i32>} : memref<16384xf32, #tpu.memory_space<vmem>>, vector<16xf32>,
      tpu.vector_store %arg11[%parallel_loop3A_169], %parallel_loop3A_166 {strides = array<i32>} : memref<16384xf32, #tpu.memory_space<vmem>>, vector<16xf32>,
      %parallel_loop3A_171 = arith.constant 48 : i32
      %parallel_loop3A_172 = arith.addi %parallel_loop3A_61, %parallel_loop3A_171 : i32
      %parallel_loop3A_173 = arith.index_cast %parallel_loop3A_172 : i32 to index
      %parallel_loop3A_174 = tpu.vector_load %arg8[%parallel_loop3A_173] {strides = array<i32>} : memref<16384xf32, #tpu.memory_space<vmem>>, vector<16xf32>,
      %parallel_loop3A_175 = arith.constant 128 : i32
      %parallel_loop3A_176 = arith.addi %parallel_loop3A_172, %parallel_loop3A_175 : i32
      %parallel_loop3A_177 = arith.index_cast %parallel_loop3A_176 : i32 to index
      %parallel_loop3A_178 = tpu.vector_load %arg8[%parallel_loop3A_177] {strides = array<i32>} : memref<16384xf32, #tpu.memory_space<vmem>>, vector<16xf32>,
      %parallel_loop3A_179 = arith.index_cast %parallel_loop3A_172 : i32 to index
      %parallel_loop3A_180 = tpu.vector_load %arg10[%parallel_loop3A_179] {strides = array<i32>} : memref<16384xf32, #tpu.memory_space<vmem>>, vector<16xf32>,
      %parallel_loop3A_181 = arith.constant 128 : i32
      %parallel_loop3A_182 = arith.addi %parallel_loop3A_172, %parallel_loop3A_181 : i32
      %parallel_loop3A_183 = arith.index_cast %parallel_loop3A_182 : i32 to index
      %parallel_loop3A_184 = tpu.vector_load %arg10[%parallel_loop3A_183] {strides = array<i32>} : memref<16384xf32, #tpu.memory_space<vmem>>, vector<16xf32>,
      %parallel_loop3A_185 = arith.constant 0.000000e+00 : f32
      %parallel_loop3A_186 = vector.broadcast %parallel_loop3A_185 : f32 to vector<16xf32>
      %parallel_loop3A_187 = arith.cmpf ogt, %parallel_loop3A_174, %parallel_loop3A_186 : vector<16xf32>
      %parallel_loop3A_188 = arith.constant 2.220000e+02 : f32
      %parallel_loop3A_189 = vector.broadcast %parallel_loop3A_188 : f32 to vector<16xf32>
      %parallel_loop3A_190 = arith.cmpf ole, %parallel_loop3A_174, %parallel_loop3A_189 : vector<16xf32>
      %parallel_loop3A_191 = arith.andi %parallel_loop3A_187, %parallel_loop3A_190 : vector<16xi1>
      %parallel_loop3A_192 = arith.constant 0.000000e+00 : f32
      %parallel_loop3A_193 = vector.broadcast %parallel_loop3A_192 : f32 to vector<16xf32>
      %parallel_loop3A_194 = arith.select %parallel_loop3A_191, %parallel_loop3A_174, %parallel_loop3A_193 : vector<16xi1>, vector<16xf32>
      %parallel_loop3A_195 = arith.fptosi %parallel_loop3A_194 : vector<16xf32> to vector<16xi32>
      %parallel_loop3A_196 = arith.fptosi %parallel_loop3A_180 : vector<16xf32> to vector<16xi32>
      %parallel_loop3A_197 = tpu.vector_load_idx %arg6[%parallel_loop3A_196] : memref<224xf32, #tpu.memory_space<vmem>>[vector<16xi32>], vector<16xf32>,
      %parallel_loop3A_198 = arith.mulf %parallel_loop3A_197, %parallel_loop3A_184 : vector<16xf32>
      %parallel_loop3A_199 = tpu.vector_load_idx %arg6[%parallel_loop3A_195] : memref<224xf32, #tpu.memory_space<vmem>>[vector<16xi32>], vector<16xf32>,
      %parallel_loop3A_200 = arith.mulf %parallel_loop3A_199, %parallel_loop3A_178 : vector<16xf32>
      %parallel_loop3A_201 = arith.subf %parallel_loop3A_198, %parallel_loop3A_200 : vector<16xf32>
      %parallel_loop3A_202 = arith.constant 48 : i32
      %parallel_loop3A_203 = arith.addi %parallel_loop3A_65, %parallel_loop3A_202 : i32
      %parallel_loop3A_204 = arith.index_cast %parallel_loop3A_203 : i32 to index
      %parallel_loop3A_205 = tpu.vector_load %arg11[%parallel_loop3A_204] {strides = array<i32>} : memref<16384xf32, #tpu.memory_space<vmem>>, vector<16xf32>,
      tpu.vector_store %arg11[%parallel_loop3A_204], %parallel_loop3A_201 {strides = array<i32>} : memref<16384xf32, #tpu.memory_space<vmem>>, vector<16xf32>,
      %parallel_loop3A_206 = arith.constant 64 : i32
      %parallel_loop3A_207 = arith.addi %parallel_loop3A_61, %parallel_loop3A_206 : i32
      %parallel_loop3A_208 = arith.index_cast %parallel_loop3A_207 : i32 to index
      %parallel_loop3A_209 = tpu.vector_load %arg8[%parallel_loop3A_208] {strides = array<i32>} : memref<16384xf32, #tpu.memory_space<vmem>>, vector<16xf32>,
      %parallel_loop3A_210 = arith.constant 128 : i32
      %parallel_loop3A_211 = arith.addi %parallel_loop3A_207, %parallel_loop3A_210 : i32
      %parallel_loop3A_212 = arith.index_cast %parallel_loop3A_211 : i32 to index
      %parallel_loop3A_213 = tpu.vector_load %arg8[%parallel_loop3A_212] {strides = array<i32>} : memref<16384xf32, #tpu.memory_space<vmem>>, vector<16xf32>,
      %parallel_loop3A_214 = arith.index_cast %parallel_loop3A_207 : i32 to index
      %parallel_loop3A_215 = tpu.vector_load %arg10[%parallel_loop3A_214] {strides = array<i32>} : memref<16384xf32, #tpu.memory_space<vmem>>, vector<16xf32>,
      %parallel_loop3A_216 = arith.constant 128 : i32
      %parallel_loop3A_217 = arith.addi %parallel_loop3A_207, %parallel_loop3A_216 : i32
      %parallel_loop3A_218 = arith.index_cast %parallel_loop3A_217 : i32 to index
      %parallel_loop3A_219 = tpu.vector_load %arg10[%parallel_loop3A_218] {strides = array<i32>} : memref<16384xf32, #tpu.memory_space<vmem>>, vector<16xf32>,
      %parallel_loop3A_220 = arith.constant 0.000000e+00 : f32
      %parallel_loop3A_221 = vector.broadcast %parallel_loop3A_220 : f32 to vector<16xf32>
      %parallel_loop3A_222 = arith.cmpf ogt, %parallel_loop3A_209, %parallel_loop3A_221 : vector<16xf32>
      %parallel_loop3A_223 = arith.constant 2.220000e+02 : f32
      %parallel_loop3A_224 = vector.broadcast %parallel_loop3A_223 : f32 to vector<16xf32>
      %parallel_loop3A_225 = arith.cmpf ole, %parallel_loop3A_209, %parallel_loop3A_224 : vector<16xf32>
      %parallel_loop3A_226 = arith.andi %parallel_loop3A_222, %parallel_loop3A_225 : vector<16xi1>
      %parallel_loop3A_227 = arith.constant 0.000000e+00 : f32
      %parallel_loop3A_228 = vector.broadcast %parallel_loop3A_227 : f32 to vector<16xf32>
      %parallel_loop3A_229 = arith.select %parallel_loop3A_226, %parallel_loop3A_209, %parallel_loop3A_228 : vector<16xi1>, vector<16xf32>
      %parallel_loop3A_230 = arith.fptosi %parallel_loop3A_229 : vector<16xf32> to vector<16xi32>
      %parallel_loop3A_231 = arith.fptosi %parallel_loop3A_215 : vector<16xf32> to vector<16xi32>
      %parallel_loop3A_232 = tpu.vector_load_idx %arg6[%parallel_loop3A_231] : memref<224xf32, #tpu.memory_space<vmem>>[vector<16xi32>], vector<16xf32>,
      %parallel_loop3A_233 = arith.mulf %parallel_loop3A_232, %parallel_loop3A_219 : vector<16xf32>
      %parallel_loop3A_234 = tpu.vector_load_idx %arg6[%parallel_loop3A_230] : memref<224xf32, #tpu.memory_space<vmem>>[vector<16xi32>], vector<16xf32>,
      %parallel_loop3A_235 = arith.mulf %parallel_loop3A_234, %parallel_loop3A_213 : vector<16xf32>
      %parallel_loop3A_236 = arith.subf %parallel_loop3A_233, %parallel_loop3A_235 : vector<16xf32>
      %parallel_loop3A_237 = arith.constant 64 : i32
      %parallel_loop3A_238 = arith.addi %parallel_loop3A_65, %parallel_loop3A_237 : i32
      %parallel_loop3A_239 = arith.index_cast %parallel_loop3A_238 : i32 to index
      %parallel_loop3A_240 = tpu.vector_load %arg11[%parallel_loop3A_239] {strides = array<i32>} : memref<16384xf32, #tpu.memory_space<vmem>>, vector<16xf32>,
      tpu.vector_store %arg11[%parallel_loop3A_239], %parallel_loop3A_236 {strides = array<i32>} : memref<16384xf32, #tpu.memory_space<vmem>>, vector<16xf32>,
      %parallel_loop3A_241 = arith.constant 80 : i32
      %parallel_loop3A_242 = arith.addi %parallel_loop3A_61, %parallel_loop3A_241 : i32
      %parallel_loop3A_243 = arith.index_cast %parallel_loop3A_242 : i32 to index
      %parallel_loop3A_244 = tpu.vector_load %arg8[%parallel_loop3A_243] {strides = array<i32>} : memref<16384xf32, #tpu.memory_space<vmem>>, vector<16xf32>,
      %parallel_loop3A_245 = arith.constant 128 : i32
      %parallel_loop3A_246 = arith.addi %parallel_loop3A_242, %parallel_loop3A_245 : i32
      %parallel_loop3A_247 = arith.index_cast %parallel_loop3A_246 : i32 to index
      %parallel_loop3A_248 = tpu.vector_load %arg8[%parallel_loop3A_247] {strides = array<i32>} : memref<16384xf32, #tpu.memory_space<vmem>>, vector<16xf32>,
      %parallel_loop3A_249 = arith.index_cast %parallel_loop3A_242 : i32 to index
      %parallel_loop3A_250 = tpu.vector_load %arg10[%parallel_loop3A_249] {strides = array<i32>} : memref<16384xf32, #tpu.memory_space<vmem>>, vector<16xf32>,
      %parallel_loop3A_251 = arith.constant 128 : i32
      %parallel_loop3A_252 = arith.addi %parallel_loop3A_242, %parallel_loop3A_251 : i32
      %parallel_loop3A_253 = arith.index_cast %parallel_loop3A_252 : i32 to index
      %parallel_loop3A_254 = tpu.vector_load %arg10[%parallel_loop3A_253] {strides = array<i32>} : memref<16384xf32, #tpu.memory_space<vmem>>, vector<16xf32>,
      %parallel_loop3A_255 = arith.constant 0.000000e+00 : f32
      %parallel_loop3A_256 = vector.broadcast %parallel_loop3A_255 : f32 to vector<16xf32>
      %parallel_loop3A_257 = arith.cmpf ogt, %parallel_loop3A_244, %parallel_loop3A_256 : vector<16xf32>
      %parallel_loop3A_258 = arith.constant 2.220000e+02 : f32
      %parallel_loop3A_259 = vector.broadcast %parallel_loop3A_258 : f32 to vector<16xf32>
      %parallel_loop3A_260 = arith.cmpf ole, %parallel_loop3A_244, %parallel_loop3A_259 : vector<16xf32>
      %parallel_loop3A_261 = arith.andi %parallel_loop3A_257, %parallel_loop3A_260 : vector<16xi1>
      %parallel_loop3A_262 = arith.constant 0.000000e+00 : f32
      %parallel_loop3A_263 = vector.broadcast %parallel_loop3A_262 : f32 to vector<16xf32>
      %parallel_loop3A_264 = arith.select %parallel_loop3A_261, %parallel_loop3A_244, %parallel_loop3A_263 : vector<16xi1>, vector<16xf32>
      %parallel_loop3A_265 = arith.fptosi %parallel_loop3A_264 : vector<16xf32> to vector<16xi32>
      %parallel_loop3A_266 = arith.fptosi %parallel_loop3A_250 : vector<16xf32> to vector<16xi32>
      %parallel_loop3A_267 = tpu.vector_load_idx %arg6[%parallel_loop3A_266] : memref<224xf32, #tpu.memory_space<vmem>>[vector<16xi32>], vector<16xf32>,
      %parallel_loop3A_268 = arith.mulf %parallel_loop3A_267, %parallel_loop3A_254 : vector<16xf32>
      %parallel_loop3A_269 = tpu.vector_load_idx %arg6[%parallel_loop3A_265] : memref<224xf32, #tpu.memory_space<vmem>>[vector<16xi32>], vector<16xf32>,
      %parallel_loop3A_270 = arith.mulf %parallel_loop3A_269, %parallel_loop3A_248 : vector<16xf32>
      %parallel_loop3A_271 = arith.subf %parallel_loop3A_268, %parallel_loop3A_270 : vector<16xf32>
      %parallel_loop3A_272 = arith.constant 80 : i32
      %parallel_loop3A_273 = arith.addi %parallel_loop3A_65, %parallel_loop3A_272 : i32
      %parallel_loop3A_274 = arith.index_cast %parallel_loop3A_273 : i32 to index
      %parallel_loop3A_275 = tpu.vector_load %arg11[%parallel_loop3A_274] {strides = array<i32>} : memref<16384xf32, #tpu.memory_space<vmem>>, vector<16xf32>,
      tpu.vector_store %arg11[%parallel_loop3A_274], %parallel_loop3A_271 {strides = array<i32>} : memref<16384xf32, #tpu.memory_space<vmem>>, vector<16xf32>,
      %parallel_loop3A_276 = arith.constant 96 : i32
      %parallel_loop3A_277 = arith.addi %parallel_loop3A_61, %parallel_loop3A_276 : i32
      %parallel_loop3A_278 = arith.index_cast %parallel_loop3A_277 : i32 to index
      %parallel_loop3A_279 = tpu.vector_load %arg8[%parallel_loop3A_278] {strides = array<i32>} : memref<16384xf32, #tpu.memory_space<vmem>>, vector<16xf32>,
      %parallel_loop3A_280 = arith.constant 128 : i32
      %parallel_loop3A_281 = arith.addi %parallel_loop3A_277, %parallel_loop3A_280 : i32
      %parallel_loop3A_282 = arith.index_cast %parallel_loop3A_281 : i32 to index
      %parallel_loop3A_283 = tpu.vector_load %arg8[%parallel_loop3A_282] {strides = array<i32>} : memref<16384xf32, #tpu.memory_space<vmem>>, vector<16xf32>,
      %parallel_loop3A_284 = arith.index_cast %parallel_loop3A_277 : i32 to index
      %parallel_loop3A_285 = tpu.vector_load %arg10[%parallel_loop3A_284] {strides = array<i32>} : memref<16384xf32, #tpu.memory_space<vmem>>, vector<16xf32>,
      %parallel_loop3A_286 = arith.constant 128 : i32
      %parallel_loop3A_287 = arith.addi %parallel_loop3A_277, %parallel_loop3A_286 : i32
      %parallel_loop3A_288 = arith.index_cast %parallel_loop3A_287 : i32 to index
      %parallel_loop3A_289 = tpu.vector_load %arg10[%parallel_loop3A_288] {strides = array<i32>} : memref<16384xf32, #tpu.memory_space<vmem>>, vector<16xf32>,
      %parallel_loop3A_290 = arith.constant 0.000000e+00 : f32
      %parallel_loop3A_291 = vector.broadcast %parallel_loop3A_290 : f32 to vector<16xf32>
      %parallel_loop3A_292 = arith.cmpf ogt, %parallel_loop3A_279, %parallel_loop3A_291 : vector<16xf32>
      %parallel_loop3A_293 = arith.constant 2.220000e+02 : f32
      %parallel_loop3A_294 = vector.broadcast %parallel_loop3A_293 : f32 to vector<16xf32>
      %parallel_loop3A_295 = arith.cmpf ole, %parallel_loop3A_279, %parallel_loop3A_294 : vector<16xf32>
      %parallel_loop3A_296 = arith.andi %parallel_loop3A_292, %parallel_loop3A_295 : vector<16xi1>
      %parallel_loop3A_297 = arith.constant 0.000000e+00 : f32
      %parallel_loop3A_298 = vector.broadcast %parallel_loop3A_297 : f32 to vector<16xf32>
      %parallel_loop3A_299 = arith.select %parallel_loop3A_296, %parallel_loop3A_279, %parallel_loop3A_298 : vector<16xi1>, vector<16xf32>
      %parallel_loop3A_300 = arith.fptosi %parallel_loop3A_299 : vector<16xf32> to vector<16xi32>
      %parallel_loop3A_301 = arith.fptosi %parallel_loop3A_285 : vector<16xf32> to vector<16xi32>
      %parallel_loop3A_302 = tpu.vector_load_idx %arg6[%parallel_loop3A_301] : memref<224xf32, #tpu.memory_space<vmem>>[vector<16xi32>], vector<16xf32>,
      %parallel_loop3A_303 = arith.mulf %parallel_loop3A_302, %parallel_loop3A_289 : vector<16xf32>
      %parallel_loop3A_304 = tpu.vector_load_idx %arg6[%parallel_loop3A_300] : memref<224xf32, #tpu.memory_space<vmem>>[vector<16xi32>], vector<16xf32>,
      %parallel_loop3A_305 = arith.mulf %parallel_loop3A_304, %parallel_loop3A_283 : vector<16xf32>
      %parallel_loop3A_306 = arith.subf %parallel_loop3A_303, %parallel_loop3A_305 : vector<16xf32>
      %parallel_loop3A_307 = arith.constant 96 : i32
      %parallel_loop3A_308 = arith.addi %parallel_loop3A_65, %parallel_loop3A_307 : i32
      %parallel_loop3A_309 = arith.index_cast %parallel_loop3A_308 : i32 to index
      %parallel_loop3A_310 = tpu.vector_load %arg11[%parallel_loop3A_309] {strides = array<i32>} : memref<16384xf32, #tpu.memory_space<vmem>>, vector<16xf32>,
      tpu.vector_store %arg11[%parallel_loop3A_309], %parallel_loop3A_306 {strides = array<i32>} : memref<16384xf32, #tpu.memory_space<vmem>>, vector<16xf32>,
      %parallel_loop3A_311 = arith.constant 112 : i32
      %parallel_loop3A_312 = arith.addi %parallel_loop3A_61, %parallel_loop3A_311 : i32
      %parallel_loop3A_313 = arith.index_cast %parallel_loop3A_312 : i32 to index
      %parallel_loop3A_314 = tpu.vector_load %arg8[%parallel_loop3A_313] {strides = array<i32>} : memref<16384xf32, #tpu.memory_space<vmem>>, vector<16xf32>,
      %parallel_loop3A_315 = arith.constant 128 : i32
      %parallel_loop3A_316 = arith.addi %parallel_loop3A_312, %parallel_loop3A_315 : i32
      %parallel_loop3A_317 = arith.index_cast %parallel_loop3A_316 : i32 to index
      %parallel_loop3A_318 = tpu.vector_load %arg8[%parallel_loop3A_317] {strides = array<i32>} : memref<16384xf32, #tpu.memory_space<vmem>>, vector<16xf32>,
      %parallel_loop3A_319 = arith.index_cast %parallel_loop3A_312 : i32 to index
      %parallel_loop3A_320 = tpu.vector_load %arg10[%parallel_loop3A_319] {strides = array<i32>} : memref<16384xf32, #tpu.memory_space<vmem>>, vector<16xf32>,
      %parallel_loop3A_321 = arith.constant 128 : i32
      %parallel_loop3A_322 = arith.addi %parallel_loop3A_312, %parallel_loop3A_321 : i32
      %parallel_loop3A_323 = arith.index_cast %parallel_loop3A_322 : i32 to index
      %parallel_loop3A_324 = tpu.vector_load %arg10[%parallel_loop3A_323] {strides = array<i32>} : memref<16384xf32, #tpu.memory_space<vmem>>, vector<16xf32>,
      %parallel_loop3A_325 = arith.constant 0.000000e+00 : f32
      %parallel_loop3A_326 = vector.broadcast %parallel_loop3A_325 : f32 to vector<16xf32>
      %parallel_loop3A_327 = arith.cmpf ogt, %parallel_loop3A_314, %parallel_loop3A_326 : vector<16xf32>
      %parallel_loop3A_328 = arith.constant 2.220000e+02 : f32
      %parallel_loop3A_329 = vector.broadcast %parallel_loop3A_328 : f32 to vector<16xf32>
      %parallel_loop3A_330 = arith.cmpf ole, %parallel_loop3A_314, %parallel_loop3A_329 : vector<16xf32>
      %parallel_loop3A_331 = arith.andi %parallel_loop3A_327, %parallel_loop3A_330 : vector<16xi1>
      %parallel_loop3A_332 = arith.constant 0.000000e+00 : f32
      %parallel_loop3A_333 = vector.broadcast %parallel_loop3A_332 : f32 to vector<16xf32>
      %parallel_loop3A_334 = arith.select %parallel_loop3A_331, %parallel_loop3A_314, %parallel_loop3A_333 : vector<16xi1>, vector<16xf32>
      %parallel_loop3A_335 = arith.fptosi %parallel_loop3A_334 : vector<16xf32> to vector<16xi32>
      %parallel_loop3A_336 = arith.fptosi %parallel_loop3A_320 : vector<16xf32> to vector<16xi32>
      %parallel_loop3A_337 = tpu.vector_load_idx %arg6[%parallel_loop3A_336] : memref<224xf32, #tpu.memory_space<vmem>>[vector<16xi32>], vector<16xf32>,
      %parallel_loop3A_338 = arith.mulf %parallel_loop3A_337, %parallel_loop3A_324 : vector<16xf32>
      %parallel_loop3A_339 = tpu.vector_load_idx %arg6[%parallel_loop3A_335] : memref<224xf32, #tpu.memory_space<vmem>>[vector<16xi32>], vector<16xf32>,
      %parallel_loop3A_340 = arith.mulf %parallel_loop3A_339, %parallel_loop3A_318 : vector<16xf32>
      %parallel_loop3A_341 = arith.subf %parallel_loop3A_338, %parallel_loop3A_340 : vector<16xf32>
      %parallel_loop3A_342 = arith.constant 112 : i32
      %parallel_loop3A_343 = arith.addi %parallel_loop3A_65, %parallel_loop3A_342 : i32
      %parallel_loop3A_344 = arith.index_cast %parallel_loop3A_343 : i32 to index
      %parallel_loop3A_345 = tpu.vector_load %arg11[%parallel_loop3A_344] {strides = array<i32>} : memref<16384xf32, #tpu.memory_space<vmem>>, vector<16xf32>,
      tpu.vector_store %arg11[%parallel_loop3A_344], %parallel_loop3A_341 {strides = array<i32>} : memref<16384xf32, #tpu.memory_space<vmem>>, vector<16xf32>,
    } {sc.loop_unroll_factor = 2 : i64, sc.parallel_access}
    %convert_element_type3A_47 = arith.extui %gt3A_25 : i1 to i32
    %cond3A_48 = arith.constant 0 : i32
    %cond3A_49 = arith.cmpi ne, %convert_element_type3A_47, %cond3A_48 : i32
    scf.if %cond3A_49 {
      %add3A_59 = arith.constant 49152 : i32
      %add3A_60 = arith.addi %mul3A_13, %add3A_59 : i32
      %dma_start3A_61 = tpu.memref_slice %arg2[%add3A_60] : memref<6881280xf32, #tpu.memory_space<hbm>> -> memref<16384xf32, #tpu.memory_space<hbm>>
      %dma_start3A_62 = tpu.memref_slice %arg2[%add3A_60] : memref<6881280xf32, #tpu.memory_space<hbm>> -> memref<16384xf32, #tpu.memory_space<hbm>>
      tpu.enqueue_dma source(%dma_start3A_62 : memref<16384xf32, #tpu.memory_space<hbm>>) target(%arg8 : memref<16384xf32, #tpu.memory_space<vmem>>) target_semaphore(%arg13 : memref<!tpu.dma_semaphore, #tpu.memory_space<semaphore_mem>>)
      %dma_start3A_63 = tpu.memref_slice %arg3[%add3A_60] : memref<6881280xf32, #tpu.memory_space<hbm>> -> memref<16384xf32, #tpu.memory_space<hbm>>
      %dma_start3A_64 = tpu.memref_slice %arg3[%add3A_60] : memref<6881280xf32, #tpu.memory_space<hbm>> -> memref<16384xf32, #tpu.memory_space<hbm>>
      tpu.enqueue_dma source(%dma_start3A_64 : memref<16384xf32, #tpu.memory_space<hbm>>) target(%arg10 : memref<16384xf32, #tpu.memory_space<vmem>>) target_semaphore(%arg15 : memref<!tpu.dma_semaphore, #tpu.memory_space<semaphore_mem>>)
    } else {
    }
    %while3A = arith.constant 0 : i32
    %while3A_50 = arith.constant 1 : i32
    %while3A_51 = arith.subi %select_n3A_11, %while3A_50 : i32
    %while3A_52 = arith.addi %while3A_50, %while3A_51 : i32
    %while3A_53 = arith.constant 1 : i32
    %while3A_54 = arith.divsi %while3A_51, %while3A_53 : i32
    %while3A_55 = arith.muli %while3A_54, %while3A_53 : i32
    %while3A_56 = arith.addi %while3A_50, %while3A_55 : i32
    %while3A_57 = arith.constant 1 : i32
    scf.for %while3A_59 = %while3A_50 to %while3A_56 step %while3A_57  : i32 {
      %mul3A_60 = arith.constant 2 : i32
      %mul3A_61 = arith.muli %mul3A_60, %while3A_59 : i32
      %add3A_62 = arith.constant 1 : i32
      %add3A_63 = arith.addi %while3A_59, %add3A_62 : i32
      %lt3A_64 = arith.cmpi slt, %add3A_63, %select_n3A_11 : i32
      %dma_wait3A_65 = arith.constant 0 : i32
      %dma_wait3A_66 = tpu.memref_slice %arg2[%dma_wait3A_65] : memref<6881280xf32, #tpu.memory_space<hbm>> -> memref<16384xf32, #tpu.memory_space<hbm>>
      %dma_wait3A_67 = arith.constant 0 : i32
      %dma_wait3A_68 = tpu.memref_slice %arg2[%dma_wait3A_67] : memref<6881280xf32, #tpu.memory_space<hbm>> -> memref<16384xf32, #tpu.memory_space<hbm>>
      tpu.wait_dma2 semaphore(%arg12 : memref<!tpu.dma_semaphore, #tpu.memory_space<semaphore_mem>>) src(%dma_wait3A_68 : memref<16384xf32, #tpu.memory_space<hbm>>) dst(%arg7 : memref<16384xf32, #tpu.memory_space<vmem>>)
      %dma_wait3A_69 = arith.constant 0 : i32
      %dma_wait3A_70 = tpu.memref_slice %arg3[%dma_wait3A_69] : memref<6881280xf32, #tpu.memory_space<hbm>> -> memref<16384xf32, #tpu.memory_space<hbm>>
      %dma_wait3A_71 = arith.constant 0 : i32
      %dma_wait3A_72 = tpu.memref_slice %arg3[%dma_wait3A_71] : memref<6881280xf32, #tpu.memory_space<hbm>> -> memref<16384xf32, #tpu.memory_space<hbm>>
      tpu.wait_dma2 semaphore(%arg14 : memref<!tpu.dma_semaphore, #tpu.memory_space<semaphore_mem>>) src(%dma_wait3A_72 : memref<16384xf32, #tpu.memory_space<hbm>>) dst(%arg9 : memref<16384xf32, #tpu.memory_space<vmem>>)
      %parallel_loop3A_73 = arith.constant 0 : i32
      %parallel_loop3A_74 = arith.constant 64 : i32
      %parallel_loop3A_75 = arith.constant 1 : i32
      scf.for %parallel_loop3A_93 = %parallel_loop3A_73 to %parallel_loop3A_74 step %parallel_loop3A_75  : i32 {
        %parallel_loop3A_94 = arith.constant 256 : i32
        %parallel_loop3A_95 = arith.muli %parallel_loop3A_93, %parallel_loop3A_94 : i32
        %parallel_loop3A_96 = arith.constant 128 : i32
        %parallel_loop3A_97 = arith.muli %parallel_loop3A_93, %parallel_loop3A_96 : i32
        %parallel_loop3A_98 = arith.constant 0 : i32
        %parallel_loop3A_99 = arith.addi %parallel_loop3A_98, %parallel_loop3A_97 : i32
        %parallel_loop3A_100 = arith.constant 0 : i32
        %parallel_loop3A_101 = arith.addi %parallel_loop3A_95, %parallel_loop3A_100 : i32
        %parallel_loop3A_102 = arith.index_cast %parallel_loop3A_101 : i32 to index
        %parallel_loop3A_103 = tpu.vector_load %arg7[%parallel_loop3A_102] {strides = array<i32>} : memref<16384xf32, #tpu.memory_space<vmem>>, vector<16xf32>,
        %parallel_loop3A_104 = arith.constant 128 : i32
        %parallel_loop3A_105 = arith.addi %parallel_loop3A_101, %parallel_loop3A_104 : i32
        %parallel_loop3A_106 = arith.index_cast %parallel_loop3A_105 : i32 to index
        %parallel_loop3A_107 = tpu.vector_load %arg7[%parallel_loop3A_106] {strides = array<i32>} : memref<16384xf32, #tpu.memory_space<vmem>>, vector<16xf32>,
        %parallel_loop3A_108 = arith.index_cast %parallel_loop3A_101 : i32 to index
        %parallel_loop3A_109 = tpu.vector_load %arg9[%parallel_loop3A_108] {strides = array<i32>} : memref<16384xf32, #tpu.memory_space<vmem>>, vector<16xf32>,
        %parallel_loop3A_110 = arith.constant 128 : i32
        %parallel_loop3A_111 = arith.addi %parallel_loop3A_101, %parallel_loop3A_110 : i32
        %parallel_loop3A_112 = arith.index_cast %parallel_loop3A_111 : i32 to index
        %parallel_loop3A_113 = tpu.vector_load %arg9[%parallel_loop3A_112] {strides = array<i32>} : memref<16384xf32, #tpu.memory_space<vmem>>, vector<16xf32>,
        %parallel_loop3A_114 = arith.constant 0.000000e+00 : f32
        %parallel_loop3A_115 = vector.broadcast %parallel_loop3A_114 : f32 to vector<16xf32>
        %parallel_loop3A_116 = arith.cmpf ogt, %parallel_loop3A_103, %parallel_loop3A_115 : vector<16xf32>
        %parallel_loop3A_117 = arith.constant 2.220000e+02 : f32
        %parallel_loop3A_118 = vector.broadcast %parallel_loop3A_117 : f32 to vector<16xf32>
        %parallel_loop3A_119 = arith.cmpf ole, %parallel_loop3A_103, %parallel_loop3A_118 : vector<16xf32>
        %parallel_loop3A_120 = arith.andi %parallel_loop3A_116, %parallel_loop3A_119 : vector<16xi1>
        %parallel_loop3A_121 = arith.constant 0.000000e+00 : f32
        %parallel_loop3A_122 = vector.broadcast %parallel_loop3A_121 : f32 to vector<16xf32>
        %parallel_loop3A_123 = arith.select %parallel_loop3A_120, %parallel_loop3A_103, %parallel_loop3A_122 : vector<16xi1>, vector<16xf32>
        %parallel_loop3A_124 = arith.fptosi %parallel_loop3A_123 : vector<16xf32> to vector<16xi32>
        %parallel_loop3A_125 = arith.fptosi %parallel_loop3A_109 : vector<16xf32> to vector<16xi32>
        %parallel_loop3A_126 = tpu.vector_load_idx %arg6[%parallel_loop3A_125] : memref<224xf32, #tpu.memory_space<vmem>>[vector<16xi32>], vector<16xf32>,
        %parallel_loop3A_127 = arith.mulf %parallel_loop3A_126, %parallel_loop3A_113 : vector<16xf32>
        %parallel_loop3A_128 = tpu.vector_load_idx %arg6[%parallel_loop3A_124] : memref<224xf32, #tpu.memory_space<vmem>>[vector<16xi32>], vector<16xf32>,
        %parallel_loop3A_129 = arith.mulf %parallel_loop3A_128, %parallel_loop3A_107 : vector<16xf32>
        %parallel_loop3A_130 = arith.subf %parallel_loop3A_127, %parallel_loop3A_129 : vector<16xf32>
        %parallel_loop3A_131 = arith.constant 0 : i32
        %parallel_loop3A_132 = arith.addi %parallel_loop3A_99, %parallel_loop3A_131 : i32
        %parallel_loop3A_133 = arith.index_cast %parallel_loop3A_132 : i32 to index
        %parallel_loop3A_134 = tpu.vector_load %arg11[%parallel_loop3A_133] {strides = array<i32>} : memref<16384xf32, #tpu.memory_space<vmem>>, vector<16xf32>,
        tpu.vector_store %arg11[%parallel_loop3A_133], %parallel_loop3A_130 {add = true, strides = array<i32>} : memref<16384xf32, #tpu.memory_space<vmem>>, vector<16xf32>,
        %parallel_loop3A_135 = arith.constant 16 : i32
        %parallel_loop3A_136 = arith.addi %parallel_loop3A_95, %parallel_loop3A_135 : i32
        %parallel_loop3A_137 = arith.index_cast %parallel_loop3A_136 : i32 to index
        %parallel_loop3A_138 = tpu.vector_load %arg7[%parallel_loop3A_137] {strides = array<i32>} : memref<16384xf32, #tpu.memory_space<vmem>>, vector<16xf32>,
        %parallel_loop3A_139 = arith.constant 128 : i32
        %parallel_loop3A_140 = arith.addi %parallel_loop3A_136, %parallel_loop3A_139 : i32
        %parallel_loop3A_141 = arith.index_cast %parallel_loop3A_140 : i32 to index
        %parallel_loop3A_142 = tpu.vector_load %arg7[%parallel_loop3A_141] {strides = array<i32>} : memref<16384xf32, #tpu.memory_space<vmem>>, vector<16xf32>,
        %parallel_loop3A_143 = arith.index_cast %parallel_loop3A_136 : i32 to index
        %parallel_loop3A_144 = tpu.vector_load %arg9[%parallel_loop3A_143] {strides = array<i32>} : memref<16384xf32, #tpu.memory_space<vmem>>, vector<16xf32>,
        %parallel_loop3A_145 = arith.constant 128 : i32
        %parallel_loop3A_146 = arith.addi %parallel_loop3A_136, %parallel_loop3A_145 : i32
        %parallel_loop3A_147 = arith.index_cast %parallel_loop3A_146 : i32 to index
        %parallel_loop3A_148 = tpu.vector_load %arg9[%parallel_loop3A_147] {strides = array<i32>} : memref<16384xf32, #tpu.memory_space<vmem>>, vector<16xf32>,
        %parallel_loop3A_149 = arith.constant 0.000000e+00 : f32
        %parallel_loop3A_150 = vector.broadcast %parallel_loop3A_149 : f32 to vector<16xf32>
        %parallel_loop3A_151 = arith.cmpf ogt, %parallel_loop3A_138, %parallel_loop3A_150 : vector<16xf32>
        %parallel_loop3A_152 = arith.constant 2.220000e+02 : f32
        %parallel_loop3A_153 = vector.broadcast %parallel_loop3A_152 : f32 to vector<16xf32>
        %parallel_loop3A_154 = arith.cmpf ole, %parallel_loop3A_138, %parallel_loop3A_153 : vector<16xf32>
        %parallel_loop3A_155 = arith.andi %parallel_loop3A_151, %parallel_loop3A_154 : vector<16xi1>
        %parallel_loop3A_156 = arith.constant 0.000000e+00 : f32
        %parallel_loop3A_157 = vector.broadcast %parallel_loop3A_156 : f32 to vector<16xf32>
        %parallel_loop3A_158 = arith.select %parallel_loop3A_155, %parallel_loop3A_138, %parallel_loop3A_157 : vector<16xi1>, vector<16xf32>
        %parallel_loop3A_159 = arith.fptosi %parallel_loop3A_158 : vector<16xf32> to vector<16xi32>
        %parallel_loop3A_160 = arith.fptosi %parallel_loop3A_144 : vector<16xf32> to vector<16xi32>
        %parallel_loop3A_161 = tpu.vector_load_idx %arg6[%parallel_loop3A_160] : memref<224xf32, #tpu.memory_space<vmem>>[vector<16xi32>], vector<16xf32>,
        %parallel_loop3A_162 = arith.mulf %parallel_loop3A_161, %parallel_loop3A_148 : vector<16xf32>
        %parallel_loop3A_163 = tpu.vector_load_idx %arg6[%parallel_loop3A_159] : memref<224xf32, #tpu.memory_space<vmem>>[vector<16xi32>], vector<16xf32>,
        %parallel_loop3A_164 = arith.mulf %parallel_loop3A_163, %parallel_loop3A_142 : vector<16xf32>
        %parallel_loop3A_165 = arith.subf %parallel_loop3A_162, %parallel_loop3A_164 : vector<16xf32>
        %parallel_loop3A_166 = arith.constant 16 : i32
        %parallel_loop3A_167 = arith.addi %parallel_loop3A_99, %parallel_loop3A_166 : i32
        %parallel_loop3A_168 = arith.index_cast %parallel_loop3A_167 : i32 to index
        %parallel_loop3A_169 = tpu.vector_load %arg11[%parallel_loop3A_168] {strides = array<i32>} : memref<16384xf32, #tpu.memory_space<vmem>>, vector<16xf32>,
        tpu.vector_store %arg11[%parallel_loop3A_168], %parallel_loop3A_165 {add = true, strides = array<i32>} : memref<16384xf32, #tpu.memory_space<vmem>>, vector<16xf32>,
        %parallel_loop3A_170 = arith.constant 32 : i32
        %parallel_loop3A_171 = arith.addi %parallel_loop3A_95, %parallel_loop3A_170 : i32
        %parallel_loop3A_172 = arith.index_cast %parallel_loop3A_171 : i32 to index
        %parallel_loop3A_173 = tpu.vector_load %arg7[%parallel_loop3A_172] {strides = array<i32>} : memref<16384xf32, #tpu.memory_space<vmem>>, vector<16xf32>,
        %parallel_loop3A_174 = arith.constant 128 : i32
        %parallel_loop3A_175 = arith.addi %parallel_loop3A_171, %parallel_loop3A_174 : i32
        %parallel_loop3A_176 = arith.index_cast %parallel_loop3A_175 : i32 to index
        %parallel_loop3A_177 = tpu.vector_load %arg7[%parallel_loop3A_176] {strides = array<i32>} : memref<16384xf32, #tpu.memory_space<vmem>>, vector<16xf32>,
        %parallel_loop3A_178 = arith.index_cast %parallel_loop3A_171 : i32 to index
        %parallel_loop3A_179 = tpu.vector_load %arg9[%parallel_loop3A_178] {strides = array<i32>} : memref<16384xf32, #tpu.memory_space<vmem>>, vector<16xf32>,
        %parallel_loop3A_180 = arith.constant 128 : i32
        %parallel_loop3A_181 = arith.addi %parallel_loop3A_171, %parallel_loop3A_180 : i32
        %parallel_loop3A_182 = arith.index_cast %parallel_loop3A_181 : i32 to index
        %parallel_loop3A_183 = tpu.vector_load %arg9[%parallel_loop3A_182] {strides = array<i32>} : memref<16384xf32, #tpu.memory_space<vmem>>, vector<16xf32>,
        %parallel_loop3A_184 = arith.constant 0.000000e+00 : f32
        %parallel_loop3A_185 = vector.broadcast %parallel_loop3A_184 : f32 to vector<16xf32>
        %parallel_loop3A_186 = arith.cmpf ogt, %parallel_loop3A_173, %parallel_loop3A_185 : vector<16xf32>
        %parallel_loop3A_187 = arith.constant 2.220000e+02 : f32
        %parallel_loop3A_188 = vector.broadcast %parallel_loop3A_187 : f32 to vector<16xf32>
        %parallel_loop3A_189 = arith.cmpf ole, %parallel_loop3A_173, %parallel_loop3A_188 : vector<16xf32>
        %parallel_loop3A_190 = arith.andi %parallel_loop3A_186, %parallel_loop3A_189 : vector<16xi1>
        %parallel_loop3A_191 = arith.constant 0.000000e+00 : f32
        %parallel_loop3A_192 = vector.broadcast %parallel_loop3A_191 : f32 to vector<16xf32>
        %parallel_loop3A_193 = arith.select %parallel_loop3A_190, %parallel_loop3A_173, %parallel_loop3A_192 : vector<16xi1>, vector<16xf32>
        %parallel_loop3A_194 = arith.fptosi %parallel_loop3A_193 : vector<16xf32> to vector<16xi32>
        %parallel_loop3A_195 = arith.fptosi %parallel_loop3A_179 : vector<16xf32> to vector<16xi32>
        %parallel_loop3A_196 = tpu.vector_load_idx %arg6[%parallel_loop3A_195] : memref<224xf32, #tpu.memory_space<vmem>>[vector<16xi32>], vector<16xf32>,
        %parallel_loop3A_197 = arith.mulf %parallel_loop3A_196, %parallel_loop3A_183 : vector<16xf32>
        %parallel_loop3A_198 = tpu.vector_load_idx %arg6[%parallel_loop3A_194] : memref<224xf32, #tpu.memory_space<vmem>>[vector<16xi32>], vector<16xf32>,
        %parallel_loop3A_199 = arith.mulf %parallel_loop3A_198, %parallel_loop3A_177 : vector<16xf32>
        %parallel_loop3A_200 = arith.subf %parallel_loop3A_197, %parallel_loop3A_199 : vector<16xf32>
        %parallel_loop3A_201 = arith.constant 32 : i32
        %parallel_loop3A_202 = arith.addi %parallel_loop3A_99, %parallel_loop3A_201 : i32
        %parallel_loop3A_203 = arith.index_cast %parallel_loop3A_202 : i32 to index
        %parallel_loop3A_204 = tpu.vector_load %arg11[%parallel_loop3A_203] {strides = array<i32>} : memref<16384xf32, #tpu.memory_space<vmem>>, vector<16xf32>,
        tpu.vector_store %arg11[%parallel_loop3A_203], %parallel_loop3A_200 {add = true, strides = array<i32>} : memref<16384xf32, #tpu.memory_space<vmem>>, vector<16xf32>,
        %parallel_loop3A_205 = arith.constant 48 : i32
        %parallel_loop3A_206 = arith.addi %parallel_loop3A_95, %parallel_loop3A_205 : i32
        %parallel_loop3A_207 = arith.index_cast %parallel_loop3A_206 : i32 to index
        %parallel_loop3A_208 = tpu.vector_load %arg7[%parallel_loop3A_207] {strides = array<i32>} : memref<16384xf32, #tpu.memory_space<vmem>>, vector<16xf32>,
        %parallel_loop3A_209 = arith.constant 128 : i32
        %parallel_loop3A_210 = arith.addi %parallel_loop3A_206, %parallel_loop3A_209 : i32
        %parallel_loop3A_211 = arith.index_cast %parallel_loop3A_210 : i32 to index
        %parallel_loop3A_212 = tpu.vector_load %arg7[%parallel_loop3A_211] {strides = array<i32>} : memref<16384xf32, #tpu.memory_space<vmem>>, vector<16xf32>,
        %parallel_loop3A_213 = arith.index_cast %parallel_loop3A_206 : i32 to index
        %parallel_loop3A_214 = tpu.vector_load %arg9[%parallel_loop3A_213] {strides = array<i32>} : memref<16384xf32, #tpu.memory_space<vmem>>, vector<16xf32>,
        %parallel_loop3A_215 = arith.constant 128 : i32
        %parallel_loop3A_216 = arith.addi %parallel_loop3A_206, %parallel_loop3A_215 : i32
        %parallel_loop3A_217 = arith.index_cast %parallel_loop3A_216 : i32 to index
        %parallel_loop3A_218 = tpu.vector_load %arg9[%parallel_loop3A_217] {strides = array<i32>} : memref<16384xf32, #tpu.memory_space<vmem>>, vector<16xf32>,
        %parallel_loop3A_219 = arith.constant 0.000000e+00 : f32
        %parallel_loop3A_220 = vector.broadcast %parallel_loop3A_219 : f32 to vector<16xf32>
        %parallel_loop3A_221 = arith.cmpf ogt, %parallel_loop3A_208, %parallel_loop3A_220 : vector<16xf32>
        %parallel_loop3A_222 = arith.constant 2.220000e+02 : f32
        %parallel_loop3A_223 = vector.broadcast %parallel_loop3A_222 : f32 to vector<16xf32>
        %parallel_loop3A_224 = arith.cmpf ole, %parallel_loop3A_208, %parallel_loop3A_223 : vector<16xf32>
        %parallel_loop3A_225 = arith.andi %parallel_loop3A_221, %parallel_loop3A_224 : vector<16xi1>
        %parallel_loop3A_226 = arith.constant 0.000000e+00 : f32
        %parallel_loop3A_227 = vector.broadcast %parallel_loop3A_226 : f32 to vector<16xf32>
        %parallel_loop3A_228 = arith.select %parallel_loop3A_225, %parallel_loop3A_208, %parallel_loop3A_227 : vector<16xi1>, vector<16xf32>
        %parallel_loop3A_229 = arith.fptosi %parallel_loop3A_228 : vector<16xf32> to vector<16xi32>
        %parallel_loop3A_230 = arith.fptosi %parallel_loop3A_214 : vector<16xf32> to vector<16xi32>
        %parallel_loop3A_231 = tpu.vector_load_idx %arg6[%parallel_loop3A_230] : memref<224xf32, #tpu.memory_space<vmem>>[vector<16xi32>], vector<16xf32>,
        %parallel_loop3A_232 = arith.mulf %parallel_loop3A_231, %parallel_loop3A_218 : vector<16xf32>
        %parallel_loop3A_233 = tpu.vector_load_idx %arg6[%parallel_loop3A_229] : memref<224xf32, #tpu.memory_space<vmem>>[vector<16xi32>], vector<16xf32>,
        %parallel_loop3A_234 = arith.mulf %parallel_loop3A_233, %parallel_loop3A_212 : vector<16xf32>
        %parallel_loop3A_235 = arith.subf %parallel_loop3A_232, %parallel_loop3A_234 : vector<16xf32>
        %parallel_loop3A_236 = arith.constant 48 : i32
        %parallel_loop3A_237 = arith.addi %parallel_loop3A_99, %parallel_loop3A_236 : i32
        %parallel_loop3A_238 = arith.index_cast %parallel_loop3A_237 : i32 to index
        %parallel_loop3A_239 = tpu.vector_load %arg11[%parallel_loop3A_238] {strides = array<i32>} : memref<16384xf32, #tpu.memory_space<vmem>>, vector<16xf32>,
        tpu.vector_store %arg11[%parallel_loop3A_238], %parallel_loop3A_235 {add = true, strides = array<i32>} : memref<16384xf32, #tpu.memory_space<vmem>>, vector<16xf32>,
        %parallel_loop3A_240 = arith.constant 64 : i32
        %parallel_loop3A_241 = arith.addi %parallel_loop3A_95, %parallel_loop3A_240 : i32
        %parallel_loop3A_242 = arith.index_cast %parallel_loop3A_241 : i32 to index
        %parallel_loop3A_243 = tpu.vector_load %arg7[%parallel_loop3A_242] {strides = array<i32>} : memref<16384xf32, #tpu.memory_space<vmem>>, vector<16xf32>,
        %parallel_loop3A_244 = arith.constant 128 : i32
        %parallel_loop3A_245 = arith.addi %parallel_loop3A_241, %parallel_loop3A_244 : i32
        %parallel_loop3A_246 = arith.index_cast %parallel_loop3A_245 : i32 to index
        %parallel_loop3A_247 = tpu.vector_load %arg7[%parallel_loop3A_246] {strides = array<i32>} : memref<16384xf32, #tpu.memory_space<vmem>>, vector<16xf32>,
        %parallel_loop3A_248 = arith.index_cast %parallel_loop3A_241 : i32 to index
        %parallel_loop3A_249 = tpu.vector_load %arg9[%parallel_loop3A_248] {strides = array<i32>} : memref<16384xf32, #tpu.memory_space<vmem>>, vector<16xf32>,
        %parallel_loop3A_250 = arith.constant 128 : i32
        %parallel_loop3A_251 = arith.addi %parallel_loop3A_241, %parallel_loop3A_250 : i32
        %parallel_loop3A_252 = arith.index_cast %parallel_loop3A_251 : i32 to index
        %parallel_loop3A_253 = tpu.vector_load %arg9[%parallel_loop3A_252] {strides = array<i32>} : memref<16384xf32, #tpu.memory_space<vmem>>, vector<16xf32>,
        %parallel_loop3A_254 = arith.constant 0.000000e+00 : f32
        %parallel_loop3A_255 = vector.broadcast %parallel_loop3A_254 : f32 to vector<16xf32>
        %parallel_loop3A_256 = arith.cmpf ogt, %parallel_loop3A_243, %parallel_loop3A_255 : vector<16xf32>
        %parallel_loop3A_257 = arith.constant 2.220000e+02 : f32
        %parallel_loop3A_258 = vector.broadcast %parallel_loop3A_257 : f32 to vector<16xf32>
        %parallel_loop3A_259 = arith.cmpf ole, %parallel_loop3A_243, %parallel_loop3A_258 : vector<16xf32>
        %parallel_loop3A_260 = arith.andi %parallel_loop3A_256, %parallel_loop3A_259 : vector<16xi1>
        %parallel_loop3A_261 = arith.constant 0.000000e+00 : f32
        %parallel_loop3A_262 = vector.broadcast %parallel_loop3A_261 : f32 to vector<16xf32>
        %parallel_loop3A_263 = arith.select %parallel_loop3A_260, %parallel_loop3A_243, %parallel_loop3A_262 : vector<16xi1>, vector<16xf32>
        %parallel_loop3A_264 = arith.fptosi %parallel_loop3A_263 : vector<16xf32> to vector<16xi32>
        %parallel_loop3A_265 = arith.fptosi %parallel_loop3A_249 : vector<16xf32> to vector<16xi32>
        %parallel_loop3A_266 = tpu.vector_load_idx %arg6[%parallel_loop3A_265] : memref<224xf32, #tpu.memory_space<vmem>>[vector<16xi32>], vector<16xf32>,
        %parallel_loop3A_267 = arith.mulf %parallel_loop3A_266, %parallel_loop3A_253 : vector<16xf32>
        %parallel_loop3A_268 = tpu.vector_load_idx %arg6[%parallel_loop3A_264] : memref<224xf32, #tpu.memory_space<vmem>>[vector<16xi32>], vector<16xf32>,
        %parallel_loop3A_269 = arith.mulf %parallel_loop3A_268, %parallel_loop3A_247 : vector<16xf32>
        %parallel_loop3A_270 = arith.subf %parallel_loop3A_267, %parallel_loop3A_269 : vector<16xf32>
        %parallel_loop3A_271 = arith.constant 64 : i32
        %parallel_loop3A_272 = arith.addi %parallel_loop3A_99, %parallel_loop3A_271 : i32
        %parallel_loop3A_273 = arith.index_cast %parallel_loop3A_272 : i32 to index
        %parallel_loop3A_274 = tpu.vector_load %arg11[%parallel_loop3A_273] {strides = array<i32>} : memref<16384xf32, #tpu.memory_space<vmem>>, vector<16xf32>,
        tpu.vector_store %arg11[%parallel_loop3A_273], %parallel_loop3A_270 {add = true, strides = array<i32>} : memref<16384xf32, #tpu.memory_space<vmem>>, vector<16xf32>,
        %parallel_loop3A_275 = arith.constant 80 : i32
        %parallel_loop3A_276 = arith.addi %parallel_loop3A_95, %parallel_loop3A_275 : i32
        %parallel_loop3A_277 = arith.index_cast %parallel_loop3A_276 : i32 to index
        %parallel_loop3A_278 = tpu.vector_load %arg7[%parallel_loop3A_277] {strides = array<i32>} : memref<16384xf32, #tpu.memory_space<vmem>>, vector<16xf32>,
        %parallel_loop3A_279 = arith.constant 128 : i32
        %parallel_loop3A_280 = arith.addi %parallel_loop3A_276, %parallel_loop3A_279 : i32
        %parallel_loop3A_281 = arith.index_cast %parallel_loop3A_280 : i32 to index
        %parallel_loop3A_282 = tpu.vector_load %arg7[%parallel_loop3A_281] {strides = array<i32>} : memref<16384xf32, #tpu.memory_space<vmem>>, vector<16xf32>,
        %parallel_loop3A_283 = arith.index_cast %parallel_loop3A_276 : i32 to index
        %parallel_loop3A_284 = tpu.vector_load %arg9[%parallel_loop3A_283] {strides = array<i32>} : memref<16384xf32, #tpu.memory_space<vmem>>, vector<16xf32>,
        %parallel_loop3A_285 = arith.constant 128 : i32
        %parallel_loop3A_286 = arith.addi %parallel_loop3A_276, %parallel_loop3A_285 : i32
        %parallel_loop3A_287 = arith.index_cast %parallel_loop3A_286 : i32 to index
        %parallel_loop3A_288 = tpu.vector_load %arg9[%parallel_loop3A_287] {strides = array<i32>} : memref<16384xf32, #tpu.memory_space<vmem>>, vector<16xf32>,
        %parallel_loop3A_289 = arith.constant 0.000000e+00 : f32
        %parallel_loop3A_290 = vector.broadcast %parallel_loop3A_289 : f32 to vector<16xf32>
        %parallel_loop3A_291 = arith.cmpf ogt, %parallel_loop3A_278, %parallel_loop3A_290 : vector<16xf32>
        %parallel_loop3A_292 = arith.constant 2.220000e+02 : f32
        %parallel_loop3A_293 = vector.broadcast %parallel_loop3A_292 : f32 to vector<16xf32>
        %parallel_loop3A_294 = arith.cmpf ole, %parallel_loop3A_278, %parallel_loop3A_293 : vector<16xf32>
        %parallel_loop3A_295 = arith.andi %parallel_loop3A_291, %parallel_loop3A_294 : vector<16xi1>
        %parallel_loop3A_296 = arith.constant 0.000000e+00 : f32
        %parallel_loop3A_297 = vector.broadcast %parallel_loop3A_296 : f32 to vector<16xf32>
        %parallel_loop3A_298 = arith.select %parallel_loop3A_295, %parallel_loop3A_278, %parallel_loop3A_297 : vector<16xi1>, vector<16xf32>
        %parallel_loop3A_299 = arith.fptosi %parallel_loop3A_298 : vector<16xf32> to vector<16xi32>
        %parallel_loop3A_300 = arith.fptosi %parallel_loop3A_284 : vector<16xf32> to vector<16xi32>
        %parallel_loop3A_301 = tpu.vector_load_idx %arg6[%parallel_loop3A_300] : memref<224xf32, #tpu.memory_space<vmem>>[vector<16xi32>], vector<16xf32>,
        %parallel_loop3A_302 = arith.mulf %parallel_loop3A_301, %parallel_loop3A_288 : vector<16xf32>
        %parallel_loop3A_303 = tpu.vector_load_idx %arg6[%parallel_loop3A_299] : memref<224xf32, #tpu.memory_space<vmem>>[vector<16xi32>], vector<16xf32>,
        %parallel_loop3A_304 = arith.mulf %parallel_loop3A_303, %parallel_loop3A_282 : vector<16xf32>
        %parallel_loop3A_305 = arith.subf %parallel_loop3A_302, %parallel_loop3A_304 : vector<16xf32>
        %parallel_loop3A_306 = arith.constant 80 : i32
        %parallel_loop3A_307 = arith.addi %parallel_loop3A_99, %parallel_loop3A_306 : i32
        %parallel_loop3A_308 = arith.index_cast %parallel_loop3A_307 : i32 to index
        %parallel_loop3A_309 = tpu.vector_load %arg11[%parallel_loop3A_308] {strides = array<i32>} : memref<16384xf32, #tpu.memory_space<vmem>>, vector<16xf32>,
        tpu.vector_store %arg11[%parallel_loop3A_308], %parallel_loop3A_305 {add = true, strides = array<i32>} : memref<16384xf32, #tpu.memory_space<vmem>>, vector<16xf32>,
        %parallel_loop3A_310 = arith.constant 96 : i32
        %parallel_loop3A_311 = arith.addi %parallel_loop3A_95, %parallel_loop3A_310 : i32
        %parallel_loop3A_312 = arith.index_cast %parallel_loop3A_311 : i32 to index
        %parallel_loop3A_313 = tpu.vector_load %arg7[%parallel_loop3A_312] {strides = array<i32>} : memref<16384xf32, #tpu.memory_space<vmem>>, vector<16xf32>,
        %parallel_loop3A_314 = arith.constant 128 : i32
        %parallel_loop3A_315 = arith.addi %parallel_loop3A_311, %parallel_loop3A_314 : i32
        %parallel_loop3A_316 = arith.index_cast %parallel_loop3A_315 : i32 to index
        %parallel_loop3A_317 = tpu.vector_load %arg7[%parallel_loop3A_316] {strides = array<i32>} : memref<16384xf32, #tpu.memory_space<vmem>>, vector<16xf32>,
        %parallel_loop3A_318 = arith.index_cast %parallel_loop3A_311 : i32 to index
        %parallel_loop3A_319 = tpu.vector_load %arg9[%parallel_loop3A_318] {strides = array<i32>} : memref<16384xf32, #tpu.memory_space<vmem>>, vector<16xf32>,
        %parallel_loop3A_320 = arith.constant 128 : i32
        %parallel_loop3A_321 = arith.addi %parallel_loop3A_311, %parallel_loop3A_320 : i32
        %parallel_loop3A_322 = arith.index_cast %parallel_loop3A_321 : i32 to index
        %parallel_loop3A_323 = tpu.vector_load %arg9[%parallel_loop3A_322] {strides = array<i32>} : memref<16384xf32, #tpu.memory_space<vmem>>, vector<16xf32>,
        %parallel_loop3A_324 = arith.constant 0.000000e+00 : f32
        %parallel_loop3A_325 = vector.broadcast %parallel_loop3A_324 : f32 to vector<16xf32>
        %parallel_loop3A_326 = arith.cmpf ogt, %parallel_loop3A_313, %parallel_loop3A_325 : vector<16xf32>
        %parallel_loop3A_327 = arith.constant 2.220000e+02 : f32
        %parallel_loop3A_328 = vector.broadcast %parallel_loop3A_327 : f32 to vector<16xf32>
        %parallel_loop3A_329 = arith.cmpf ole, %parallel_loop3A_313, %parallel_loop3A_328 : vector<16xf32>
        %parallel_loop3A_330 = arith.andi %parallel_loop3A_326, %parallel_loop3A_329 : vector<16xi1>
        %parallel_loop3A_331 = arith.constant 0.000000e+00 : f32
        %parallel_loop3A_332 = vector.broadcast %parallel_loop3A_331 : f32 to vector<16xf32>
        %parallel_loop3A_333 = arith.select %parallel_loop3A_330, %parallel_loop3A_313, %parallel_loop3A_332 : vector<16xi1>, vector<16xf32>
        %parallel_loop3A_334 = arith.fptosi %parallel_loop3A_333 : vector<16xf32> to vector<16xi32>
        %parallel_loop3A_335 = arith.fptosi %parallel_loop3A_319 : vector<16xf32> to vector<16xi32>
        %parallel_loop3A_336 = tpu.vector_load_idx %arg6[%parallel_loop3A_335] : memref<224xf32, #tpu.memory_space<vmem>>[vector<16xi32>], vector<16xf32>,
        %parallel_loop3A_337 = arith.mulf %parallel_loop3A_336, %parallel_loop3A_323 : vector<16xf32>
        %parallel_loop3A_338 = tpu.vector_load_idx %arg6[%parallel_loop3A_334] : memref<224xf32, #tpu.memory_space<vmem>>[vector<16xi32>], vector<16xf32>,
        %parallel_loop3A_339 = arith.mulf %parallel_loop3A_338, %parallel_loop3A_317 : vector<16xf32>
        %parallel_loop3A_340 = arith.subf %parallel_loop3A_337, %parallel_loop3A_339 : vector<16xf32>
        %parallel_loop3A_341 = arith.constant 96 : i32
        %parallel_loop3A_342 = arith.addi %parallel_loop3A_99, %parallel_loop3A_341 : i32
        %parallel_loop3A_343 = arith.index_cast %parallel_loop3A_342 : i32 to index
        %parallel_loop3A_344 = tpu.vector_load %arg11[%parallel_loop3A_343] {strides = array<i32>} : memref<16384xf32, #tpu.memory_space<vmem>>, vector<16xf32>,
        tpu.vector_store %arg11[%parallel_loop3A_343], %parallel_loop3A_340 {add = true, strides = array<i32>} : memref<16384xf32, #tpu.memory_space<vmem>>, vector<16xf32>,
        %parallel_loop3A_345 = arith.constant 112 : i32
        %parallel_loop3A_346 = arith.addi %parallel_loop3A_95, %parallel_loop3A_345 : i32
        %parallel_loop3A_347 = arith.index_cast %parallel_loop3A_346 : i32 to index
        %parallel_loop3A_348 = tpu.vector_load %arg7[%parallel_loop3A_347] {strides = array<i32>} : memref<16384xf32, #tpu.memory_space<vmem>>, vector<16xf32>,
        %parallel_loop3A_349 = arith.constant 128 : i32
        %parallel_loop3A_350 = arith.addi %parallel_loop3A_346, %parallel_loop3A_349 : i32
        %parallel_loop3A_351 = arith.index_cast %parallel_loop3A_350 : i32 to index
        %parallel_loop3A_352 = tpu.vector_load %arg7[%parallel_loop3A_351] {strides = array<i32>} : memref<16384xf32, #tpu.memory_space<vmem>>, vector<16xf32>,
        %parallel_loop3A_353 = arith.index_cast %parallel_loop3A_346 : i32 to index
        %parallel_loop3A_354 = tpu.vector_load %arg9[%parallel_loop3A_353] {strides = array<i32>} : memref<16384xf32, #tpu.memory_space<vmem>>, vector<16xf32>,
        %parallel_loop3A_355 = arith.constant 128 : i32
        %parallel_loop3A_356 = arith.addi %parallel_loop3A_346, %parallel_loop3A_355 : i32
        %parallel_loop3A_357 = arith.index_cast %parallel_loop3A_356 : i32 to index
        %parallel_loop3A_358 = tpu.vector_load %arg9[%parallel_loop3A_357] {strides = array<i32>} : memref<16384xf32, #tpu.memory_space<vmem>>, vector<16xf32>,
        %parallel_loop3A_359 = arith.constant 0.000000e+00 : f32
        %parallel_loop3A_360 = vector.broadcast %parallel_loop3A_359 : f32 to vector<16xf32>
        %parallel_loop3A_361 = arith.cmpf ogt, %parallel_loop3A_348, %parallel_loop3A_360 : vector<16xf32>
        %parallel_loop3A_362 = arith.constant 2.220000e+02 : f32
        %parallel_loop3A_363 = vector.broadcast %parallel_loop3A_362 : f32 to vector<16xf32>
        %parallel_loop3A_364 = arith.cmpf ole, %parallel_loop3A_348, %parallel_loop3A_363 : vector<16xf32>
        %parallel_loop3A_365 = arith.andi %parallel_loop3A_361, %parallel_loop3A_364 : vector<16xi1>
        %parallel_loop3A_366 = arith.constant 0.000000e+00 : f32
        %parallel_loop3A_367 = vector.broadcast %parallel_loop3A_366 : f32 to vector<16xf32>
        %parallel_loop3A_368 = arith.select %parallel_loop3A_365, %parallel_loop3A_348, %parallel_loop3A_367 : vector<16xi1>, vector<16xf32>
        %parallel_loop3A_369 = arith.fptosi %parallel_loop3A_368 : vector<16xf32> to vector<16xi32>
        %parallel_loop3A_370 = arith.fptosi %parallel_loop3A_354 : vector<16xf32> to vector<16xi32>
        %parallel_loop3A_371 = tpu.vector_load_idx %arg6[%parallel_loop3A_370] : memref<224xf32, #tpu.memory_space<vmem>>[vector<16xi32>], vector<16xf32>,
        %parallel_loop3A_372 = arith.mulf %parallel_loop3A_371, %parallel_loop3A_358 : vector<16xf32>
        %parallel_loop3A_373 = tpu.vector_load_idx %arg6[%parallel_loop3A_369] : memref<224xf32, #tpu.memory_space<vmem>>[vector<16xi32>], vector<16xf32>,
        %parallel_loop3A_374 = arith.mulf %parallel_loop3A_373, %parallel_loop3A_352 : vector<16xf32>
        %parallel_loop3A_375 = arith.subf %parallel_loop3A_372, %parallel_loop3A_374 : vector<16xf32>
        %parallel_loop3A_376 = arith.constant 112 : i32
        %parallel_loop3A_377 = arith.addi %parallel_loop3A_99, %parallel_loop3A_376 : i32
        %parallel_loop3A_378 = arith.index_cast %parallel_loop3A_377 : i32 to index
        %parallel_loop3A_379 = tpu.vector_load %arg11[%parallel_loop3A_378] {strides = array<i32>} : memref<16384xf32, #tpu.memory_space<vmem>>, vector<16xf32>,
        tpu.vector_store %arg11[%parallel_loop3A_378], %parallel_loop3A_375 {add = true, strides = array<i32>} : memref<16384xf32, #tpu.memory_space<vmem>>, vector<16xf32>,
      } {sc.loop_unroll_factor = 2 : i64, sc.parallel_access}
      %convert_element_type3A_76 = arith.extui %lt3A_64 : i1 to i32
      %cond3A_77 = arith.constant 0 : i32
      %cond3A_78 = arith.cmpi ne, %convert_element_type3A_76, %cond3A_77 : i32
      scf.if %cond3A_78 {
        %add3A_93 = arith.constant 2 : i32
        %add3A_94 = arith.addi %mul3A_61, %add3A_93 : i32
        %mul3A_95 = arith.constant 16384 : i32
        %mul3A_96 = arith.muli %add3A_94, %mul3A_95 : i32
        %add3A_97 = arith.addi %mul3A_13, %mul3A_96 : i32
        %dma_start3A_98 = tpu.memref_slice %arg2[%add3A_97] : memref<6881280xf32, #tpu.memory_space<hbm>> -> memref<16384xf32, #tpu.memory_space<hbm>>
        %dma_start3A_99 = tpu.memref_slice %arg2[%add3A_97] : memref<6881280xf32, #tpu.memory_space<hbm>> -> memref<16384xf32, #tpu.memory_space<hbm>>
        tpu.enqueue_dma source(%dma_start3A_99 : memref<16384xf32, #tpu.memory_space<hbm>>) target(%arg7 : memref<16384xf32, #tpu.memory_space<vmem>>) target_semaphore(%arg12 : memref<!tpu.dma_semaphore, #tpu.memory_space<semaphore_mem>>)
        %dma_start3A_100 = tpu.memref_slice %arg3[%add3A_97] : memref<6881280xf32, #tpu.memory_space<hbm>> -> memref<16384xf32, #tpu.memory_space<hbm>>
        %dma_start3A_101 = tpu.memref_slice %arg3[%add3A_97] : memref<6881280xf32, #tpu.memory_space<hbm>> -> memref<16384xf32, #tpu.memory_space<hbm>>
        tpu.enqueue_dma source(%dma_start3A_101 : memref<16384xf32, #tpu.memory_space<hbm>>) target(%arg9 : memref<16384xf32, #tpu.memory_space<vmem>>) target_semaphore(%arg14 : memref<!tpu.dma_semaphore, #tpu.memory_space<semaphore_mem>>)
      } else {
      }
      %dma_wait3A_79 = arith.constant 0 : i32
      %dma_wait3A_80 = tpu.memref_slice %arg2[%dma_wait3A_79] : memref<6881280xf32, #tpu.memory_space<hbm>> -> memref<16384xf32, #tpu.memory_space<hbm>>
      %dma_wait3A_81 = arith.constant 0 : i32
      %dma_wait3A_82 = tpu.memref_slice %arg2[%dma_wait3A_81] : memref<6881280xf32, #tpu.memory_space<hbm>> -> memref<16384xf32, #tpu.memory_space<hbm>>
      tpu.wait_dma2 semaphore(%arg13 : memref<!tpu.dma_semaphore, #tpu.memory_space<semaphore_mem>>) src(%dma_wait3A_82 : memref<16384xf32, #tpu.memory_space<hbm>>) dst(%arg8 : memref<16384xf32, #tpu.memory_space<vmem>>)
      %dma_wait3A_83 = arith.constant 0 : i32
      %dma_wait3A_84 = tpu.memref_slice %arg3[%dma_wait3A_83] : memref<6881280xf32, #tpu.memory_space<hbm>> -> memref<16384xf32, #tpu.memory_space<hbm>>
      %dma_wait3A_85 = arith.constant 0 : i32
      %dma_wait3A_86 = tpu.memref_slice %arg3[%dma_wait3A_85] : memref<6881280xf32, #tpu.memory_space<hbm>> -> memref<16384xf32, #tpu.memory_space<hbm>>
      tpu.wait_dma2 semaphore(%arg15 : memref<!tpu.dma_semaphore, #tpu.memory_space<semaphore_mem>>) src(%dma_wait3A_86 : memref<16384xf32, #tpu.memory_space<hbm>>) dst(%arg10 : memref<16384xf32, #tpu.memory_space<vmem>>)
      %parallel_loop3A_87 = arith.constant 0 : i32
      %parallel_loop3A_88 = arith.constant 64 : i32
      %parallel_loop3A_89 = arith.constant 1 : i32
      scf.for %parallel_loop3A_93 = %parallel_loop3A_87 to %parallel_loop3A_88 step %parallel_loop3A_89  : i32 {
        %parallel_loop3A_94 = arith.constant 256 : i32
        %parallel_loop3A_95 = arith.muli %parallel_loop3A_93, %parallel_loop3A_94 : i32
        %parallel_loop3A_96 = arith.constant 128 : i32
        %parallel_loop3A_97 = arith.muli %parallel_loop3A_93, %parallel_loop3A_96 : i32
        %parallel_loop3A_98 = arith.constant 8192 : i32
        %parallel_loop3A_99 = arith.addi %parallel_loop3A_98, %parallel_loop3A_97 : i32
        %parallel_loop3A_100 = arith.constant 0 : i32
        %parallel_loop3A_101 = arith.addi %parallel_loop3A_95, %parallel_loop3A_100 : i32
        %parallel_loop3A_102 = arith.index_cast %parallel_loop3A_101 : i32 to index
        %parallel_loop3A_103 = tpu.vector_load %arg8[%parallel_loop3A_102] {strides = array<i32>} : memref<16384xf32, #tpu.memory_space<vmem>>, vector<16xf32>,
        %parallel_loop3A_104 = arith.constant 128 : i32
        %parallel_loop3A_105 = arith.addi %parallel_loop3A_101, %parallel_loop3A_104 : i32
        %parallel_loop3A_106 = arith.index_cast %parallel_loop3A_105 : i32 to index
        %parallel_loop3A_107 = tpu.vector_load %arg8[%parallel_loop3A_106] {strides = array<i32>} : memref<16384xf32, #tpu.memory_space<vmem>>, vector<16xf32>,
        %parallel_loop3A_108 = arith.index_cast %parallel_loop3A_101 : i32 to index
        %parallel_loop3A_109 = tpu.vector_load %arg10[%parallel_loop3A_108] {strides = array<i32>} : memref<16384xf32, #tpu.memory_space<vmem>>, vector<16xf32>,
        %parallel_loop3A_110 = arith.constant 128 : i32
        %parallel_loop3A_111 = arith.addi %parallel_loop3A_101, %parallel_loop3A_110 : i32
        %parallel_loop3A_112 = arith.index_cast %parallel_loop3A_111 : i32 to index
        %parallel_loop3A_113 = tpu.vector_load %arg10[%parallel_loop3A_112] {strides = array<i32>} : memref<16384xf32, #tpu.memory_space<vmem>>, vector<16xf32>,
        %parallel_loop3A_114 = arith.constant 0.000000e+00 : f32
        %parallel_loop3A_115 = vector.broadcast %parallel_loop3A_114 : f32 to vector<16xf32>
        %parallel_loop3A_116 = arith.cmpf ogt, %parallel_loop3A_103, %parallel_loop3A_115 : vector<16xf32>
        %parallel_loop3A_117 = arith.constant 2.220000e+02 : f32
        %parallel_loop3A_118 = vector.broadcast %parallel_loop3A_117 : f32 to vector<16xf32>
        %parallel_loop3A_119 = arith.cmpf ole, %parallel_loop3A_103, %parallel_loop3A_118 : vector<16xf32>
        %parallel_loop3A_120 = arith.andi %parallel_loop3A_116, %parallel_loop3A_119 : vector<16xi1>
        %parallel_loop3A_121 = arith.constant 0.000000e+00 : f32
        %parallel_loop3A_122 = vector.broadcast %parallel_loop3A_121 : f32 to vector<16xf32>
        %parallel_loop3A_123 = arith.select %parallel_loop3A_120, %parallel_loop3A_103, %parallel_loop3A_122 : vector<16xi1>, vector<16xf32>
        %parallel_loop3A_124 = arith.fptosi %parallel_loop3A_123 : vector<16xf32> to vector<16xi32>
        %parallel_loop3A_125 = arith.fptosi %parallel_loop3A_109 : vector<16xf32> to vector<16xi32>
        %parallel_loop3A_126 = tpu.vector_load_idx %arg6[%parallel_loop3A_125] : memref<224xf32, #tpu.memory_space<vmem>>[vector<16xi32>], vector<16xf32>,
        %parallel_loop3A_127 = arith.mulf %parallel_loop3A_126, %parallel_loop3A_113 : vector<16xf32>
        %parallel_loop3A_128 = tpu.vector_load_idx %arg6[%parallel_loop3A_124] : memref<224xf32, #tpu.memory_space<vmem>>[vector<16xi32>], vector<16xf32>,
        %parallel_loop3A_129 = arith.mulf %parallel_loop3A_128, %parallel_loop3A_107 : vector<16xf32>
        %parallel_loop3A_130 = arith.subf %parallel_loop3A_127, %parallel_loop3A_129 : vector<16xf32>
        %parallel_loop3A_131 = arith.constant 0 : i32
        %parallel_loop3A_132 = arith.addi %parallel_loop3A_99, %parallel_loop3A_131 : i32
        %parallel_loop3A_133 = arith.index_cast %parallel_loop3A_132 : i32 to index
        %parallel_loop3A_134 = tpu.vector_load %arg11[%parallel_loop3A_133] {strides = array<i32>} : memref<16384xf32, #tpu.memory_space<vmem>>, vector<16xf32>,
        tpu.vector_store %arg11[%parallel_loop3A_133], %parallel_loop3A_130 {add = true, strides = array<i32>} : memref<16384xf32, #tpu.memory_space<vmem>>, vector<16xf32>,
        %parallel_loop3A_135 = arith.constant 16 : i32
        %parallel_loop3A_136 = arith.addi %parallel_loop3A_95, %parallel_loop3A_135 : i32
        %parallel_loop3A_137 = arith.index_cast %parallel_loop3A_136 : i32 to index
        %parallel_loop3A_138 = tpu.vector_load %arg8[%parallel_loop3A_137] {strides = array<i32>} : memref<16384xf32, #tpu.memory_space<vmem>>, vector<16xf32>,
        %parallel_loop3A_139 = arith.constant 128 : i32
        %parallel_loop3A_140 = arith.addi %parallel_loop3A_136, %parallel_loop3A_139 : i32
        %parallel_loop3A_141 = arith.index_cast %parallel_loop3A_140 : i32 to index
        %parallel_loop3A_142 = tpu.vector_load %arg8[%parallel_loop3A_141] {strides = array<i32>} : memref<16384xf32, #tpu.memory_space<vmem>>, vector<16xf32>,
        %parallel_loop3A_143 = arith.index_cast %parallel_loop3A_136 : i32 to index
        %parallel_loop3A_144 = tpu.vector_load %arg10[%parallel_loop3A_143] {strides = array<i32>} : memref<16384xf32, #tpu.memory_space<vmem>>, vector<16xf32>,
        %parallel_loop3A_145 = arith.constant 128 : i32
        %parallel_loop3A_146 = arith.addi %parallel_loop3A_136, %parallel_loop3A_145 : i32
        %parallel_loop3A_147 = arith.index_cast %parallel_loop3A_146 : i32 to index
        %parallel_loop3A_148 = tpu.vector_load %arg10[%parallel_loop3A_147] {strides = array<i32>} : memref<16384xf32, #tpu.memory_space<vmem>>, vector<16xf32>,
        %parallel_loop3A_149 = arith.constant 0.000000e+00 : f32
        %parallel_loop3A_150 = vector.broadcast %parallel_loop3A_149 : f32 to vector<16xf32>
        %parallel_loop3A_151 = arith.cmpf ogt, %parallel_loop3A_138, %parallel_loop3A_150 : vector<16xf32>
        %parallel_loop3A_152 = arith.constant 2.220000e+02 : f32
        %parallel_loop3A_153 = vector.broadcast %parallel_loop3A_152 : f32 to vector<16xf32>
        %parallel_loop3A_154 = arith.cmpf ole, %parallel_loop3A_138, %parallel_loop3A_153 : vector<16xf32>
        %parallel_loop3A_155 = arith.andi %parallel_loop3A_151, %parallel_loop3A_154 : vector<16xi1>
        %parallel_loop3A_156 = arith.constant 0.000000e+00 : f32
        %parallel_loop3A_157 = vector.broadcast %parallel_loop3A_156 : f32 to vector<16xf32>
        %parallel_loop3A_158 = arith.select %parallel_loop3A_155, %parallel_loop3A_138, %parallel_loop3A_157 : vector<16xi1>, vector<16xf32>
        %parallel_loop3A_159 = arith.fptosi %parallel_loop3A_158 : vector<16xf32> to vector<16xi32>
        %parallel_loop3A_160 = arith.fptosi %parallel_loop3A_144 : vector<16xf32> to vector<16xi32>
        %parallel_loop3A_161 = tpu.vector_load_idx %arg6[%parallel_loop3A_160] : memref<224xf32, #tpu.memory_space<vmem>>[vector<16xi32>], vector<16xf32>,
        %parallel_loop3A_162 = arith.mulf %parallel_loop3A_161, %parallel_loop3A_148 : vector<16xf32>
        %parallel_loop3A_163 = tpu.vector_load_idx %arg6[%parallel_loop3A_159] : memref<224xf32, #tpu.memory_space<vmem>>[vector<16xi32>], vector<16xf32>,
        %parallel_loop3A_164 = arith.mulf %parallel_loop3A_163, %parallel_loop3A_142 : vector<16xf32>
        %parallel_loop3A_165 = arith.subf %parallel_loop3A_162, %parallel_loop3A_164 : vector<16xf32>
        %parallel_loop3A_166 = arith.constant 16 : i32
        %parallel_loop3A_167 = arith.addi %parallel_loop3A_99, %parallel_loop3A_166 : i32
        %parallel_loop3A_168 = arith.index_cast %parallel_loop3A_167 : i32 to index
        %parallel_loop3A_169 = tpu.vector_load %arg11[%parallel_loop3A_168] {strides = array<i32>} : memref<16384xf32, #tpu.memory_space<vmem>>, vector<16xf32>,
        tpu.vector_store %arg11[%parallel_loop3A_168], %parallel_loop3A_165 {add = true, strides = array<i32>} : memref<16384xf32, #tpu.memory_space<vmem>>, vector<16xf32>,
        %parallel_loop3A_170 = arith.constant 32 : i32
        %parallel_loop3A_171 = arith.addi %parallel_loop3A_95, %parallel_loop3A_170 : i32
        %parallel_loop3A_172 = arith.index_cast %parallel_loop3A_171 : i32 to index
        %parallel_loop3A_173 = tpu.vector_load %arg8[%parallel_loop3A_172] {strides = array<i32>} : memref<16384xf32, #tpu.memory_space<vmem>>, vector<16xf32>,
        %parallel_loop3A_174 = arith.constant 128 : i32
        %parallel_loop3A_175 = arith.addi %parallel_loop3A_171, %parallel_loop3A_174 : i32
        %parallel_loop3A_176 = arith.index_cast %parallel_loop3A_175 : i32 to index
        %parallel_loop3A_177 = tpu.vector_load %arg8[%parallel_loop3A_176] {strides = array<i32>} : memref<16384xf32, #tpu.memory_space<vmem>>, vector<16xf32>,
        %parallel_loop3A_178 = arith.index_cast %parallel_loop3A_171 : i32 to index
        %parallel_loop3A_179 = tpu.vector_load %arg10[%parallel_loop3A_178] {strides = array<i32>} : memref<16384xf32, #tpu.memory_space<vmem>>, vector<16xf32>,
        %parallel_loop3A_180 = arith.constant 128 : i32
        %parallel_loop3A_181 = arith.addi %parallel_loop3A_171, %parallel_loop3A_180 : i32
        %parallel_loop3A_182 = arith.index_cast %parallel_loop3A_181 : i32 to index
        %parallel_loop3A_183 = tpu.vector_load %arg10[%parallel_loop3A_182] {strides = array<i32>} : memref<16384xf32, #tpu.memory_space<vmem>>, vector<16xf32>,
        %parallel_loop3A_184 = arith.constant 0.000000e+00 : f32
        %parallel_loop3A_185 = vector.broadcast %parallel_loop3A_184 : f32 to vector<16xf32>
        %parallel_loop3A_186 = arith.cmpf ogt, %parallel_loop3A_173, %parallel_loop3A_185 : vector<16xf32>
        %parallel_loop3A_187 = arith.constant 2.220000e+02 : f32
        %parallel_loop3A_188 = vector.broadcast %parallel_loop3A_187 : f32 to vector<16xf32>
        %parallel_loop3A_189 = arith.cmpf ole, %parallel_loop3A_173, %parallel_loop3A_188 : vector<16xf32>
        %parallel_loop3A_190 = arith.andi %parallel_loop3A_186, %parallel_loop3A_189 : vector<16xi1>
        %parallel_loop3A_191 = arith.constant 0.000000e+00 : f32
        %parallel_loop3A_192 = vector.broadcast %parallel_loop3A_191 : f32 to vector<16xf32>
        %parallel_loop3A_193 = arith.select %parallel_loop3A_190, %parallel_loop3A_173, %parallel_loop3A_192 : vector<16xi1>, vector<16xf32>
        %parallel_loop3A_194 = arith.fptosi %parallel_loop3A_193 : vector<16xf32> to vector<16xi32>
        %parallel_loop3A_195 = arith.fptosi %parallel_loop3A_179 : vector<16xf32> to vector<16xi32>
        %parallel_loop3A_196 = tpu.vector_load_idx %arg6[%parallel_loop3A_195] : memref<224xf32, #tpu.memory_space<vmem>>[vector<16xi32>], vector<16xf32>,
        %parallel_loop3A_197 = arith.mulf %parallel_loop3A_196, %parallel_loop3A_183 : vector<16xf32>
        %parallel_loop3A_198 = tpu.vector_load_idx %arg6[%parallel_loop3A_194] : memref<224xf32, #tpu.memory_space<vmem>>[vector<16xi32>], vector<16xf32>,
        %parallel_loop3A_199 = arith.mulf %parallel_loop3A_198, %parallel_loop3A_177 : vector<16xf32>
        %parallel_loop3A_200 = arith.subf %parallel_loop3A_197, %parallel_loop3A_199 : vector<16xf32>
        %parallel_loop3A_201 = arith.constant 32 : i32
        %parallel_loop3A_202 = arith.addi %parallel_loop3A_99, %parallel_loop3A_201 : i32
        %parallel_loop3A_203 = arith.index_cast %parallel_loop3A_202 : i32 to index
        %parallel_loop3A_204 = tpu.vector_load %arg11[%parallel_loop3A_203] {strides = array<i32>} : memref<16384xf32, #tpu.memory_space<vmem>>, vector<16xf32>,
        tpu.vector_store %arg11[%parallel_loop3A_203], %parallel_loop3A_200 {add = true, strides = array<i32>} : memref<16384xf32, #tpu.memory_space<vmem>>, vector<16xf32>,
        %parallel_loop3A_205 = arith.constant 48 : i32
        %parallel_loop3A_206 = arith.addi %parallel_loop3A_95, %parallel_loop3A_205 : i32
        %parallel_loop3A_207 = arith.index_cast %parallel_loop3A_206 : i32 to index
        %parallel_loop3A_208 = tpu.vector_load %arg8[%parallel_loop3A_207] {strides = array<i32>} : memref<16384xf32, #tpu.memory_space<vmem>>, vector<16xf32>,
        %parallel_loop3A_209 = arith.constant 128 : i32
        %parallel_loop3A_210 = arith.addi %parallel_loop3A_206, %parallel_loop3A_209 : i32
        %parallel_loop3A_211 = arith.index_cast %parallel_loop3A_210 : i32 to index
        %parallel_loop3A_212 = tpu.vector_load %arg8[%parallel_loop3A_211] {strides = array<i32>} : memref<16384xf32, #tpu.memory_space<vmem>>, vector<16xf32>,
        %parallel_loop3A_213 = arith.index_cast %parallel_loop3A_206 : i32 to index
        %parallel_loop3A_214 = tpu.vector_load %arg10[%parallel_loop3A_213] {strides = array<i32>} : memref<16384xf32, #tpu.memory_space<vmem>>, vector<16xf32>,
        %parallel_loop3A_215 = arith.constant 128 : i32
        %parallel_loop3A_216 = arith.addi %parallel_loop3A_206, %parallel_loop3A_215 : i32
        %parallel_loop3A_217 = arith.index_cast %parallel_loop3A_216 : i32 to index
        %parallel_loop3A_218 = tpu.vector_load %arg10[%parallel_loop3A_217] {strides = array<i32>} : memref<16384xf32, #tpu.memory_space<vmem>>, vector<16xf32>,
        %parallel_loop3A_219 = arith.constant 0.000000e+00 : f32
        %parallel_loop3A_220 = vector.broadcast %parallel_loop3A_219 : f32 to vector<16xf32>
        %parallel_loop3A_221 = arith.cmpf ogt, %parallel_loop3A_208, %parallel_loop3A_220 : vector<16xf32>
        %parallel_loop3A_222 = arith.constant 2.220000e+02 : f32
        %parallel_loop3A_223 = vector.broadcast %parallel_loop3A_222 : f32 to vector<16xf32>
        %parallel_loop3A_224 = arith.cmpf ole, %parallel_loop3A_208, %parallel_loop3A_223 : vector<16xf32>
        %parallel_loop3A_225 = arith.andi %parallel_loop3A_221, %parallel_loop3A_224 : vector<16xi1>
        %parallel_loop3A_226 = arith.constant 0.000000e+00 : f32
        %parallel_loop3A_227 = vector.broadcast %parallel_loop3A_226 : f32 to vector<16xf32>
        %parallel_loop3A_228 = arith.select %parallel_loop3A_225, %parallel_loop3A_208, %parallel_loop3A_227 : vector<16xi1>, vector<16xf32>
        %parallel_loop3A_229 = arith.fptosi %parallel_loop3A_228 : vector<16xf32> to vector<16xi32>
        %parallel_loop3A_230 = arith.fptosi %parallel_loop3A_214 : vector<16xf32> to vector<16xi32>
        %parallel_loop3A_231 = tpu.vector_load_idx %arg6[%parallel_loop3A_230] : memref<224xf32, #tpu.memory_space<vmem>>[vector<16xi32>], vector<16xf32>,
        %parallel_loop3A_232 = arith.mulf %parallel_loop3A_231, %parallel_loop3A_218 : vector<16xf32>
        %parallel_loop3A_233 = tpu.vector_load_idx %arg6[%parallel_loop3A_229] : memref<224xf32, #tpu.memory_space<vmem>>[vector<16xi32>], vector<16xf32>,
        %parallel_loop3A_234 = arith.mulf %parallel_loop3A_233, %parallel_loop3A_212 : vector<16xf32>
        %parallel_loop3A_235 = arith.subf %parallel_loop3A_232, %parallel_loop3A_234 : vector<16xf32>
        %parallel_loop3A_236 = arith.constant 48 : i32
        %parallel_loop3A_237 = arith.addi %parallel_loop3A_99, %parallel_loop3A_236 : i32
        %parallel_loop3A_238 = arith.index_cast %parallel_loop3A_237 : i32 to index
        %parallel_loop3A_239 = tpu.vector_load %arg11[%parallel_loop3A_238] {strides = array<i32>} : memref<16384xf32, #tpu.memory_space<vmem>>, vector<16xf32>,
        tpu.vector_store %arg11[%parallel_loop3A_238], %parallel_loop3A_235 {add = true, strides = array<i32>} : memref<16384xf32, #tpu.memory_space<vmem>>, vector<16xf32>,
        %parallel_loop3A_240 = arith.constant 64 : i32
        %parallel_loop3A_241 = arith.addi %parallel_loop3A_95, %parallel_loop3A_240 : i32
        %parallel_loop3A_242 = arith.index_cast %parallel_loop3A_241 : i32 to index
        %parallel_loop3A_243 = tpu.vector_load %arg8[%parallel_loop3A_242] {strides = array<i32>} : memref<16384xf32, #tpu.memory_space<vmem>>, vector<16xf32>,
        %parallel_loop3A_244 = arith.constant 128 : i32
        %parallel_loop3A_245 = arith.addi %parallel_loop3A_241, %parallel_loop3A_244 : i32
        %parallel_loop3A_246 = arith.index_cast %parallel_loop3A_245 : i32 to index
        %parallel_loop3A_247 = tpu.vector_load %arg8[%parallel_loop3A_246] {strides = array<i32>} : memref<16384xf32, #tpu.memory_space<vmem>>, vector<16xf32>,
        %parallel_loop3A_248 = arith.index_cast %parallel_loop3A_241 : i32 to index
        %parallel_loop3A_249 = tpu.vector_load %arg10[%parallel_loop3A_248] {strides = array<i32>} : memref<16384xf32, #tpu.memory_space<vmem>>, vector<16xf32>,
        %parallel_loop3A_250 = arith.constant 128 : i32
        %parallel_loop3A_251 = arith.addi %parallel_loop3A_241, %parallel_loop3A_250 : i32
        %parallel_loop3A_252 = arith.index_cast %parallel_loop3A_251 : i32 to index
        %parallel_loop3A_253 = tpu.vector_load %arg10[%parallel_loop3A_252] {strides = array<i32>} : memref<16384xf32, #tpu.memory_space<vmem>>, vector<16xf32>,
        %parallel_loop3A_254 = arith.constant 0.000000e+00 : f32
        %parallel_loop3A_255 = vector.broadcast %parallel_loop3A_254 : f32 to vector<16xf32>
        %parallel_loop3A_256 = arith.cmpf ogt, %parallel_loop3A_243, %parallel_loop3A_255 : vector<16xf32>
        %parallel_loop3A_257 = arith.constant 2.220000e+02 : f32
        %parallel_loop3A_258 = vector.broadcast %parallel_loop3A_257 : f32 to vector<16xf32>
        %parallel_loop3A_259 = arith.cmpf ole, %parallel_loop3A_243, %parallel_loop3A_258 : vector<16xf32>
        %parallel_loop3A_260 = arith.andi %parallel_loop3A_256, %parallel_loop3A_259 : vector<16xi1>
        %parallel_loop3A_261 = arith.constant 0.000000e+00 : f32
        %parallel_loop3A_262 = vector.broadcast %parallel_loop3A_261 : f32 to vector<16xf32>
        %parallel_loop3A_263 = arith.select %parallel_loop3A_260, %parallel_loop3A_243, %parallel_loop3A_262 : vector<16xi1>, vector<16xf32>
        %parallel_loop3A_264 = arith.fptosi %parallel_loop3A_263 : vector<16xf32> to vector<16xi32>
        %parallel_loop3A_265 = arith.fptosi %parallel_loop3A_249 : vector<16xf32> to vector<16xi32>
        %parallel_loop3A_266 = tpu.vector_load_idx %arg6[%parallel_loop3A_265] : memref<224xf32, #tpu.memory_space<vmem>>[vector<16xi32>], vector<16xf32>,
        %parallel_loop3A_267 = arith.mulf %parallel_loop3A_266, %parallel_loop3A_253 : vector<16xf32>
        %parallel_loop3A_268 = tpu.vector_load_idx %arg6[%parallel_loop3A_264] : memref<224xf32, #tpu.memory_space<vmem>>[vector<16xi32>], vector<16xf32>,
        %parallel_loop3A_269 = arith.mulf %parallel_loop3A_268, %parallel_loop3A_247 : vector<16xf32>
        %parallel_loop3A_270 = arith.subf %parallel_loop3A_267, %parallel_loop3A_269 : vector<16xf32>
        %parallel_loop3A_271 = arith.constant 64 : i32
        %parallel_loop3A_272 = arith.addi %parallel_loop3A_99, %parallel_loop3A_271 : i32
        %parallel_loop3A_273 = arith.index_cast %parallel_loop3A_272 : i32 to index
        %parallel_loop3A_274 = tpu.vector_load %arg11[%parallel_loop3A_273] {strides = array<i32>} : memref<16384xf32, #tpu.memory_space<vmem>>, vector<16xf32>,
        tpu.vector_store %arg11[%parallel_loop3A_273], %parallel_loop3A_270 {add = true, strides = array<i32>} : memref<16384xf32, #tpu.memory_space<vmem>>, vector<16xf32>,
        %parallel_loop3A_275 = arith.constant 80 : i32
        %parallel_loop3A_276 = arith.addi %parallel_loop3A_95, %parallel_loop3A_275 : i32
        %parallel_loop3A_277 = arith.index_cast %parallel_loop3A_276 : i32 to index
        %parallel_loop3A_278 = tpu.vector_load %arg8[%parallel_loop3A_277] {strides = array<i32>} : memref<16384xf32, #tpu.memory_space<vmem>>, vector<16xf32>,
        %parallel_loop3A_279 = arith.constant 128 : i32
        %parallel_loop3A_280 = arith.addi %parallel_loop3A_276, %parallel_loop3A_279 : i32
        %parallel_loop3A_281 = arith.index_cast %parallel_loop3A_280 : i32 to index
        %parallel_loop3A_282 = tpu.vector_load %arg8[%parallel_loop3A_281] {strides = array<i32>} : memref<16384xf32, #tpu.memory_space<vmem>>, vector<16xf32>,
        %parallel_loop3A_283 = arith.index_cast %parallel_loop3A_276 : i32 to index
        %parallel_loop3A_284 = tpu.vector_load %arg10[%parallel_loop3A_283] {strides = array<i32>} : memref<16384xf32, #tpu.memory_space<vmem>>, vector<16xf32>,
        %parallel_loop3A_285 = arith.constant 128 : i32
        %parallel_loop3A_286 = arith.addi %parallel_loop3A_276, %parallel_loop3A_285 : i32
        %parallel_loop3A_287 = arith.index_cast %parallel_loop3A_286 : i32 to index
        %parallel_loop3A_288 = tpu.vector_load %arg10[%parallel_loop3A_287] {strides = array<i32>} : memref<16384xf32, #tpu.memory_space<vmem>>, vector<16xf32>,
        %parallel_loop3A_289 = arith.constant 0.000000e+00 : f32
        %parallel_loop3A_290 = vector.broadcast %parallel_loop3A_289 : f32 to vector<16xf32>
        %parallel_loop3A_291 = arith.cmpf ogt, %parallel_loop3A_278, %parallel_loop3A_290 : vector<16xf32>
        %parallel_loop3A_292 = arith.constant 2.220000e+02 : f32
        %parallel_loop3A_293 = vector.broadcast %parallel_loop3A_292 : f32 to vector<16xf32>
        %parallel_loop3A_294 = arith.cmpf ole, %parallel_loop3A_278, %parallel_loop3A_293 : vector<16xf32>
        %parallel_loop3A_295 = arith.andi %parallel_loop3A_291, %parallel_loop3A_294 : vector<16xi1>
        %parallel_loop3A_296 = arith.constant 0.000000e+00 : f32
        %parallel_loop3A_297 = vector.broadcast %parallel_loop3A_296 : f32 to vector<16xf32>
        %parallel_loop3A_298 = arith.select %parallel_loop3A_295, %parallel_loop3A_278, %parallel_loop3A_297 : vector<16xi1>, vector<16xf32>
        %parallel_loop3A_299 = arith.fptosi %parallel_loop3A_298 : vector<16xf32> to vector<16xi32>
        %parallel_loop3A_300 = arith.fptosi %parallel_loop3A_284 : vector<16xf32> to vector<16xi32>
        %parallel_loop3A_301 = tpu.vector_load_idx %arg6[%parallel_loop3A_300] : memref<224xf32, #tpu.memory_space<vmem>>[vector<16xi32>], vector<16xf32>,
        %parallel_loop3A_302 = arith.mulf %parallel_loop3A_301, %parallel_loop3A_288 : vector<16xf32>
        %parallel_loop3A_303 = tpu.vector_load_idx %arg6[%parallel_loop3A_299] : memref<224xf32, #tpu.memory_space<vmem>>[vector<16xi32>], vector<16xf32>,
        %parallel_loop3A_304 = arith.mulf %parallel_loop3A_303, %parallel_loop3A_282 : vector<16xf32>
        %parallel_loop3A_305 = arith.subf %parallel_loop3A_302, %parallel_loop3A_304 : vector<16xf32>
        %parallel_loop3A_306 = arith.constant 80 : i32
        %parallel_loop3A_307 = arith.addi %parallel_loop3A_99, %parallel_loop3A_306 : i32
        %parallel_loop3A_308 = arith.index_cast %parallel_loop3A_307 : i32 to index
        %parallel_loop3A_309 = tpu.vector_load %arg11[%parallel_loop3A_308] {strides = array<i32>} : memref<16384xf32, #tpu.memory_space<vmem>>, vector<16xf32>,
        tpu.vector_store %arg11[%parallel_loop3A_308], %parallel_loop3A_305 {add = true, strides = array<i32>} : memref<16384xf32, #tpu.memory_space<vmem>>, vector<16xf32>,
        %parallel_loop3A_310 = arith.constant 96 : i32
        %parallel_loop3A_311 = arith.addi %parallel_loop3A_95, %parallel_loop3A_310 : i32
        %parallel_loop3A_312 = arith.index_cast %parallel_loop3A_311 : i32 to index
        %parallel_loop3A_313 = tpu.vector_load %arg8[%parallel_loop3A_312] {strides = array<i32>} : memref<16384xf32, #tpu.memory_space<vmem>>, vector<16xf32>,
        %parallel_loop3A_314 = arith.constant 128 : i32
        %parallel_loop3A_315 = arith.addi %parallel_loop3A_311, %parallel_loop3A_314 : i32
        %parallel_loop3A_316 = arith.index_cast %parallel_loop3A_315 : i32 to index
        %parallel_loop3A_317 = tpu.vector_load %arg8[%parallel_loop3A_316] {strides = array<i32>} : memref<16384xf32, #tpu.memory_space<vmem>>, vector<16xf32>,
        %parallel_loop3A_318 = arith.index_cast %parallel_loop3A_311 : i32 to index
        %parallel_loop3A_319 = tpu.vector_load %arg10[%parallel_loop3A_318] {strides = array<i32>} : memref<16384xf32, #tpu.memory_space<vmem>>, vector<16xf32>,
        %parallel_loop3A_320 = arith.constant 128 : i32
        %parallel_loop3A_321 = arith.addi %parallel_loop3A_311, %parallel_loop3A_320 : i32
        %parallel_loop3A_322 = arith.index_cast %parallel_loop3A_321 : i32 to index
        %parallel_loop3A_323 = tpu.vector_load %arg10[%parallel_loop3A_322] {strides = array<i32>} : memref<16384xf32, #tpu.memory_space<vmem>>, vector<16xf32>,
        %parallel_loop3A_324 = arith.constant 0.000000e+00 : f32
        %parallel_loop3A_325 = vector.broadcast %parallel_loop3A_324 : f32 to vector<16xf32>
        %parallel_loop3A_326 = arith.cmpf ogt, %parallel_loop3A_313, %parallel_loop3A_325 : vector<16xf32>
        %parallel_loop3A_327 = arith.constant 2.220000e+02 : f32
        %parallel_loop3A_328 = vector.broadcast %parallel_loop3A_327 : f32 to vector<16xf32>
        %parallel_loop3A_329 = arith.cmpf ole, %parallel_loop3A_313, %parallel_loop3A_328 : vector<16xf32>
        %parallel_loop3A_330 = arith.andi %parallel_loop3A_326, %parallel_loop3A_329 : vector<16xi1>
        %parallel_loop3A_331 = arith.constant 0.000000e+00 : f32
        %parallel_loop3A_332 = vector.broadcast %parallel_loop3A_331 : f32 to vector<16xf32>
        %parallel_loop3A_333 = arith.select %parallel_loop3A_330, %parallel_loop3A_313, %parallel_loop3A_332 : vector<16xi1>, vector<16xf32>
        %parallel_loop3A_334 = arith.fptosi %parallel_loop3A_333 : vector<16xf32> to vector<16xi32>
        %parallel_loop3A_335 = arith.fptosi %parallel_loop3A_319 : vector<16xf32> to vector<16xi32>
        %parallel_loop3A_336 = tpu.vector_load_idx %arg6[%parallel_loop3A_335] : memref<224xf32, #tpu.memory_space<vmem>>[vector<16xi32>], vector<16xf32>,
        %parallel_loop3A_337 = arith.mulf %parallel_loop3A_336, %parallel_loop3A_323 : vector<16xf32>
        %parallel_loop3A_338 = tpu.vector_load_idx %arg6[%parallel_loop3A_334] : memref<224xf32, #tpu.memory_space<vmem>>[vector<16xi32>], vector<16xf32>,
        %parallel_loop3A_339 = arith.mulf %parallel_loop3A_338, %parallel_loop3A_317 : vector<16xf32>
        %parallel_loop3A_340 = arith.subf %parallel_loop3A_337, %parallel_loop3A_339 : vector<16xf32>
        %parallel_loop3A_341 = arith.constant 96 : i32
        %parallel_loop3A_342 = arith.addi %parallel_loop3A_99, %parallel_loop3A_341 : i32
        %parallel_loop3A_343 = arith.index_cast %parallel_loop3A_342 : i32 to index
        %parallel_loop3A_344 = tpu.vector_load %arg11[%parallel_loop3A_343] {strides = array<i32>} : memref<16384xf32, #tpu.memory_space<vmem>>, vector<16xf32>,
        tpu.vector_store %arg11[%parallel_loop3A_343], %parallel_loop3A_340 {add = true, strides = array<i32>} : memref<16384xf32, #tpu.memory_space<vmem>>, vector<16xf32>,
        %parallel_loop3A_345 = arith.constant 112 : i32
        %parallel_loop3A_346 = arith.addi %parallel_loop3A_95, %parallel_loop3A_345 : i32
        %parallel_loop3A_347 = arith.index_cast %parallel_loop3A_346 : i32 to index
        %parallel_loop3A_348 = tpu.vector_load %arg8[%parallel_loop3A_347] {strides = array<i32>} : memref<16384xf32, #tpu.memory_space<vmem>>, vector<16xf32>,
        %parallel_loop3A_349 = arith.constant 128 : i32
        %parallel_loop3A_350 = arith.addi %parallel_loop3A_346, %parallel_loop3A_349 : i32
        %parallel_loop3A_351 = arith.index_cast %parallel_loop3A_350 : i32 to index
        %parallel_loop3A_352 = tpu.vector_load %arg8[%parallel_loop3A_351] {strides = array<i32>} : memref<16384xf32, #tpu.memory_space<vmem>>, vector<16xf32>,
        %parallel_loop3A_353 = arith.index_cast %parallel_loop3A_346 : i32 to index
        %parallel_loop3A_354 = tpu.vector_load %arg10[%parallel_loop3A_353] {strides = array<i32>} : memref<16384xf32, #tpu.memory_space<vmem>>, vector<16xf32>,
        %parallel_loop3A_355 = arith.constant 128 : i32
        %parallel_loop3A_356 = arith.addi %parallel_loop3A_346, %parallel_loop3A_355 : i32
        %parallel_loop3A_357 = arith.index_cast %parallel_loop3A_356 : i32 to index
        %parallel_loop3A_358 = tpu.vector_load %arg10[%parallel_loop3A_357] {strides = array<i32>} : memref<16384xf32, #tpu.memory_space<vmem>>, vector<16xf32>,
        %parallel_loop3A_359 = arith.constant 0.000000e+00 : f32
        %parallel_loop3A_360 = vector.broadcast %parallel_loop3A_359 : f32 to vector<16xf32>
        %parallel_loop3A_361 = arith.cmpf ogt, %parallel_loop3A_348, %parallel_loop3A_360 : vector<16xf32>
        %parallel_loop3A_362 = arith.constant 2.220000e+02 : f32
        %parallel_loop3A_363 = vector.broadcast %parallel_loop3A_362 : f32 to vector<16xf32>
        %parallel_loop3A_364 = arith.cmpf ole, %parallel_loop3A_348, %parallel_loop3A_363 : vector<16xf32>
        %parallel_loop3A_365 = arith.andi %parallel_loop3A_361, %parallel_loop3A_364 : vector<16xi1>
        %parallel_loop3A_366 = arith.constant 0.000000e+00 : f32
        %parallel_loop3A_367 = vector.broadcast %parallel_loop3A_366 : f32 to vector<16xf32>
        %parallel_loop3A_368 = arith.select %parallel_loop3A_365, %parallel_loop3A_348, %parallel_loop3A_367 : vector<16xi1>, vector<16xf32>
        %parallel_loop3A_369 = arith.fptosi %parallel_loop3A_368 : vector<16xf32> to vector<16xi32>
        %parallel_loop3A_370 = arith.fptosi %parallel_loop3A_354 : vector<16xf32> to vector<16xi32>
        %parallel_loop3A_371 = tpu.vector_load_idx %arg6[%parallel_loop3A_370] : memref<224xf32, #tpu.memory_space<vmem>>[vector<16xi32>], vector<16xf32>,
        %parallel_loop3A_372 = arith.mulf %parallel_loop3A_371, %parallel_loop3A_358 : vector<16xf32>
        %parallel_loop3A_373 = tpu.vector_load_idx %arg6[%parallel_loop3A_369] : memref<224xf32, #tpu.memory_space<vmem>>[vector<16xi32>], vector<16xf32>,
        %parallel_loop3A_374 = arith.mulf %parallel_loop3A_373, %parallel_loop3A_352 : vector<16xf32>
        %parallel_loop3A_375 = arith.subf %parallel_loop3A_372, %parallel_loop3A_374 : vector<16xf32>
        %parallel_loop3A_376 = arith.constant 112 : i32
        %parallel_loop3A_377 = arith.addi %parallel_loop3A_99, %parallel_loop3A_376 : i32
        %parallel_loop3A_378 = arith.index_cast %parallel_loop3A_377 : i32 to index
        %parallel_loop3A_379 = tpu.vector_load %arg11[%parallel_loop3A_378] {strides = array<i32>} : memref<16384xf32, #tpu.memory_space<vmem>>, vector<16xf32>,
        tpu.vector_store %arg11[%parallel_loop3A_378], %parallel_loop3A_375 {add = true, strides = array<i32>} : memref<16384xf32, #tpu.memory_space<vmem>>, vector<16xf32>,
      } {sc.loop_unroll_factor = 2 : i64, sc.parallel_access}
      %convert_element_type3A_90 = arith.extui %lt3A_64 : i1 to i32
      %cond3A_91 = arith.constant 0 : i32
      %cond3A_92 = arith.cmpi ne, %convert_element_type3A_90, %cond3A_91 : i32
      scf.if %cond3A_92 {
        %add3A_93 = arith.constant 3 : i32
        %add3A_94 = arith.addi %mul3A_61, %add3A_93 : i32
        %mul3A_95 = arith.constant 16384 : i32
        %mul3A_96 = arith.muli %add3A_94, %mul3A_95 : i32
        %add3A_97 = arith.addi %mul3A_13, %mul3A_96 : i32
        %dma_start3A_98 = tpu.memref_slice %arg2[%add3A_97] : memref<6881280xf32, #tpu.memory_space<hbm>> -> memref<16384xf32, #tpu.memory_space<hbm>>
        %dma_start3A_99 = tpu.memref_slice %arg2[%add3A_97] : memref<6881280xf32, #tpu.memory_space<hbm>> -> memref<16384xf32, #tpu.memory_space<hbm>>
        tpu.enqueue_dma source(%dma_start3A_99 : memref<16384xf32, #tpu.memory_space<hbm>>) target(%arg8 : memref<16384xf32, #tpu.memory_space<vmem>>) target_semaphore(%arg13 : memref<!tpu.dma_semaphore, #tpu.memory_space<semaphore_mem>>)
        %dma_start3A_100 = tpu.memref_slice %arg3[%add3A_97] : memref<6881280xf32, #tpu.memory_space<hbm>> -> memref<16384xf32, #tpu.memory_space<hbm>>
        %dma_start3A_101 = tpu.memref_slice %arg3[%add3A_97] : memref<6881280xf32, #tpu.memory_space<hbm>> -> memref<16384xf32, #tpu.memory_space<hbm>>
        tpu.enqueue_dma source(%dma_start3A_101 : memref<16384xf32, #tpu.memory_space<hbm>>) target(%arg10 : memref<16384xf32, #tpu.memory_space<vmem>>) target_semaphore(%arg15 : memref<!tpu.dma_semaphore, #tpu.memory_space<semaphore_mem>>)
      } else {
      }
    }
    %while3A_58 = arith.constant 1 : i32
    scf.for %while3A_59 = %while3A_56 to %while3A_52 step %while3A_58  : i32 {
      %mul3A_60 = arith.constant 2 : i32
      %mul3A_61 = arith.muli %mul3A_60, %while3A_59 : i32
      %add3A_62 = arith.constant 1 : i32
      %add3A_63 = arith.addi %while3A_59, %add3A_62 : i32
      %lt3A_64 = arith.cmpi slt, %add3A_63, %select_n3A_11 : i32
      %dma_wait3A_65 = arith.constant 0 : i32
      %dma_wait3A_66 = tpu.memref_slice %arg2[%dma_wait3A_65] : memref<6881280xf32, #tpu.memory_space<hbm>> -> memref<16384xf32, #tpu.memory_space<hbm>>
      %dma_wait3A_67 = arith.constant 0 : i32
      %dma_wait3A_68 = tpu.memref_slice %arg2[%dma_wait3A_67] : memref<6881280xf32, #tpu.memory_space<hbm>> -> memref<16384xf32, #tpu.memory_space<hbm>>
      tpu.wait_dma2 semaphore(%arg12 : memref<!tpu.dma_semaphore, #tpu.memory_space<semaphore_mem>>) src(%dma_wait3A_68 : memref<16384xf32, #tpu.memory_space<hbm>>) dst(%arg7 : memref<16384xf32, #tpu.memory_space<vmem>>)
      %dma_wait3A_69 = arith.constant 0 : i32
      %dma_wait3A_70 = tpu.memref_slice %arg3[%dma_wait3A_69] : memref<6881280xf32, #tpu.memory_space<hbm>> -> memref<16384xf32, #tpu.memory_space<hbm>>
      %dma_wait3A_71 = arith.constant 0 : i32
      %dma_wait3A_72 = tpu.memref_slice %arg3[%dma_wait3A_71] : memref<6881280xf32, #tpu.memory_space<hbm>> -> memref<16384xf32, #tpu.memory_space<hbm>>
      tpu.wait_dma2 semaphore(%arg14 : memref<!tpu.dma_semaphore, #tpu.memory_space<semaphore_mem>>) src(%dma_wait3A_72 : memref<16384xf32, #tpu.memory_space<hbm>>) dst(%arg9 : memref<16384xf32, #tpu.memory_space<vmem>>)
      %parallel_loop3A_73 = arith.constant 0 : i32
      %parallel_loop3A_74 = arith.constant 64 : i32
      %parallel_loop3A_75 = arith.constant 1 : i32
      scf.for %parallel_loop3A_93 = %parallel_loop3A_73 to %parallel_loop3A_74 step %parallel_loop3A_75  : i32 {
        %parallel_loop3A_94 = arith.constant 256 : i32
        %parallel_loop3A_95 = arith.muli %parallel_loop3A_93, %parallel_loop3A_94 : i32
        %parallel_loop3A_96 = arith.constant 128 : i32
        %parallel_loop3A_97 = arith.muli %parallel_loop3A_93, %parallel_loop3A_96 : i32
        %parallel_loop3A_98 = arith.constant 0 : i32
        %parallel_loop3A_99 = arith.addi %parallel_loop3A_98, %parallel_loop3A_97 : i32
        %parallel_loop3A_100 = arith.constant 0 : i32
        %parallel_loop3A_101 = arith.addi %parallel_loop3A_95, %parallel_loop3A_100 : i32
        %parallel_loop3A_102 = arith.index_cast %parallel_loop3A_101 : i32 to index
        %parallel_loop3A_103 = tpu.vector_load %arg7[%parallel_loop3A_102] {strides = array<i32>} : memref<16384xf32, #tpu.memory_space<vmem>>, vector<16xf32>,
        %parallel_loop3A_104 = arith.constant 128 : i32
        %parallel_loop3A_105 = arith.addi %parallel_loop3A_101, %parallel_loop3A_104 : i32
        %parallel_loop3A_106 = arith.index_cast %parallel_loop3A_105 : i32 to index
        %parallel_loop3A_107 = tpu.vector_load %arg7[%parallel_loop3A_106] {strides = array<i32>} : memref<16384xf32, #tpu.memory_space<vmem>>, vector<16xf32>,
        %parallel_loop3A_108 = arith.index_cast %parallel_loop3A_101 : i32 to index
        %parallel_loop3A_109 = tpu.vector_load %arg9[%parallel_loop3A_108] {strides = array<i32>} : memref<16384xf32, #tpu.memory_space<vmem>>, vector<16xf32>,
        %parallel_loop3A_110 = arith.constant 128 : i32
        %parallel_loop3A_111 = arith.addi %parallel_loop3A_101, %parallel_loop3A_110 : i32
        %parallel_loop3A_112 = arith.index_cast %parallel_loop3A_111 : i32 to index
        %parallel_loop3A_113 = tpu.vector_load %arg9[%parallel_loop3A_112] {strides = array<i32>} : memref<16384xf32, #tpu.memory_space<vmem>>, vector<16xf32>,
        %parallel_loop3A_114 = arith.constant 0.000000e+00 : f32
        %parallel_loop3A_115 = vector.broadcast %parallel_loop3A_114 : f32 to vector<16xf32>
        %parallel_loop3A_116 = arith.cmpf ogt, %parallel_loop3A_103, %parallel_loop3A_115 : vector<16xf32>
        %parallel_loop3A_117 = arith.constant 2.220000e+02 : f32
        %parallel_loop3A_118 = vector.broadcast %parallel_loop3A_117 : f32 to vector<16xf32>
        %parallel_loop3A_119 = arith.cmpf ole, %parallel_loop3A_103, %parallel_loop3A_118 : vector<16xf32>
        %parallel_loop3A_120 = arith.andi %parallel_loop3A_116, %parallel_loop3A_119 : vector<16xi1>
        %parallel_loop3A_121 = arith.constant 0.000000e+00 : f32
        %parallel_loop3A_122 = vector.broadcast %parallel_loop3A_121 : f32 to vector<16xf32>
        %parallel_loop3A_123 = arith.select %parallel_loop3A_120, %parallel_loop3A_103, %parallel_loop3A_122 : vector<16xi1>, vector<16xf32>
        %parallel_loop3A_124 = arith.fptosi %parallel_loop3A_123 : vector<16xf32> to vector<16xi32>
        %parallel_loop3A_125 = arith.fptosi %parallel_loop3A_109 : vector<16xf32> to vector<16xi32>
        %parallel_loop3A_126 = tpu.vector_load_idx %arg6[%parallel_loop3A_125] : memref<224xf32, #tpu.memory_space<vmem>>[vector<16xi32>], vector<16xf32>,
        %parallel_loop3A_127 = arith.mulf %parallel_loop3A_126, %parallel_loop3A_113 : vector<16xf32>
        %parallel_loop3A_128 = tpu.vector_load_idx %arg6[%parallel_loop3A_124] : memref<224xf32, #tpu.memory_space<vmem>>[vector<16xi32>], vector<16xf32>,
        %parallel_loop3A_129 = arith.mulf %parallel_loop3A_128, %parallel_loop3A_107 : vector<16xf32>
        %parallel_loop3A_130 = arith.subf %parallel_loop3A_127, %parallel_loop3A_129 : vector<16xf32>
        %parallel_loop3A_131 = arith.constant 0 : i32
        %parallel_loop3A_132 = arith.addi %parallel_loop3A_99, %parallel_loop3A_131 : i32
        %parallel_loop3A_133 = arith.index_cast %parallel_loop3A_132 : i32 to index
        %parallel_loop3A_134 = tpu.vector_load %arg11[%parallel_loop3A_133] {strides = array<i32>} : memref<16384xf32, #tpu.memory_space<vmem>>, vector<16xf32>,
        tpu.vector_store %arg11[%parallel_loop3A_133], %parallel_loop3A_130 {add = true, strides = array<i32>} : memref<16384xf32, #tpu.memory_space<vmem>>, vector<16xf32>,
        %parallel_loop3A_135 = arith.constant 16 : i32
        %parallel_loop3A_136 = arith.addi %parallel_loop3A_95, %parallel_loop3A_135 : i32
        %parallel_loop3A_137 = arith.index_cast %parallel_loop3A_136 : i32 to index
        %parallel_loop3A_138 = tpu.vector_load %arg7[%parallel_loop3A_137] {strides = array<i32>} : memref<16384xf32, #tpu.memory_space<vmem>>, vector<16xf32>,
        %parallel_loop3A_139 = arith.constant 128 : i32
        %parallel_loop3A_140 = arith.addi %parallel_loop3A_136, %parallel_loop3A_139 : i32
        %parallel_loop3A_141 = arith.index_cast %parallel_loop3A_140 : i32 to index
        %parallel_loop3A_142 = tpu.vector_load %arg7[%parallel_loop3A_141] {strides = array<i32>} : memref<16384xf32, #tpu.memory_space<vmem>>, vector<16xf32>,
        %parallel_loop3A_143 = arith.index_cast %parallel_loop3A_136 : i32 to index
        %parallel_loop3A_144 = tpu.vector_load %arg9[%parallel_loop3A_143] {strides = array<i32>} : memref<16384xf32, #tpu.memory_space<vmem>>, vector<16xf32>,
        %parallel_loop3A_145 = arith.constant 128 : i32
        %parallel_loop3A_146 = arith.addi %parallel_loop3A_136, %parallel_loop3A_145 : i32
        %parallel_loop3A_147 = arith.index_cast %parallel_loop3A_146 : i32 to index
        %parallel_loop3A_148 = tpu.vector_load %arg9[%parallel_loop3A_147] {strides = array<i32>} : memref<16384xf32, #tpu.memory_space<vmem>>, vector<16xf32>,
        %parallel_loop3A_149 = arith.constant 0.000000e+00 : f32
        %parallel_loop3A_150 = vector.broadcast %parallel_loop3A_149 : f32 to vector<16xf32>
        %parallel_loop3A_151 = arith.cmpf ogt, %parallel_loop3A_138, %parallel_loop3A_150 : vector<16xf32>
        %parallel_loop3A_152 = arith.constant 2.220000e+02 : f32
        %parallel_loop3A_153 = vector.broadcast %parallel_loop3A_152 : f32 to vector<16xf32>
        %parallel_loop3A_154 = arith.cmpf ole, %parallel_loop3A_138, %parallel_loop3A_153 : vector<16xf32>
        %parallel_loop3A_155 = arith.andi %parallel_loop3A_151, %parallel_loop3A_154 : vector<16xi1>
        %parallel_loop3A_156 = arith.constant 0.000000e+00 : f32
        %parallel_loop3A_157 = vector.broadcast %parallel_loop3A_156 : f32 to vector<16xf32>
        %parallel_loop3A_158 = arith.select %parallel_loop3A_155, %parallel_loop3A_138, %parallel_loop3A_157 : vector<16xi1>, vector<16xf32>
        %parallel_loop3A_159 = arith.fptosi %parallel_loop3A_158 : vector<16xf32> to vector<16xi32>
        %parallel_loop3A_160 = arith.fptosi %parallel_loop3A_144 : vector<16xf32> to vector<16xi32>
        %parallel_loop3A_161 = tpu.vector_load_idx %arg6[%parallel_loop3A_160] : memref<224xf32, #tpu.memory_space<vmem>>[vector<16xi32>], vector<16xf32>,
        %parallel_loop3A_162 = arith.mulf %parallel_loop3A_161, %parallel_loop3A_148 : vector<16xf32>
        %parallel_loop3A_163 = tpu.vector_load_idx %arg6[%parallel_loop3A_159] : memref<224xf32, #tpu.memory_space<vmem>>[vector<16xi32>], vector<16xf32>,
        %parallel_loop3A_164 = arith.mulf %parallel_loop3A_163, %parallel_loop3A_142 : vector<16xf32>
        %parallel_loop3A_165 = arith.subf %parallel_loop3A_162, %parallel_loop3A_164 : vector<16xf32>
        %parallel_loop3A_166 = arith.constant 16 : i32
        %parallel_loop3A_167 = arith.addi %parallel_loop3A_99, %parallel_loop3A_166 : i32
        %parallel_loop3A_168 = arith.index_cast %parallel_loop3A_167 : i32 to index
        %parallel_loop3A_169 = tpu.vector_load %arg11[%parallel_loop3A_168] {strides = array<i32>} : memref<16384xf32, #tpu.memory_space<vmem>>, vector<16xf32>,
        tpu.vector_store %arg11[%parallel_loop3A_168], %parallel_loop3A_165 {add = true, strides = array<i32>} : memref<16384xf32, #tpu.memory_space<vmem>>, vector<16xf32>,
        %parallel_loop3A_170 = arith.constant 32 : i32
        %parallel_loop3A_171 = arith.addi %parallel_loop3A_95, %parallel_loop3A_170 : i32
        %parallel_loop3A_172 = arith.index_cast %parallel_loop3A_171 : i32 to index
        %parallel_loop3A_173 = tpu.vector_load %arg7[%parallel_loop3A_172] {strides = array<i32>} : memref<16384xf32, #tpu.memory_space<vmem>>, vector<16xf32>,
        %parallel_loop3A_174 = arith.constant 128 : i32
        %parallel_loop3A_175 = arith.addi %parallel_loop3A_171, %parallel_loop3A_174 : i32
        %parallel_loop3A_176 = arith.index_cast %parallel_loop3A_175 : i32 to index
        %parallel_loop3A_177 = tpu.vector_load %arg7[%parallel_loop3A_176] {strides = array<i32>} : memref<16384xf32, #tpu.memory_space<vmem>>, vector<16xf32>,
        %parallel_loop3A_178 = arith.index_cast %parallel_loop3A_171 : i32 to index
        %parallel_loop3A_179 = tpu.vector_load %arg9[%parallel_loop3A_178] {strides = array<i32>} : memref<16384xf32, #tpu.memory_space<vmem>>, vector<16xf32>,
        %parallel_loop3A_180 = arith.constant 128 : i32
        %parallel_loop3A_181 = arith.addi %parallel_loop3A_171, %parallel_loop3A_180 : i32
        %parallel_loop3A_182 = arith.index_cast %parallel_loop3A_181 : i32 to index
        %parallel_loop3A_183 = tpu.vector_load %arg9[%parallel_loop3A_182] {strides = array<i32>} : memref<16384xf32, #tpu.memory_space<vmem>>, vector<16xf32>,
        %parallel_loop3A_184 = arith.constant 0.000000e+00 : f32
        %parallel_loop3A_185 = vector.broadcast %parallel_loop3A_184 : f32 to vector<16xf32>
        %parallel_loop3A_186 = arith.cmpf ogt, %parallel_loop3A_173, %parallel_loop3A_185 : vector<16xf32>
        %parallel_loop3A_187 = arith.constant 2.220000e+02 : f32
        %parallel_loop3A_188 = vector.broadcast %parallel_loop3A_187 : f32 to vector<16xf32>
        %parallel_loop3A_189 = arith.cmpf ole, %parallel_loop3A_173, %parallel_loop3A_188 : vector<16xf32>
        %parallel_loop3A_190 = arith.andi %parallel_loop3A_186, %parallel_loop3A_189 : vector<16xi1>
        %parallel_loop3A_191 = arith.constant 0.000000e+00 : f32
        %parallel_loop3A_192 = vector.broadcast %parallel_loop3A_191 : f32 to vector<16xf32>
        %parallel_loop3A_193 = arith.select %parallel_loop3A_190, %parallel_loop3A_173, %parallel_loop3A_192 : vector<16xi1>, vector<16xf32>
        %parallel_loop3A_194 = arith.fptosi %parallel_loop3A_193 : vector<16xf32> to vector<16xi32>
        %parallel_loop3A_195 = arith.fptosi %parallel_loop3A_179 : vector<16xf32> to vector<16xi32>
        %parallel_loop3A_196 = tpu.vector_load_idx %arg6[%parallel_loop3A_195] : memref<224xf32, #tpu.memory_space<vmem>>[vector<16xi32>], vector<16xf32>,
        %parallel_loop3A_197 = arith.mulf %parallel_loop3A_196, %parallel_loop3A_183 : vector<16xf32>
        %parallel_loop3A_198 = tpu.vector_load_idx %arg6[%parallel_loop3A_194] : memref<224xf32, #tpu.memory_space<vmem>>[vector<16xi32>], vector<16xf32>,
        %parallel_loop3A_199 = arith.mulf %parallel_loop3A_198, %parallel_loop3A_177 : vector<16xf32>
        %parallel_loop3A_200 = arith.subf %parallel_loop3A_197, %parallel_loop3A_199 : vector<16xf32>
        %parallel_loop3A_201 = arith.constant 32 : i32
        %parallel_loop3A_202 = arith.addi %parallel_loop3A_99, %parallel_loop3A_201 : i32
        %parallel_loop3A_203 = arith.index_cast %parallel_loop3A_202 : i32 to index
        %parallel_loop3A_204 = tpu.vector_load %arg11[%parallel_loop3A_203] {strides = array<i32>} : memref<16384xf32, #tpu.memory_space<vmem>>, vector<16xf32>,
        tpu.vector_store %arg11[%parallel_loop3A_203], %parallel_loop3A_200 {add = true, strides = array<i32>} : memref<16384xf32, #tpu.memory_space<vmem>>, vector<16xf32>,
        %parallel_loop3A_205 = arith.constant 48 : i32
        %parallel_loop3A_206 = arith.addi %parallel_loop3A_95, %parallel_loop3A_205 : i32
        %parallel_loop3A_207 = arith.index_cast %parallel_loop3A_206 : i32 to index
        %parallel_loop3A_208 = tpu.vector_load %arg7[%parallel_loop3A_207] {strides = array<i32>} : memref<16384xf32, #tpu.memory_space<vmem>>, vector<16xf32>,
        %parallel_loop3A_209 = arith.constant 128 : i32
        %parallel_loop3A_210 = arith.addi %parallel_loop3A_206, %parallel_loop3A_209 : i32
        %parallel_loop3A_211 = arith.index_cast %parallel_loop3A_210 : i32 to index
        %parallel_loop3A_212 = tpu.vector_load %arg7[%parallel_loop3A_211] {strides = array<i32>} : memref<16384xf32, #tpu.memory_space<vmem>>, vector<16xf32>,
        %parallel_loop3A_213 = arith.index_cast %parallel_loop3A_206 : i32 to index
        %parallel_loop3A_214 = tpu.vector_load %arg9[%parallel_loop3A_213] {strides = array<i32>} : memref<16384xf32, #tpu.memory_space<vmem>>, vector<16xf32>,
        %parallel_loop3A_215 = arith.constant 128 : i32
        %parallel_loop3A_216 = arith.addi %parallel_loop3A_206, %parallel_loop3A_215 : i32
        %parallel_loop3A_217 = arith.index_cast %parallel_loop3A_216 : i32 to index
        %parallel_loop3A_218 = tpu.vector_load %arg9[%parallel_loop3A_217] {strides = array<i32>} : memref<16384xf32, #tpu.memory_space<vmem>>, vector<16xf32>,
        %parallel_loop3A_219 = arith.constant 0.000000e+00 : f32
        %parallel_loop3A_220 = vector.broadcast %parallel_loop3A_219 : f32 to vector<16xf32>
        %parallel_loop3A_221 = arith.cmpf ogt, %parallel_loop3A_208, %parallel_loop3A_220 : vector<16xf32>
        %parallel_loop3A_222 = arith.constant 2.220000e+02 : f32
        %parallel_loop3A_223 = vector.broadcast %parallel_loop3A_222 : f32 to vector<16xf32>
        %parallel_loop3A_224 = arith.cmpf ole, %parallel_loop3A_208, %parallel_loop3A_223 : vector<16xf32>
        %parallel_loop3A_225 = arith.andi %parallel_loop3A_221, %parallel_loop3A_224 : vector<16xi1>
        %parallel_loop3A_226 = arith.constant 0.000000e+00 : f32
        %parallel_loop3A_227 = vector.broadcast %parallel_loop3A_226 : f32 to vector<16xf32>
        %parallel_loop3A_228 = arith.select %parallel_loop3A_225, %parallel_loop3A_208, %parallel_loop3A_227 : vector<16xi1>, vector<16xf32>
        %parallel_loop3A_229 = arith.fptosi %parallel_loop3A_228 : vector<16xf32> to vector<16xi32>
        %parallel_loop3A_230 = arith.fptosi %parallel_loop3A_214 : vector<16xf32> to vector<16xi32>
        %parallel_loop3A_231 = tpu.vector_load_idx %arg6[%parallel_loop3A_230] : memref<224xf32, #tpu.memory_space<vmem>>[vector<16xi32>], vector<16xf32>,
        %parallel_loop3A_232 = arith.mulf %parallel_loop3A_231, %parallel_loop3A_218 : vector<16xf32>
        %parallel_loop3A_233 = tpu.vector_load_idx %arg6[%parallel_loop3A_229] : memref<224xf32, #tpu.memory_space<vmem>>[vector<16xi32>], vector<16xf32>,
        %parallel_loop3A_234 = arith.mulf %parallel_loop3A_233, %parallel_loop3A_212 : vector<16xf32>
        %parallel_loop3A_235 = arith.subf %parallel_loop3A_232, %parallel_loop3A_234 : vector<16xf32>
        %parallel_loop3A_236 = arith.constant 48 : i32
        %parallel_loop3A_237 = arith.addi %parallel_loop3A_99, %parallel_loop3A_236 : i32
        %parallel_loop3A_238 = arith.index_cast %parallel_loop3A_237 : i32 to index
        %parallel_loop3A_239 = tpu.vector_load %arg11[%parallel_loop3A_238] {strides = array<i32>} : memref<16384xf32, #tpu.memory_space<vmem>>, vector<16xf32>,
        tpu.vector_store %arg11[%parallel_loop3A_238], %parallel_loop3A_235 {add = true, strides = array<i32>} : memref<16384xf32, #tpu.memory_space<vmem>>, vector<16xf32>,
        %parallel_loop3A_240 = arith.constant 64 : i32
        %parallel_loop3A_241 = arith.addi %parallel_loop3A_95, %parallel_loop3A_240 : i32
        %parallel_loop3A_242 = arith.index_cast %parallel_loop3A_241 : i32 to index
        %parallel_loop3A_243 = tpu.vector_load %arg7[%parallel_loop3A_242] {strides = array<i32>} : memref<16384xf32, #tpu.memory_space<vmem>>, vector<16xf32>,
        %parallel_loop3A_244 = arith.constant 128 : i32
        %parallel_loop3A_245 = arith.addi %parallel_loop3A_241, %parallel_loop3A_244 : i32
        %parallel_loop3A_246 = arith.index_cast %parallel_loop3A_245 : i32 to index
        %parallel_loop3A_247 = tpu.vector_load %arg7[%parallel_loop3A_246] {strides = array<i32>} : memref<16384xf32, #tpu.memory_space<vmem>>, vector<16xf32>,
        %parallel_loop3A_248 = arith.index_cast %parallel_loop3A_241 : i32 to index
        %parallel_loop3A_249 = tpu.vector_load %arg9[%parallel_loop3A_248] {strides = array<i32>} : memref<16384xf32, #tpu.memory_space<vmem>>, vector<16xf32>,
        %parallel_loop3A_250 = arith.constant 128 : i32
        %parallel_loop3A_251 = arith.addi %parallel_loop3A_241, %parallel_loop3A_250 : i32
        %parallel_loop3A_252 = arith.index_cast %parallel_loop3A_251 : i32 to index
        %parallel_loop3A_253 = tpu.vector_load %arg9[%parallel_loop3A_252] {strides = array<i32>} : memref<16384xf32, #tpu.memory_space<vmem>>, vector<16xf32>,
        %parallel_loop3A_254 = arith.constant 0.000000e+00 : f32
        %parallel_loop3A_255 = vector.broadcast %parallel_loop3A_254 : f32 to vector<16xf32>
        %parallel_loop3A_256 = arith.cmpf ogt, %parallel_loop3A_243, %parallel_loop3A_255 : vector<16xf32>
        %parallel_loop3A_257 = arith.constant 2.220000e+02 : f32
        %parallel_loop3A_258 = vector.broadcast %parallel_loop3A_257 : f32 to vector<16xf32>
        %parallel_loop3A_259 = arith.cmpf ole, %parallel_loop3A_243, %parallel_loop3A_258 : vector<16xf32>
        %parallel_loop3A_260 = arith.andi %parallel_loop3A_256, %parallel_loop3A_259 : vector<16xi1>
        %parallel_loop3A_261 = arith.constant 0.000000e+00 : f32
        %parallel_loop3A_262 = vector.broadcast %parallel_loop3A_261 : f32 to vector<16xf32>
        %parallel_loop3A_263 = arith.select %parallel_loop3A_260, %parallel_loop3A_243, %parallel_loop3A_262 : vector<16xi1>, vector<16xf32>
        %parallel_loop3A_264 = arith.fptosi %parallel_loop3A_263 : vector<16xf32> to vector<16xi32>
        %parallel_loop3A_265 = arith.fptosi %parallel_loop3A_249 : vector<16xf32> to vector<16xi32>
        %parallel_loop3A_266 = tpu.vector_load_idx %arg6[%parallel_loop3A_265] : memref<224xf32, #tpu.memory_space<vmem>>[vector<16xi32>], vector<16xf32>,
        %parallel_loop3A_267 = arith.mulf %parallel_loop3A_266, %parallel_loop3A_253 : vector<16xf32>
        %parallel_loop3A_268 = tpu.vector_load_idx %arg6[%parallel_loop3A_264] : memref<224xf32, #tpu.memory_space<vmem>>[vector<16xi32>], vector<16xf32>,
        %parallel_loop3A_269 = arith.mulf %parallel_loop3A_268, %parallel_loop3A_247 : vector<16xf32>
        %parallel_loop3A_270 = arith.subf %parallel_loop3A_267, %parallel_loop3A_269 : vector<16xf32>
        %parallel_loop3A_271 = arith.constant 64 : i32
        %parallel_loop3A_272 = arith.addi %parallel_loop3A_99, %parallel_loop3A_271 : i32
        %parallel_loop3A_273 = arith.index_cast %parallel_loop3A_272 : i32 to index
        %parallel_loop3A_274 = tpu.vector_load %arg11[%parallel_loop3A_273] {strides = array<i32>} : memref<16384xf32, #tpu.memory_space<vmem>>, vector<16xf32>,
        tpu.vector_store %arg11[%parallel_loop3A_273], %parallel_loop3A_270 {add = true, strides = array<i32>} : memref<16384xf32, #tpu.memory_space<vmem>>, vector<16xf32>,
        %parallel_loop3A_275 = arith.constant 80 : i32
        %parallel_loop3A_276 = arith.addi %parallel_loop3A_95, %parallel_loop3A_275 : i32
        %parallel_loop3A_277 = arith.index_cast %parallel_loop3A_276 : i32 to index
        %parallel_loop3A_278 = tpu.vector_load %arg7[%parallel_loop3A_277] {strides = array<i32>} : memref<16384xf32, #tpu.memory_space<vmem>>, vector<16xf32>,
        %parallel_loop3A_279 = arith.constant 128 : i32
        %parallel_loop3A_280 = arith.addi %parallel_loop3A_276, %parallel_loop3A_279 : i32
        %parallel_loop3A_281 = arith.index_cast %parallel_loop3A_280 : i32 to index
        %parallel_loop3A_282 = tpu.vector_load %arg7[%parallel_loop3A_281] {strides = array<i32>} : memref<16384xf32, #tpu.memory_space<vmem>>, vector<16xf32>,
        %parallel_loop3A_283 = arith.index_cast %parallel_loop3A_276 : i32 to index
        %parallel_loop3A_284 = tpu.vector_load %arg9[%parallel_loop3A_283] {strides = array<i32>} : memref<16384xf32, #tpu.memory_space<vmem>>, vector<16xf32>,
        %parallel_loop3A_285 = arith.constant 128 : i32
        %parallel_loop3A_286 = arith.addi %parallel_loop3A_276, %parallel_loop3A_285 : i32
        %parallel_loop3A_287 = arith.index_cast %parallel_loop3A_286 : i32 to index
        %parallel_loop3A_288 = tpu.vector_load %arg9[%parallel_loop3A_287] {strides = array<i32>} : memref<16384xf32, #tpu.memory_space<vmem>>, vector<16xf32>,
        %parallel_loop3A_289 = arith.constant 0.000000e+00 : f32
        %parallel_loop3A_290 = vector.broadcast %parallel_loop3A_289 : f32 to vector<16xf32>
        %parallel_loop3A_291 = arith.cmpf ogt, %parallel_loop3A_278, %parallel_loop3A_290 : vector<16xf32>
        %parallel_loop3A_292 = arith.constant 2.220000e+02 : f32
        %parallel_loop3A_293 = vector.broadcast %parallel_loop3A_292 : f32 to vector<16xf32>
        %parallel_loop3A_294 = arith.cmpf ole, %parallel_loop3A_278, %parallel_loop3A_293 : vector<16xf32>
        %parallel_loop3A_295 = arith.andi %parallel_loop3A_291, %parallel_loop3A_294 : vector<16xi1>
        %parallel_loop3A_296 = arith.constant 0.000000e+00 : f32
        %parallel_loop3A_297 = vector.broadcast %parallel_loop3A_296 : f32 to vector<16xf32>
        %parallel_loop3A_298 = arith.select %parallel_loop3A_295, %parallel_loop3A_278, %parallel_loop3A_297 : vector<16xi1>, vector<16xf32>
        %parallel_loop3A_299 = arith.fptosi %parallel_loop3A_298 : vector<16xf32> to vector<16xi32>
        %parallel_loop3A_300 = arith.fptosi %parallel_loop3A_284 : vector<16xf32> to vector<16xi32>
        %parallel_loop3A_301 = tpu.vector_load_idx %arg6[%parallel_loop3A_300] : memref<224xf32, #tpu.memory_space<vmem>>[vector<16xi32>], vector<16xf32>,
        %parallel_loop3A_302 = arith.mulf %parallel_loop3A_301, %parallel_loop3A_288 : vector<16xf32>
        %parallel_loop3A_303 = tpu.vector_load_idx %arg6[%parallel_loop3A_299] : memref<224xf32, #tpu.memory_space<vmem>>[vector<16xi32>], vector<16xf32>,
        %parallel_loop3A_304 = arith.mulf %parallel_loop3A_303, %parallel_loop3A_282 : vector<16xf32>
        %parallel_loop3A_305 = arith.subf %parallel_loop3A_302, %parallel_loop3A_304 : vector<16xf32>
        %parallel_loop3A_306 = arith.constant 80 : i32
        %parallel_loop3A_307 = arith.addi %parallel_loop3A_99, %parallel_loop3A_306 : i32
        %parallel_loop3A_308 = arith.index_cast %parallel_loop3A_307 : i32 to index
        %parallel_loop3A_309 = tpu.vector_load %arg11[%parallel_loop3A_308] {strides = array<i32>} : memref<16384xf32, #tpu.memory_space<vmem>>, vector<16xf32>,
        tpu.vector_store %arg11[%parallel_loop3A_308], %parallel_loop3A_305 {add = true, strides = array<i32>} : memref<16384xf32, #tpu.memory_space<vmem>>, vector<16xf32>,
        %parallel_loop3A_310 = arith.constant 96 : i32
        %parallel_loop3A_311 = arith.addi %parallel_loop3A_95, %parallel_loop3A_310 : i32
        %parallel_loop3A_312 = arith.index_cast %parallel_loop3A_311 : i32 to index
        %parallel_loop3A_313 = tpu.vector_load %arg7[%parallel_loop3A_312] {strides = array<i32>} : memref<16384xf32, #tpu.memory_space<vmem>>, vector<16xf32>,
        %parallel_loop3A_314 = arith.constant 128 : i32
        %parallel_loop3A_315 = arith.addi %parallel_loop3A_311, %parallel_loop3A_314 : i32
        %parallel_loop3A_316 = arith.index_cast %parallel_loop3A_315 : i32 to index
        %parallel_loop3A_317 = tpu.vector_load %arg7[%parallel_loop3A_316] {strides = array<i32>} : memref<16384xf32, #tpu.memory_space<vmem>>, vector<16xf32>,
        %parallel_loop3A_318 = arith.index_cast %parallel_loop3A_311 : i32 to index
        %parallel_loop3A_319 = tpu.vector_load %arg9[%parallel_loop3A_318] {strides = array<i32>} : memref<16384xf32, #tpu.memory_space<vmem>>, vector<16xf32>,
        %parallel_loop3A_320 = arith.constant 128 : i32
        %parallel_loop3A_321 = arith.addi %parallel_loop3A_311, %parallel_loop3A_320 : i32
        %parallel_loop3A_322 = arith.index_cast %parallel_loop3A_321 : i32 to index
        %parallel_loop3A_323 = tpu.vector_load %arg9[%parallel_loop3A_322] {strides = array<i32>} : memref<16384xf32, #tpu.memory_space<vmem>>, vector<16xf32>,
        %parallel_loop3A_324 = arith.constant 0.000000e+00 : f32
        %parallel_loop3A_325 = vector.broadcast %parallel_loop3A_324 : f32 to vector<16xf32>
        %parallel_loop3A_326 = arith.cmpf ogt, %parallel_loop3A_313, %parallel_loop3A_325 : vector<16xf32>
        %parallel_loop3A_327 = arith.constant 2.220000e+02 : f32
        %parallel_loop3A_328 = vector.broadcast %parallel_loop3A_327 : f32 to vector<16xf32>
        %parallel_loop3A_329 = arith.cmpf ole, %parallel_loop3A_313, %parallel_loop3A_328 : vector<16xf32>
        %parallel_loop3A_330 = arith.andi %parallel_loop3A_326, %parallel_loop3A_329 : vector<16xi1>
        %parallel_loop3A_331 = arith.constant 0.000000e+00 : f32
        %parallel_loop3A_332 = vector.broadcast %parallel_loop3A_331 : f32 to vector<16xf32>
        %parallel_loop3A_333 = arith.select %parallel_loop3A_330, %parallel_loop3A_313, %parallel_loop3A_332 : vector<16xi1>, vector<16xf32>
        %parallel_loop3A_334 = arith.fptosi %parallel_loop3A_333 : vector<16xf32> to vector<16xi32>
        %parallel_loop3A_335 = arith.fptosi %parallel_loop3A_319 : vector<16xf32> to vector<16xi32>
        %parallel_loop3A_336 = tpu.vector_load_idx %arg6[%parallel_loop3A_335] : memref<224xf32, #tpu.memory_space<vmem>>[vector<16xi32>], vector<16xf32>,
        %parallel_loop3A_337 = arith.mulf %parallel_loop3A_336, %parallel_loop3A_323 : vector<16xf32>
        %parallel_loop3A_338 = tpu.vector_load_idx %arg6[%parallel_loop3A_334] : memref<224xf32, #tpu.memory_space<vmem>>[vector<16xi32>], vector<16xf32>,
        %parallel_loop3A_339 = arith.mulf %parallel_loop3A_338, %parallel_loop3A_317 : vector<16xf32>
        %parallel_loop3A_340 = arith.subf %parallel_loop3A_337, %parallel_loop3A_339 : vector<16xf32>
        %parallel_loop3A_341 = arith.constant 96 : i32
        %parallel_loop3A_342 = arith.addi %parallel_loop3A_99, %parallel_loop3A_341 : i32
        %parallel_loop3A_343 = arith.index_cast %parallel_loop3A_342 : i32 to index
        %parallel_loop3A_344 = tpu.vector_load %arg11[%parallel_loop3A_343] {strides = array<i32>} : memref<16384xf32, #tpu.memory_space<vmem>>, vector<16xf32>,
        tpu.vector_store %arg11[%parallel_loop3A_343], %parallel_loop3A_340 {add = true, strides = array<i32>} : memref<16384xf32, #tpu.memory_space<vmem>>, vector<16xf32>,
        %parallel_loop3A_345 = arith.constant 112 : i32
        %parallel_loop3A_346 = arith.addi %parallel_loop3A_95, %parallel_loop3A_345 : i32
        %parallel_loop3A_347 = arith.index_cast %parallel_loop3A_346 : i32 to index
        %parallel_loop3A_348 = tpu.vector_load %arg7[%parallel_loop3A_347] {strides = array<i32>} : memref<16384xf32, #tpu.memory_space<vmem>>, vector<16xf32>,
        %parallel_loop3A_349 = arith.constant 128 : i32
        %parallel_loop3A_350 = arith.addi %parallel_loop3A_346, %parallel_loop3A_349 : i32
        %parallel_loop3A_351 = arith.index_cast %parallel_loop3A_350 : i32 to index
        %parallel_loop3A_352 = tpu.vector_load %arg7[%parallel_loop3A_351] {strides = array<i32>} : memref<16384xf32, #tpu.memory_space<vmem>>, vector<16xf32>,
        %parallel_loop3A_353 = arith.index_cast %parallel_loop3A_346 : i32 to index
        %parallel_loop3A_354 = tpu.vector_load %arg9[%parallel_loop3A_353] {strides = array<i32>} : memref<16384xf32, #tpu.memory_space<vmem>>, vector<16xf32>,
        %parallel_loop3A_355 = arith.constant 128 : i32
        %parallel_loop3A_356 = arith.addi %parallel_loop3A_346, %parallel_loop3A_355 : i32
        %parallel_loop3A_357 = arith.index_cast %parallel_loop3A_356 : i32 to index
        %parallel_loop3A_358 = tpu.vector_load %arg9[%parallel_loop3A_357] {strides = array<i32>} : memref<16384xf32, #tpu.memory_space<vmem>>, vector<16xf32>,
        %parallel_loop3A_359 = arith.constant 0.000000e+00 : f32
        %parallel_loop3A_360 = vector.broadcast %parallel_loop3A_359 : f32 to vector<16xf32>
        %parallel_loop3A_361 = arith.cmpf ogt, %parallel_loop3A_348, %parallel_loop3A_360 : vector<16xf32>
        %parallel_loop3A_362 = arith.constant 2.220000e+02 : f32
        %parallel_loop3A_363 = vector.broadcast %parallel_loop3A_362 : f32 to vector<16xf32>
        %parallel_loop3A_364 = arith.cmpf ole, %parallel_loop3A_348, %parallel_loop3A_363 : vector<16xf32>
        %parallel_loop3A_365 = arith.andi %parallel_loop3A_361, %parallel_loop3A_364 : vector<16xi1>
        %parallel_loop3A_366 = arith.constant 0.000000e+00 : f32
        %parallel_loop3A_367 = vector.broadcast %parallel_loop3A_366 : f32 to vector<16xf32>
        %parallel_loop3A_368 = arith.select %parallel_loop3A_365, %parallel_loop3A_348, %parallel_loop3A_367 : vector<16xi1>, vector<16xf32>
        %parallel_loop3A_369 = arith.fptosi %parallel_loop3A_368 : vector<16xf32> to vector<16xi32>
        %parallel_loop3A_370 = arith.fptosi %parallel_loop3A_354 : vector<16xf32> to vector<16xi32>
        %parallel_loop3A_371 = tpu.vector_load_idx %arg6[%parallel_loop3A_370] : memref<224xf32, #tpu.memory_space<vmem>>[vector<16xi32>], vector<16xf32>,
        %parallel_loop3A_372 = arith.mulf %parallel_loop3A_371, %parallel_loop3A_358 : vector<16xf32>
        %parallel_loop3A_373 = tpu.vector_load_idx %arg6[%parallel_loop3A_369] : memref<224xf32, #tpu.memory_space<vmem>>[vector<16xi32>], vector<16xf32>,
        %parallel_loop3A_374 = arith.mulf %parallel_loop3A_373, %parallel_loop3A_352 : vector<16xf32>
        %parallel_loop3A_375 = arith.subf %parallel_loop3A_372, %parallel_loop3A_374 : vector<16xf32>
        %parallel_loop3A_376 = arith.constant 112 : i32
        %parallel_loop3A_377 = arith.addi %parallel_loop3A_99, %parallel_loop3A_376 : i32
        %parallel_loop3A_378 = arith.index_cast %parallel_loop3A_377 : i32 to index
        %parallel_loop3A_379 = tpu.vector_load %arg11[%parallel_loop3A_378] {strides = array<i32>} : memref<16384xf32, #tpu.memory_space<vmem>>, vector<16xf32>,
        tpu.vector_store %arg11[%parallel_loop3A_378], %parallel_loop3A_375 {add = true, strides = array<i32>} : memref<16384xf32, #tpu.memory_space<vmem>>, vector<16xf32>,
      } {sc.loop_unroll_factor = 2 : i64, sc.parallel_access}
      %convert_element_type3A_76 = arith.extui %lt3A_64 : i1 to i32
      %cond3A_77 = arith.constant 0 : i32
      %cond3A_78 = arith.cmpi ne, %convert_element_type3A_76, %cond3A_77 : i32
      scf.if %cond3A_78 {
        %add3A_93 = arith.constant 2 : i32
        %add3A_94 = arith.addi %mul3A_61, %add3A_93 : i32
        %mul3A_95 = arith.constant 16384 : i32
        %mul3A_96 = arith.muli %add3A_94, %mul3A_95 : i32
        %add3A_97 = arith.addi %mul3A_13, %mul3A_96 : i32
        %dma_start3A_98 = tpu.memref_slice %arg2[%add3A_97] : memref<6881280xf32, #tpu.memory_space<hbm>> -> memref<16384xf32, #tpu.memory_space<hbm>>
        %dma_start3A_99 = tpu.memref_slice %arg2[%add3A_97] : memref<6881280xf32, #tpu.memory_space<hbm>> -> memref<16384xf32, #tpu.memory_space<hbm>>
        tpu.enqueue_dma source(%dma_start3A_99 : memref<16384xf32, #tpu.memory_space<hbm>>) target(%arg7 : memref<16384xf32, #tpu.memory_space<vmem>>) target_semaphore(%arg12 : memref<!tpu.dma_semaphore, #tpu.memory_space<semaphore_mem>>)
        %dma_start3A_100 = tpu.memref_slice %arg3[%add3A_97] : memref<6881280xf32, #tpu.memory_space<hbm>> -> memref<16384xf32, #tpu.memory_space<hbm>>
        %dma_start3A_101 = tpu.memref_slice %arg3[%add3A_97] : memref<6881280xf32, #tpu.memory_space<hbm>> -> memref<16384xf32, #tpu.memory_space<hbm>>
        tpu.enqueue_dma source(%dma_start3A_101 : memref<16384xf32, #tpu.memory_space<hbm>>) target(%arg9 : memref<16384xf32, #tpu.memory_space<vmem>>) target_semaphore(%arg14 : memref<!tpu.dma_semaphore, #tpu.memory_space<semaphore_mem>>)
      } else {
      }
      %dma_wait3A_79 = arith.constant 0 : i32
      %dma_wait3A_80 = tpu.memref_slice %arg2[%dma_wait3A_79] : memref<6881280xf32, #tpu.memory_space<hbm>> -> memref<16384xf32, #tpu.memory_space<hbm>>
      %dma_wait3A_81 = arith.constant 0 : i32
      %dma_wait3A_82 = tpu.memref_slice %arg2[%dma_wait3A_81] : memref<6881280xf32, #tpu.memory_space<hbm>> -> memref<16384xf32, #tpu.memory_space<hbm>>
      tpu.wait_dma2 semaphore(%arg13 : memref<!tpu.dma_semaphore, #tpu.memory_space<semaphore_mem>>) src(%dma_wait3A_82 : memref<16384xf32, #tpu.memory_space<hbm>>) dst(%arg8 : memref<16384xf32, #tpu.memory_space<vmem>>)
      %dma_wait3A_83 = arith.constant 0 : i32
      %dma_wait3A_84 = tpu.memref_slice %arg3[%dma_wait3A_83] : memref<6881280xf32, #tpu.memory_space<hbm>> -> memref<16384xf32, #tpu.memory_space<hbm>>
      %dma_wait3A_85 = arith.constant 0 : i32
      %dma_wait3A_86 = tpu.memref_slice %arg3[%dma_wait3A_85] : memref<6881280xf32, #tpu.memory_space<hbm>> -> memref<16384xf32, #tpu.memory_space<hbm>>
      tpu.wait_dma2 semaphore(%arg15 : memref<!tpu.dma_semaphore, #tpu.memory_space<semaphore_mem>>) src(%dma_wait3A_86 : memref<16384xf32, #tpu.memory_space<hbm>>) dst(%arg10 : memref<16384xf32, #tpu.memory_space<vmem>>)
      %parallel_loop3A_87 = arith.constant 0 : i32
      %parallel_loop3A_88 = arith.constant 64 : i32
      %parallel_loop3A_89 = arith.constant 1 : i32
      scf.for %parallel_loop3A_93 = %parallel_loop3A_87 to %parallel_loop3A_88 step %parallel_loop3A_89  : i32 {
        %parallel_loop3A_94 = arith.constant 256 : i32
        %parallel_loop3A_95 = arith.muli %parallel_loop3A_93, %parallel_loop3A_94 : i32
        %parallel_loop3A_96 = arith.constant 128 : i32
        %parallel_loop3A_97 = arith.muli %parallel_loop3A_93, %parallel_loop3A_96 : i32
        %parallel_loop3A_98 = arith.constant 8192 : i32
        %parallel_loop3A_99 = arith.addi %parallel_loop3A_98, %parallel_loop3A_97 : i32
        %parallel_loop3A_100 = arith.constant 0 : i32
        %parallel_loop3A_101 = arith.addi %parallel_loop3A_95, %parallel_loop3A_100 : i32
        %parallel_loop3A_102 = arith.index_cast %parallel_loop3A_101 : i32 to index
        %parallel_loop3A_103 = tpu.vector_load %arg8[%parallel_loop3A_102] {strides = array<i32>} : memref<16384xf32, #tpu.memory_space<vmem>>, vector<16xf32>,
        %parallel_loop3A_104 = arith.constant 128 : i32
        %parallel_loop3A_105 = arith.addi %parallel_loop3A_101, %parallel_loop3A_104 : i32
        %parallel_loop3A_106 = arith.index_cast %parallel_loop3A_105 : i32 to index
        %parallel_loop3A_107 = tpu.vector_load %arg8[%parallel_loop3A_106] {strides = array<i32>} : memref<16384xf32, #tpu.memory_space<vmem>>, vector<16xf32>,
        %parallel_loop3A_108 = arith.index_cast %parallel_loop3A_101 : i32 to index
        %parallel_loop3A_109 = tpu.vector_load %arg10[%parallel_loop3A_108] {strides = array<i32>} : memref<16384xf32, #tpu.memory_space<vmem>>, vector<16xf32>,
        %parallel_loop3A_110 = arith.constant 128 : i32
        %parallel_loop3A_111 = arith.addi %parallel_loop3A_101, %parallel_loop3A_110 : i32
        %parallel_loop3A_112 = arith.index_cast %parallel_loop3A_111 : i32 to index
        %parallel_loop3A_113 = tpu.vector_load %arg10[%parallel_loop3A_112] {strides = array<i32>} : memref<16384xf32, #tpu.memory_space<vmem>>, vector<16xf32>,
        %parallel_loop3A_114 = arith.constant 0.000000e+00 : f32
        %parallel_loop3A_115 = vector.broadcast %parallel_loop3A_114 : f32 to vector<16xf32>
        %parallel_loop3A_116 = arith.cmpf ogt, %parallel_loop3A_103, %parallel_loop3A_115 : vector<16xf32>
        %parallel_loop3A_117 = arith.constant 2.220000e+02 : f32
        %parallel_loop3A_118 = vector.broadcast %parallel_loop3A_117 : f32 to vector<16xf32>
        %parallel_loop3A_119 = arith.cmpf ole, %parallel_loop3A_103, %parallel_loop3A_118 : vector<16xf32>
        %parallel_loop3A_120 = arith.andi %parallel_loop3A_116, %parallel_loop3A_119 : vector<16xi1>
        %parallel_loop3A_121 = arith.constant 0.000000e+00 : f32
        %parallel_loop3A_122 = vector.broadcast %parallel_loop3A_121 : f32 to vector<16xf32>
        %parallel_loop3A_123 = arith.select %parallel_loop3A_120, %parallel_loop3A_103, %parallel_loop3A_122 : vector<16xi1>, vector<16xf32>
        %parallel_loop3A_124 = arith.fptosi %parallel_loop3A_123 : vector<16xf32> to vector<16xi32>
        %parallel_loop3A_125 = arith.fptosi %parallel_loop3A_109 : vector<16xf32> to vector<16xi32>
        %parallel_loop3A_126 = tpu.vector_load_idx %arg6[%parallel_loop3A_125] : memref<224xf32, #tpu.memory_space<vmem>>[vector<16xi32>], vector<16xf32>,
        %parallel_loop3A_127 = arith.mulf %parallel_loop3A_126, %parallel_loop3A_113 : vector<16xf32>
        %parallel_loop3A_128 = tpu.vector_load_idx %arg6[%parallel_loop3A_124] : memref<224xf32, #tpu.memory_space<vmem>>[vector<16xi32>], vector<16xf32>,
        %parallel_loop3A_129 = arith.mulf %parallel_loop3A_128, %parallel_loop3A_107 : vector<16xf32>
        %parallel_loop3A_130 = arith.subf %parallel_loop3A_127, %parallel_loop3A_129 : vector<16xf32>
        %parallel_loop3A_131 = arith.constant 0 : i32
        %parallel_loop3A_132 = arith.addi %parallel_loop3A_99, %parallel_loop3A_131 : i32
        %parallel_loop3A_133 = arith.index_cast %parallel_loop3A_132 : i32 to index
        %parallel_loop3A_134 = tpu.vector_load %arg11[%parallel_loop3A_133] {strides = array<i32>} : memref<16384xf32, #tpu.memory_space<vmem>>, vector<16xf32>,
        tpu.vector_store %arg11[%parallel_loop3A_133], %parallel_loop3A_130 {add = true, strides = array<i32>} : memref<16384xf32, #tpu.memory_space<vmem>>, vector<16xf32>,
        %parallel_loop3A_135 = arith.constant 16 : i32
        %parallel_loop3A_136 = arith.addi %parallel_loop3A_95, %parallel_loop3A_135 : i32
        %parallel_loop3A_137 = arith.index_cast %parallel_loop3A_136 : i32 to index
        %parallel_loop3A_138 = tpu.vector_load %arg8[%parallel_loop3A_137] {strides = array<i32>} : memref<16384xf32, #tpu.memory_space<vmem>>, vector<16xf32>,
        %parallel_loop3A_139 = arith.constant 128 : i32
        %parallel_loop3A_140 = arith.addi %parallel_loop3A_136, %parallel_loop3A_139 : i32
        %parallel_loop3A_141 = arith.index_cast %parallel_loop3A_140 : i32 to index
        %parallel_loop3A_142 = tpu.vector_load %arg8[%parallel_loop3A_141] {strides = array<i32>} : memref<16384xf32, #tpu.memory_space<vmem>>, vector<16xf32>,
        %parallel_loop3A_143 = arith.index_cast %parallel_loop3A_136 : i32 to index
        %parallel_loop3A_144 = tpu.vector_load %arg10[%parallel_loop3A_143] {strides = array<i32>} : memref<16384xf32, #tpu.memory_space<vmem>>, vector<16xf32>,
        %parallel_loop3A_145 = arith.constant 128 : i32
        %parallel_loop3A_146 = arith.addi %parallel_loop3A_136, %parallel_loop3A_145 : i32
        %parallel_loop3A_147 = arith.index_cast %parallel_loop3A_146 : i32 to index
        %parallel_loop3A_148 = tpu.vector_load %arg10[%parallel_loop3A_147] {strides = array<i32>} : memref<16384xf32, #tpu.memory_space<vmem>>, vector<16xf32>,
        %parallel_loop3A_149 = arith.constant 0.000000e+00 : f32
        %parallel_loop3A_150 = vector.broadcast %parallel_loop3A_149 : f32 to vector<16xf32>
        %parallel_loop3A_151 = arith.cmpf ogt, %parallel_loop3A_138, %parallel_loop3A_150 : vector<16xf32>
        %parallel_loop3A_152 = arith.constant 2.220000e+02 : f32
        %parallel_loop3A_153 = vector.broadcast %parallel_loop3A_152 : f32 to vector<16xf32>
        %parallel_loop3A_154 = arith.cmpf ole, %parallel_loop3A_138, %parallel_loop3A_153 : vector<16xf32>
        %parallel_loop3A_155 = arith.andi %parallel_loop3A_151, %parallel_loop3A_154 : vector<16xi1>
        %parallel_loop3A_156 = arith.constant 0.000000e+00 : f32
        %parallel_loop3A_157 = vector.broadcast %parallel_loop3A_156 : f32 to vector<16xf32>
        %parallel_loop3A_158 = arith.select %parallel_loop3A_155, %parallel_loop3A_138, %parallel_loop3A_157 : vector<16xi1>, vector<16xf32>
        %parallel_loop3A_159 = arith.fptosi %parallel_loop3A_158 : vector<16xf32> to vector<16xi32>
        %parallel_loop3A_160 = arith.fptosi %parallel_loop3A_144 : vector<16xf32> to vector<16xi32>
        %parallel_loop3A_161 = tpu.vector_load_idx %arg6[%parallel_loop3A_160] : memref<224xf32, #tpu.memory_space<vmem>>[vector<16xi32>], vector<16xf32>,
        %parallel_loop3A_162 = arith.mulf %parallel_loop3A_161, %parallel_loop3A_148 : vector<16xf32>
        %parallel_loop3A_163 = tpu.vector_load_idx %arg6[%parallel_loop3A_159] : memref<224xf32, #tpu.memory_space<vmem>>[vector<16xi32>], vector<16xf32>,
        %parallel_loop3A_164 = arith.mulf %parallel_loop3A_163, %parallel_loop3A_142 : vector<16xf32>
        %parallel_loop3A_165 = arith.subf %parallel_loop3A_162, %parallel_loop3A_164 : vector<16xf32>
        %parallel_loop3A_166 = arith.constant 16 : i32
        %parallel_loop3A_167 = arith.addi %parallel_loop3A_99, %parallel_loop3A_166 : i32
        %parallel_loop3A_168 = arith.index_cast %parallel_loop3A_167 : i32 to index
        %parallel_loop3A_169 = tpu.vector_load %arg11[%parallel_loop3A_168] {strides = array<i32>} : memref<16384xf32, #tpu.memory_space<vmem>>, vector<16xf32>,
        tpu.vector_store %arg11[%parallel_loop3A_168], %parallel_loop3A_165 {add = true, strides = array<i32>} : memref<16384xf32, #tpu.memory_space<vmem>>, vector<16xf32>,
        %parallel_loop3A_170 = arith.constant 32 : i32
        %parallel_loop3A_171 = arith.addi %parallel_loop3A_95, %parallel_loop3A_170 : i32
        %parallel_loop3A_172 = arith.index_cast %parallel_loop3A_171 : i32 to index
        %parallel_loop3A_173 = tpu.vector_load %arg8[%parallel_loop3A_172] {strides = array<i32>} : memref<16384xf32, #tpu.memory_space<vmem>>, vector<16xf32>,
        %parallel_loop3A_174 = arith.constant 128 : i32
        %parallel_loop3A_175 = arith.addi %parallel_loop3A_171, %parallel_loop3A_174 : i32
        %parallel_loop3A_176 = arith.index_cast %parallel_loop3A_175 : i32 to index
        %parallel_loop3A_177 = tpu.vector_load %arg8[%parallel_loop3A_176] {strides = array<i32>} : memref<16384xf32, #tpu.memory_space<vmem>>, vector<16xf32>,
        %parallel_loop3A_178 = arith.index_cast %parallel_loop3A_171 : i32 to index
        %parallel_loop3A_179 = tpu.vector_load %arg10[%parallel_loop3A_178] {strides = array<i32>} : memref<16384xf32, #tpu.memory_space<vmem>>, vector<16xf32>,
        %parallel_loop3A_180 = arith.constant 128 : i32
        %parallel_loop3A_181 = arith.addi %parallel_loop3A_171, %parallel_loop3A_180 : i32
        %parallel_loop3A_182 = arith.index_cast %parallel_loop3A_181 : i32 to index
        %parallel_loop3A_183 = tpu.vector_load %arg10[%parallel_loop3A_182] {strides = array<i32>} : memref<16384xf32, #tpu.memory_space<vmem>>, vector<16xf32>,
        %parallel_loop3A_184 = arith.constant 0.000000e+00 : f32
        %parallel_loop3A_185 = vector.broadcast %parallel_loop3A_184 : f32 to vector<16xf32>
        %parallel_loop3A_186 = arith.cmpf ogt, %parallel_loop3A_173, %parallel_loop3A_185 : vector<16xf32>
        %parallel_loop3A_187 = arith.constant 2.220000e+02 : f32
        %parallel_loop3A_188 = vector.broadcast %parallel_loop3A_187 : f32 to vector<16xf32>
        %parallel_loop3A_189 = arith.cmpf ole, %parallel_loop3A_173, %parallel_loop3A_188 : vector<16xf32>
        %parallel_loop3A_190 = arith.andi %parallel_loop3A_186, %parallel_loop3A_189 : vector<16xi1>
        %parallel_loop3A_191 = arith.constant 0.000000e+00 : f32
        %parallel_loop3A_192 = vector.broadcast %parallel_loop3A_191 : f32 to vector<16xf32>
        %parallel_loop3A_193 = arith.select %parallel_loop3A_190, %parallel_loop3A_173, %parallel_loop3A_192 : vector<16xi1>, vector<16xf32>
        %parallel_loop3A_194 = arith.fptosi %parallel_loop3A_193 : vector<16xf32> to vector<16xi32>
        %parallel_loop3A_195 = arith.fptosi %parallel_loop3A_179 : vector<16xf32> to vector<16xi32>
        %parallel_loop3A_196 = tpu.vector_load_idx %arg6[%parallel_loop3A_195] : memref<224xf32, #tpu.memory_space<vmem>>[vector<16xi32>], vector<16xf32>,
        %parallel_loop3A_197 = arith.mulf %parallel_loop3A_196, %parallel_loop3A_183 : vector<16xf32>
        %parallel_loop3A_198 = tpu.vector_load_idx %arg6[%parallel_loop3A_194] : memref<224xf32, #tpu.memory_space<vmem>>[vector<16xi32>], vector<16xf32>,
        %parallel_loop3A_199 = arith.mulf %parallel_loop3A_198, %parallel_loop3A_177 : vector<16xf32>
        %parallel_loop3A_200 = arith.subf %parallel_loop3A_197, %parallel_loop3A_199 : vector<16xf32>
        %parallel_loop3A_201 = arith.constant 32 : i32
        %parallel_loop3A_202 = arith.addi %parallel_loop3A_99, %parallel_loop3A_201 : i32
        %parallel_loop3A_203 = arith.index_cast %parallel_loop3A_202 : i32 to index
        %parallel_loop3A_204 = tpu.vector_load %arg11[%parallel_loop3A_203] {strides = array<i32>} : memref<16384xf32, #tpu.memory_space<vmem>>, vector<16xf32>,
        tpu.vector_store %arg11[%parallel_loop3A_203], %parallel_loop3A_200 {add = true, strides = array<i32>} : memref<16384xf32, #tpu.memory_space<vmem>>, vector<16xf32>,
        %parallel_loop3A_205 = arith.constant 48 : i32
        %parallel_loop3A_206 = arith.addi %parallel_loop3A_95, %parallel_loop3A_205 : i32
        %parallel_loop3A_207 = arith.index_cast %parallel_loop3A_206 : i32 to index
        %parallel_loop3A_208 = tpu.vector_load %arg8[%parallel_loop3A_207] {strides = array<i32>} : memref<16384xf32, #tpu.memory_space<vmem>>, vector<16xf32>,
        %parallel_loop3A_209 = arith.constant 128 : i32
        %parallel_loop3A_210 = arith.addi %parallel_loop3A_206, %parallel_loop3A_209 : i32
        %parallel_loop3A_211 = arith.index_cast %parallel_loop3A_210 : i32 to index
        %parallel_loop3A_212 = tpu.vector_load %arg8[%parallel_loop3A_211] {strides = array<i32>} : memref<16384xf32, #tpu.memory_space<vmem>>, vector<16xf32>,
        %parallel_loop3A_213 = arith.index_cast %parallel_loop3A_206 : i32 to index
        %parallel_loop3A_214 = tpu.vector_load %arg10[%parallel_loop3A_213] {strides = array<i32>} : memref<16384xf32, #tpu.memory_space<vmem>>, vector<16xf32>,
        %parallel_loop3A_215 = arith.constant 128 : i32
        %parallel_loop3A_216 = arith.addi %parallel_loop3A_206, %parallel_loop3A_215 : i32
        %parallel_loop3A_217 = arith.index_cast %parallel_loop3A_216 : i32 to index
        %parallel_loop3A_218 = tpu.vector_load %arg10[%parallel_loop3A_217] {strides = array<i32>} : memref<16384xf32, #tpu.memory_space<vmem>>, vector<16xf32>,
        %parallel_loop3A_219 = arith.constant 0.000000e+00 : f32
        %parallel_loop3A_220 = vector.broadcast %parallel_loop3A_219 : f32 to vector<16xf32>
        %parallel_loop3A_221 = arith.cmpf ogt, %parallel_loop3A_208, %parallel_loop3A_220 : vector<16xf32>
        %parallel_loop3A_222 = arith.constant 2.220000e+02 : f32
        %parallel_loop3A_223 = vector.broadcast %parallel_loop3A_222 : f32 to vector<16xf32>
        %parallel_loop3A_224 = arith.cmpf ole, %parallel_loop3A_208, %parallel_loop3A_223 : vector<16xf32>
        %parallel_loop3A_225 = arith.andi %parallel_loop3A_221, %parallel_loop3A_224 : vector<16xi1>
        %parallel_loop3A_226 = arith.constant 0.000000e+00 : f32
        %parallel_loop3A_227 = vector.broadcast %parallel_loop3A_226 : f32 to vector<16xf32>
        %parallel_loop3A_228 = arith.select %parallel_loop3A_225, %parallel_loop3A_208, %parallel_loop3A_227 : vector<16xi1>, vector<16xf32>
        %parallel_loop3A_229 = arith.fptosi %parallel_loop3A_228 : vector<16xf32> to vector<16xi32>
        %parallel_loop3A_230 = arith.fptosi %parallel_loop3A_214 : vector<16xf32> to vector<16xi32>
        %parallel_loop3A_231 = tpu.vector_load_idx %arg6[%parallel_loop3A_230] : memref<224xf32, #tpu.memory_space<vmem>>[vector<16xi32>], vector<16xf32>,
        %parallel_loop3A_232 = arith.mulf %parallel_loop3A_231, %parallel_loop3A_218 : vector<16xf32>
        %parallel_loop3A_233 = tpu.vector_load_idx %arg6[%parallel_loop3A_229] : memref<224xf32, #tpu.memory_space<vmem>>[vector<16xi32>], vector<16xf32>,
        %parallel_loop3A_234 = arith.mulf %parallel_loop3A_233, %parallel_loop3A_212 : vector<16xf32>
        %parallel_loop3A_235 = arith.subf %parallel_loop3A_232, %parallel_loop3A_234 : vector<16xf32>
        %parallel_loop3A_236 = arith.constant 48 : i32
        %parallel_loop3A_237 = arith.addi %parallel_loop3A_99, %parallel_loop3A_236 : i32
        %parallel_loop3A_238 = arith.index_cast %parallel_loop3A_237 : i32 to index
        %parallel_loop3A_239 = tpu.vector_load %arg11[%parallel_loop3A_238] {strides = array<i32>} : memref<16384xf32, #tpu.memory_space<vmem>>, vector<16xf32>,
        tpu.vector_store %arg11[%parallel_loop3A_238], %parallel_loop3A_235 {add = true, strides = array<i32>} : memref<16384xf32, #tpu.memory_space<vmem>>, vector<16xf32>,
        %parallel_loop3A_240 = arith.constant 64 : i32
        %parallel_loop3A_241 = arith.addi %parallel_loop3A_95, %parallel_loop3A_240 : i32
        %parallel_loop3A_242 = arith.index_cast %parallel_loop3A_241 : i32 to index
        %parallel_loop3A_243 = tpu.vector_load %arg8[%parallel_loop3A_242] {strides = array<i32>} : memref<16384xf32, #tpu.memory_space<vmem>>, vector<16xf32>,
        %parallel_loop3A_244 = arith.constant 128 : i32
        %parallel_loop3A_245 = arith.addi %parallel_loop3A_241, %parallel_loop3A_244 : i32
        %parallel_loop3A_246 = arith.index_cast %parallel_loop3A_245 : i32 to index
        %parallel_loop3A_247 = tpu.vector_load %arg8[%parallel_loop3A_246] {strides = array<i32>} : memref<16384xf32, #tpu.memory_space<vmem>>, vector<16xf32>,
        %parallel_loop3A_248 = arith.index_cast %parallel_loop3A_241 : i32 to index
        %parallel_loop3A_249 = tpu.vector_load %arg10[%parallel_loop3A_248] {strides = array<i32>} : memref<16384xf32, #tpu.memory_space<vmem>>, vector<16xf32>,
        %parallel_loop3A_250 = arith.constant 128 : i32
        %parallel_loop3A_251 = arith.addi %parallel_loop3A_241, %parallel_loop3A_250 : i32
        %parallel_loop3A_252 = arith.index_cast %parallel_loop3A_251 : i32 to index
        %parallel_loop3A_253 = tpu.vector_load %arg10[%parallel_loop3A_252] {strides = array<i32>} : memref<16384xf32, #tpu.memory_space<vmem>>, vector<16xf32>,
        %parallel_loop3A_254 = arith.constant 0.000000e+00 : f32
        %parallel_loop3A_255 = vector.broadcast %parallel_loop3A_254 : f32 to vector<16xf32>
        %parallel_loop3A_256 = arith.cmpf ogt, %parallel_loop3A_243, %parallel_loop3A_255 : vector<16xf32>
        %parallel_loop3A_257 = arith.constant 2.220000e+02 : f32
        %parallel_loop3A_258 = vector.broadcast %parallel_loop3A_257 : f32 to vector<16xf32>
        %parallel_loop3A_259 = arith.cmpf ole, %parallel_loop3A_243, %parallel_loop3A_258 : vector<16xf32>
        %parallel_loop3A_260 = arith.andi %parallel_loop3A_256, %parallel_loop3A_259 : vector<16xi1>
        %parallel_loop3A_261 = arith.constant 0.000000e+00 : f32
        %parallel_loop3A_262 = vector.broadcast %parallel_loop3A_261 : f32 to vector<16xf32>
        %parallel_loop3A_263 = arith.select %parallel_loop3A_260, %parallel_loop3A_243, %parallel_loop3A_262 : vector<16xi1>, vector<16xf32>
        %parallel_loop3A_264 = arith.fptosi %parallel_loop3A_263 : vector<16xf32> to vector<16xi32>
        %parallel_loop3A_265 = arith.fptosi %parallel_loop3A_249 : vector<16xf32> to vector<16xi32>
        %parallel_loop3A_266 = tpu.vector_load_idx %arg6[%parallel_loop3A_265] : memref<224xf32, #tpu.memory_space<vmem>>[vector<16xi32>], vector<16xf32>,
        %parallel_loop3A_267 = arith.mulf %parallel_loop3A_266, %parallel_loop3A_253 : vector<16xf32>
        %parallel_loop3A_268 = tpu.vector_load_idx %arg6[%parallel_loop3A_264] : memref<224xf32, #tpu.memory_space<vmem>>[vector<16xi32>], vector<16xf32>,
        %parallel_loop3A_269 = arith.mulf %parallel_loop3A_268, %parallel_loop3A_247 : vector<16xf32>
        %parallel_loop3A_270 = arith.subf %parallel_loop3A_267, %parallel_loop3A_269 : vector<16xf32>
        %parallel_loop3A_271 = arith.constant 64 : i32
        %parallel_loop3A_272 = arith.addi %parallel_loop3A_99, %parallel_loop3A_271 : i32
        %parallel_loop3A_273 = arith.index_cast %parallel_loop3A_272 : i32 to index
        %parallel_loop3A_274 = tpu.vector_load %arg11[%parallel_loop3A_273] {strides = array<i32>} : memref<16384xf32, #tpu.memory_space<vmem>>, vector<16xf32>,
        tpu.vector_store %arg11[%parallel_loop3A_273], %parallel_loop3A_270 {add = true, strides = array<i32>} : memref<16384xf32, #tpu.memory_space<vmem>>, vector<16xf32>,
        %parallel_loop3A_275 = arith.constant 80 : i32
        %parallel_loop3A_276 = arith.addi %parallel_loop3A_95, %parallel_loop3A_275 : i32
        %parallel_loop3A_277 = arith.index_cast %parallel_loop3A_276 : i32 to index
        %parallel_loop3A_278 = tpu.vector_load %arg8[%parallel_loop3A_277] {strides = array<i32>} : memref<16384xf32, #tpu.memory_space<vmem>>, vector<16xf32>,
        %parallel_loop3A_279 = arith.constant 128 : i32
        %parallel_loop3A_280 = arith.addi %parallel_loop3A_276, %parallel_loop3A_279 : i32
        %parallel_loop3A_281 = arith.index_cast %parallel_loop3A_280 : i32 to index
        %parallel_loop3A_282 = tpu.vector_load %arg8[%parallel_loop3A_281] {strides = array<i32>} : memref<16384xf32, #tpu.memory_space<vmem>>, vector<16xf32>,
        %parallel_loop3A_283 = arith.index_cast %parallel_loop3A_276 : i32 to index
        %parallel_loop3A_284 = tpu.vector_load %arg10[%parallel_loop3A_283] {strides = array<i32>} : memref<16384xf32, #tpu.memory_space<vmem>>, vector<16xf32>,
        %parallel_loop3A_285 = arith.constant 128 : i32
        %parallel_loop3A_286 = arith.addi %parallel_loop3A_276, %parallel_loop3A_285 : i32
        %parallel_loop3A_287 = arith.index_cast %parallel_loop3A_286 : i32 to index
        %parallel_loop3A_288 = tpu.vector_load %arg10[%parallel_loop3A_287] {strides = array<i32>} : memref<16384xf32, #tpu.memory_space<vmem>>, vector<16xf32>,
        %parallel_loop3A_289 = arith.constant 0.000000e+00 : f32
        %parallel_loop3A_290 = vector.broadcast %parallel_loop3A_289 : f32 to vector<16xf32>
        %parallel_loop3A_291 = arith.cmpf ogt, %parallel_loop3A_278, %parallel_loop3A_290 : vector<16xf32>
        %parallel_loop3A_292 = arith.constant 2.220000e+02 : f32
        %parallel_loop3A_293 = vector.broadcast %parallel_loop3A_292 : f32 to vector<16xf32>
        %parallel_loop3A_294 = arith.cmpf ole, %parallel_loop3A_278, %parallel_loop3A_293 : vector<16xf32>
        %parallel_loop3A_295 = arith.andi %parallel_loop3A_291, %parallel_loop3A_294 : vector<16xi1>
        %parallel_loop3A_296 = arith.constant 0.000000e+00 : f32
        %parallel_loop3A_297 = vector.broadcast %parallel_loop3A_296 : f32 to vector<16xf32>
        %parallel_loop3A_298 = arith.select %parallel_loop3A_295, %parallel_loop3A_278, %parallel_loop3A_297 : vector<16xi1>, vector<16xf32>
        %parallel_loop3A_299 = arith.fptosi %parallel_loop3A_298 : vector<16xf32> to vector<16xi32>
        %parallel_loop3A_300 = arith.fptosi %parallel_loop3A_284 : vector<16xf32> to vector<16xi32>
        %parallel_loop3A_301 = tpu.vector_load_idx %arg6[%parallel_loop3A_300] : memref<224xf32, #tpu.memory_space<vmem>>[vector<16xi32>], vector<16xf32>,
        %parallel_loop3A_302 = arith.mulf %parallel_loop3A_301, %parallel_loop3A_288 : vector<16xf32>
        %parallel_loop3A_303 = tpu.vector_load_idx %arg6[%parallel_loop3A_299] : memref<224xf32, #tpu.memory_space<vmem>>[vector<16xi32>], vector<16xf32>,
        %parallel_loop3A_304 = arith.mulf %parallel_loop3A_303, %parallel_loop3A_282 : vector<16xf32>
        %parallel_loop3A_305 = arith.subf %parallel_loop3A_302, %parallel_loop3A_304 : vector<16xf32>
        %parallel_loop3A_306 = arith.constant 80 : i32
        %parallel_loop3A_307 = arith.addi %parallel_loop3A_99, %parallel_loop3A_306 : i32
        %parallel_loop3A_308 = arith.index_cast %parallel_loop3A_307 : i32 to index
        %parallel_loop3A_309 = tpu.vector_load %arg11[%parallel_loop3A_308] {strides = array<i32>} : memref<16384xf32, #tpu.memory_space<vmem>>, vector<16xf32>,
        tpu.vector_store %arg11[%parallel_loop3A_308], %parallel_loop3A_305 {add = true, strides = array<i32>} : memref<16384xf32, #tpu.memory_space<vmem>>, vector<16xf32>,
        %parallel_loop3A_310 = arith.constant 96 : i32
        %parallel_loop3A_311 = arith.addi %parallel_loop3A_95, %parallel_loop3A_310 : i32
        %parallel_loop3A_312 = arith.index_cast %parallel_loop3A_311 : i32 to index
        %parallel_loop3A_313 = tpu.vector_load %arg8[%parallel_loop3A_312] {strides = array<i32>} : memref<16384xf32, #tpu.memory_space<vmem>>, vector<16xf32>,
        %parallel_loop3A_314 = arith.constant 128 : i32
        %parallel_loop3A_315 = arith.addi %parallel_loop3A_311, %parallel_loop3A_314 : i32
        %parallel_loop3A_316 = arith.index_cast %parallel_loop3A_315 : i32 to index
        %parallel_loop3A_317 = tpu.vector_load %arg8[%parallel_loop3A_316] {strides = array<i32>} : memref<16384xf32, #tpu.memory_space<vmem>>, vector<16xf32>,
        %parallel_loop3A_318 = arith.index_cast %parallel_loop3A_311 : i32 to index
        %parallel_loop3A_319 = tpu.vector_load %arg10[%parallel_loop3A_318] {strides = array<i32>} : memref<16384xf32, #tpu.memory_space<vmem>>, vector<16xf32>,
        %parallel_loop3A_320 = arith.constant 128 : i32
        %parallel_loop3A_321 = arith.addi %parallel_loop3A_311, %parallel_loop3A_320 : i32
        %parallel_loop3A_322 = arith.index_cast %parallel_loop3A_321 : i32 to index
        %parallel_loop3A_323 = tpu.vector_load %arg10[%parallel_loop3A_322] {strides = array<i32>} : memref<16384xf32, #tpu.memory_space<vmem>>, vector<16xf32>,
        %parallel_loop3A_324 = arith.constant 0.000000e+00 : f32
        %parallel_loop3A_325 = vector.broadcast %parallel_loop3A_324 : f32 to vector<16xf32>
        %parallel_loop3A_326 = arith.cmpf ogt, %parallel_loop3A_313, %parallel_loop3A_325 : vector<16xf32>
        %parallel_loop3A_327 = arith.constant 2.220000e+02 : f32
        %parallel_loop3A_328 = vector.broadcast %parallel_loop3A_327 : f32 to vector<16xf32>
        %parallel_loop3A_329 = arith.cmpf ole, %parallel_loop3A_313, %parallel_loop3A_328 : vector<16xf32>
        %parallel_loop3A_330 = arith.andi %parallel_loop3A_326, %parallel_loop3A_329 : vector<16xi1>
        %parallel_loop3A_331 = arith.constant 0.000000e+00 : f32
        %parallel_loop3A_332 = vector.broadcast %parallel_loop3A_331 : f32 to vector<16xf32>
        %parallel_loop3A_333 = arith.select %parallel_loop3A_330, %parallel_loop3A_313, %parallel_loop3A_332 : vector<16xi1>, vector<16xf32>
        %parallel_loop3A_334 = arith.fptosi %parallel_loop3A_333 : vector<16xf32> to vector<16xi32>
        %parallel_loop3A_335 = arith.fptosi %parallel_loop3A_319 : vector<16xf32> to vector<16xi32>
        %parallel_loop3A_336 = tpu.vector_load_idx %arg6[%parallel_loop3A_335] : memref<224xf32, #tpu.memory_space<vmem>>[vector<16xi32>], vector<16xf32>,
        %parallel_loop3A_337 = arith.mulf %parallel_loop3A_336, %parallel_loop3A_323 : vector<16xf32>
        %parallel_loop3A_338 = tpu.vector_load_idx %arg6[%parallel_loop3A_334] : memref<224xf32, #tpu.memory_space<vmem>>[vector<16xi32>], vector<16xf32>,
        %parallel_loop3A_339 = arith.mulf %parallel_loop3A_338, %parallel_loop3A_317 : vector<16xf32>
        %parallel_loop3A_340 = arith.subf %parallel_loop3A_337, %parallel_loop3A_339 : vector<16xf32>
        %parallel_loop3A_341 = arith.constant 96 : i32
        %parallel_loop3A_342 = arith.addi %parallel_loop3A_99, %parallel_loop3A_341 : i32
        %parallel_loop3A_343 = arith.index_cast %parallel_loop3A_342 : i32 to index
        %parallel_loop3A_344 = tpu.vector_load %arg11[%parallel_loop3A_343] {strides = array<i32>} : memref<16384xf32, #tpu.memory_space<vmem>>, vector<16xf32>,
        tpu.vector_store %arg11[%parallel_loop3A_343], %parallel_loop3A_340 {add = true, strides = array<i32>} : memref<16384xf32, #tpu.memory_space<vmem>>, vector<16xf32>,
        %parallel_loop3A_345 = arith.constant 112 : i32
        %parallel_loop3A_346 = arith.addi %parallel_loop3A_95, %parallel_loop3A_345 : i32
        %parallel_loop3A_347 = arith.index_cast %parallel_loop3A_346 : i32 to index
        %parallel_loop3A_348 = tpu.vector_load %arg8[%parallel_loop3A_347] {strides = array<i32>} : memref<16384xf32, #tpu.memory_space<vmem>>, vector<16xf32>,
        %parallel_loop3A_349 = arith.constant 128 : i32
        %parallel_loop3A_350 = arith.addi %parallel_loop3A_346, %parallel_loop3A_349 : i32
        %parallel_loop3A_351 = arith.index_cast %parallel_loop3A_350 : i32 to index
        %parallel_loop3A_352 = tpu.vector_load %arg8[%parallel_loop3A_351] {strides = array<i32>} : memref<16384xf32, #tpu.memory_space<vmem>>, vector<16xf32>,
        %parallel_loop3A_353 = arith.index_cast %parallel_loop3A_346 : i32 to index
        %parallel_loop3A_354 = tpu.vector_load %arg10[%parallel_loop3A_353] {strides = array<i32>} : memref<16384xf32, #tpu.memory_space<vmem>>, vector<16xf32>,
        %parallel_loop3A_355 = arith.constant 128 : i32
        %parallel_loop3A_356 = arith.addi %parallel_loop3A_346, %parallel_loop3A_355 : i32
        %parallel_loop3A_357 = arith.index_cast %parallel_loop3A_356 : i32 to index
        %parallel_loop3A_358 = tpu.vector_load %arg10[%parallel_loop3A_357] {strides = array<i32>} : memref<16384xf32, #tpu.memory_space<vmem>>, vector<16xf32>,
        %parallel_loop3A_359 = arith.constant 0.000000e+00 : f32
        %parallel_loop3A_360 = vector.broadcast %parallel_loop3A_359 : f32 to vector<16xf32>
        %parallel_loop3A_361 = arith.cmpf ogt, %parallel_loop3A_348, %parallel_loop3A_360 : vector<16xf32>
        %parallel_loop3A_362 = arith.constant 2.220000e+02 : f32
        %parallel_loop3A_363 = vector.broadcast %parallel_loop3A_362 : f32 to vector<16xf32>
        %parallel_loop3A_364 = arith.cmpf ole, %parallel_loop3A_348, %parallel_loop3A_363 : vector<16xf32>
        %parallel_loop3A_365 = arith.andi %parallel_loop3A_361, %parallel_loop3A_364 : vector<16xi1>
        %parallel_loop3A_366 = arith.constant 0.000000e+00 : f32
        %parallel_loop3A_367 = vector.broadcast %parallel_loop3A_366 : f32 to vector<16xf32>
        %parallel_loop3A_368 = arith.select %parallel_loop3A_365, %parallel_loop3A_348, %parallel_loop3A_367 : vector<16xi1>, vector<16xf32>
        %parallel_loop3A_369 = arith.fptosi %parallel_loop3A_368 : vector<16xf32> to vector<16xi32>
        %parallel_loop3A_370 = arith.fptosi %parallel_loop3A_354 : vector<16xf32> to vector<16xi32>
        %parallel_loop3A_371 = tpu.vector_load_idx %arg6[%parallel_loop3A_370] : memref<224xf32, #tpu.memory_space<vmem>>[vector<16xi32>], vector<16xf32>,
        %parallel_loop3A_372 = arith.mulf %parallel_loop3A_371, %parallel_loop3A_358 : vector<16xf32>
        %parallel_loop3A_373 = tpu.vector_load_idx %arg6[%parallel_loop3A_369] : memref<224xf32, #tpu.memory_space<vmem>>[vector<16xi32>], vector<16xf32>,
        %parallel_loop3A_374 = arith.mulf %parallel_loop3A_373, %parallel_loop3A_352 : vector<16xf32>
        %parallel_loop3A_375 = arith.subf %parallel_loop3A_372, %parallel_loop3A_374 : vector<16xf32>
        %parallel_loop3A_376 = arith.constant 112 : i32
        %parallel_loop3A_377 = arith.addi %parallel_loop3A_99, %parallel_loop3A_376 : i32
        %parallel_loop3A_378 = arith.index_cast %parallel_loop3A_377 : i32 to index
        %parallel_loop3A_379 = tpu.vector_load %arg11[%parallel_loop3A_378] {strides = array<i32>} : memref<16384xf32, #tpu.memory_space<vmem>>, vector<16xf32>,
        tpu.vector_store %arg11[%parallel_loop3A_378], %parallel_loop3A_375 {add = true, strides = array<i32>} : memref<16384xf32, #tpu.memory_space<vmem>>, vector<16xf32>,
      } {sc.loop_unroll_factor = 2 : i64, sc.parallel_access}
      %convert_element_type3A_90 = arith.extui %lt3A_64 : i1 to i32
      %cond3A_91 = arith.constant 0 : i32
      %cond3A_92 = arith.cmpi ne, %convert_element_type3A_90, %cond3A_91 : i32
      scf.if %cond3A_92 {
        %add3A_93 = arith.constant 3 : i32
        %add3A_94 = arith.addi %mul3A_61, %add3A_93 : i32
        %mul3A_95 = arith.constant 16384 : i32
        %mul3A_96 = arith.muli %add3A_94, %mul3A_95 : i32
        %add3A_97 = arith.addi %mul3A_13, %mul3A_96 : i32
        %dma_start3A_98 = tpu.memref_slice %arg2[%add3A_97] : memref<6881280xf32, #tpu.memory_space<hbm>> -> memref<16384xf32, #tpu.memory_space<hbm>>
        %dma_start3A_99 = tpu.memref_slice %arg2[%add3A_97] : memref<6881280xf32, #tpu.memory_space<hbm>> -> memref<16384xf32, #tpu.memory_space<hbm>>
        tpu.enqueue_dma source(%dma_start3A_99 : memref<16384xf32, #tpu.memory_space<hbm>>) target(%arg8 : memref<16384xf32, #tpu.memory_space<vmem>>) target_semaphore(%arg13 : memref<!tpu.dma_semaphore, #tpu.memory_space<semaphore_mem>>)
        %dma_start3A_100 = tpu.memref_slice %arg3[%add3A_97] : memref<6881280xf32, #tpu.memory_space<hbm>> -> memref<16384xf32, #tpu.memory_space<hbm>>
        %dma_start3A_101 = tpu.memref_slice %arg3[%add3A_97] : memref<6881280xf32, #tpu.memory_space<hbm>> -> memref<16384xf32, #tpu.memory_space<hbm>>
        tpu.enqueue_dma source(%dma_start3A_101 : memref<16384xf32, #tpu.memory_space<hbm>>) target(%arg10 : memref<16384xf32, #tpu.memory_space<vmem>>) target_semaphore(%arg15 : memref<!tpu.dma_semaphore, #tpu.memory_space<semaphore_mem>>)
      } else {
      }
    }
    "tpu.region"() ({
      %run_scoped3A = tpu.sem_alloc : memref<!tpu.dma_semaphore, #tpu.memory_space<semaphore_mem>>
      %dma_start3A_59 = arith.constant 0 : i32
      %dma_start3A_60 = tpu.memref_slice %arg5[%add3A, %dma_start3A_59] : memref<32x16384xf32, #tpu.memory_space<hbm>> -> memref<1x16384xf32, #tpu.memory_space<hbm>>
      %dma_start3A_61 = tpu.memref_squeeze %dma_start3A_60 : memref<1x16384xf32, #tpu.memory_space<hbm>> -> memref<16384xf32, #tpu.memory_space<hbm>>
      %dma_start3A_62 = arith.constant 0 : i32
      %dma_start3A_63 = tpu.memref_slice %arg5[%add3A, %dma_start3A_62] : memref<32x16384xf32, #tpu.memory_space<hbm>> -> memref<1x16384xf32, #tpu.memory_space<hbm>>
      %dma_start3A_64 = tpu.memref_squeeze %dma_start3A_63 : memref<1x16384xf32, #tpu.memory_space<hbm>> -> memref<16384xf32, #tpu.memory_space<hbm>>
      tpu.enqueue_dma source(%arg11 : memref<16384xf32, #tpu.memory_space<vmem>>) target(%dma_start3A_64 : memref<16384xf32, #tpu.memory_space<hbm>>) target_semaphore(%run_scoped3A : memref<!tpu.dma_semaphore, #tpu.memory_space<semaphore_mem>>)
      %dma_wait3A_65 = arith.constant 0 : i32
      %dma_wait3A_66 = tpu.memref_slice %arg5[%add3A, %dma_wait3A_65] : memref<32x16384xf32, #tpu.memory_space<hbm>> -> memref<1x16384xf32, #tpu.memory_space<hbm>>
      %dma_wait3A_67 = tpu.memref_squeeze %dma_wait3A_66 : memref<1x16384xf32, #tpu.memory_space<hbm>> -> memref<16384xf32, #tpu.memory_space<hbm>>
      %dma_wait3A_68 = arith.constant 0 : i32
      %dma_wait3A_69 = tpu.memref_slice %arg5[%add3A, %dma_wait3A_68] : memref<32x16384xf32, #tpu.memory_space<hbm>> -> memref<1x16384xf32, #tpu.memory_space<hbm>>
      %dma_wait3A_70 = tpu.memref_squeeze %dma_wait3A_69 : memref<1x16384xf32, #tpu.memory_space<hbm>> -> memref<16384xf32, #tpu.memory_space<hbm>>
      tpu.wait_dma2 semaphore(%run_scoped3A : memref<!tpu.dma_semaphore, #tpu.memory_space<semaphore_mem>>) src(%arg11 : memref<16384xf32, #tpu.memory_space<vmem>>) dst(%dma_wait3A_70 : memref<16384xf32, #tpu.memory_space<hbm>>)
      tpu.yield
    }) : () -> ()
    return
  }
}

module attributes {stable_mosaic.version = 14 : i64} {
  func.func @_mask_body(%arg0: i32, %arg1: memref<5376x128xf32, #tpu.memory_space<vmem>>, %arg2: memref<1x128xf32, #tpu.memory_space<vmem>>) attributes {dimension_semantics = [#tpu.dimension_semantics<arbitrary>], iteration_bounds = array<i64: 10>, scalar_prefetch = 0 : i64, scratch_operands = 0 : i64, tpu.core_type = #tpu.core_type<tc>, window_params = [{transform_indices = @transform_0, window_bounds = array<i64: 5376, 128>}, {pipeline_mode = #tpu.pipeline_mode<synchronous>, transform_indices = @transform_1, window_bounds = array<i64: 1, 128>}]} {
    %get3A = arith.constant 0 : index
    %get3A_0 = arith.constant 0 : index
    %get3A_1 = vector.load %arg1[%get3A, %get3A_0] : memref<5376x128xf32, #tpu.memory_space<vmem>>, vector<5376x128xf32>
    %mul3A = arith.constant 4.000000e+00 : f32
    %mul3A_2 = vector.broadcast %mul3A : f32 to vector<5376x128xf32>
    %mul3A_3 = arith.mulf %get3A_1, %mul3A_2 : vector<5376x128xf32>
    %tanh3A = math.tanh %mul3A_3 : vector<5376x128xf32>
    %reshape3A = vector.shape_cast %tanh3A : vector<5376x128xf32> to vector<2688x2x128xf32>
    %reshape3A_4 = vector.shape_cast %get3A_1 : vector<5376x128xf32> to vector<2688x2x128xf32>
    %slice3A = vector.extract_strided_slice %reshape3A_4 {offsets = [0, 0, 0], sizes = [2688, 1, 128], strides = [1, 1, 1]} : vector<2688x2x128xf32> to vector<2688x1x128xf32>
    %squeeze3A = vector.shape_cast %slice3A : vector<2688x1x128xf32> to vector<2688x128xf32>
    %reduce_sum3A = vector.shape_cast %tanh3A : vector<5376x128xf32> to vector<1x5376x128xf32>
    %reduce_sum3A_5 = arith.constant dense<0.000000e+00> : vector<1xf32>
    %reduce_sum3A_6 = vector.multi_reduction <add>, %reduce_sum3A, %reduce_sum3A_5 [1, 2] : vector<1x5376x128xf32> to vector<1xf32>
    %reduce_sum3A_7 = vector.shape_cast %reduce_sum3A_6 : vector<1xf32> to vector<1x1x1xf32>
    %reduce_sum3A_8 = vector.extract %reduce_sum3A_7[0, 0, 0] : f32 from vector<1x1x1xf32>
    %slice3A_9 = vector.extract_strided_slice %reshape3A {offsets = [0, 0, 0], sizes = [2688, 1, 128], strides = [1, 1, 1]} : vector<2688x2x128xf32> to vector<2688x1x128xf32>
    %squeeze3A_10 = vector.shape_cast %slice3A_9 : vector<2688x1x128xf32> to vector<2688x128xf32>
    %slice3A_11 = vector.extract_strided_slice %reshape3A {offsets = [0, 1, 0], sizes = [2688, 1, 128], strides = [1, 1, 1]} : vector<2688x2x128xf32> to vector<2688x1x128xf32>
    %squeeze3A_12 = vector.shape_cast %slice3A_11 : vector<2688x1x128xf32> to vector<2688x128xf32>
    %mul3A_13 = arith.mulf %squeeze3A_10, %squeeze3A_12 : vector<2688x128xf32>
    %reduce_sum3A_14 = vector.shape_cast %mul3A_13 : vector<2688x128xf32> to vector<1x2688x128xf32>
    %reduce_sum3A_15 = arith.constant dense<0.000000e+00> : vector<1xf32>
    %reduce_sum3A_16 = vector.multi_reduction <add>, %reduce_sum3A_14, %reduce_sum3A_15 [1, 2] : vector<1x2688x128xf32> to vector<1xf32>
    %reduce_sum3A_17 = vector.shape_cast %reduce_sum3A_16 : vector<1xf32> to vector<1x1x1xf32>
    %reduce_sum3A_18 = vector.extract %reduce_sum3A_17[0, 0, 0] : f32 from vector<1x1x1xf32>
    %mul3A_19 = arith.constant 2.000000e+00 : f32
    %mul3A_20 = arith.mulf %mul3A_19, %reduce_sum3A_18 : f32
    %sub3A = arith.subf %reduce_sum3A_8, %mul3A_20 : f32
    %sub3A_21 = arith.constant 2.220000e+02 : f32
    %sub3A_22 = vector.broadcast %sub3A_21 : f32 to vector<2688x128xf32>
    %sub3A_23 = arith.subf %squeeze3A, %sub3A_22 : vector<2688x128xf32>
    %max3A = arith.constant 0.000000e+00 : f32
    %max3A_24 = vector.broadcast %max3A : f32 to vector<2688x128xf32>
    %max3A_25 = arith.maximumf %sub3A_23, %max3A_24 : vector<2688x128xf32>
    %reduce_sum3A_26 = vector.shape_cast %max3A_25 : vector<2688x128xf32> to vector<1x2688x128xf32>
    %reduce_sum3A_27 = arith.constant dense<0.000000e+00> : vector<1xf32>
    %reduce_sum3A_28 = vector.multi_reduction <add>, %reduce_sum3A_26, %reduce_sum3A_27 [1, 2] : vector<1x2688x128xf32> to vector<1xf32>
    %reduce_sum3A_29 = vector.shape_cast %reduce_sum3A_28 : vector<1xf32> to vector<1x1x1xf32>
    %reduce_sum3A_30 = vector.extract %reduce_sum3A_29[0, 0, 0] : f32 from vector<1x1x1xf32>
    %iota3A = tpu.iota {dimensions = array<i32: 1>} : vector<1x128xi32>
    %eq3A = arith.constant 0 : i32
    %eq3A_31 = vector.broadcast %eq3A : i32 to vector<1x128xi32>
    %eq3A_32 = arith.cmpi eq, %iota3A, %eq3A_31 : vector<1x128xi32>
    %eq3A_33 = arith.constant 1 : i32
    %eq3A_34 = vector.broadcast %eq3A_33 : i32 to vector<1x128xi32>
    %eq3A_35 = arith.cmpi eq, %iota3A, %eq3A_34 : vector<1x128xi32>
    %jit3A = arith.constant 0.000000e+00 : f32
    %broadcast_in_dim3A = vector.broadcast %reduce_sum3A_30 : f32 to vector<1x128xf32>
    %broadcast_in_dim3A_36 = vector.broadcast %jit3A : f32 to vector<1x128xf32>
    %select_n3A = arith.select %eq3A_35, %broadcast_in_dim3A, %broadcast_in_dim3A_36 : vector<1x128xi1>, vector<1x128xf32>
    %broadcast_in_dim3A_37 = vector.broadcast %sub3A : f32 to vector<1x128xf32>
    %select_n3A_38 = arith.select %eq3A_32, %broadcast_in_dim3A_37, %select_n3A : vector<1x128xi1>, vector<1x128xf32>
    %eq3A_39 = arith.constant 0 : i32
    %eq3A_40 = arith.cmpi eq, %arg0, %eq3A_39 : i32
    %convert_element_type3A = arith.extui %eq3A_40 : i1 to i32
    %cond3A = arith.constant 0 : i32
    %cond3A_41 = arith.cmpi ne, %convert_element_type3A, %cond3A : i32
    scf.if %cond3A_41 {
      %swap3A = arith.constant 0 : index
      %swap3A_46 = arith.constant 0 : index
      %swap3A_47 = vector.load %arg2[%swap3A, %swap3A_46] : memref<1x128xf32, #tpu.memory_space<vmem>>, vector<1x128xf32>
      tpu.vector_store %arg2[%swap3A, %swap3A_46], %select_n3A_38 {strides = array<i32>} : memref<1x128xf32, #tpu.memory_space<vmem>>, vector<1x128xf32>,
    } else {
    }
    %gt3A = arith.constant 0 : i32
    %gt3A_42 = arith.cmpi sgt, %arg0, %gt3A : i32
    %convert_element_type3A_43 = arith.extui %gt3A_42 : i1 to i32
    %cond3A_44 = arith.constant 0 : i32
    %cond3A_45 = arith.cmpi ne, %convert_element_type3A_43, %cond3A_44 : i32
    scf.if %cond3A_45 {
      %get3A_46 = arith.constant 0 : index
      %get3A_47 = arith.constant 0 : index
      %get3A_48 = vector.load %arg2[%get3A_46, %get3A_47] : memref<1x128xf32, #tpu.memory_space<vmem>>, vector<1x128xf32>
      %add3A = arith.addf %get3A_48, %select_n3A_38 : vector<1x128xf32>
      %swap3A = arith.constant 0 : index
      %swap3A_49 = arith.constant 0 : index
      %swap3A_50 = vector.load %arg2[%swap3A, %swap3A_49] : memref<1x128xf32, #tpu.memory_space<vmem>>, vector<1x128xf32>
      tpu.vector_store %arg2[%swap3A, %swap3A_49], %add3A {strides = array<i32>} : memref<1x128xf32, #tpu.memory_space<vmem>>, vector<1x128xf32>,
    } else {
    }
    return
  }
  func.func @transform_0(%arg0: i32) -> (i32, i32) {
    %c0_i32 = arith.constant 0 : i32
    %c0_i32_0 = arith.constant 0 : i32
    return %arg0, %c0_i32 : i32, i32
  }
  func.func @transform_1(%arg0: i32) -> (i32, i32) {
    %c0_i32 = arith.constant 0 : i32
    %c0_i32_0 = arith.constant 0 : i32
    %c0_i32_1 = arith.constant 0 : i32
    return %c0_i32, %c0_i32_0 : i32, i32
  }
}

module attributes {stable_mosaic.version = 14 : i64} {
  func.func @_p2_body(%arg0: memref<32x16384xf32, #tpu.memory_space<vmem>>, %arg1: memref<1x128xf32, #tpu.memory_space<vmem>>, %arg2: memref<1x1xf32, #tpu.memory_space<vmem>>) attributes {dimension_semantics = [], scalar_prefetch = 0 : i64, scratch_operands = 0 : i64, tpu.core_type = #tpu.core_type<tc>} {
    %get3A = arith.constant 0 : index
    %get3A_0 = arith.constant 0 : index
    %get3A_1 = vector.load %arg0[%get3A, %get3A_0] : memref<32x16384xf32, #tpu.memory_space<vmem>>, vector<32x16384xf32>
    %reduce_sum3A = arith.constant dense<0.000000e+00> : vector<16384xf32>
    %reduce_sum3A_2 = vector.multi_reduction <add>, %get3A_1, %reduce_sum3A [0] : vector<32x16384xf32> to vector<16384xf32>
    %broadcast_in_dim3A = vector.shape_cast %reduce_sum3A_2 : vector<16384xf32> to vector<1x16384xf32>
    %mul3A = arith.mulf %broadcast_in_dim3A, %broadcast_in_dim3A : vector<1x16384xf32>
    %reduce_sum3A_3 = vector.shape_cast %mul3A : vector<1x16384xf32> to vector<1x1x16384xf32>
    %reduce_sum3A_4 = arith.constant dense<0.000000e+00> : vector<1xf32>
    %reduce_sum3A_5 = vector.multi_reduction <add>, %reduce_sum3A_3, %reduce_sum3A_4 [1, 2] : vector<1x1x16384xf32> to vector<1xf32>
    %reduce_sum3A_6 = vector.shape_cast %reduce_sum3A_5 : vector<1xf32> to vector<1x1x1xf32>
    %reduce_sum3A_7 = vector.extract %reduce_sum3A_6[0, 0, 0] : f32 from vector<1x1x1xf32>
    %get3A_8 = arith.constant 0 : index
    %get3A_9 = arith.constant 0 : index
    %get3A_10 = vector.load %arg1[%get3A_8, %get3A_9] : memref<1x128xf32, #tpu.memory_space<vmem>>, vector<1x128xf32>
    %reduce_sum3A_11 = vector.shape_cast %get3A_10 : vector<1x128xf32> to vector<1x1x128xf32>
    %reduce_sum3A_12 = arith.constant dense<0.000000e+00> : vector<1xf32>
    %reduce_sum3A_13 = vector.multi_reduction <add>, %reduce_sum3A_11, %reduce_sum3A_12 [1, 2] : vector<1x1x128xf32> to vector<1xf32>
    %reduce_sum3A_14 = vector.shape_cast %reduce_sum3A_13 : vector<1xf32> to vector<1x1x1xf32>
    %reduce_sum3A_15 = vector.extract %reduce_sum3A_14[0, 0, 0] : f32 from vector<1x1x1xf32>
    %add3A = arith.addf %reduce_sum3A_7, %reduce_sum3A_15 : f32
    %reshape3A = vector.broadcast %add3A : f32 to vector<1x1xf32>
    %swap3A = arith.constant 0 : index
    %swap3A_16 = arith.constant 0 : index
    %swap3A_17 = vector.load %arg2[%swap3A, %swap3A_16] : memref<1x1xf32, #tpu.memory_space<vmem>>, vector<1x1xf32>
    tpu.vector_store %arg2[%swap3A, %swap3A_16], %reshape3A {strides = array<i32>} : memref<1x1xf32, #tpu.memory_space<vmem>>, vector<1x1xf32>,
    return
  }
}

</mosaic_0001>

<sc_bundles>
// kernel: kernel.5.cloned.1.call-start
scs
__scs_entry_jumppad:
0x0: {  	(pc) =	sbr.rel $0x88, $3  }
0x1: {  	(tag) =	ssettag $0x0;
	lr =	simm.s32 $0x1  }
0x2: {  	[smem:$0x3F9E] =	sst lr;
	_ =	strace $0xD0000000  }
0x3: {  	_ = 	snop  }
0x4: {  	_ = 	snop  }
0x5: {  	_ = 	snop  }
0x6: {  	_ = 	snop  }
0x7: {  	_ = 	snop  }
__scs_overlays_trampoline_lowered:
0x8: {  	[smem:$0x3FAD] =	sst s0  }
0x9: {  	[smem:$0x3FAE] =	sst s1  }
0xa: {  	[smem:$0x3FAF] =	sst s2  }
0xb: {  	[smem:$0x3FB0] =	sst s3  }
0xc: {  	[smem:$0x3FB1] =	sst s4  }
0xd: {  	[smem:$0x3FB2] =	sst s5  }
0xe: {  	[smem:$0x3FB3] =	sst s6  }
0xf: {  	[smem:$0x3FB4] =	sst s7  }
0x10: {  	[smem:$0x3FB5] =	sst s8  }
0x11: {  	[smem:$0x3FB6] =	sst s9;
	s0 =	simm.s32 @!p0 $0x0  }
0x12: {  	s1 =	sld [smem:$0x3F9C];
	s0 =	simm.s32 @p0 $0x1  }
0x13: {  	[smem:$0x3FB7] =	sst s0;
	s0 =	simm.s32 @!p1 $0x0  }
0x14: {  	s2 =	sld [smem:$0x3F9B];
	s0 =	simm.s32 @p1 $0x1  }
0x15: {  	[smem:$0x3FB8] =	sst s0;
	s0 =	simm.s32 @!p2 $0x0  }
0x16: {  	s3 =	sld [smem:$0x3FDB];
	s0 =	simm.s32 @p2 $0x1  }
0x17: {  	s4 =	simm.s32 $0x1BF5;
	[smem:$0x3FBA] =	sst s0  }
0x18: {  	s0 =	sld [smem:$0x3F9D];
	_ =	swait.ge [sflag:s4], $0x0  }
0x19: {  	s7 =	sld [smem:$0x3F9E]  }
0x1a: {  	s8 =	sadd.s32 $0xFFFFE003, lr  }
0x1b: {  	s9 =	sadd.s32 $0xFFFFFEF7, lr;
	s5 =	simm.s32 $0xFFFFFFFF;
	p2 =	slt.u32 s8, $0xFFFFF086  }
0x1c: {  	p1 =	slt.u32 s9, $0xF7A;
	s5 =	simm.s32 @!p2 $0x0  }
0x1d: {  	s5 =	simm.s32 @p1 $0x1;
	p0 =	seq.s32 s7, s2  }
0x1e: {  	s7 =	smul.u32 @!p0 $0xF7A, s2;
	p2 =	seq.s32 @!p0 s5, $0x0  }
0x1f: {  	s9 =	smul.u32 $0xF7A, s1;
	s8 =	simm.s32 @!p0 $0x1BF5;
	p2 =	por !p2, p0  }
0x20: {  	[sflag:s8] =	ssyncset.s32 @!p0 $0xFFFFF086;
	s6 =	sadd.s32 @!p0 s3, s7;
	s7 =	simm.s32 @!p0 $0x108  }
0x21: {  	s3 =	sadd.s32 s3, s9;
	s6 =	sadd.s32 @!p0 $0x88, s6;
	s7 =	simm.s32 @p2 $0x1082  }
0x22: {  	[simem:s7], [sflag:s8] =	dma.local @!p0 [hbm:s6], $0xF7A  }
0x23: {  	s9 =	sor.u32 $0xD0000000, s2;
	s6 =	simm.s32 $0x108;
	_ =	swait.ge @!p0 [sflag:s8], $0x0  }
0x24: {  	s3 =	sadd.s32 $0x88, s3;
	s6 =	simm.s32 @!p1 $0x1082;
	[sflag:s4] =	ssyncset.s32 $0xFFFFF086  }
0x25: {  	[simem:s6], [sflag:s4] =	dma.local [hbm:s3], $0xF7A  }
0x26: {  	[smem:$0x3F9E] =	sst s1;
	(tag) =	ssettag s2;
	_ =	strace s9  }
0x27: {  	s1 =	sld [smem:$0x3FAE]  }
0x28: {  	s2 =	sld [smem:$0x3FAF]  }
0x29: {  	s4 =	sld [smem:$0x3FB1]  }
0x2a: {  	p0 =	seq.s32 s5, $0x0;
	s5 =	sld [smem:$0x3FB2]  }
0x2b: {  	s6 =	sld [smem:$0x3FB3]  }
0x2c: {  	s7 =	sld [smem:$0x3FB4]  }
0x2d: {  	s3 =	simm.s32 $0x108;
	s8 =	sld [smem:$0x3FB5]  }
0x2e: {  	s3 =	simm.s32 @!p0 $0x1082;
	s9 =	sld [smem:$0x3FB6]  }
0x2f: {  	lr =	sadd.s32 s0, s3;
	s0 =	sld [smem:$0x3FAD]  }
0x30: {  	s3 =	sld [smem:$0x3FB0]  }
0x31: {  	[smem:$0x3FB9] =	sst s10  }
0x32: {  	s10 =	sld [smem:$0x3FB7];
	_ =	sdelay $0x3  }
0x33: {  	p0 =	seq.s32 s10, $0x1;
	s10 =	sld [smem:$0x3FB9];
	_ =	sdelay $0x3  }
0x34: {  	[smem:$0x3FB9] =	sst s10  }
0x35: {  	s10 =	sld [smem:$0x3FB8];
	_ =	sdelay $0x3  }
0x36: {  	p1 =	seq.s32 s10, $0x1;
	s10 =	sld [smem:$0x3FB9];
	_ =	sdelay $0x3  }
0x37: {  	[smem:$0x3FB9] =	sst s10  }
0x38: {  	s10 =	sld [smem:$0x3FBA]  }
0x39: {  	_ = 	snop;
	(pc) =	sbr.ind lr, $3  }
0x3a: {  	_ = 	snop  }
0x3b: {  	_ = 	snop  }
0x3c: {  	p2 =	seq.s32 s10, $0x1;
	s10 =	sld [smem:$0x3FB9]  }
0x3d: {  	_ =	shalt  }
0x3e: {  	_ =	shalt  }
0x3f: {  	_ =	shalt  }
0x40: {  	_ =	shalt  }
0x41: {  	_ =	shalt  }
0x42: {  	_ =	shalt  }
0x43: {  	_ =	shalt  }
0x44: {  	_ =	shalt  }
0x45: {  	_ =	shalt  }
0x46: {  	_ =	shalt  }
0x47: {  	_ =	shalt  }
0x48: {  	_ =	shalt  }
0x49: {  	_ =	shalt  }
0x4a: {  	_ =	shalt  }
0x4b: {  	_ =	shalt  }
0x4c: {  	_ =	shalt  }
0x4d: {  	_ =	shalt  }
0x4e: {  	_ =	shalt  }
0x4f: {  	_ =	shalt  }
0x50: {  	_ =	shalt  }
0x51: {  	_ =	shalt  }
0x52: {  	_ =	shalt  }
0x53: {  	_ =	shalt  }
0x54: {  	_ =	shalt  }
0x55: {  	_ =	shalt  }
0x56: {  	_ =	shalt  }
0x57: {  	_ =	shalt  }
0x58: {  	_ =	shalt  }
0x59: {  	_ =	shalt  }
0x5a: {  	_ =	shalt  }
0x5b: {  	_ =	shalt  }
0x5c: {  	_ =	shalt  }
0x5d: {  	_ =	shalt  }
0x5e: {  	_ =	shalt  }
0x5f: {  	_ =	shalt  }
0x60: {  	_ =	shalt  }
0x61: {  	_ =	shalt  }
0x62: {  	_ =	shalt  }
0x63: {  	_ =	shalt  }
0x64: {  	_ =	shalt  }
0x65: {  	_ =	shalt  }
0x66: {  	_ =	shalt  }
0x67: {  	_ =	shalt  }
0x68: {  	_ =	shalt  }
0x69: {  	_ =	shalt  }
0x6a: {  	_ =	shalt  }
0x6b: {  	_ =	shalt  }
0x6c: {  	_ =	shalt  }
0x6d: {  	_ =	shalt  }
0x6e: {  	_ =	shalt  }
0x6f: {  	_ =	shalt  }
0x70: {  	_ =	shalt  }
0x71: {  	_ =	shalt  }
0x72: {  	_ =	shalt  }
0x73: {  	_ =	shalt  }
0x74: {  	_ =	shalt  }
0x75: {  	_ =	shalt  }
0x76: {  	_ =	shalt  }
0x77: {  	_ =	shalt  }
0x78: {  	_ =	shalt  }
0x79: {  	_ =	shalt  }
0x7a: {  	_ =	shalt  }
0x7b: {  	_ =	shalt  }
0x7c: {  	_ =	shalt  }
0x7d: {  	_ =	shalt  }
0x7e: {  	_ =	shalt  }
0x7f: {  	_ =	shalt  }
0x80: {  	_ =	shalt  }
0x81: {  	_ =	shalt  }
0x82: {  	_ =	shalt  }
0x83: {  	_ =	shalt  }
0x84: {  	_ =	shalt  }
0x85: {  	_ =	shalt  }
0x86: {  	_ =	shalt  }
0x87: {  	_ =	shalt  }
.Lfunc_end0:
.L_simem_size_0:
called_computation_lowered:
.L_overlay_start_0:
0x88: {  	s2 =	sld [smem:$0x3FD9]  }
0x89: {  	s3 =	sld [smem:$0x3FFE];
	_ =	sdelay $0x1  }
0x8a: {  	s1 =	srdreg.scid  }
0x8b: {  	s0 =	sand.u32 $0x1, s1  }
0x8c: {  	s17 =	sshll.u32 s0, $0xA;
	s2 =	sadd.s32 s3, s2  }
0x8d: {  	s2 =	sadd.s32 s2, s17  }
0x8e: {  	[smem:$0x3FC5] =	sst s2  }
0x8f: {  	_ = 	snop  }
0x90: {  	s2 =	sld [smem:$0x3FC9]  }
0x91: {  	s18 =	sld [smem:$0x3FC8];
	(tm) =	ssettm $0x1  }
0x92: {  	s4 =	sld [smem:$0x3FFB];
	_ =	sdelay $0x3  }
0x93: {  	_ =	strace s4  }
0x94: {  	s4 =	sld [smem:$0x3FFC];
	_ =	sdelay $0x3  }
0x95: {  	_ =	strace s4  }
0x96: {  	s4 =	sld [smem:$0x3FFD];
	_ =	sdelay $0x3  }
0x97: {  	_ =	strace s4  }
0x98: {  	_ =	strace $0x8FFFFFFF  }
0x99: {  	s19 =	sld [smem:$0x3FDB];
	_ =	sdelay $0x1  }
0x9a: {  	s5 =	simm.s32 $_scs_section_size  }
0x9b: {  	s6 =	simm.s32 $_size__tile_overlayer_lowered;
	s7 =	simm.s32 $_tile_overlayer_lowered  }
0x9c: {  	s22 =	simm.s32 $0x1BFF;
	s21 =	sshll.u32 s7, $0x1;
	s4 =	sadd.s32 s5, s19  }
0x9d: {  	s8 =	simm.s32 $0x0;
	s20 =	sshll.u32 s6, $0x1;
	s6 =	sadd.s32 s21, s4  }
0x9e: {  	[timem:s8], [sflag:s22] =	dma.local [hbm:s6], s20  }
0x9f: {  	_ =	swait.ge [sflag:s22], s20  }
0xa0: {  	s5 =	ssub.s32 $0x0, s20;
	[sflag:s22] =	ssyncset.done $0x0  }
0xa1: {  	[sflag:s22] =	ssyncadd.s32 s5;
	_ =	sdelay $0x1  }
0xa2: {  	s23 =	simm.s32 $0x1B8B  }
0xa3: {  	_ =	swait.ge [sflag:s23], $0x1  }
0xa4: {  	[sflag:s23] =	ssyncset.done $0x0  }
0xa5: {  	s25 =	simm.s32 $0x1B8E;
	s24 =	sld [smem:$0x3FFE];
	[sflag:s23] =	ssyncadd.s32 $0xFFFFFFFF  }
0xa6: {  	s26 =	simm.s32 $execute0_lowered;
	[smem:$0x3FD2] =	sst s25  }
0xa7: {  	s6 =	sshll.u32 s26, $0x1;
	_ =	strace $0x80000046;
	[dreg:$0x1] =	wrdreg $0xFFFFFFFF  }
0xa8: {  	s28 =	simm.s32 $_size_execute0_lowered;
	s4 =	sadd.s32 s4, s6;
	[dreg:$0x0] =	wrdreg $0x0  }
0xa9: {  	s6 =	sshll.u32 s28, $0x1;
	[dreg:$0x2] =	wrdreg s4  }
0xaa: {  	[dreg:$0x3] =	wrdreg s6  }
0xab: {  	[dreg:$0x4] =	wrdreg $0xC0  }
0xac: {  	_ =	task [dreg:s8], $0x5FFFF  }
0xad: {  	[dreg:$0x1] =	wrdreg $0xFFFFFFFF  }
0xae: {  	[dreg:$0x0] =	wrdreg $0x60  }
0xaf: {  	[dreg:$0x2] =	wrdreg s2  }
0xb0: {  	[dreg:$0x3] =	wrdreg s18  }
0xb1: {  	[dreg:$0x4] =	wrdreg s24  }
0xb2: {  	[dreg:$0x5] =	wrdreg $0x9  }
0xb3: {  	_ =	task.clear_ibuf [dreg:s8], $0x6FFFF;
	_ =	strace $0x90000046  }
0xb4: {  	s29 =	simm.s32 $0x9;
	_ =	strace $0x80000048  }
0xb5: {  	_ =	swait.ge [sflag:s29], $0x1  }
0xb6: {  	[sflag:s29] =	ssyncadd.s32 $0xFFFFFFFF  }
0xb7: {  	_ =	strace $0x90000048  }
0xb8: {  	_ =	sfence  }
0xb9: {  	s30 =	sld [smem:$0x0];
	_ =	sdelay $0x2  }
0xba: {  	s31 =	sshll.u32 s1, $0xD;
	s1 =	sshrl.u32 s1, $0x2  }
0xbb: {  	s3 =	sand.u32 $0x4000, s31;
	s1 =	sadd.s32 s1, s30  }
0xbc: {  	s0 =	sor.u32 s3, s0;
	s1 =	sshll.u32 s1, $0x11  }
0xbd: {  	s0 =	sor.u32 s1, s0  }
0xbe: {  	s0 =	sadd.s32 $0x8F2B, s0  }
0xbf: {  	[sflag:s0] =	ssyncadd.remote.s32 $0x1  }
0xc0: {  	_ =	sfence.sel $0xFFFF  }
0xc1: {  	[dreg:$0x0] =	wrdreg $0xFFFFFFFF;
	(pc) =	sbr.abs _section_cstart, $3  }
0xc2: {  	[dreg:$0x1] =	wrdreg $0xFFFFFFFF  }
0xc3: {  	_ =	task.clear_ibuf [dreg:s8], $0x2FFFF;
	_ =	strace $0x9FFFFFFF  }
0xc4: {  	(tm) =	ssettm $0x7FFFFFFF  }
0xc5: {  	_ =	shalt  }
tec
execute0_lowered:
.L_overlay_start_1:
0x0: {  	(tag) =	ssettag $0x1  }
0x1: {  	s2 =	rddreg [dreg:$0x0]  }
0x2: {  	s3 =	rddreg [dreg:$0x1]  }
0x3: {  	s0 =	rddreg [dreg:$0x2]  }
0x4: {  	s9 =	stileid.u32;
	s1 =	srdreg.scid  }
0x5: {  	s4 =	simm.s32 $0x0;
	s19 =	simm.s32 $0x5;
	s24 =	simm.s32 $0x1  }
0x6: {  	s25 =	simm.s32 $0x3;
	s28 =	simm.s32 $0x4;
	s1 =	sand.u32 $0x1, s1  }
0x7: {  	s5 =	sshll.u32 s9, $0x1;
	[smem:$0x7FF] =	sst s4;
	s6 =	sshll.u32 s9, $0xC  }
0x8: {  	s8 =	sadd.s32 $0x600, s0;
	p0 =	slt.u32 s9, $0x9;
	s5 =	sor.u32 s1, s5  }
0x9: {  	_ =	strace $0x80000047;
	[dreg:$0x4] =	wrdreg s8;
	s7 =	smul.u32 $0x6, s5  }
0xa: {  	s6 =	sand.u32 $0xC000, s6;
	s1 =	ssub.s32 $0x2, s1;
	s8 =	smul.u32 $0x7, s5  }
0xb: {  	s0 =	sadd.s32 s6, s0;
	s26 =	sshrl.u32 s1, $0x1;
	s6 =	simm.s32 $0x7  }
0xc: {  	s5 =	sshll.u32 s5, $0x4;
	s1 =	ssub.s32 s1, s26;
	s6 =	simm.s32 @!p0 $0x6  }
0xd: {  	s5 =	sand.u32 $0x70, s5;
	s26 =	simm.s32 $0x2;
	s7 =	sadd.s32 $0x12, s7  }
0xe: {  	s0 =	sadd.s32 s5, s0;
	s18 =	smax.u32 s1, $0x1;
	s7 =	smov.u32 @p0 s8  }
0xf: {  	s17 =	sadd.s32 $0x800, s0;
	s0 =	simm.s32 $0x0;
	s8 =	sshll.u32 s7, $0xC  }
0x10: {  	s7 =	sshll.u32 s7, $0xF;
	s29 =	sadd.s32 s2, s8;
	s30 =	sadd.s32 s3, s8  }
0x11: {  	s8 =	sor.u32 $0x800, s8;
	s9 =	sadd.s32 $0x8000, s7;
	[dreg:$0x5] =	wrdreg s29  }
0x12: {  	s13 =	sadd.s32 $0xC000, s7;
	[dreg:$0x6] =	wrdreg s30;
	s10 =	sadd.s32 s2, s8  }
0x13: {  	s8 =	sadd.s32 s3, s8;
	s31 =	sshrl.u32 s9, $0x3;
	[dreg:$0x7] =	wrdreg s10  }
0x14: {  	s7 =	sshrl.u32 s13, $0x3;
	[dreg:$0x8] =	wrdreg s8;
	s12 =	sadd.s32 s2, s31  }
0x15: {  	s14 =	sadd.s32 s3, s31;
	s15 =	sadd.s32 s2, s7;
	s16 =	sadd.s32 s3, s7  }
.LBB2_1:
0x16: {  	s1 =	rddreg [dreg:$0x4]  }
0x17: {  	[tilespmem:s4], [sflag:$0x5] =	stream.linear.gather [hbm4b:s1+s4], $0x100, $0x38;
	[tilespmem:$0x14100] =	vst v63  }
0x18: {  	_ =	swait.ge [sflag:s19], $0x100  }
0x19: {  	[sflag:s19] =	ssyncset.done $0x0  }
0x1a: {  	s5 =	simm.s32 $0x100;
	s8 =	rddreg [dreg:$0x5];
	[sflag:s19] =	ssyncadd.s32 $0xFFFFFF00  }
0x1b: {  	[tilespmem:s5], [sflag:$0x1] =	stream.linear.gather [hbm4b:s8+s4], $0x4000, $0x38;
	[tilespmem:$0x14100] =	vst v63  }
0x1c: {  	s11 =	simm.s32 $0x8100;
	s10 =	rddreg [dreg:$0x6]  }
0x1d: {  	[tilespmem:s11], [sflag:$0x3] =	stream.linear.gather [hbm4b:s10+s4], $0x4000, $0x38;
	[tilespmem:$0x14100] =	vst v63  }
0x1e: {  	s21 =	simm.s32 $0x4100;
	s20 =	rddreg [dreg:$0x7]  }
0x1f: {  	[tilespmem:s21], [sflag:$0x2] =	stream.linear.gather [hbm4b:s20+s4], $0x4000, $0x38;
	[tilespmem:$0x14100] =	vst v63  }
0x20: {  	s23 =	simm.s32 $0xC100;
	s22 =	rddreg [dreg:$0x8]  }
0x21: {  	[tilespmem:s23], [sflag:$0x4] =	stream.linear.gather [hbm4b:s22+s4], $0x4000, $0x38;
	[tilespmem:$0x14100] =	vst v63  }
0x22: {  	_ =	swait.ge [sflag:s24], $0x4000  }
0x23: {  	[sflag:s24] =	ssyncset.done $0x0  }
0x24: {  	[sflag:s24] =	ssyncadd.s32 $0xFFFFC000  }
0x25: {  	_ =	swait.ge [sflag:s25], $0x4000  }
0x26: {  	[sflag:s25] =	ssyncset.done $0x0  }
0x27: {  	s29 =	simm.s32 $0x8200;
	[sflag:s25] =	ssyncadd.s32 $0xFFFFC000  }
0x28: {  	s30 =	simm.s32 $0x200;
	v0 =	vld [tilespmem:s29+$0x0]  }
0x29: {  	v1 =	vld [tilespmem:s30+$0x0];
	_ =	sdelay $0x3  }
0x2a: {  	v0 =	vtrunc.f32 v0  }
0x2b: {  	v2 =	vtrunc.f32 v1;
	v0 =	vcvt.f32.s32 v0  }
0x2c: {  	vm0 =	vgt.f32 v1, $0.0e+00;
	vm1 =	vle.f32 v1, $2.220000000e+02;
	v1 =	vcvt.f32.s32 v2;
	v2 =	vld [tilespmem:s30+$0xFFFFFF00]  }
0x2d: {  	vm0 =	vmand vm0, vm1  }
0x2e: {  	v1 =	vnsel vm0, $0x0, v1  }
0x2f: {  	v3 =	vld [tilespmem:s29+$0xFFFFFF00]  }
0x30: {  	v4 =	vld [tilespmem:s30+$0x80]  }
0x31: {  	v5 =	vtrunc.f32 v2;
	v0 =	vld.idx.msk [tilespmem:v0+s4+$0x0], $0xffff  }
0x32: {  	vm10 =	vgt.f32 v2, $0.0e+00;
	vm11 =	vle.f32 v2, $2.220000000e+02;
	v2 =	vcvt.f32.s32 v5;
	v5 =	vld [tilespmem:s29+$0x80]  }
0x33: {  	v1 =	vld.idx.msk [tilespmem:v1+s4+$0x0], $0xffff  }
0x34: {  	v3 =	vtrunc.f32 v3;
	vm0 =	vmand vm10, vm11  }
0x35: {  	v3 =	vcvt.f32.s32 v3;
	v2 =	vnsel vm0, $0x0, v2;
	_ =	sdelay $0x2  }
0x36: {  	v6 =	vld [tilespmem:s30+$0xFFFFFF80];
	v0 =	vmul.f32 v0, v5;
	v1 =	vmul.f32 v1, v4  }
0x37: {  	v4 =	vld [tilespmem:s29+$0xFFFFFF80]  }
0x38: {  	v2 =	vld.idx.msk [tilespmem:v2+s4+$0x0], $0xffff;
	v0 =	vsub.f32 v0, v1  }
0x39: {  	s1 =	simm.s32 $0x10180;
	v1 =	vld.idx.msk [tilespmem:v3+s4+$0x0], $0xffff  }
0x3a: {  	[tilespmem:s1+$0x0] =	vst v0  }
0x3b: {  	v0 =	vld [tilespmem:s29+$0x10]  }
0x3c: {  	v3 =	vld [tilespmem:s30+$0x10];
	_ =	sdelay $0x1  }
0x3d: {  	v2 =	vmul.f32 v2, v6;
	v1 =	vmul.f32 v1, v4;
	_ =	sdelay $0x1  }
0x3e: {  	v1 =	vsub.f32 v1, v2  }
0x3f: {  	vm12 =	vgt.f32 v3, $0.0e+00;
	v2 =	vtrunc.f32 v3;
	v0 =	vtrunc.f32 v0  }
0x40: {  	vm13 =	vle.f32 v3, $2.220000000e+02;
	v2 =	vcvt.f32.s32 v2;
	v0 =	vcvt.f32.s32 v0  }
0x41: {  	[tilespmem:s1+$0xFFFFFF80] =	vst v1;
	vm0 =	vmand vm12, vm13  }
0x42: {  	v1 =	vld [tilespmem:s30+$0xFFFFFF10];
	v2 =	vnsel vm0, $0x0, v2;
	_ =	sdelay $0x1  }
0x43: {  	v3 =	vld [tilespmem:s29+$0xFFFFFF10]  }
0x44: {  	v4 =	vld [tilespmem:s30+$0x90]  }
0x45: {  	v0 =	vld.idx.msk [tilespmem:v0+s4+$0x0], $0xffff  }
0x46: {  	v5 =	vtrunc.f32 v1;
	v2 =	vld.idx.msk [tilespmem:v2+s4+$0x0], $0xffff  }
0x47: {  	vm14 =	vgt.f32 v1, $0.0e+00;
	vm15 =	vle.f32 v1, $2.220000000e+02;
	v1 =	vcvt.f32.s32 v5;
	v5 =	vld [tilespmem:s29+$0x90]  }
0x48: {  	v3 =	vtrunc.f32 v3;
	vm0 =	vmand vm14, vm15  }
0x49: {  	v3 =	vcvt.f32.s32 v3;
	v1 =	vnsel vm0, $0x0, v1;
	_ =	sdelay $0x2  }
0x4a: {  	v6 =	vld [tilespmem:s30+$0xFFFFFF90];
	v0 =	vmul.f32 v0, v5;
	v2 =	vmul.f32 v2, v4  }
0x4b: {  	v4 =	vld [tilespmem:s29+$0xFFFFFF90]  }
0x4c: {  	v1 =	vld.idx.msk [tilespmem:v1+s4+$0x0], $0xffff;
	v0 =	vsub.f32 v0, v2  }
0x4d: {  	v2 =	vld.idx.msk [tilespmem:v3+s4+$0x0], $0xffff  }
0x4e: {  	[tilespmem:s1+$0x10] =	vst v0  }
0x4f: {  	v0 =	vld [tilespmem:s29+$0x20]  }
0x50: {  	v3 =	vld [tilespmem:s30+$0x20];
	_ =	sdelay $0x1  }
0x51: {  	v1 =	vmul.f32 v1, v6;
	v2 =	vmul.f32 v2, v4;
	_ =	sdelay $0x1  }
0x52: {  	v1 =	vsub.f32 v2, v1  }
0x53: {  	vm4 =	vgt.f32 v3, $0.0e+00;
	v2 =	vtrunc.f32 v3;
	v0 =	vtrunc.f32 v0  }
0x54: {  	vm5 =	vle.f32 v3, $2.220000000e+02;
	v2 =	vcvt.f32.s32 v2;
	v0 =	vcvt.f32.s32 v0  }
0x55: {  	vm0 =	vmand vm4, vm5;
	[tilespmem:s1+$0xFFFFFF90] =	vst v1  }
0x56: {  	v1 =	vnsel vm0, $0x0, v2;
	v2 =	vld [tilespmem:s30+$0xFFFFFF20]  }
0x57: {  	v4 =	vld [tilespmem:s30+$0xA0]  }
0x58: {  	v3 =	vld [tilespmem:s29+$0xFFFFFF20]  }
0x59: {  	v6 =	vld [tilespmem:s29+$0xA0]  }
0x5a: {  	v0 =	vld.idx.msk [tilespmem:v0+s4+$0x0], $0xffff  }
0x5b: {  	v1 =	vld.idx.msk [tilespmem:v1+s4+$0x0], $0xffff;
	v5 =	vtrunc.f32 v2  }
0x5c: {  	vm6 =	vgt.f32 v2, $0.0e+00;
	vm7 =	vle.f32 v2, $2.220000000e+02;
	v2 =	vcvt.f32.s32 v5  }
0x5d: {  	v3 =	vtrunc.f32 v3;
	vm0 =	vmand vm6, vm7  }
0x5e: {  	v3 =	vcvt.f32.s32 v3;
	v2 =	vnsel vm0, $0x0, v2;
	_ =	sdelay $0x1  }
0x5f: {  	v0 =	vmul.f32 v0, v6;
	v1 =	vmul.f32 v1, v4  }
0x60: {  	v5 =	vld [tilespmem:s29+$0xFFFFFFA0]  }
0x61: {  	v4 =	vld [tilespmem:s30+$0xFFFFFFA0];
	v0 =	vsub.f32 v0, v1  }
0x62: {  	v1 =	vld.idx.msk [tilespmem:v2+s4+$0x0], $0xffff  }
0x63: {  	v2 =	vld.idx.msk [tilespmem:v3+s4+$0x0], $0xffff;
	[tilespmem:s1+$0x20] =	vst v0  }
0x64: {  	v0 =	vld [tilespmem:s29+$0x30]  }
0x65: {  	v3 =	vld [tilespmem:s30+$0x30];
	_ =	sdelay $0x3  }
0x66: {  	v1 =	vmul.f32 v1, v4;
	v2 =	vmul.f32 v2, v5  }
0x67: {  	vm8 =	vgt.f32 v3, $0.0e+00;
	v4 =	vtrunc.f32 v3;
	v0 =	vtrunc.f32 v0  }
0x68: {  	vm9 =	vle.f32 v3, $2.220000000e+02;
	v3 =	vcvt.f32.s32 v4;
	v0 =	vcvt.f32.s32 v0  }
0x69: {  	v1 =	vsub.f32 v2, v1;
	vm0 =	vmand vm8, vm9  }
0x6a: {  	v2 =	vnsel vm0, $0x0, v3  }
0x6b: {  	v4 =	vld [tilespmem:s29+$0xB0];
	[tilespmem:s1+$0xFFFFFFA0] =	vst v1  }
0x6c: {  	v1 =	vld [tilespmem:s30+$0xFFFFFF30]  }
0x6d: {  	v3 =	vld [tilespmem:s30+$0xB0]  }
0x6e: {  	v0 =	vld.idx.msk [tilespmem:v0+s4+$0x0], $0xffff  }
0x6f: {  	v2 =	vld.idx.msk [tilespmem:v2+s4+$0x0], $0xffff;
	_ =	sdelay $0x1  }
0x70: {  	s31 =	simm.s32 $0x8400  }
0x71: {  	v6 =	vld [tilespmem:s31+$0x0]  }
0x72: {  	v5 =	vtrunc.f32 v1;
	vm10 =	vgt.f32 v1, $0.0e+00  }
0x73: {  	s20 =	simm.s32 $0x400;
	vm11 =	vle.f32 v1, $2.220000000e+02;
	v0 =	vmul.f32 v0, v4;
	v1 =	vmul.f32 v2, v3  }
0x74: {  	v2 =	vld [tilespmem:s20+$0x0]  }
0x75: {  	v9 =	vld [tilespmem:s31+$0xFFFFFF00];
	v0 =	vsub.f32 v0, v1  }
0x76: {  	v10 =	vld [tilespmem:s20+$0xFFFFFF80];
	v6 =	vtrunc.f32 v6  }
0x77: {  	v6 =	vcvt.f32.s32 v6;
	v3 =	vld [tilespmem:s29+$0xFFFFFF30];
	[tilespmem:s1+$0x30] =	vst v0  }
0x78: {  	v8 =	vld [tilespmem:s30+$0x40]  }
0x79: {  	v5 =	vcvt.f32.s32 v5;
	vm0 =	vmand vm10, vm11;
	v0 =	vld [tilespmem:s29+$0x40];
	v7 =	vtrunc.f32 v2  }
0x7a: {  	vm12 =	vgt.f32 v2, $0.0e+00;
	vm13 =	vle.f32 v2, $2.220000000e+02;
	v2 =	vcvt.f32.s32 v7;
	v7 =	vld [tilespmem:s20+$0xFFFFFF00]  }
0x7b: {  	v12 =	vld [tilespmem:s20+$0x80];
	v4 =	vnsel vm0, $0x0, v5;
	vm0 =	vmand vm12, vm13  }
0x7c: {  	v13 =	vld [tilespmem:s31+$0xFFFFFF80];
	v3 =	vtrunc.f32 v3;
	v2 =	vnsel vm0, $0x0, v2  }
0x7d: {  	v6 =	vld.idx.msk [tilespmem:v6+s4+$0x0], $0xffff;
	v3 =	vcvt.f32.s32 v3;
	vm14 =	vgt.f32 v8, $0.0e+00;
	v11 =	vtrunc.f32 v8  }
0x7e: {  	v5 =	vld [tilespmem:s29+$0xFFFFFFB0];
	v0 =	vtrunc.f32 v0;
	vm15 =	vle.f32 v8, $2.220000000e+02;
	v8 =	vcvt.f32.s32 v11  }
0x7f: {  	v1 =	vld [tilespmem:s30+$0xFFFFFFB0];
	v0 =	vcvt.f32.s32 v0;
	v11 =	vtrunc.f32 v7  }
0x80: {  	vm2 =	vgt.f32 v7, $0.0e+00;
	vm4 =	vle.f32 v7, $2.220000000e+02;
	v7 =	vcvt.f32.s32 v11;
	v11 =	vld [tilespmem:s31+$0x80]  }
0x81: {  	vm0 =	vmand vm14, vm15;
	v2 =	vld.idx.msk [tilespmem:v2+s4+$0x0], $0xffff  }
0x82: {  	v9 =	vtrunc.f32 v9;
	v4 =	vld.idx.msk [tilespmem:v4+s4+$0x0], $0xffff;
	vm5 =	vmand vm2, vm4;
	v8 =	vnsel vm0, $0x0, v8  }
0x83: {  	v9 =	vcvt.f32.s32 v9;
	v14 =	vld [tilespmem:s30+$0xC0];
	v7 =	vnsel vm5, $0x0, v7  }
0x84: {  	v3 =	vld.idx.msk [tilespmem:v3+s4+$0x0], $0xffff  }
0x85: {  	v0 =	vld.idx.msk [tilespmem:v0+s4+$0x0], $0xffff  }
0x86: {  	v6 =	vmul.f32 v6, v11;
	v11 =	vld [tilespmem:s29+$0xC0];
	v2 =	vmul.f32 v2, v12  }
0x87: {  	v8 =	vld.idx.msk [tilespmem:v8+s4+$0x0], $0xffff  }
0x88: {  	v7 =	vld.idx.msk [tilespmem:v7+s4+$0x0], $0xffff;
	v2 =	vsub.f32 v6, v2  }
0x89: {  	s21 =	simm.s32 $0x10280;
	v6 =	vld.idx.msk [tilespmem:v9+s4+$0x0], $0xffff  }
0x8a: {  	[tilespmem:s21+$0x0] =	vst v2  }
0x8b: {  	v2 =	vld [tilespmem:s31+$0x10]  }
0x8c: {  	v0 =	vmul.f32 v0, v11;
	v8 =	vmul.f32 v8, v14;
	v9 =	vld [tilespmem:s20+$0x10]  }
0x8d: {  	v1 =	vmul.f32 v4, v1;
	v3 =	vmul.f32 v3, v5  }
0x8e: {  	v4 =	vmul.f32 v7, v10;
	v0 =	vsub.f32 v0, v8;
	v5 =	vmul.f32 v6, v13;
	_ =	sdelay $0x1  }
0x8f: {  	v1 =	vsub.f32 v3, v1;
	[tilespmem:s1+$0x40] =	vst v0;
	v0 =	vsub.f32 v5, v4  }
0x90: {  	v3 =	vld [tilespmem:s29+$0x50];
	vm6 =	vgt.f32 v9, $0.0e+00;
	v4 =	vtrunc.f32 v9;
	v2 =	vtrunc.f32 v2  }
0x91: {  	[tilespmem:s1+$0xFFFFFFB0] =	vst v1;
	v1 =	vld [tilespmem:s30+$0x50];
	vm7 =	vle.f32 v9, $2.220000000e+02;
	v4 =	vcvt.f32.s32 v4;
	v2 =	vcvt.f32.s32 v2  }
0x92: {  	v6 =	vld [tilespmem:s29+$0xFFFFFF40];
	[tilespmem:s21+$0xFFFFFF80] =	vst v0;
	vm0 =	vmand vm6, vm7  }
0x93: {  	v0 =	vld [tilespmem:s20+$0xFFFFFF10];
	v4 =	vnsel vm0, $0x0, v4  }
0x94: {  	v5 =	vld [tilespmem:s30+$0xFFFFFF40]  }
0x95: {  	v7 =	vld [tilespmem:s31+$0xFFFFFF10]  }
0x96: {  	v9 =	vld [tilespmem:s20+$0x90];
	vm8 =	vgt.f32 v1, $0.0e+00;
	v8 =	vtrunc.f32 v1;
	v3 =	vtrunc.f32 v3  }
0x97: {  	vm9 =	vle.f32 v1, $2.220000000e+02;
	v1 =	vcvt.f32.s32 v8;
	v3 =	vcvt.f32.s32 v3;
	v2 =	vld.idx.msk [tilespmem:v2+s4+$0x0], $0xffff  }
0x98: {  	vm0 =	vmand vm8, vm9;
	vm10 =	vgt.f32 v0, $0.0e+00;
	v8 =	vtrunc.f32 v0;
	v4 =	vld.idx.msk [tilespmem:v4+s4+$0x0], $0xffff  }
0x99: {  	vm11 =	vle.f32 v0, $2.220000000e+02;
	v0 =	vcvt.f32.s32 v8;
	v1 =	vnsel vm0, $0x0, v1;
	v8 =	vld [tilespmem:s31+$0x90]  }
0x9a: {  	v12 =	vld [tilespmem:s30+$0xD0];
	v7 =	vtrunc.f32 v7;
	vm12 =	vmand vm10, vm11  }
0x9b: {  	v10 =	vld [tilespmem:s20+$0xFFFFFF90];
	v7 =	vcvt.f32.s32 v7;
	v0 =	vnsel vm12, $0x0, v0  }
0x9c: {  	v11 =	vld [tilespmem:s31+$0xFFFFFF90]  }
0x9d: {  	v3 =	vld.idx.msk [tilespmem:v3+s4+$0x0], $0xffff  }
0x9e: {  	v1 =	vld.idx.msk [tilespmem:v1+s4+$0x0], $0xffff;
	v2 =	vmul.f32 v2, v8;
	v4 =	vmul.f32 v4, v9  }
0x9f: {  	vm13 =	vgt.f32 v5, $0.0e+00;
	v8 =	vtrunc.f32 v5;
	v9 =	vld [tilespmem:s29+$0xD0]  }
0xa0: {  	vm14 =	vle.f32 v5, $2.220000000e+02;
	v5 =	vcvt.f32.s32 v8;
	v0 =	vld.idx.msk [tilespmem:v0+s4+$0x0], $0xffff;
	v2 =	vsub.f32 v2, v4  }
0xa1: {  	vm0 =	vmand vm13, vm14;
	v4 =	vtrunc.f32 v6;
	v6 =	vld.idx.msk [tilespmem:v7+s4+$0x0], $0xffff  }
0xa2: {  	v4 =	vcvt.f32.s32 v4;
	v5 =	vnsel vm0, $0x0, v5;
	[tilespmem:s21+$0x10] =	vst v2  }
0xa3: {  	v2 =	vld [tilespmem:s31+$0x20]  }
0xa4: {  	v7 =	vld [tilespmem:s20+$0x20];
	v3 =	vmul.f32 v3, v9;
	v1 =	vmul.f32 v1, v12  }
0xa5: {  	v8 =	vld [tilespmem:s30+$0xFFFFFFC0]  }
0xa6: {  	v9 =	vld [tilespmem:s29+$0xFFFFFFC0];
	v0 =	vmul.f32 v0, v10;
	v6 =	vmul.f32 v6, v11;
	v1 =	vsub.f32 v3, v1  }
0xa7: {  	v5 =	vld.idx.msk [tilespmem:v5+s4+$0x0], $0xffff  }
0xa8: {  	v3 =	vld.idx.msk [tilespmem:v4+s4+$0x0], $0xffff;
	v0 =	vsub.f32 v6, v0;
	[tilespmem:s1+$0x50] =	vst v1  }
0xa9: {  	vm15 =	vgt.f32 v7, $0.0e+00;
	v1 =	vtrunc.f32 v7;
	v2 =	vtrunc.f32 v2;
	v6 =	vld [tilespmem:s30+$0x60]  }
0xaa: {  	s5 =	simm.s32 $0x600;
	v4 =	vld [tilespmem:s29+$0x60];
	vm4 =	vle.f32 v7, $2.220000000e+02;
	v1 =	vcvt.f32.s32 v1;
	v2 =	vcvt.f32.s32 v2  }
0xab: {  	v32 =	vld [tilespmem:s5+$0xFFFFFF00];
	vm0 =	vmand vm15, vm4;
	[tilespmem:s21+$0xFFFFFF90] =	vst v0  }
0xac: {  	v7 =	vld [tilespmem:s31+$0xFFFFFF20];
	v0 =	vnsel vm0, $0x0, v1  }
0xad: {  	v1 =	vmul.f32 v5, v8;
	v5 =	vld [tilespmem:s20+$0xFFFFFF20];
	v3 =	vmul.f32 v3, v9  }
0xae: {  	v9 =	vld [tilespmem:s31+$0xA0];
	vm5 =	vgt.f32 v6, $0.0e+00  }
0xaf: {  	v8 =	vtrunc.f32 v6;
	v4 =	vtrunc.f32 v4;
	v1 =	vsub.f32 v3, v1;
	v3 =	vld [tilespmem:s20+$0xA0]  }
0xb0: {  	vm6 =	vle.f32 v6, $2.220000000e+02;
	v6 =	vcvt.f32.s32 v8;
	v4 =	vcvt.f32.s32 v4;
	v2 =	vld.idx.msk [tilespmem:v2+s4+$0x0], $0xffff  }
0xb1: {  	vm0 =	vmand vm5, vm6;
	v7 =	vtrunc.f32 v7;
	v0 =	vld.idx.msk [tilespmem:v0+s4+$0x0], $0xffff  }
0xb2: {  	v11 =	vld [tilespmem:s30+$0xE0];
	vm7 =	vgt.f32 v5, $0.0e+00;
	v8 =	vtrunc.f32 v5;
	v6 =	vnsel vm0, $0x0, v6  }
0xb3: {  	v10 =	vld [tilespmem:s20+$0xFFFFFFA0];
	vm8 =	vle.f32 v5, $2.220000000e+02;
	v7 =	vcvt.f32.s32 v7;
	v5 =	vcvt.f32.s32 v8  }
0xb4: {  	[tilespmem:s1+$0xFFFFFFC0] =	vst v1;
	v1 =	vld [tilespmem:s31+$0xFFFFFFA0];
	vm9 =	vmand vm7, vm8  }
0xb5: {  	v8 =	vld [tilespmem:s30+$0xFFFFFF50];
	v5 =	vnsel vm9, $0x0, v5  }
0xb6: {  	v4 =	vld.idx.msk [tilespmem:v4+s4+$0x0], $0xffff;
	v2 =	vmul.f32 v2, v9;
	v0 =	vmul.f32 v0, v3  }
0xb7: {  	v3 =	vld.idx.msk [tilespmem:v6+s4+$0x0], $0xffff  }
0xb8: {  	v6 =	vld [tilespmem:s29+$0xE0];
	v0 =	vsub.f32 v2, v0  }
0xb9: {  	v7 =	vld.idx.msk [tilespmem:v7+s4+$0x0], $0xffff  }
0xba: {  	v2 =	vld.idx.msk [tilespmem:v5+s4+$0x0], $0xffff;
	v5 =	vtrunc.f32 v8;
	[tilespmem:s21+$0x20] =	vst v0  }
0xbb: {  	vm10 =	vgt.f32 v8, $0.0e+00;
	vm11 =	vle.f32 v8, $2.220000000e+02;
	v0 =	vcvt.f32.s32 v5;
	v5 =	vld [tilespmem:s31+$0x30]  }
0xbc: {  	s22 =	simm.s32 $0x8600;
	vm0 =	vmand vm10, vm11;
	v8 =	vld [tilespmem:s20+$0x30]  }
0xbd: {  	v17 =	vld [tilespmem:s22+$0xFFFFFF00];
	v0 =	vnsel vm0, $0x0, v0  }
0xbe: {  	v18 =	vld [tilespmem:s5+$0xFFFFFF80];
	v4 =	vmul.f32 v4, v6;
	v3 =	vmul.f32 v3, v11  }
0xbf: {  	v33 =	vld [tilespmem:s5+$0x80]  }
0xc0: {  	v35 =	vld [tilespmem:s22+$0x80];
	v1 =	vmul.f32 v7, v1;
	v3 =	vsub.f32 v4, v3;
	v2 =	vmul.f32 v2, v10  }
0xc1: {  	v6 =	vld [tilespmem:s29+$0xFFFFFF50];
	vm12 =	vgt.f32 v8, $0.0e+00;
	v7 =	vtrunc.f32 v8;
	v5 =	vtrunc.f32 v5  }
0xc2: {  	vm13 =	vle.f32 v8, $2.220000000e+02;
	v9 =	vld.idx.msk [tilespmem:v0+s4+$0x0], $0xffff;
	v0 =	vcvt.f32.s32 v7;
	v5 =	vcvt.f32.s32 v5  }
0xc3: {  	v17 =	vtrunc.f32 v17;
	v11 =	vld [tilespmem:s31+$0xB0];
	[tilespmem:s1+$0x60] =	vst v3;
	vm0 =	vmand vm12, vm13  }
0xc4: {  	v17 =	vcvt.f32.s32 v17;
	v1 =	vsub.f32 v1, v2;
	v2 =	vld [tilespmem:s29+$0x70];
	v0 =	vnsel vm0, $0x0, v0  }
0xc5: {  	v3 =	vld [tilespmem:s30+$0x70]  }
0xc6: {  	v8 =	vld [tilespmem:s20+$0xB0];
	[tilespmem:s21+$0xFFFFFFA0] =	vst v1  }
0xc7: {  	v1 =	vld [tilespmem:s20+$0xFFFFFF30]  }
0xc8: {  	v6 =	vtrunc.f32 v6;
	v5 =	vld.idx.msk [tilespmem:v5+s4+$0x0], $0xffff  }
0xc9: {  	v6 =	vcvt.f32.s32 v6;
	v10 =	vld.idx.msk [tilespmem:v0+s4+$0x0], $0xffff  }
0xca: {  	v36 =	vld.idx.msk [tilespmem:v17+s4+$0x0], $0xffff;
	vm14 =	vgt.f32 v3, $0.0e+00;
	v2 =	vtrunc.f32 v2;
	v0 =	vtrunc.f32 v3  }
0xcb: {  	v4 =	vld [tilespmem:s30+$0xFFFFFFD0];
	vm15 =	vle.f32 v3, $2.220000000e+02;
	v2 =	vcvt.f32.s32 v2;
	v0 =	vcvt.f32.s32 v0  }
0xcc: {  	v7 =	vld [tilespmem:s29+$0xFFFFFFD0];
	vm0 =	vmand vm14, vm15  }
0xcd: {  	v15 =	vnsel vm0, $0x0, v0;
	v5 =	vmul.f32 v5, v11;
	v11 =	vld [tilespmem:s5+$0x0]  }
0xce: {  	v3 =	vtrunc.f32 v1;
	v8 =	vmul.f32 v10, v8;
	v10 =	vld [tilespmem:s22+$0x0]  }
0xcf: {  	v12 =	vld [tilespmem:s31+$0xFFFFFF30];
	vm4 =	vgt.f32 v1, $0.0e+00;
	vm5 =	vle.f32 v1, $2.220000000e+02;
	v1 =	vcvt.f32.s32 v3  }
0xd0: {  	v6 =	vld.idx.msk [tilespmem:v6+s4+$0x0], $0xffff;
	vm0 =	vmand vm4, vm5;
	v3 =	vsub.f32 v5, v8  }
0xd1: {  	v5 =	vnsel vm0, $0x0, v1;
	v1 =	vld.idx.msk [tilespmem:v2+s4+$0x0], $0xffff  }
0xd2: {  	v2 =	vld.idx.msk [tilespmem:v15+s4+$0x0], $0xffff;
	[tilespmem:s21+$0x30] =	vst v3  }
0xd3: {  	vm6 =	vgt.f32 v11, $0.0e+00;
	v16 =	vtrunc.f32 v11;
	v8 =	vld [tilespmem:s31+$0x40];
	v10 =	vtrunc.f32 v10  }
0xd4: {  	vm7 =	vle.f32 v11, $2.220000000e+02;
	v15 =	vld [tilespmem:s20+$0x40];
	v11 =	vcvt.f32.s32 v16;
	v10 =	vcvt.f32.s32 v10  }
0xd5: {  	v13 =	vld [tilespmem:s20+$0xFFFFFFB0];
	vm0 =	vmand vm6, vm7  }
0xd6: {  	v14 =	vld [tilespmem:s31+$0xFFFFFFB0];
	v4 =	vmul.f32 v9, v4;
	v6 =	vmul.f32 v6, v7;
	v11 =	vnsel vm0, $0x0, v11  }
0xd7: {  	v20 =	vtrunc.f32 v32;
	v0 =	vld [tilespmem:s30+$0xF0];
	v3 =	vtrunc.f32 v12  }
0xd8: {  	v34 =	vcvt.f32.s32 v20;
	v4 =	vsub.f32 v6, v4;
	v6 =	vld [tilespmem:s22+$0xFFFFFF80];
	v12 =	vcvt.f32.s32 v3  }
0xd9: {  	v3 =	vld [tilespmem:s29+$0xF0];
	vm8 =	vgt.f32 v15, $0.0e+00;
	v19 =	vtrunc.f32 v15;
	v8 =	vtrunc.f32 v8  }
0xda: {  	vm9 =	vle.f32 v15, $2.220000000e+02;
	v15 =	vcvt.f32.s32 v19;
	v8 =	vcvt.f32.s32 v8;
	v10 =	vld.idx.msk [tilespmem:v10+s4+$0x0], $0xffff  }
0xdb: {  	vm10 =	vgt.f32 v32, $0.0e+00;
	vm11 =	vle.f32 v32, $2.220000000e+02;
	vm0 =	vmand vm8, vm9;
	v11 =	vld.idx.msk [tilespmem:v11+s4+$0x0], $0xffff  }
0xdc: {  	v21 =	vld [tilespmem:s20+$0xC0];
	v15 =	vnsel vm0, $0x0, v15;
	vm0 =	vmand vm10, vm11  }
0xdd: {  	v9 =	vld [tilespmem:s31+$0xC0];
	v16 =	vnsel vm0, $0x0, v34  }
0xde: {  	v5 =	vld.idx.msk [tilespmem:v5+s4+$0x0], $0xffff  }
0xdf: {  	v12 =	vld.idx.msk [tilespmem:v12+s4+$0x0], $0xffff  }
0xe0: {  	v8 =	vld.idx.msk [tilespmem:v8+s4+$0x0], $0xffff;
	v10 =	vmul.f32 v10, v35;
	v11 =	vmul.f32 v11, v33  }
0xe1: {  	v7 =	vld.idx.msk [tilespmem:v15+s4+$0x0], $0xffff  }
0xe2: {  	[tilespmem:s1+$0xFFFFFFD0] =	vst v4;
	v15 =	vld.idx.msk [tilespmem:v16+s4+$0x0], $0xffff;
	v4 =	vsub.f32 v10, v11  }
0xe3: {  	s23 =	simm.s32 $0x10380;
	v10 =	vld [tilespmem:s30+$0xFFFFFF60]  }
0xe4: {  	v5 =	vmul.f32 v5, v13;
	v11 =	vmul.f32 v12, v14;
	v12 =	vld [tilespmem:s29+$0xFFFFFF60];
	[tilespmem:s23+$0x0] =	vst v4  }
0xe5: {  	v4 =	vmul.f32 v8, v9;
	v8 =	vld [tilespmem:s22+$0x10]  }
0xe6: {  	v5 =	vsub.f32 v11, v5;
	v9 =	vld [tilespmem:s5+$0x10]  }
0xe7: {  	v40 =	vld [tilespmem:s5+$0x90];
	v7 =	vmul.f32 v7, v21  }
0xe8: {  	v42 =	vld [tilespmem:s22+$0x90];
	[tilespmem:s21+$0xFFFFFFB0] =	vst v5  }
0xe9: {  	v6 =	vmul.f32 v36, v6;
	v5 =	vmul.f32 v15, v18;
	v11 =	vld [tilespmem:s20+$0xFFFFFF40];
	v7 =	vsub.f32 v4, v7  }
0xea: {  	v13 =	vld [tilespmem:s31+$0xFFFFFF40]  }
0xeb: {  	v15 =	vld [tilespmem:s31+$0xFFFFFFC0];
	v5 =	vsub.f32 v6, v5;
	[tilespmem:s21+$0x40] =	vst v7  }
0xec: {  	v7 =	vld [tilespmem:s20+$0x50]  }
0xed: {  	vm12 =	vgt.f32 v9, $0.0e+00;
	v8 =	vtrunc.f32 v8;
	v6 =	vld [tilespmem:s31+$0x50];
	[tilespmem:s23+$0xFFFFFF80] =	vst v5;
	v5 =	vtrunc.f32 v9  }
0xee: {  	vm13 =	vle.f32 v9, $2.220000000e+02;
	v8 =	vcvt.f32.s32 v8;
	v14 =	vld [tilespmem:s5+$0xFFFFFF10];
	v5 =	vcvt.f32.s32 v5  }
0xef: {  	vm0 =	vmand vm12, vm13;
	v37 =	vld [tilespmem:s22+$0xFFFFFF10];
	vm6 =	vgt.f32 v11, $0.0e+00;
	v43 =	vtrunc.f32 v11  }
0xf0: {  	v4 =	vld [tilespmem:s30+$0xFFFFFFE0];
	vm7 =	vle.f32 v11, $2.220000000e+02;
	v13 =	vtrunc.f32 v13;
	v5 =	vnsel vm0, $0x0, v5  }
0xf1: {  	v9 =	vld [tilespmem:s20+$0xFFFFFFC0];
	v13 =	vcvt.f32.s32 v13;
	vm14 =	vgt.f32 v7, $0.0e+00;
	v38 =	vtrunc.f32 v7  }
0xf2: {  	v45 =	vld [tilespmem:s20+$0xD0];
	v6 =	vtrunc.f32 v6;
	vm15 =	vle.f32 v7, $2.220000000e+02;
	v7 =	vcvt.f32.s32 v38  }
0xf3: {  	v47 =	vld [tilespmem:s31+$0xD0];
	v6 =	vcvt.f32.s32 v6;
	vm4 =	vgt.f32 v14, $0.0e+00;
	vm0 =	vmand vm14, vm15  }
0xf4: {  	v41 =	vtrunc.f32 v14;
	vm5 =	vle.f32 v14, $2.220000000e+02;
	v8 =	vld.idx.msk [tilespmem:v8+s4+$0x0], $0xffff;
	v11 =	vtrunc.f32 v37  }
0xf5: {  	v14 =	vcvt.f32.s32 v41;
	v11 =	vcvt.f32.s32 v11;
	v7 =	vnsel vm0, $0x0, v7;
	v5 =	vld.idx.msk [tilespmem:v5+s4+$0x0], $0xffff  }
0xf6: {  	v39 =	vld [tilespmem:s5+$0xFFFFFF90];
	v44 =	vcvt.f32.s32 v43;
	vm1 =	vmand vm4, vm5  }
0xf7: {  	v12 =	vtrunc.f32 v12;
	v48 =	vld [tilespmem:s22+$0xFFFFFF90];
	vm0 =	vmand vm6, vm7;
	v14 =	vnsel vm1, $0x0, v14  }
0xf8: {  	v46 =	vtrunc.f32 v10;
	v12 =	vcvt.f32.s32 v12;
	v13 =	vld.idx.msk [tilespmem:v13+s4+$0x0], $0xffff;
	v16 =	vnsel vm0, $0x0, v44  }
0xf9: {  	vm8 =	vgt.f32 v10, $0.0e+00;
	vm9 =	vle.f32 v10, $2.220000000e+02;
	v10 =	vcvt.f32.s32 v46;
	v6 =	vld.idx.msk [tilespmem:v6+s4+$0x0], $0xffff  }
0xfa: {  	v8 =	vmul.f32 v8, v42;
	v7 =	vld.idx.msk [tilespmem:v7+s4+$0x0], $0xffff;
	v5 =	vmul.f32 v5, v40  }
0xfb: {  	vm0 =	vmand vm8, vm9;
	v11 =	vld.idx.msk [tilespmem:v11+s4+$0x0], $0xffff  }
0xfc: {  	v10 =	vnsel vm0, $0x0, v10;
	v14 =	vld.idx.msk [tilespmem:v14+s4+$0x0], $0xffff;
	v5 =	vsub.f32 v8, v5  }
0xfd: {  	v8 =	vld.idx.msk [tilespmem:v16+s4+$0x0], $0xffff  }
0xfe: {  	v12 =	vld.idx.msk [tilespmem:v12+s4+$0x0], $0xffff;
	[tilespmem:s23+$0x10] =	vst v5  }
0xff: {  	v5 =	vmul.f32 v6, v47;
	v6 =	vmul.f32 v7, v45;
	v7 =	vld [tilespmem:s22+$0x20]  }
0x100: {  	v49 =	vld [tilespmem:s5+$0x20]  }
0x101: {  	v11 =	vmul.f32 v11, v48;
	v5 =	vsub.f32 v5, v6;
	v6 =	vld.idx.msk [tilespmem:v10+s4+$0x0], $0xffff;
	v10 =	vmul.f32 v14, v39  }
0x102: {  	v53 =	vld [tilespmem:s5+$0xA0];
	v8 =	vmul.f32 v8, v9;
	v9 =	vmul.f32 v13, v15  }
0x103: {  	v54 =	vld [tilespmem:s22+$0xA0];
	[tilespmem:s21+$0x50] =	vst v5;
	v5 =	vsub.f32 v11, v10  }
0x104: {  	v8 =	vsub.f32 v9, v8;
	v11 =	vld [tilespmem:s20+$0x60]  }
0x105: {  	v10 =	vld [tilespmem:s31+$0x60];
	vm10 =	vgt.f32 v49, $0.0e+00;
	v7 =	vtrunc.f32 v7;
	[tilespmem:s23+$0xFFFFFF90] =	vst v5;
	v5 =	vtrunc.f32 v49  }
0x106: {  	vm11 =	vle.f32 v49, $2.220000000e+02;
	v7 =	vcvt.f32.s32 v7;
	v14 =	vld [tilespmem:s5+$0xFFFFFF20];
	v5 =	vcvt.f32.s32 v5  }
0x107: {  	vm0 =	vmand vm10, vm11;
	v9 =	vld [tilespmem:s22+$0xFFFFFF20]  }
0x108: {  	v13 =	vld [tilespmem:s29+$0xFFFFFFE0];
	[tilespmem:s21+$0xFFFFFFC0] =	vst v8;
	v5 =	vnsel vm0, $0x0, v5  }
0x109: {  	v51 =	vld [tilespmem:s20+$0xFFFFFF50];
	vm12 =	vgt.f32 v11, $0.0e+00;
	v50 =	vtrunc.f32 v11  }
0x10a: {  	v56 =	vld [tilespmem:s20+$0xE0];
	v10 =	vtrunc.f32 v10;
	vm13 =	vle.f32 v11, $2.220000000e+02;
	v11 =	vcvt.f32.s32 v50  }
0x10b: {  	v58 =	vld [tilespmem:s31+$0xE0];
	v10 =	vcvt.f32.s32 v10;
	vm0 =	vmand vm12, vm13;
	vm14 =	vgt.f32 v14, $0.0e+00  }
0x10c: {  	v52 =	vtrunc.f32 v14;
	vm15 =	vle.f32 v14, $2.220000000e+02;
	v7 =	vld.idx.msk [tilespmem:v7+s4+$0x0], $0xffff;
	v9 =	vtrunc.f32 v9  }
0x10d: {  	v14 =	vcvt.f32.s32 v52;
	v11 =	vnsel vm0, $0x0, v11;
	v9 =	vcvt.f32.s32 v9;
	v5 =	vld.idx.msk [tilespmem:v5+s4+$0x0], $0xffff  }
0x10e: {  	v15 =	vld [tilespmem:s5+$0xFFFFFFA0];
	v55 =	vtrunc.f32 v51;
	vm5 =	vgt.f32 v51, $0.0e+00;
	vm4 =	vmand vm14, vm15  }
0x10f: {  	v8 =	vld [tilespmem:s22+$0xFFFFFFA0];
	vm6 =	vle.f32 v51, $2.220000000e+02;
	v57 =	vcvt.f32.s32 v55;
	v14 =	vnsel vm4, $0x0, v14  }
0x110: {  	v4 =	vmul.f32 v6, v4;
	v6 =	vmul.f32 v12, v13;
	v12 =	vld [tilespmem:s20+$0xFFFFFFD0];
	vm0 =	vmand vm5, vm6  }
0x111: {  	v17 =	vnsel vm0, $0x0, v57;
	v10 =	vld.idx.msk [tilespmem:v10+s4+$0x0], $0xffff  }
0x112: {  	v7 =	vmul.f32 v7, v54;
	v11 =	vld.idx.msk [tilespmem:v11+s4+$0x0], $0xffff;
	v5 =	vmul.f32 v5, v53  }
0x113: {  	v9 =	vld.idx.msk [tilespmem:v9+s4+$0x0], $0xffff  }
0x114: {  	v14 =	vld.idx.msk [tilespmem:v14+s4+$0x0], $0xffff;
	v5 =	vsub.f32 v7, v5  }
0x115: {  	v7 =	vld [tilespmem:s31+$0xFFFFFF50]  }
0x116: {  	[tilespmem:s23+$0x20] =	vst v5;
	v5 =	vld.idx.msk [tilespmem:v17+s4+$0x0], $0xffff  }
0x117: {  	v4 =	vsub.f32 v6, v4;
	v10 =	vmul.f32 v10, v58;
	v11 =	vmul.f32 v11, v56;
	v6 =	vld [tilespmem:s22+$0x30]  }
0x118: {  	v13 =	vld [tilespmem:s5+$0x30]  }
0x119: {  	[tilespmem:s1+$0xFFFFFFE0] =	vst v4;
	v8 =	vmul.f32 v9, v8;
	v9 =	vld [tilespmem:s31+$0xFFFFFFD0];
	v10 =	vsub.f32 v10, v11;
	v4 =	vmul.f32 v14, v15  }
0x11a: {  	v63 =	vld [tilespmem:s22+$0xB0]  }
0x11b: {  	v15 =	vld [tilespmem:s29+$0xFFFFFF70];
	[tilespmem:s21+$0x60] =	vst v10;
	v4 =	vsub.f32 v8, v4  }
0x11c: {  	v7 =	vtrunc.f32 v7;
	v14 =	vld [tilespmem:s20+$0x70]  }
0x11d: {  	v11 =	vcvt.f32.s32 v7;
	v8 =	vld [tilespmem:s31+$0x70];
	[tilespmem:s23+$0xFFFFFFA0] =	vst v4  }
0x11e: {  	vm7 =	vgt.f32 v13, $0.0e+00;
	v4 =	vtrunc.f32 v13;
	v6 =	vtrunc.f32 v6;
	v59 =	vld [tilespmem:s5+$0xFFFFFF30]  }
0x11f: {  	v10 =	vld [tilespmem:s30+$0xFFFFFF70];
	vm8 =	vle.f32 v13, $2.220000000e+02;
	v4 =	vcvt.f32.s32 v4;
	v13 =	vcvt.f32.s32 v6  }
0x120: {  	v0 =	vmul.f32 v2, v0;
	v1 =	vmul.f32 v1, v3;
	v60 =	vld [tilespmem:s22+$0xFFFFFF30];
	vm0 =	vmand vm7, vm8  }
0x121: {  	v7 =	vld [tilespmem:s5+$0xFFFFFFB0];
	v2 =	vnsel vm0, $0x0, v4;
	vm9 =	vgt.f32 v14, $0.0e+00;
	v3 =	vtrunc.f32 v14  }
0x122: {  	v6 =	vld [tilespmem:s22+$0xFFFFFFB0];
	v4 =	vtrunc.f32 v8;
	vm10 =	vle.f32 v14, $2.220000000e+02;
	v3 =	vcvt.f32.s32 v3  }
0x123: {  	v8 =	vld.idx.msk [tilespmem:v11+s4+$0x0], $0xffff;
	v4 =	vcvt.f32.s32 v4;
	vm0 =	vmand vm9, vm10;
	v11 =	vtrunc.f32 v59  }
0x124: {  	v14 =	vld [tilespmem:s5+$0xB0];
	vm11 =	vgt.f32 v59, $0.0e+00;
	vm12 =	vle.f32 v59, $2.220000000e+02;
	v11 =	vcvt.f32.s32 v11  }
0x125: {  	v13 =	vld.idx.msk [tilespmem:v13+s4+$0x0], $0xffff;
	v61 =	vnsel vm0, $0x0, v3;
	vm13 =	vmand vm11, vm12  }
0x126: {  	v12 =	vmul.f32 v5, v12;
	v62 =	vld.idx.msk [tilespmem:v2+s4+$0x0], $0xffff;
	v11 =	vnsel vm13, $0x0, v11  }
0x127: {  	v0 =	vsub.f32 v1, v0;
	v1 =	vtrunc.f32 v10;
	v5 =	vtrunc.f32 v60;
	v2 =	vld [tilespmem:s20+$0xF0]  }
0x128: {  	vm14 =	vgt.f32 v10, $0.0e+00;
	v8 =	vmul.f32 v8, v9;
	v9 =	vcvt.f32.s32 v5;
	v5 =	vld [tilespmem:s31+$0xF0]  }
0x129: {  	vm15 =	vle.f32 v10, $2.220000000e+02;
	v10 =	vtrunc.f32 v15;
	v1 =	vcvt.f32.s32 v1;
	v3 =	vld.idx.msk [tilespmem:v4+s4+$0x0], $0xffff  }
0x12a: {  	s7 =	simm.s32 $0x10380;
	[tilespmem:s1+$0x70] =	vst v0;
	v0 =	vcvt.f32.s32 v10;
	vm0 =	vmand vm14, vm15;
	v8 =	vsub.f32 v8, v12;
	v4 =	vld.idx.msk [tilespmem:v61+s4+$0x0], $0xffff  }
0x12b: {  	s8 =	simm.s32 $0x600;
	s10 =	simm.s32 $0x4;
	s11 =	simm.s32 $0x8800;
	v1 =	vnsel vm0, $0x0, v1;
	v12 =	vmul.f32 v62, v14;
	v10 =	vld.idx.msk [tilespmem:v11+s4+$0x0], $0xffff;
	v11 =	vmul.f32 v13, v63  }
.LBB2_2:
0x12c: {  	v13 =	vld [tilespmem:s11+$0x0];
	s5 =	sadd.s32 $0x200, s5;
	[tilespmem:s21+$0xFFFFFFD0] =	vst v8  }
0x12d: {  	v8 =	vld [tilespmem:s5+$0x0];
	v11 =	vsub.f32 v11, v12  }
0x12e: {  	v12 =	vld [tilespmem:s5+$0xFFFFFF00]  }
0x12f: {  	v2 =	vmul.f32 v4, v2;
	v14 =	vld [tilespmem:s11+$0xFFFFFF00];
	[tilespmem:s23+$0x30] =	vst v11;
	v3 =	vmul.f32 v3, v5  }
0x130: {  	v4 =	vld [tilespmem:s22+$0x40]  }
0x131: {  	v5 =	vmul.f32 v10, v7;
	v7 =	vld [tilespmem:s8+$0x40];
	v2 =	vsub.f32 v3, v2  }
0x132: {  	v11 =	vtrunc.f32 v13;
	v3 =	vld [tilespmem:s5+$0xFFFFFF80];
	vm0 =	vgt.f32 v8, $0.0e+00;
	v10 =	vtrunc.f32 v8  }
0x133: {  	vm1 =	vle.f32 v8, $2.220000000e+02;
	v13 =	vld [tilespmem:s11+$0xFFFFFF80];
	v8 =	vcvt.f32.s32 v10;
	v10 =	vcvt.f32.s32 v11;
	[tilespmem:s21+$0x70] =	vst v2  }
0x134: {  	s10 =	sadd.s32 $0x2, s10;
	vm2 =	vgt.f32 v12, $0.0e+00;
	v2 =	vtrunc.f32 v12;
	vm0 =	vmand vm0, vm1;
	v9 =	vld.idx.msk [tilespmem:v9+s4+$0x0], $0xffff  }
0x135: {  	p0 =	slt.u32 s10, $0x3E;
	vm1 =	vle.f32 v12, $2.220000000e+02;
	v2 =	vcvt.f32.s32 v2;
	v8 =	vnsel vm0, $0x0, v8;
	v11 =	vld [tilespmem:s20+$0xFFFFFF60]  }
0x136: {  	v4 =	vtrunc.f32 v4;
	vm0 =	vgt.f32 v7, $0.0e+00;
	v12 =	vtrunc.f32 v7;
	v15 =	vld [tilespmem:s31+$0xFFFFFF60]  }
0x137: {  	vm3 =	vle.f32 v7, $2.220000000e+02;
	v4 =	vcvt.f32.s32 v4;
	v7 =	vcvt.f32.s32 v12;
	v12 =	vld [tilespmem:s20+$0xFFFFFFE0]  }
0x138: {  	vm1 =	vmand vm2, vm1;
	v14 =	vtrunc.f32 v14;
	vm0 =	vmand vm0, vm3;
	v16 =	vld [tilespmem:s5+$0x80]  }
0x139: {  	v14 =	vcvt.f32.s32 v14;
	v2 =	vnsel vm1, $0x0, v2;
	v10 =	vld.idx.msk [tilespmem:v10+s4+$0x0], $0xffff;
	v7 =	vnsel vm0, $0x0, v7  }
0x13a: {  	v6 =	vmul.f32 v9, v6;
	v8 =	vld.idx.msk [tilespmem:v8+s4+$0x0], $0xffff;
	vm0 =	vgt.f32 v11, $0.0e+00;
	v9 =	vtrunc.f32 v11  }
0x13b: {  	vm1 =	vle.f32 v11, $2.220000000e+02;
	v17 =	vld [tilespmem:s11+$0x80];
	v9 =	vcvt.f32.s32 v9;
	v11 =	vtrunc.f32 v15  }
0x13c: {  	v5 =	vsub.f32 v6, v5;
	vm0 =	vmand vm0, vm1;
	v6 =	vld [tilespmem:s8+$0xC0];
	v11 =	vcvt.f32.s32 v11  }
0x13d: {  	v4 =	vld.idx.msk [tilespmem:v4+s4+$0x0], $0xffff;
	v9 =	vnsel vm0, $0x0, v9  }
0x13e: {  	[tilespmem:s23+$0xFFFFFFB0] =	vst v5;
	v5 =	vld.idx.msk [tilespmem:v7+s4+$0x0], $0xffff  }
0x13f: {  	v7 =	vld [tilespmem:s22+$0xC0]  }
0x140: {  	v8 =	vmul.f32 v8, v16;
	v2 =	vld.idx.msk [tilespmem:v2+s4+$0x0], $0xffff;
	v10 =	vmul.f32 v10, v17  }
0x141: {  	v14 =	vld.idx.msk [tilespmem:v14+s4+$0x0], $0xffff  }
0x142: {  	v8 =	vsub.f32 v10, v8;
	v10 =	vld [tilespmem:s8+$0xFFFFFF40]  }
0x143: {  	s23 =	sadd.s32 $0x100, s23;
	v15 =	vld [tilespmem:s22+$0xFFFFFF40]  }
0x144: {  	v5 =	vmul.f32 v5, v6;
	[tilespmem:s23+$0x0] =	vst v8;
	v8 =	vld [tilespmem:s8+$0xFFFFFFC0];
	v4 =	vmul.f32 v4, v7  }
0x145: {  	v6 =	vld [tilespmem:s11+$0x10]  }
0x146: {  	v2 =	vmul.f32 v2, v3;
	v3 =	vld [tilespmem:s5+$0x10];
	v4 =	vsub.f32 v4, v5  }
0x147: {  	v5 =	vmul.f32 v14, v13;
	v7 =	vld [tilespmem:s22+$0xFFFFFFC0];
	vm0 =	vgt.f32 v10, $0.0e+00;
	v13 =	vtrunc.f32 v10  }
0x148: {  	vm1 =	vle.f32 v10, $2.220000000e+02;
	v10 =	vcvt.f32.s32 v13;
	v13 =	vtrunc.f32 v15;
	[tilespmem:s7+$0x40] =	vst v4;
	v4 =	vld.idx.msk [tilespmem:v9+s4+$0x0], $0xffff  }
0x149: {  	v2 =	vsub.f32 v5, v2;
	vm0 =	vmand vm0, vm1;
	v5 =	vcvt.f32.s32 v13;
	v9 =	vld [tilespmem:s22+$0x50]  }
0x14a: {  	v10 =	vnsel vm0, $0x0, v10;
	v13 =	vld [tilespmem:s8+$0x50]  }
0x14b: {  	v6 =	vtrunc.f32 v6;
	[tilespmem:s23+$0xFFFFFF80] =	vst v2;
	vm0 =	vgt.f32 v3, $0.0e+00;
	v2 =	vtrunc.f32 v3;
	v11 =	vld.idx.msk [tilespmem:v11+s4+$0x0], $0xffff  }
0x14c: {  	vm1 =	vle.f32 v3, $2.220000000e+02;
	v3 =	vcvt.f32.s32 v6;
	v14 =	vld [tilespmem:s5+$0xFFFFFF10];
	v2 =	vcvt.f32.s32 v2  }
0x14d: {  	vm0 =	vmand vm0, vm1;
	v6 =	vld [tilespmem:s11+$0xFFFFFF10]  }
0x14e: {  	v4 =	vmul.f32 v4, v12;
	v15 =	vld [tilespmem:s5+$0xFFFFFF90];
	v2 =	vnsel vm0, $0x0, v2  }
0x14f: {  	v9 =	vtrunc.f32 v9;
	v12 =	vld [tilespmem:s11+$0xFFFFFF90];
	vm0 =	vgt.f32 v13, $0.0e+00;
	v16 =	vtrunc.f32 v13  }
0x150: {  	vm1 =	vle.f32 v13, $2.220000000e+02;
	v9 =	vcvt.f32.s32 v9;
	v10 =	vld.idx.msk [tilespmem:v10+s4+$0x0], $0xffff;
	v13 =	vcvt.f32.s32 v16  }
0x151: {  	vm0 =	vmand vm0, vm1;
	vm2 =	vgt.f32 v14, $0.0e+00;
	v16 =	vtrunc.f32 v14;
	v17 =	vld [tilespmem:s5+$0x90]  }
0x152: {  	vm1 =	vle.f32 v14, $2.220000000e+02;
	v14 =	vcvt.f32.s32 v16;
	v3 =	vld.idx.msk [tilespmem:v3+s4+$0x0], $0xffff;
	v13 =	vnsel vm0, $0x0, v13  }
0x153: {  	vm0 =	vmand vm2, vm1;
	v6 =	vtrunc.f32 v6;
	v2 =	vld.idx.msk [tilespmem:v2+s4+$0x0], $0xffff  }
0x154: {  	v6 =	vcvt.f32.s32 v6;
	v14 =	vnsel vm0, $0x0, v14;
	v16 =	vld [tilespmem:s11+$0x90]  }
0x155: {  	v18 =	vld [tilespmem:s8+$0xD0]  }
0x156: {  	v8 =	vmul.f32 v10, v8;
	v9 =	vld.idx.msk [tilespmem:v9+s4+$0x0], $0xffff  }
0x157: {  	v10 =	vld.idx.msk [tilespmem:v13+s4+$0x0], $0xffff  }
0x158: {  	v13 =	vld [tilespmem:s22+$0xD0]  }
0x159: {  	v2 =	vmul.f32 v2, v17;
	v14 =	vld.idx.msk [tilespmem:v14+s4+$0x0], $0xffff;
	v3 =	vmul.f32 v3, v16  }
0x15a: {  	v6 =	vld.idx.msk [tilespmem:v6+s4+$0x0], $0xffff  }
0x15b: {  	v2 =	vsub.f32 v3, v2;
	v3 =	vld.idx.msk [tilespmem:v5+s4+$0x0], $0xffff  }
0x15c: {  	v5 =	vld [tilespmem:s31+$0xFFFFFFE0]  }
0x15d: {  	[tilespmem:s23+$0x10] =	vst v2;
	v2 =	vmul.f32 v9, v13;
	v9 =	vmul.f32 v10, v18;
	v1 =	vld.idx.msk [tilespmem:v1+s4+$0x0], $0xffff  }
0x15e: {  	v10 =	vld [tilespmem:s11+$0x20]  }
0x15f: {  	v13 =	vmul.f32 v14, v15;
	v14 =	vld [tilespmem:s5+$0x20];
	v2 =	vsub.f32 v2, v9  }
0x160: {  	v6 =	vmul.f32 v6, v12;
	v0 =	vld.idx.msk [tilespmem:v0+s4+$0x0], $0xffff  }
0x161: {  	v3 =	vmul.f32 v3, v7;
	[tilespmem:s7+$0x50] =	vst v2;
	v2 =	vmul.f32 v11, v5;
	v5 =	vld [tilespmem:s30+$0xFFFFFFF0];
	s30 =	smov.u32 s20;
	s20 =	smov.u32 s8;
	s8 =	smov.u32 s5  }
0x162: {  	v6 =	vsub.f32 v6, v13;
	v7 =	vld [tilespmem:s22+$0x60]  }
0x163: {  	v3 =	vsub.f32 v3, v8;
	v8 =	vld [tilespmem:s20+$0x60];
	v2 =	vsub.f32 v2, v4  }
0x164: {  	[tilespmem:s23+$0xFFFFFF90] =	vst v6;
	vm0 =	vgt.f32 v14, $0.0e+00;
	v4 =	vtrunc.f32 v14;
	v6 =	vtrunc.f32 v10;
	v9 =	vld [tilespmem:s29+$0xFFFFFFF0];
	s29 =	smov.u32 s31;
	s31 =	smov.u32 s22;
	s22 =	smov.u32 s11  }
0x165: {  	vm1 =	vle.f32 v14, $2.220000000e+02;
	v10 =	vld [tilespmem:s5+$0xFFFFFF20];
	v4 =	vcvt.f32.s32 v4;
	v6 =	vcvt.f32.s32 v6;
	[tilespmem:s7+$0xFFFFFFC0] =	vst v3  }
0x166: {  	vm0 =	vmand vm0, vm1;
	v3 =	vld [tilespmem:s11+$0xFFFFFF20];
	[tilespmem:s21+$0xFFFFFFE0] =	vst v2;
	v1 =	vmul.f32 v1, v5  }
0x167: {  	v2 =	vld [tilespmem:s5+$0xFFFFFFA0];
	v4 =	vnsel vm0, $0x0, v4  }
0x168: {  	v7 =	vtrunc.f32 v7;
	v5 =	vld [tilespmem:s11+$0xFFFFFFA0];
	vm0 =	vgt.f32 v8, $0.0e+00;
	v11 =	vtrunc.f32 v8  }
0x169: {  	vm1 =	vle.f32 v8, $2.220000000e+02;
	v7 =	vcvt.f32.s32 v7;
	v12 =	vld [tilespmem:s20+$0xFFFFFF50];
	v8 =	vcvt.f32.s32 v11  }
0x16a: {  	vm0 =	vmand vm0, vm1;
	vm2 =	vgt.f32 v10, $0.0e+00;
	v11 =	vtrunc.f32 v10;
	v13 =	vld [tilespmem:s5+$0xA0]  }
0x16b: {  	vm1 =	vle.f32 v10, $2.220000000e+02;
	v10 =	vcvt.f32.s32 v11;
	v6 =	vld.idx.msk [tilespmem:v6+s4+$0x0], $0xffff;
	v8 =	vnsel vm0, $0x0, v8  }
0x16c: {  	v0 =	vmul.f32 v0, v9;
	vm0 =	vmand vm2, vm1;
	v3 =	vtrunc.f32 v3;
	v4 =	vld.idx.msk [tilespmem:v4+s4+$0x0], $0xffff  }
0x16d: {  	v3 =	vcvt.f32.s32 v3;
	v9 =	vnsel vm0, $0x0, v10;
	v10 =	vld [tilespmem:s11+$0xA0]  }
0x16e: {  	vm0 =	vgt.f32 v12, $0.0e+00;
	vm1 =	vle.f32 v12, $2.220000000e+02;
	v11 =	vtrunc.f32 v12;
	v12 =	vld [tilespmem:s20+$0xE0]  }
0x16f: {  	v0 =	vsub.f32 v0, v1;
	vm0 =	vmand vm0, vm1;
	v11 =	vcvt.f32.s32 v11;
	v7 =	vld.idx.msk [tilespmem:v7+s4+$0x0], $0xffff  }
0x170: {  	v1 =	vld.idx.msk [tilespmem:v8+s4+$0x0], $0xffff  }
0x171: {  	v8 =	vnsel vm0, $0x0, v11;
	v11 =	vld [tilespmem:s31+$0xE0];
	[tilespmem:s1+$0xFFFFFFF0] =	vst v0;
	s1 =	smov.u32 s21;
	s21 =	smov.u32 s7;
	s7 =	smov.u32 s23  }
0x172: {  	v4 =	vmul.f32 v4, v13;
	v0 =	vld.idx.msk [tilespmem:v9+s4+$0x0], $0xffff;
	v6 =	vmul.f32 v6, v10  }
0x173: {  	v3 =	vld.idx.msk [tilespmem:v3+s4+$0x0], $0xffff  }
0x174: {  	v4 =	vsub.f32 v6, v4;
	v6 =	vld [tilespmem:s31+$0xFFFFFF50]  }
0x175: {  	v9 =	vld [tilespmem:s20+$0xFFFFFFD0]  }
0x176: {  	v1 =	vmul.f32 v1, v12;
	[tilespmem:s23+$0x20] =	vst v4;
	v4 =	vld.idx.msk [tilespmem:v8+s4+$0x0], $0xffff;
	v7 =	vmul.f32 v7, v11  }
0x177: {  	v8 =	vld [tilespmem:s11+$0x30]  }
0x178: {  	v0 =	vmul.f32 v0, v2;
	v2 =	vld [tilespmem:s5+$0x30];
	v1 =	vsub.f32 v7, v1  }
0x179: {  	v3 =	vmul.f32 v3, v5;
	v5 =	vld [tilespmem:s31+$0xFFFFFFD0];
	v6 =	vtrunc.f32 v6  }
0x17a: {  	v10 =	vcvt.f32.s32 v6;
	[tilespmem:s21+$0x60] =	vst v1;
	v1 =	vld [tilespmem:s30+$0xFFFFFF70]  }
0x17b: {  	v0 =	vsub.f32 v3, v0;
	v3 =	vld [tilespmem:s31+$0x70]  }
0x17c: {  	v11 =	vmul.f32 v4, v9;
	v4 =	vld [tilespmem:s20+$0x70]  }
0x17d: {  	v6 =	vtrunc.f32 v8;
	[tilespmem:s23+$0xFFFFFFA0] =	vst v0;
	vm0 =	vgt.f32 v2, $0.0e+00;
	v0 =	vtrunc.f32 v2;
	v8 =	vld [tilespmem:s29+$0xFFFFFF70]  }
0x17e: {  	vm1 =	vle.f32 v2, $2.220000000e+02;
	v2 =	vcvt.f32.s32 v6;
	v9 =	vld [tilespmem:s5+$0xFFFFFF30];
	v0 =	vcvt.f32.s32 v0  }
0x17f: {  	vm1 =	vmand vm0, vm1;
	v12 =	vld [tilespmem:s11+$0xFFFFFF30];
	vm0 =	vgt.f32 v1, $0.0e+00;
	v6 =	vtrunc.f32 v1  }
0x180: {  	v7 =	vld [tilespmem:s5+$0xFFFFFFB0];
	v0 =	vnsel vm1, $0x0, v0;
	vm1 =	vle.f32 v1, $2.220000000e+02;
	v1 =	vcvt.f32.s32 v6  }
0x181: {  	v3 =	vtrunc.f32 v3;
	v6 =	vld [tilespmem:s11+$0xFFFFFFB0];
	vm2 =	vgt.f32 v4, $0.0e+00;
	v13 =	vtrunc.f32 v4  }
0x182: {  	vm3 =	vle.f32 v4, $2.220000000e+02;
	v3 =	vcvt.f32.s32 v3;
	v10 =	vld.idx.msk [tilespmem:v10+s4+$0x0], $0xffff;
	v4 =	vcvt.f32.s32 v13  }
0x183: {  	vm2 =	vmand vm2, vm3;
	vm4 =	vgt.f32 v9, $0.0e+00;
	v13 =	vtrunc.f32 v9;
	v14 =	vld [tilespmem:s5+$0xB0]  }
0x184: {  	vm3 =	vle.f32 v9, $2.220000000e+02;
	v9 =	vcvt.f32.s32 v13;
	v13 =	vld.idx.msk [tilespmem:v2+s4+$0x0], $0xffff;
	v4 =	vnsel vm2, $0x0, v4  }
0x185: {  	vm2 =	vmand vm4, vm3;
	v2 =	vtrunc.f32 v12;
	v12 =	vld.idx.msk [tilespmem:v0+s4+$0x0], $0xffff;
	v0 =	vtrunc.f32 v8  }
0x186: {  	vm0 =	vmand vm0, vm1;
	v15 =	vnsel vm2, $0x0, v9;
	v9 =	vcvt.f32.s32 v2;
	v16 =	vld [tilespmem:s11+$0xB0]  }
.Ltmp0:
0x187: {  	v1 =	vnsel vm0, $0x0, v1;
	v0 =	vcvt.f32.s32 v0;
	v2 =	vld [tilespmem:s20+$0xF0];
	(pc) =	sbr.rel @p0 .LBB2_2-.Ltmp0, $4  }
0x188: {  	v5 =	vmul.f32 v10, v5;
	v3 =	vld.idx.msk [tilespmem:v3+s4+$0x0], $0xffff  }
0x189: {  	v4 =	vld.idx.msk [tilespmem:v4+s4+$0x0], $0xffff  }
0x18a: {  	v8 =	vsub.f32 v5, v11;
	v5 =	vld [tilespmem:s31+$0xF0]  }
0x18b: {  	s11 =	sadd.s32 $0x200, s11;
	v12 =	vmul.f32 v12, v14;
	v10 =	vld.idx.msk [tilespmem:v15+s4+$0x0], $0xffff;
	v11 =	vmul.f32 v13, v16  }
0x18c: {  	_ =	sdelay $0x3  }
0x18d: {  	v9 =	vld.idx.msk [tilespmem:v9+s4+$0x0], $0xffff;
	v11 =	vsub.f32 v11, v12;
	_ =	sdelay $0x1  }
0x18e: {  	[tilespmem:s23+$0x30] =	vst v11  }
0x18f: {  	v11 =	vld [tilespmem:s22+$0x40]  }
0x190: {  	v12 =	vld [tilespmem:s8+$0x40]  }
0x191: {  	v7 =	vmul.f32 v10, v7;
	v6 =	vmul.f32 v9, v6;
	_ =	sdelay $0x1  }
0x192: {  	v6 =	vsub.f32 v6, v7  }
0x193: {  	v9 =	vtrunc.f32 v11  }
0x194: {  	v7 =	vtrunc.f32 v12;
	[tilespmem:s23+$0xFFFFFFB0] =	vst v6;
	v9 =	vcvt.f32.s32 v9  }
0x195: {  	vm0 =	vgt.f32 v12, $0.0e+00;
	vm1 =	vle.f32 v12, $2.220000000e+02;
	v7 =	vcvt.f32.s32 v7;
	v6 =	vld [tilespmem:s8+$0xFFFFFF40]  }
0x196: {  	vm0 =	vmand vm0, vm1  }
0x197: {  	v7 =	vnsel vm0, $0x0, v7  }
0x198: {  	v10 =	vld [tilespmem:s22+$0xFFFFFF40]  }
0x199: {  	v11 =	vld [tilespmem:s8+$0xC0]  }
0x19a: {  	v12 =	vtrunc.f32 v6;
	v9 =	vld.idx.msk [tilespmem:v9+s4+$0x0], $0xffff  }
0x19b: {  	vm12 =	vgt.f32 v6, $0.0e+00;
	vm13 =	vle.f32 v6, $2.220000000e+02;
	v6 =	vcvt.f32.s32 v12;
	v12 =	vld [tilespmem:s22+$0xC0]  }
0x19c: {  	v7 =	vld.idx.msk [tilespmem:v7+s4+$0x0], $0xffff  }
0x19d: {  	v10 =	vtrunc.f32 v10;
	vm0 =	vmand vm12, vm13  }
0x19e: {  	v10 =	vcvt.f32.s32 v10;
	v6 =	vnsel vm0, $0x0, v6;
	_ =	sdelay $0x2  }
0x19f: {  	v13 =	vld [tilespmem:s8+$0xFFFFFFC0];
	v9 =	vmul.f32 v9, v12;
	v7 =	vmul.f32 v7, v11  }
0x1a0: {  	v11 =	vld [tilespmem:s22+$0xFFFFFFC0]  }
0x1a1: {  	v6 =	vld.idx.msk [tilespmem:v6+s4+$0x0], $0xffff;
	v7 =	vsub.f32 v9, v7  }
0x1a2: {  	v9 =	vld.idx.msk [tilespmem:v10+s4+$0x0], $0xffff  }
0x1a3: {  	[tilespmem:s7+$0x40] =	vst v7  }
0x1a4: {  	v7 =	vld [tilespmem:s22+$0x50]  }
0x1a5: {  	v10 =	vld [tilespmem:s8+$0x50];
	_ =	sdelay $0x1  }
0x1a6: {  	v6 =	vmul.f32 v6, v13;
	v9 =	vmul.f32 v9, v11;
	_ =	sdelay $0x1  }
0x1a7: {  	v6 =	vsub.f32 v9, v6  }
0x1a8: {  	vm14 =	vgt.f32 v10, $0.0e+00;
	v9 =	vtrunc.f32 v10;
	v7 =	vtrunc.f32 v7  }
0x1a9: {  	vm15 =	vle.f32 v10, $2.220000000e+02;
	[tilespmem:s7+$0xFFFFFFC0] =	vst v6;
	v6 =	vcvt.f32.s32 v9;
	v7 =	vcvt.f32.s32 v7  }
0x1aa: {  	vm0 =	vmand vm14, vm15;
	v9 =	vld [tilespmem:s8+$0xFFFFFF50]  }
0x1ab: {  	v6 =	vnsel vm0, $0x0, v6  }
0x1ac: {  	v10 =	vld [tilespmem:s22+$0xFFFFFF50];
	_ =	sdelay $0x1  }
0x1ad: {  	v11 =	vld [tilespmem:s8+$0xD0]  }
0x1ae: {  	v12 =	vtrunc.f32 v9;
	v7 =	vld.idx.msk [tilespmem:v7+s4+$0x0], $0xffff  }
0x1af: {  	vm4 =	vgt.f32 v9, $0.0e+00;
	vm5 =	vle.f32 v9, $2.220000000e+02;
	v9 =	vcvt.f32.s32 v12;
	v6 =	vld.idx.msk [tilespmem:v6+s4+$0x0], $0xffff  }
0x1b0: {  	v10 =	vtrunc.f32 v10;
	vm0 =	vmand vm4, vm5;
	v12 =	vld [tilespmem:s22+$0xD0]  }
0x1b1: {  	v10 =	vcvt.f32.s32 v10;
	v9 =	vnsel vm0, $0x0, v9;
	_ =	sdelay $0x2  }
0x1b2: {  	v13 =	vld [tilespmem:s8+$0xFFFFFFD0]  }
0x1b3: {  	v7 =	vmul.f32 v7, v12;
	v6 =	vmul.f32 v6, v11;
	v11 =	vld [tilespmem:s22+$0xFFFFFFD0]  }
0x1b4: {  	v9 =	vld.idx.msk [tilespmem:v9+s4+$0x0], $0xffff  }
0x1b5: {  	v6 =	vsub.f32 v7, v6;
	v7 =	vld.idx.msk [tilespmem:v10+s4+$0x0], $0xffff;
	_ =	sdelay $0x1  }
0x1b6: {  	[tilespmem:s7+$0x50] =	vst v6  }
0x1b7: {  	v6 =	vld [tilespmem:s22+$0x60]  }
0x1b8: {  	v10 =	vld [tilespmem:s8+$0x60]  }
0x1b9: {  	[tilespmem:s21+$0xFFFFFFD0] =	vst v8;
	v8 =	vmul.f32 v9, v13;
	v7 =	vmul.f32 v7, v11  }
0x1ba: {  	v9 =	vld [tilespmem:s20+$0xFFFFFF60]  }
0x1bb: {  	v7 =	vsub.f32 v7, v8;
	_ =	sdelay $0x1  }
0x1bc: {  	v8 =	vld [tilespmem:s31+$0xFFFFFF60];
	vm6 =	vgt.f32 v10, $0.0e+00;
	v11 =	vtrunc.f32 v10;
	v6 =	vtrunc.f32 v6;
	[tilespmem:s7+$0xFFFFFFD0] =	vst v7  }
0x1bd: {  	vm7 =	vle.f32 v10, $2.220000000e+02;
	v7 =	vcvt.f32.s32 v11;
	v6 =	vcvt.f32.s32 v6;
	v10 =	vld [tilespmem:s8+$0xFFFFFF60]  }
0x1be: {  	vm0 =	vmand vm6, vm7;
	vm2 =	vgt.f32 v9, $0.0e+00;
	v11 =	vtrunc.f32 v9  }
0x1bf: {  	vm8 =	vle.f32 v9, $2.220000000e+02;
	v9 =	vcvt.f32.s32 v11;
	v7 =	vnsel vm0, $0x0, v7;
	v11 =	vld [tilespmem:s22+$0xFFFFFF60];
	_ =	sdelay $0x1  }
0x1c0: {  	v15 =	vld [tilespmem:s31+$0xFFFFFFE0];
	vm9 =	vmand vm2, vm8;
	v8 =	vtrunc.f32 v8  }
0x1c1: {  	v13 =	vld [tilespmem:s8+$0xE0];
	v8 =	vcvt.f32.s32 v8;
	v9 =	vnsel vm9, $0x0, v9;
	v14 =	vtrunc.f32 v10  }
0x1c2: {  	v6 =	vld.idx.msk [tilespmem:v6+s4+$0x0], $0xffff;
	vm10 =	vgt.f32 v10, $0.0e+00;
	vm11 =	vle.f32 v10, $2.220000000e+02;
	v10 =	vcvt.f32.s32 v14  }
0x1c3: {  	v7 =	vld.idx.msk [tilespmem:v7+s4+$0x0], $0xffff;
	v11 =	vtrunc.f32 v11;
	vm0 =	vmand vm10, vm11  }
0x1c4: {  	v14 =	vld [tilespmem:s22+$0xE0];
	v11 =	vcvt.f32.s32 v11;
	v10 =	vnsel vm0, $0x0, v10  }
0x1c5: {  	v12 =	vld [tilespmem:s20+$0xFFFFFFE0]  }
0x1c6: {  	v9 =	vld.idx.msk [tilespmem:v9+s4+$0x0], $0xffff  }
0x1c7: {  	v8 =	vld.idx.msk [tilespmem:v8+s4+$0x0], $0xffff  }
0x1c8: {  	v16 =	vld [tilespmem:s8+$0xFFFFFFE0]  }
0x1c9: {  	v6 =	vmul.f32 v6, v14;
	v7 =	vmul.f32 v7, v13;
	v10 =	vld.idx.msk [tilespmem:v10+s4+$0x0], $0xffff  }
0x1ca: {  	v11 =	vld.idx.msk [tilespmem:v11+s4+$0x0], $0xffff  }
0x1cb: {  	v6 =	vsub.f32 v6, v7;
	v7 =	vld [tilespmem:s22+$0xFFFFFFE0]  }
0x1cc: {  	v9 =	vmul.f32 v9, v12;
	v8 =	vmul.f32 v8, v15;
	_ =	sdelay $0x1  }
0x1cd: {  	v1 =	vld.idx.msk [tilespmem:v1+s4+$0x0], $0xffff;
	[tilespmem:s7+$0x60] =	vst v6;
	v6 =	vsub.f32 v8, v9  }
0x1ce: {  	v9 =	vld [tilespmem:s8+$0x70]  }
0x1cf: {  	v8 =	vld [tilespmem:s22+$0x70];
	[tilespmem:s21+$0xFFFFFFE0] =	vst v6;
	v6 =	vmul.f32 v10, v16;
	v7 =	vmul.f32 v11, v7  }
0x1d0: {  	v10 =	vld [tilespmem:s20+$0xFFFFFF70]  }
0x1d1: {  	v0 =	vld.idx.msk [tilespmem:v0+s4+$0x0], $0xffff;
	v6 =	vsub.f32 v7, v6  }
0x1d2: {  	v13 =	vld [tilespmem:s29+$0xFFFFFFF0]  }
0x1d3: {  	v7 =	vld [tilespmem:s31+$0xFFFFFF70];
	vm12 =	vgt.f32 v9, $0.0e+00;
	v11 =	vtrunc.f32 v9;
	[tilespmem:s7+$0xFFFFFFE0] =	vst v6  }
0x1d4: {  	v8 =	vtrunc.f32 v8;
	vm13 =	vle.f32 v9, $2.220000000e+02;
	v6 =	vcvt.f32.s32 v11;
	v9 =	vld [tilespmem:s8+$0xFFFFFF70]  }
0x1d5: {  	v12 =	vld [tilespmem:s30+$0xFFFFFFF0];
	v8 =	vcvt.f32.s32 v8;
	v11 =	vtrunc.f32 v10  }
0x1d6: {  	vm14 =	vgt.f32 v10, $0.0e+00;
	vm15 =	vle.f32 v10, $2.220000000e+02;
	v10 =	vcvt.f32.s32 v11;
	v11 =	vld [tilespmem:s22+$0xFFFFFF70]  }
0x1d7: {  	v14 =	vld [tilespmem:s8+$0xF0];
	vm0 =	vmand vm12, vm13  }
0x1d8: {  	v27 =	vld [tilespmem:s20+$0xFFFFFFF0];
	v6 =	vnsel vm0, $0x0, v6;
	v7 =	vtrunc.f32 v7;
	vm4 =	vmand vm14, vm15  }
0x1d9: {  	v17 =	vld [tilespmem:s31+$0xFFFFFFF0];
	v7 =	vcvt.f32.s32 v7;
	v10 =	vnsel vm4, $0x0, v10;
	v15 =	vtrunc.f32 v9  }
0x1da: {  	v18 =	vld [tilespmem:s8+$0xFFFFFFF0];
	vm5 =	vgt.f32 v9, $0.0e+00;
	vm6 =	vle.f32 v9, $2.220000000e+02;
	v9 =	vcvt.f32.s32 v15  }
0x1db: {  	v19 =	vld [tilespmem:s22+$0xFFFFFFF0];
	vm0 =	vmand vm5, vm6;
	v11 =	vtrunc.f32 v11  }
0x1dc: {  	v8 =	vld.idx.msk [tilespmem:v8+s4+$0x0], $0xffff;
	v9 =	vnsel vm0, $0x0, v9;
	v11 =	vcvt.f32.s32 v11  }
0x1dd: {  	v6 =	vld.idx.msk [tilespmem:v6+s4+$0x0], $0xffff  }
0x1de: {  	v15 =	vld [tilespmem:s22+$0xF0]  }
0x1df: {  	v10 =	vld.idx.msk [tilespmem:v10+s4+$0x0], $0xffff  }
0x1e0: {  	v7 =	vld.idx.msk [tilespmem:v7+s4+$0x0], $0xffff  }
0x1e1: {  	v9 =	vld.idx.msk [tilespmem:v9+s4+$0x0], $0xffff  }
0x1e2: {  	v11 =	vld.idx.msk [tilespmem:v11+s4+$0x0], $0xffff  }
0x1e3: {  	v2 =	vmul.f32 v4, v2;
	v3 =	vmul.f32 v3, v5  }
0x1e4: {  	v0 =	vmul.f32 v0, v13;
	v1 =	vmul.f32 v1, v12  }
0x1e5: {  	v2 =	vsub.f32 v3, v2;
	v3 =	vmul.f32 v8, v15;
	v4 =	vmul.f32 v6, v14  }
0x1e6: {  	v0 =	vsub.f32 v0, v1;
	v1 =	vmul.f32 v10, v27;
	v5 =	vmul.f32 v7, v17  }
0x1e7: {  	[tilespmem:s21+$0x70] =	vst v2;
	v2 =	vsub.f32 v3, v4;
	v3 =	vmul.f32 v9, v18;
	v4 =	vmul.f32 v11, v19  }
0x1e8: {  	[tilespmem:s1+$0xFFFFFFF0] =	vst v0;
	v0 =	vsub.f32 v5, v1  }
0x1e9: {  	[tilespmem:s7+$0x70] =	vst v2;
	v1 =	vsub.f32 v4, v3  }
0x1ea: {  	[tilespmem:s21+$0xFFFFFFF0] =	vst v0  }
0x1eb: {  	s22 =	simm.s32 $0x100;
	[tilespmem:s7+$0xFFFFFFF0] =	vst v1  }
0x1ec: {  	[tilespmem:s22], [sflag:$0x1] =	stream.linear.gather [hbm4b:s12+s4], $0x4000, $0x38;
	[tilespmem:$0x14100] =	vst v63  }
0x1ed: {  	s23 =	simm.s32 $0x8100  }
0x1ee: {  	[tilespmem:s23], [sflag:$0x3] =	stream.linear.gather [hbm4b:s14+s4], $0x4000, $0x38;
	[tilespmem:$0x14100] =	vst v63  }
0x1ef: {  	_ =	swait.ge [sflag:s26], $0x4000  }
0x1f0: {  	[sflag:s26] =	ssyncset.done $0x0  }
0x1f1: {  	[sflag:s26] =	ssyncadd.s32 $0xFFFFC000  }
0x1f2: {  	_ =	swait.ge [sflag:s28], $0x4000  }
0x1f3: {  	[sflag:s28] =	ssyncset.done $0x0  }
0x1f4: {  	s29 =	simm.s32 $0xC200;
	[sflag:s28] =	ssyncadd.s32 $0xFFFFC000  }
0x1f5: {  	s30 =	simm.s32 $0x4200;
	v0 =	vld [tilespmem:s29+$0x0]  }
0x1f6: {  	v1 =	vld [tilespmem:s30+$0x0];
	_ =	sdelay $0x3  }
0x1f7: {  	v0 =	vtrunc.f32 v0  }
0x1f8: {  	v2 =	vtrunc.f32 v1;
	v0 =	vcvt.f32.s32 v0  }
0x1f9: {  	vm7 =	vgt.f32 v1, $0.0e+00;
	vm8 =	vle.f32 v1, $2.220000000e+02;
	v1 =	vcvt.f32.s32 v2;
	v2 =	vld [tilespmem:s30+$0xFFFFFF00]  }
0x1fa: {  	vm0 =	vmand vm7, vm8  }
0x1fb: {  	v1 =	vnsel vm0, $0x0, v1  }
0x1fc: {  	v3 =	vld [tilespmem:s29+$0xFFFFFF00]  }
0x1fd: {  	v4 =	vld [tilespmem:s30+$0x80]  }
0x1fe: {  	v5 =	vtrunc.f32 v2;
	v0 =	vld.idx.msk [tilespmem:v0+s4+$0x0], $0xffff  }
0x1ff: {  	vm9 =	vgt.f32 v2, $0.0e+00;
	vm10 =	vle.f32 v2, $2.220000000e+02;
	v2 =	vcvt.f32.s32 v5;
	v5 =	vld [tilespmem:s29+$0x80]  }
0x200: {  	v1 =	vld.idx.msk [tilespmem:v1+s4+$0x0], $0xffff  }
0x201: {  	v3 =	vtrunc.f32 v3;
	vm0 =	vmand vm9, vm10  }
0x202: {  	v3 =	vcvt.f32.s32 v3;
	v2 =	vnsel vm0, $0x0, v2;
	_ =	sdelay $0x2  }
0x203: {  	v6 =	vld [tilespmem:s30+$0xFFFFFF80];
	v0 =	vmul.f32 v0, v5;
	v1 =	vmul.f32 v1, v4  }
0x204: {  	v4 =	vld [tilespmem:s29+$0xFFFFFF80]  }
0x205: {  	v2 =	vld.idx.msk [tilespmem:v2+s4+$0x0], $0xffff;
	v0 =	vsub.f32 v0, v1  }
0x206: {  	s1 =	simm.s32 $0x121F0;
	v1 =	vld.idx.msk [tilespmem:v3+s4+$0x0], $0xffff  }
0x207: {  	[tilespmem:s1+$0xFFFFFF90] =	vst v0  }
0x208: {  	v0 =	vld [tilespmem:s29+$0x10]  }
0x209: {  	v3 =	vld [tilespmem:s30+$0x10];
	_ =	sdelay $0x1  }
0x20a: {  	v2 =	vmul.f32 v2, v6;
	v1 =	vmul.f32 v1, v4;
	_ =	sdelay $0x1  }
0x20b: {  	v1 =	vsub.f32 v1, v2  }
0x20c: {  	vm11 =	vgt.f32 v3, $0.0e+00;
	v2 =	vtrunc.f32 v3;
	v0 =	vtrunc.f32 v0  }
0x20d: {  	vm12 =	vle.f32 v3, $2.220000000e+02;
	v2 =	vcvt.f32.s32 v2;
	v0 =	vcvt.f32.s32 v0  }
0x20e: {  	[tilespmem:s1+$0xFFFFFF10] =	vst v1;
	vm0 =	vmand vm11, vm12  }
0x20f: {  	v1 =	vld [tilespmem:s30+$0xFFFFFF10];
	v2 =	vnsel vm0, $0x0, v2;
	_ =	sdelay $0x1  }
0x210: {  	v3 =	vld [tilespmem:s29+$0xFFFFFF10]  }
0x211: {  	v4 =	vld [tilespmem:s30+$0x90]  }
0x212: {  	v0 =	vld.idx.msk [tilespmem:v0+s4+$0x0], $0xffff  }
0x213: {  	v5 =	vtrunc.f32 v1;
	v2 =	vld.idx.msk [tilespmem:v2+s4+$0x0], $0xffff  }
0x214: {  	vm13 =	vgt.f32 v1, $0.0e+00;
	vm14 =	vle.f32 v1, $2.220000000e+02;
	v1 =	vcvt.f32.s32 v5;
	v5 =	vld [tilespmem:s29+$0x90]  }
0x215: {  	v3 =	vtrunc.f32 v3;
	vm0 =	vmand vm13, vm14  }
0x216: {  	v3 =	vcvt.f32.s32 v3;
	v1 =	vnsel vm0, $0x0, v1;
	_ =	sdelay $0x2  }
0x217: {  	v6 =	vld [tilespmem:s30+$0xFFFFFF90];
	v0 =	vmul.f32 v0, v5;
	v2 =	vmul.f32 v2, v4  }
0x218: {  	v4 =	vld [tilespmem:s29+$0xFFFFFF90]  }
0x219: {  	v1 =	vld.idx.msk [tilespmem:v1+s4+$0x0], $0xffff;
	v0 =	vsub.f32 v0, v2  }
0x21a: {  	v2 =	vld.idx.msk [tilespmem:v3+s4+$0x0], $0xffff  }
0x21b: {  	[tilespmem:s1+$0xFFFFFFA0] =	vst v0  }
0x21c: {  	v0 =	vld [tilespmem:s29+$0x20]  }
0x21d: {  	v3 =	vld [tilespmem:s30+$0x20];
	_ =	sdelay $0x1  }
0x21e: {  	v1 =	vmul.f32 v1, v6;
	v2 =	vmul.f32 v2, v4;
	_ =	sdelay $0x1  }
0x21f: {  	v1 =	vsub.f32 v2, v1  }
0x220: {  	vm15 =	vgt.f32 v3, $0.0e+00;
	v2 =	vtrunc.f32 v3;
	v0 =	vtrunc.f32 v0  }
0x221: {  	vm4 =	vle.f32 v3, $2.220000000e+02;
	v2 =	vcvt.f32.s32 v2;
	v0 =	vcvt.f32.s32 v0  }
0x222: {  	vm0 =	vmand vm15, vm4;
	[tilespmem:s1+$0xFFFFFF20] =	vst v1  }
0x223: {  	v1 =	vnsel vm0, $0x0, v2;
	v2 =	vld [tilespmem:s30+$0xFFFFFF20]  }
0x224: {  	v4 =	vld [tilespmem:s30+$0xA0]  }
0x225: {  	v3 =	vld [tilespmem:s29+$0xFFFFFF20]  }
0x226: {  	v6 =	vld [tilespmem:s29+$0xA0]  }
0x227: {  	v0 =	vld.idx.msk [tilespmem:v0+s4+$0x0], $0xffff  }
0x228: {  	v1 =	vld.idx.msk [tilespmem:v1+s4+$0x0], $0xffff;
	v5 =	vtrunc.f32 v2  }
0x229: {  	vm5 =	vgt.f32 v2, $0.0e+00;
	vm6 =	vle.f32 v2, $2.220000000e+02;
	v2 =	vcvt.f32.s32 v5  }
0x22a: {  	v3 =	vtrunc.f32 v3;
	vm0 =	vmand vm5, vm6  }
0x22b: {  	v3 =	vcvt.f32.s32 v3;
	v2 =	vnsel vm0, $0x0, v2;
	_ =	sdelay $0x1  }
0x22c: {  	v0 =	vmul.f32 v0, v6;
	v1 =	vmul.f32 v1, v4  }
0x22d: {  	v5 =	vld [tilespmem:s29+$0xFFFFFFA0]  }
0x22e: {  	v4 =	vld [tilespmem:s30+$0xFFFFFFA0];
	v0 =	vsub.f32 v0, v1  }
0x22f: {  	v1 =	vld.idx.msk [tilespmem:v2+s4+$0x0], $0xffff  }
0x230: {  	v2 =	vld.idx.msk [tilespmem:v3+s4+$0x0], $0xffff;
	[tilespmem:s1+$0xFFFFFFB0] =	vst v0  }
0x231: {  	v0 =	vld [tilespmem:s29+$0x30]  }
0x232: {  	v3 =	vld [tilespmem:s30+$0x30];
	_ =	sdelay $0x3  }
0x233: {  	v1 =	vmul.f32 v1, v4;
	v2 =	vmul.f32 v2, v5  }
0x234: {  	vm7 =	vgt.f32 v3, $0.0e+00;
	v4 =	vtrunc.f32 v3;
	v0 =	vtrunc.f32 v0  }
0x235: {  	vm8 =	vle.f32 v3, $2.220000000e+02;
	v3 =	vcvt.f32.s32 v4;
	v0 =	vcvt.f32.s32 v0  }
0x236: {  	v1 =	vsub.f32 v2, v1;
	vm0 =	vmand vm7, vm8  }
0x237: {  	v2 =	vnsel vm0, $0x0, v3  }
0x238: {  	v4 =	vld [tilespmem:s29+$0xB0];
	[tilespmem:s1+$0xFFFFFF30] =	vst v1  }
0x239: {  	v1 =	vld [tilespmem:s30+$0xFFFFFF30]  }
0x23a: {  	v3 =	vld [tilespmem:s30+$0xB0]  }
0x23b: {  	v0 =	vld.idx.msk [tilespmem:v0+s4+$0x0], $0xffff  }
0x23c: {  	v2 =	vld.idx.msk [tilespmem:v2+s4+$0x0], $0xffff;
	_ =	sdelay $0x1  }
0x23d: {  	s31 =	simm.s32 $0xC400  }
0x23e: {  	v6 =	vld [tilespmem:s31+$0x0]  }
0x23f: {  	v5 =	vtrunc.f32 v1;
	vm9 =	vgt.f32 v1, $0.0e+00  }
0x240: {  	s20 =	simm.s32 $0x4400;
	vm10 =	vle.f32 v1, $2.220000000e+02;
	v0 =	vmul.f32 v0, v4;
	v1 =	vmul.f32 v2, v3  }
0x241: {  	v2 =	vld [tilespmem:s20+$0x0]  }
0x242: {  	v9 =	vld [tilespmem:s31+$0xFFFFFF00];
	v0 =	vsub.f32 v0, v1  }
0x243: {  	v10 =	vld [tilespmem:s20+$0xFFFFFF80];
	v6 =	vtrunc.f32 v6  }
0x244: {  	v6 =	vcvt.f32.s32 v6;
	v3 =	vld [tilespmem:s29+$0xFFFFFF30];
	[tilespmem:s1+$0xFFFFFFC0] =	vst v0  }
0x245: {  	v8 =	vld [tilespmem:s30+$0x40]  }
0x246: {  	v5 =	vcvt.f32.s32 v5;
	vm0 =	vmand vm9, vm10;
	v0 =	vld [tilespmem:s29+$0x40];
	v7 =	vtrunc.f32 v2  }
0x247: {  	vm11 =	vgt.f32 v2, $0.0e+00;
	vm12 =	vle.f32 v2, $2.220000000e+02;
	v2 =	vcvt.f32.s32 v7;
	v7 =	vld [tilespmem:s20+$0xFFFFFF00]  }
0x248: {  	v12 =	vld [tilespmem:s20+$0x80];
	v4 =	vnsel vm0, $0x0, v5;
	vm0 =	vmand vm11, vm12  }
0x249: {  	v13 =	vld [tilespmem:s31+$0xFFFFFF80];
	v3 =	vtrunc.f32 v3;
	v2 =	vnsel vm0, $0x0, v2  }
0x24a: {  	v6 =	vld.idx.msk [tilespmem:v6+s4+$0x0], $0xffff;
	v3 =	vcvt.f32.s32 v3;
	vm13 =	vgt.f32 v8, $0.0e+00;
	v11 =	vtrunc.f32 v8  }
0x24b: {  	v5 =	vld [tilespmem:s29+$0xFFFFFFB0];
	v0 =	vtrunc.f32 v0;
	vm14 =	vle.f32 v8, $2.220000000e+02;
	v8 =	vcvt.f32.s32 v11  }
0x24c: {  	v1 =	vld [tilespmem:s30+$0xFFFFFFB0];
	v0 =	vcvt.f32.s32 v0;
	v11 =	vtrunc.f32 v7  }
0x24d: {  	vm15 =	vgt.f32 v7, $0.0e+00;
	vm4 =	vle.f32 v7, $2.220000000e+02;
	v7 =	vcvt.f32.s32 v11;
	v11 =	vld [tilespmem:s31+$0x80]  }
0x24e: {  	vm0 =	vmand vm13, vm14;
	v2 =	vld.idx.msk [tilespmem:v2+s4+$0x0], $0xffff  }
0x24f: {  	v9 =	vtrunc.f32 v9;
	v4 =	vld.idx.msk [tilespmem:v4+s4+$0x0], $0xffff;
	vm5 =	vmand vm15, vm4;
	v8 =	vnsel vm0, $0x0, v8  }
0x250: {  	v9 =	vcvt.f32.s32 v9;
	v14 =	vld [tilespmem:s30+$0xC0];
	v7 =	vnsel vm5, $0x0, v7  }
0x251: {  	v3 =	vld.idx.msk [tilespmem:v3+s4+$0x0], $0xffff  }
0x252: {  	v0 =	vld.idx.msk [tilespmem:v0+s4+$0x0], $0xffff  }
0x253: {  	v6 =	vmul.f32 v6, v11;
	v11 =	vld [tilespmem:s29+$0xC0];
	v2 =	vmul.f32 v2, v12  }
0x254: {  	v8 =	vld.idx.msk [tilespmem:v8+s4+$0x0], $0xffff  }
0x255: {  	v7 =	vld.idx.msk [tilespmem:v7+s4+$0x0], $0xffff;
	v2 =	vsub.f32 v6, v2  }
0x256: {  	s21 =	simm.s32 $0x122F0;
	v6 =	vld.idx.msk [tilespmem:v9+s4+$0x0], $0xffff  }
0x257: {  	[tilespmem:s21+$0xFFFFFF90] =	vst v2  }
0x258: {  	v2 =	vld [tilespmem:s31+$0x10]  }
0x259: {  	v0 =	vmul.f32 v0, v11;
	v8 =	vmul.f32 v8, v14;
	v9 =	vld [tilespmem:s20+$0x10]  }
0x25a: {  	v1 =	vmul.f32 v4, v1;
	v3 =	vmul.f32 v3, v5  }
0x25b: {  	v4 =	vmul.f32 v7, v10;
	v0 =	vsub.f32 v0, v8;
	v5 =	vmul.f32 v6, v13;
	_ =	sdelay $0x1  }
0x25c: {  	v1 =	vsub.f32 v3, v1;
	[tilespmem:s1+$0xFFFFFFD0] =	vst v0;
	v0 =	vsub.f32 v5, v4  }
0x25d: {  	v3 =	vld [tilespmem:s29+$0x50];
	vm6 =	vgt.f32 v9, $0.0e+00;
	v4 =	vtrunc.f32 v9;
	v2 =	vtrunc.f32 v2  }
0x25e: {  	[tilespmem:s1+$0xFFFFFF40] =	vst v1;
	v1 =	vld [tilespmem:s30+$0x50];
	vm7 =	vle.f32 v9, $2.220000000e+02;
	v4 =	vcvt.f32.s32 v4;
	v2 =	vcvt.f32.s32 v2  }
0x25f: {  	v6 =	vld [tilespmem:s29+$0xFFFFFF40];
	[tilespmem:s21+$0xFFFFFF10] =	vst v0;
	vm0 =	vmand vm6, vm7  }
0x260: {  	v0 =	vld [tilespmem:s20+$0xFFFFFF10];
	v4 =	vnsel vm0, $0x0, v4  }
0x261: {  	v5 =	vld [tilespmem:s30+$0xFFFFFF40]  }
0x262: {  	v7 =	vld [tilespmem:s31+$0xFFFFFF10]  }
0x263: {  	v9 =	vld [tilespmem:s20+$0x90];
	vm8 =	vgt.f32 v1, $0.0e+00;
	v8 =	vtrunc.f32 v1;
	v3 =	vtrunc.f32 v3  }
0x264: {  	vm9 =	vle.f32 v1, $2.220000000e+02;
	v1 =	vcvt.f32.s32 v8;
	v3 =	vcvt.f32.s32 v3;
	v2 =	vld.idx.msk [tilespmem:v2+s4+$0x0], $0xffff  }
0x265: {  	vm0 =	vmand vm8, vm9;
	vm10 =	vgt.f32 v0, $0.0e+00;
	v8 =	vtrunc.f32 v0;
	v4 =	vld.idx.msk [tilespmem:v4+s4+$0x0], $0xffff  }
0x266: {  	vm11 =	vle.f32 v0, $2.220000000e+02;
	v0 =	vcvt.f32.s32 v8;
	v1 =	vnsel vm0, $0x0, v1;
	v8 =	vld [tilespmem:s31+$0x90]  }
0x267: {  	v12 =	vld [tilespmem:s30+$0xD0];
	v7 =	vtrunc.f32 v7;
	vm12 =	vmand vm10, vm11  }
0x268: {  	v10 =	vld [tilespmem:s20+$0xFFFFFF90];
	v7 =	vcvt.f32.s32 v7;
	v0 =	vnsel vm12, $0x0, v0  }
0x269: {  	v11 =	vld [tilespmem:s31+$0xFFFFFF90]  }
0x26a: {  	v3 =	vld.idx.msk [tilespmem:v3+s4+$0x0], $0xffff  }
0x26b: {  	v1 =	vld.idx.msk [tilespmem:v1+s4+$0x0], $0xffff;
	v2 =	vmul.f32 v2, v8;
	v4 =	vmul.f32 v4, v9  }
0x26c: {  	vm13 =	vgt.f32 v5, $0.0e+00;
	v8 =	vtrunc.f32 v5;
	v9 =	vld [tilespmem:s29+$0xD0]  }
0x26d: {  	vm14 =	vle.f32 v5, $2.220000000e+02;
	v5 =	vcvt.f32.s32 v8;
	v0 =	vld.idx.msk [tilespmem:v0+s4+$0x0], $0xffff;
	v2 =	vsub.f32 v2, v4  }
0x26e: {  	vm0 =	vmand vm13, vm14;
	v4 =	vtrunc.f32 v6;
	v6 =	vld.idx.msk [tilespmem:v7+s4+$0x0], $0xffff  }
0x26f: {  	v4 =	vcvt.f32.s32 v4;
	v5 =	vnsel vm0, $0x0, v5;
	[tilespmem:s21+$0xFFFFFFA0] =	vst v2  }
0x270: {  	v2 =	vld [tilespmem:s31+$0x20]  }
0x271: {  	v7 =	vld [tilespmem:s20+$0x20];
	v3 =	vmul.f32 v3, v9;
	v1 =	vmul.f32 v1, v12  }
0x272: {  	v8 =	vld [tilespmem:s30+$0xFFFFFFC0]  }
0x273: {  	v9 =	vld [tilespmem:s29+$0xFFFFFFC0];
	v0 =	vmul.f32 v0, v10;
	v6 =	vmul.f32 v6, v11;
	v1 =	vsub.f32 v3, v1  }
0x274: {  	v5 =	vld.idx.msk [tilespmem:v5+s4+$0x0], $0xffff  }
0x275: {  	v3 =	vld.idx.msk [tilespmem:v4+s4+$0x0], $0xffff;
	v0 =	vsub.f32 v6, v0;
	[tilespmem:s1+$0xFFFFFFE0] =	vst v1  }
0x276: {  	vm15 =	vgt.f32 v7, $0.0e+00;
	v1 =	vtrunc.f32 v7;
	v2 =	vtrunc.f32 v2;
	v6 =	vld [tilespmem:s30+$0x60]  }
0x277: {  	s5 =	simm.s32 $0x4600;
	v4 =	vld [tilespmem:s29+$0x60];
	vm4 =	vle.f32 v7, $2.220000000e+02;
	v1 =	vcvt.f32.s32 v1;
	v2 =	vcvt.f32.s32 v2  }
0x278: {  	v29 =	vld [tilespmem:s5+$0xFFFFFF00];
	vm0 =	vmand vm15, vm4;
	[tilespmem:s21+$0xFFFFFF20] =	vst v0  }
0x279: {  	v7 =	vld [tilespmem:s31+$0xFFFFFF20];
	v0 =	vnsel vm0, $0x0, v1  }
0x27a: {  	v1 =	vmul.f32 v5, v8;
	v5 =	vld [tilespmem:s20+$0xFFFFFF20];
	v3 =	vmul.f32 v3, v9  }
0x27b: {  	v9 =	vld [tilespmem:s31+$0xA0];
	vm5 =	vgt.f32 v6, $0.0e+00  }
0x27c: {  	v8 =	vtrunc.f32 v6;
	v4 =	vtrunc.f32 v4;
	v1 =	vsub.f32 v3, v1;
	v3 =	vld [tilespmem:s20+$0xA0]  }
0x27d: {  	vm6 =	vle.f32 v6, $2.220000000e+02;
	v6 =	vcvt.f32.s32 v8;
	v4 =	vcvt.f32.s32 v4;
	v2 =	vld.idx.msk [tilespmem:v2+s4+$0x0], $0xffff  }
0x27e: {  	vm0 =	vmand vm5, vm6;
	v7 =	vtrunc.f32 v7;
	v0 =	vld.idx.msk [tilespmem:v0+s4+$0x0], $0xffff  }
0x27f: {  	v11 =	vld [tilespmem:s30+$0xE0];
	vm7 =	vgt.f32 v5, $0.0e+00;
	v8 =	vtrunc.f32 v5;
	v6 =	vnsel vm0, $0x0, v6  }
0x280: {  	v10 =	vld [tilespmem:s20+$0xFFFFFFA0];
	vm8 =	vle.f32 v5, $2.220000000e+02;
	v7 =	vcvt.f32.s32 v7;
	v5 =	vcvt.f32.s32 v8  }
0x281: {  	[tilespmem:s1+$0xFFFFFF50] =	vst v1;
	v1 =	vld [tilespmem:s31+$0xFFFFFFA0];
	vm9 =	vmand vm7, vm8  }
0x282: {  	v8 =	vld [tilespmem:s30+$0xFFFFFF50];
	v5 =	vnsel vm9, $0x0, v5  }
0x283: {  	v4 =	vld.idx.msk [tilespmem:v4+s4+$0x0], $0xffff;
	v2 =	vmul.f32 v2, v9;
	v0 =	vmul.f32 v0, v3  }
0x284: {  	v3 =	vld.idx.msk [tilespmem:v6+s4+$0x0], $0xffff  }
0x285: {  	v6 =	vld [tilespmem:s29+$0xE0];
	v0 =	vsub.f32 v2, v0  }
0x286: {  	v7 =	vld.idx.msk [tilespmem:v7+s4+$0x0], $0xffff  }
0x287: {  	v2 =	vld.idx.msk [tilespmem:v5+s4+$0x0], $0xffff;
	v5 =	vtrunc.f32 v8;
	[tilespmem:s21+$0xFFFFFFB0] =	vst v0  }
0x288: {  	vm10 =	vgt.f32 v8, $0.0e+00;
	vm11 =	vle.f32 v8, $2.220000000e+02;
	v0 =	vcvt.f32.s32 v5;
	v5 =	vld [tilespmem:s31+$0x30]  }
0x289: {  	s22 =	simm.s32 $0xC600;
	vm0 =	vmand vm10, vm11;
	v8 =	vld [tilespmem:s20+$0x30]  }
0x28a: {  	v30 =	vld [tilespmem:s22+$0xFFFFFF00];
	v0 =	vnsel vm0, $0x0, v0  }
0x28b: {  	v31 =	vld [tilespmem:s5+$0xFFFFFF80];
	v4 =	vmul.f32 v4, v6;
	v3 =	vmul.f32 v3, v11  }
0x28c: {  	v33 =	vld [tilespmem:s5+$0x80]  }
0x28d: {  	v35 =	vld [tilespmem:s22+$0x80];
	v1 =	vmul.f32 v7, v1;
	v3 =	vsub.f32 v4, v3;
	v2 =	vmul.f32 v2, v10  }
0x28e: {  	v6 =	vld [tilespmem:s29+$0xFFFFFF50];
	vm12 =	vgt.f32 v8, $0.0e+00;
	v7 =	vtrunc.f32 v8;
	v5 =	vtrunc.f32 v5  }
0x28f: {  	vm13 =	vle.f32 v8, $2.220000000e+02;
	v9 =	vld.idx.msk [tilespmem:v0+s4+$0x0], $0xffff;
	v0 =	vcvt.f32.s32 v7;
	v5 =	vcvt.f32.s32 v5  }
0x290: {  	v17 =	vtrunc.f32 v30;
	v11 =	vld [tilespmem:s31+$0xB0];
	[tilespmem:s1+$0xFFFFFFF0] =	vst v3;
	vm0 =	vmand vm12, vm13  }
0x291: {  	v17 =	vcvt.f32.s32 v17;
	v1 =	vsub.f32 v1, v2;
	v2 =	vld [tilespmem:s29+$0x70];
	v0 =	vnsel vm0, $0x0, v0  }
0x292: {  	v3 =	vld [tilespmem:s30+$0x70]  }
0x293: {  	v8 =	vld [tilespmem:s20+$0xB0];
	[tilespmem:s21+$0xFFFFFF30] =	vst v1  }
0x294: {  	v1 =	vld [tilespmem:s20+$0xFFFFFF30]  }
0x295: {  	v6 =	vtrunc.f32 v6;
	v5 =	vld.idx.msk [tilespmem:v5+s4+$0x0], $0xffff  }
0x296: {  	v6 =	vcvt.f32.s32 v6;
	v10 =	vld.idx.msk [tilespmem:v0+s4+$0x0], $0xffff  }
0x297: {  	v36 =	vld.idx.msk [tilespmem:v17+s4+$0x0], $0xffff;
	vm14 =	vgt.f32 v3, $0.0e+00;
	v2 =	vtrunc.f32 v2;
	v0 =	vtrunc.f32 v3  }
0x298: {  	v4 =	vld [tilespmem:s30+$0xFFFFFFD0];
	vm15 =	vle.f32 v3, $2.220000000e+02;
	v2 =	vcvt.f32.s32 v2;
	v0 =	vcvt.f32.s32 v0  }
0x299: {  	v7 =	vld [tilespmem:s29+$0xFFFFFFD0];
	vm0 =	vmand vm14, vm15  }
0x29a: {  	v15 =	vnsel vm0, $0x0, v0;
	v5 =	vmul.f32 v5, v11;
	v11 =	vld [tilespmem:s5+$0x0]  }
0x29b: {  	v3 =	vtrunc.f32 v1;
	v8 =	vmul.f32 v10, v8;
	v10 =	vld [tilespmem:s22+$0x0]  }
0x29c: {  	v12 =	vld [tilespmem:s31+$0xFFFFFF30];
	vm4 =	vgt.f32 v1, $0.0e+00;
	vm5 =	vle.f32 v1, $2.220000000e+02;
	v1 =	vcvt.f32.s32 v3  }
0x29d: {  	v6 =	vld.idx.msk [tilespmem:v6+s4+$0x0], $0xffff;
	vm0 =	vmand vm4, vm5;
	v3 =	vsub.f32 v5, v8  }
0x29e: {  	v5 =	vnsel vm0, $0x0, v1;
	v1 =	vld.idx.msk [tilespmem:v2+s4+$0x0], $0xffff  }
0x29f: {  	v2 =	vld.idx.msk [tilespmem:v15+s4+$0x0], $0xffff;
	[tilespmem:s21+$0xFFFFFFC0] =	vst v3  }
0x2a0: {  	vm6 =	vgt.f32 v11, $0.0e+00;
	v28 =	vtrunc.f32 v11;
	v8 =	vld [tilespmem:s31+$0x40];
	v10 =	vtrunc.f32 v10  }
0x2a1: {  	vm7 =	vle.f32 v11, $2.220000000e+02;
	v15 =	vld [tilespmem:s20+$0x40];
	v11 =	vcvt.f32.s32 v28;
	v10 =	vcvt.f32.s32 v10  }
0x2a2: {  	v13 =	vld [tilespmem:s20+$0xFFFFFFB0];
	vm0 =	vmand vm6, vm7  }
0x2a3: {  	v14 =	vld [tilespmem:s31+$0xFFFFFFB0];
	v4 =	vmul.f32 v9, v4;
	v6 =	vmul.f32 v6, v7;
	v11 =	vnsel vm0, $0x0, v11  }
0x2a4: {  	v20 =	vtrunc.f32 v29;
	v0 =	vld [tilespmem:s30+$0xF0];
	v3 =	vtrunc.f32 v12  }
0x2a5: {  	v34 =	vcvt.f32.s32 v20;
	v4 =	vsub.f32 v6, v4;
	v6 =	vld [tilespmem:s22+$0xFFFFFF80];
	v12 =	vcvt.f32.s32 v3  }
0x2a6: {  	v3 =	vld [tilespmem:s29+$0xF0];
	vm8 =	vgt.f32 v15, $0.0e+00;
	v32 =	vtrunc.f32 v15;
	v8 =	vtrunc.f32 v8  }
0x2a7: {  	vm9 =	vle.f32 v15, $2.220000000e+02;
	v15 =	vcvt.f32.s32 v32;
	v8 =	vcvt.f32.s32 v8;
	v10 =	vld.idx.msk [tilespmem:v10+s4+$0x0], $0xffff  }
0x2a8: {  	vm10 =	vgt.f32 v29, $0.0e+00;
	vm11 =	vle.f32 v29, $2.220000000e+02;
	vm0 =	vmand vm8, vm9;
	v11 =	vld.idx.msk [tilespmem:v11+s4+$0x0], $0xffff  }
0x2a9: {  	v21 =	vld [tilespmem:s20+$0xC0];
	v15 =	vnsel vm0, $0x0, v15;
	vm0 =	vmand vm10, vm11  }
0x2aa: {  	v9 =	vld [tilespmem:s31+$0xC0];
	v16 =	vnsel vm0, $0x0, v34  }
0x2ab: {  	v5 =	vld.idx.msk [tilespmem:v5+s4+$0x0], $0xffff  }
0x2ac: {  	v12 =	vld.idx.msk [tilespmem:v12+s4+$0x0], $0xffff  }
0x2ad: {  	v8 =	vld.idx.msk [tilespmem:v8+s4+$0x0], $0xffff;
	v10 =	vmul.f32 v10, v35;
	v11 =	vmul.f32 v11, v33  }
0x2ae: {  	v7 =	vld.idx.msk [tilespmem:v15+s4+$0x0], $0xffff  }
0x2af: {  	[tilespmem:s1+$0xFFFFFF60] =	vst v4;
	v15 =	vld.idx.msk [tilespmem:v16+s4+$0x0], $0xffff;
	v4 =	vsub.f32 v10, v11  }
0x2b0: {  	s23 =	simm.s32 $0x123F0;
	v10 =	vld [tilespmem:s30+$0xFFFFFF60]  }
0x2b1: {  	v5 =	vmul.f32 v5, v13;
	v11 =	vmul.f32 v12, v14;
	v12 =	vld [tilespmem:s29+$0xFFFFFF60];
	[tilespmem:s23+$0xFFFFFF90] =	vst v4  }
0x2b2: {  	v4 =	vmul.f32 v8, v9;
	v8 =	vld [tilespmem:s22+$0x10]  }
0x2b3: {  	v5 =	vsub.f32 v11, v5;
	v9 =	vld [tilespmem:s5+$0x10]  }
0x2b4: {  	v40 =	vld [tilespmem:s5+$0x90];
	v7 =	vmul.f32 v7, v21  }
0x2b5: {  	v42 =	vld [tilespmem:s22+$0x90];
	[tilespmem:s21+$0xFFFFFF40] =	vst v5  }
0x2b6: {  	v6 =	vmul.f32 v36, v6;
	v5 =	vmul.f32 v15, v31;
	v11 =	vld [tilespmem:s20+$0xFFFFFF40];
	v7 =	vsub.f32 v4, v7  }
0x2b7: {  	v13 =	vld [tilespmem:s31+$0xFFFFFF40]  }
0x2b8: {  	v15 =	vld [tilespmem:s31+$0xFFFFFFC0];
	v5 =	vsub.f32 v6, v5;
	[tilespmem:s21+$0xFFFFFFD0] =	vst v7  }
0x2b9: {  	v7 =	vld [tilespmem:s20+$0x50]  }
0x2ba: {  	vm12 =	vgt.f32 v9, $0.0e+00;
	v8 =	vtrunc.f32 v8;
	v6 =	vld [tilespmem:s31+$0x50];
	[tilespmem:s23+$0xFFFFFF10] =	vst v5;
	v5 =	vtrunc.f32 v9  }
0x2bb: {  	vm13 =	vle.f32 v9, $2.220000000e+02;
	v8 =	vcvt.f32.s32 v8;
	v14 =	vld [tilespmem:s5+$0xFFFFFF10];
	v5 =	vcvt.f32.s32 v5  }
0x2bc: {  	vm0 =	vmand vm12, vm13;
	v37 =	vld [tilespmem:s22+$0xFFFFFF10];
	vm6 =	vgt.f32 v11, $0.0e+00;
	v43 =	vtrunc.f32 v11  }
0x2bd: {  	v4 =	vld [tilespmem:s30+$0xFFFFFFE0];
	vm7 =	vle.f32 v11, $2.220000000e+02;
	v13 =	vtrunc.f32 v13;
	v5 =	vnsel vm0, $0x0, v5  }
0x2be: {  	v9 =	vld [tilespmem:s20+$0xFFFFFFC0];
	v13 =	vcvt.f32.s32 v13;
	vm14 =	vgt.f32 v7, $0.0e+00;
	v38 =	vtrunc.f32 v7  }
0x2bf: {  	v45 =	vld [tilespmem:s20+$0xD0];
	v6 =	vtrunc.f32 v6;
	vm15 =	vle.f32 v7, $2.220000000e+02;
	v7 =	vcvt.f32.s32 v38  }
0x2c0: {  	v47 =	vld [tilespmem:s31+$0xD0];
	v6 =	vcvt.f32.s32 v6;
	vm4 =	vgt.f32 v14, $0.0e+00;
	vm0 =	vmand vm14, vm15  }
0x2c1: {  	v41 =	vtrunc.f32 v14;
	vm5 =	vle.f32 v14, $2.220000000e+02;
	v8 =	vld.idx.msk [tilespmem:v8+s4+$0x0], $0xffff;
	v11 =	vtrunc.f32 v37  }
0x2c2: {  	v14 =	vcvt.f32.s32 v41;
	v11 =	vcvt.f32.s32 v11;
	v7 =	vnsel vm0, $0x0, v7;
	v5 =	vld.idx.msk [tilespmem:v5+s4+$0x0], $0xffff  }
0x2c3: {  	v39 =	vld [tilespmem:s5+$0xFFFFFF90];
	v44 =	vcvt.f32.s32 v43;
	vm1 =	vmand vm4, vm5  }
0x2c4: {  	v12 =	vtrunc.f32 v12;
	v48 =	vld [tilespmem:s22+$0xFFFFFF90];
	vm0 =	vmand vm6, vm7;
	v14 =	vnsel vm1, $0x0, v14  }
0x2c5: {  	v46 =	vtrunc.f32 v10;
	v12 =	vcvt.f32.s32 v12;
	v13 =	vld.idx.msk [tilespmem:v13+s4+$0x0], $0xffff;
	v16 =	vnsel vm0, $0x0, v44  }
0x2c6: {  	vm8 =	vgt.f32 v10, $0.0e+00;
	vm9 =	vle.f32 v10, $2.220000000e+02;
	v10 =	vcvt.f32.s32 v46;
	v6 =	vld.idx.msk [tilespmem:v6+s4+$0x0], $0xffff  }
0x2c7: {  	v8 =	vmul.f32 v8, v42;
	v7 =	vld.idx.msk [tilespmem:v7+s4+$0x0], $0xffff;
	v5 =	vmul.f32 v5, v40  }
0x2c8: {  	vm0 =	vmand vm8, vm9;
	v11 =	vld.idx.msk [tilespmem:v11+s4+$0x0], $0xffff  }
0x2c9: {  	v10 =	vnsel vm0, $0x0, v10;
	v14 =	vld.idx.msk [tilespmem:v14+s4+$0x0], $0xffff;
	v5 =	vsub.f32 v8, v5  }
0x2ca: {  	v8 =	vld.idx.msk [tilespmem:v16+s4+$0x0], $0xffff  }
0x2cb: {  	v12 =	vld.idx.msk [tilespmem:v12+s4+$0x0], $0xffff;
	[tilespmem:s23+$0xFFFFFFA0] =	vst v5  }
0x2cc: {  	v5 =	vmul.f32 v6, v47;
	v6 =	vmul.f32 v7, v45;
	v7 =	vld [tilespmem:s22+$0x20]  }
0x2cd: {  	v49 =	vld [tilespmem:s5+$0x20]  }
0x2ce: {  	v11 =	vmul.f32 v11, v48;
	v5 =	vsub.f32 v5, v6;
	v6 =	vld.idx.msk [tilespmem:v10+s4+$0x0], $0xffff;
	v10 =	vmul.f32 v14, v39  }
0x2cf: {  	v53 =	vld [tilespmem:s5+$0xA0];
	v8 =	vmul.f32 v8, v9;
	v9 =	vmul.f32 v13, v15  }
0x2d0: {  	v54 =	vld [tilespmem:s22+$0xA0];
	[tilespmem:s21+$0xFFFFFFE0] =	vst v5;
	v5 =	vsub.f32 v11, v10  }
0x2d1: {  	v8 =	vsub.f32 v9, v8;
	v11 =	vld [tilespmem:s20+$0x60]  }
0x2d2: {  	v10 =	vld [tilespmem:s31+$0x60];
	vm10 =	vgt.f32 v49, $0.0e+00;
	v7 =	vtrunc.f32 v7;
	[tilespmem:s23+$0xFFFFFF20] =	vst v5;
	v5 =	vtrunc.f32 v49  }
0x2d3: {  	vm11 =	vle.f32 v49, $2.220000000e+02;
	v7 =	vcvt.f32.s32 v7;
	v14 =	vld [tilespmem:s5+$0xFFFFFF20];
	v5 =	vcvt.f32.s32 v5  }
0x2d4: {  	vm0 =	vmand vm10, vm11;
	v9 =	vld [tilespmem:s22+$0xFFFFFF20]  }
0x2d5: {  	v13 =	vld [tilespmem:s29+$0xFFFFFFE0];
	[tilespmem:s21+$0xFFFFFF50] =	vst v8;
	v5 =	vnsel vm0, $0x0, v5  }
0x2d6: {  	v51 =	vld [tilespmem:s20+$0xFFFFFF50];
	vm12 =	vgt.f32 v11, $0.0e+00;
	v50 =	vtrunc.f32 v11  }
0x2d7: {  	v56 =	vld [tilespmem:s20+$0xE0];
	v10 =	vtrunc.f32 v10;
	vm13 =	vle.f32 v11, $2.220000000e+02;
	v11 =	vcvt.f32.s32 v50  }
0x2d8: {  	v58 =	vld [tilespmem:s31+$0xE0];
	v10 =	vcvt.f32.s32 v10;
	vm0 =	vmand vm12, vm13;
	vm14 =	vgt.f32 v14, $0.0e+00  }
0x2d9: {  	v52 =	vtrunc.f32 v14;
	vm15 =	vle.f32 v14, $2.220000000e+02;
	v7 =	vld.idx.msk [tilespmem:v7+s4+$0x0], $0xffff;
	v9 =	vtrunc.f32 v9  }
0x2da: {  	v14 =	vcvt.f32.s32 v52;
	v11 =	vnsel vm0, $0x0, v11;
	v9 =	vcvt.f32.s32 v9;
	v5 =	vld.idx.msk [tilespmem:v5+s4+$0x0], $0xffff  }
0x2db: {  	v15 =	vld [tilespmem:s5+$0xFFFFFFA0];
	v55 =	vtrunc.f32 v51;
	vm5 =	vgt.f32 v51, $0.0e+00;
	vm4 =	vmand vm14, vm15  }
0x2dc: {  	v8 =	vld [tilespmem:s22+$0xFFFFFFA0];
	vm6 =	vle.f32 v51, $2.220000000e+02;
	v57 =	vcvt.f32.s32 v55;
	v14 =	vnsel vm4, $0x0, v14  }
0x2dd: {  	v4 =	vmul.f32 v6, v4;
	v6 =	vmul.f32 v12, v13;
	v12 =	vld [tilespmem:s20+$0xFFFFFFD0];
	vm0 =	vmand vm5, vm6  }
0x2de: {  	v17 =	vnsel vm0, $0x0, v57;
	v10 =	vld.idx.msk [tilespmem:v10+s4+$0x0], $0xffff  }
0x2df: {  	v7 =	vmul.f32 v7, v54;
	v11 =	vld.idx.msk [tilespmem:v11+s4+$0x0], $0xffff;
	v5 =	vmul.f32 v5, v53  }
0x2e0: {  	v9 =	vld.idx.msk [tilespmem:v9+s4+$0x0], $0xffff  }
0x2e1: {  	v14 =	vld.idx.msk [tilespmem:v14+s4+$0x0], $0xffff;
	v5 =	vsub.f32 v7, v5  }
0x2e2: {  	v7 =	vld [tilespmem:s31+$0xFFFFFF50]  }
0x2e3: {  	[tilespmem:s23+$0xFFFFFFB0] =	vst v5;
	v5 =	vld.idx.msk [tilespmem:v17+s4+$0x0], $0xffff  }
0x2e4: {  	v4 =	vsub.f32 v6, v4;
	v10 =	vmul.f32 v10, v58;
	v11 =	vmul.f32 v11, v56;
	v6 =	vld [tilespmem:s22+$0x30]  }
0x2e5: {  	v13 =	vld [tilespmem:s5+$0x30]  }
0x2e6: {  	[tilespmem:s1+$0xFFFFFF70] =	vst v4;
	v8 =	vmul.f32 v9, v8;
	v9 =	vld [tilespmem:s31+$0xFFFFFFD0];
	v10 =	vsub.f32 v10, v11;
	v4 =	vmul.f32 v14, v15  }
0x2e7: {  	v63 =	vld [tilespmem:s22+$0xB0]  }
0x2e8: {  	v15 =	vld [tilespmem:s29+$0xFFFFFF70];
	[tilespmem:s21+$0xFFFFFFF0] =	vst v10;
	v4 =	vsub.f32 v8, v4  }
0x2e9: {  	v7 =	vtrunc.f32 v7;
	v14 =	vld [tilespmem:s20+$0x70]  }
0x2ea: {  	v11 =	vcvt.f32.s32 v7;
	v8 =	vld [tilespmem:s31+$0x70];
	[tilespmem:s23+$0xFFFFFF30] =	vst v4  }
0x2eb: {  	vm7 =	vgt.f32 v13, $0.0e+00;
	v4 =	vtrunc.f32 v13;
	v6 =	vtrunc.f32 v6;
	v59 =	vld [tilespmem:s5+$0xFFFFFF30]  }
0x2ec: {  	v10 =	vld [tilespmem:s30+$0xFFFFFF70];
	vm8 =	vle.f32 v13, $2.220000000e+02;
	v4 =	vcvt.f32.s32 v4;
	v13 =	vcvt.f32.s32 v6  }
0x2ed: {  	v0 =	vmul.f32 v2, v0;
	v1 =	vmul.f32 v1, v3;
	v60 =	vld [tilespmem:s22+$0xFFFFFF30];
	vm0 =	vmand vm7, vm8  }
0x2ee: {  	v7 =	vld [tilespmem:s5+$0xFFFFFFB0];
	v2 =	vnsel vm0, $0x0, v4;
	vm9 =	vgt.f32 v14, $0.0e+00;
	v3 =	vtrunc.f32 v14  }
0x2ef: {  	v6 =	vld [tilespmem:s22+$0xFFFFFFB0];
	v4 =	vtrunc.f32 v8;
	vm10 =	vle.f32 v14, $2.220000000e+02;
	v3 =	vcvt.f32.s32 v3  }
0x2f0: {  	v8 =	vld.idx.msk [tilespmem:v11+s4+$0x0], $0xffff;
	v4 =	vcvt.f32.s32 v4;
	vm0 =	vmand vm9, vm10;
	v11 =	vtrunc.f32 v59  }
0x2f1: {  	v14 =	vld [tilespmem:s5+$0xB0];
	vm11 =	vgt.f32 v59, $0.0e+00;
	vm12 =	vle.f32 v59, $2.220000000e+02;
	v11 =	vcvt.f32.s32 v11  }
0x2f2: {  	v13 =	vld.idx.msk [tilespmem:v13+s4+$0x0], $0xffff;
	v61 =	vnsel vm0, $0x0, v3;
	vm13 =	vmand vm11, vm12  }
0x2f3: {  	v12 =	vmul.f32 v5, v12;
	v62 =	vld.idx.msk [tilespmem:v2+s4+$0x0], $0xffff;
	v11 =	vnsel vm13, $0x0, v11  }
0x2f4: {  	v0 =	vsub.f32 v1, v0;
	v1 =	vtrunc.f32 v10;
	v5 =	vtrunc.f32 v60;
	v2 =	vld [tilespmem:s20+$0xF0]  }
0x2f5: {  	vm14 =	vgt.f32 v10, $0.0e+00;
	v8 =	vmul.f32 v8, v9;
	v9 =	vcvt.f32.s32 v5;
	v5 =	vld [tilespmem:s31+$0xF0]  }
0x2f6: {  	vm15 =	vle.f32 v10, $2.220000000e+02;
	v10 =	vtrunc.f32 v15;
	v1 =	vcvt.f32.s32 v1;
	v3 =	vld.idx.msk [tilespmem:v4+s4+$0x0], $0xffff  }
0x2f7: {  	s10 =	simm.s32 $0x4;
	[tilespmem:s1+$0x0] =	vst v0;
	v0 =	vcvt.f32.s32 v10;
	vm0 =	vmand vm14, vm15;
	v8 =	vsub.f32 v8, v12;
	v4 =	vld.idx.msk [tilespmem:v61+s4+$0x0], $0xffff  }
0x2f8: {  	s11 =	simm.s32 $0xC800;
	s8 =	simm.s32 $0x4600;
	s7 =	simm.s32 $0x123F0;
	v1 =	vnsel vm0, $0x0, v1;
	v12 =	vmul.f32 v62, v14;
	v10 =	vld.idx.msk [tilespmem:v11+s4+$0x0], $0xffff;
	v11 =	vmul.f32 v13, v63  }
.LBB2_4:
0x2f9: {  	v13 =	vld [tilespmem:s11+$0x0];
	s5 =	sadd.s32 $0x200, s5;
	[tilespmem:s21+$0xFFFFFF60] =	vst v8  }
0x2fa: {  	v8 =	vld [tilespmem:s5+$0x0];
	v11 =	vsub.f32 v11, v12  }
0x2fb: {  	v12 =	vld [tilespmem:s5+$0xFFFFFF00]  }
0x2fc: {  	v2 =	vmul.f32 v4, v2;
	v14 =	vld [tilespmem:s11+$0xFFFFFF00];
	[tilespmem:s23+$0xFFFFFFC0] =	vst v11;
	v3 =	vmul.f32 v3, v5  }
0x2fd: {  	v4 =	vld [tilespmem:s22+$0x40]  }
0x2fe: {  	v5 =	vmul.f32 v10, v7;
	v7 =	vld [tilespmem:s8+$0x40];
	v2 =	vsub.f32 v3, v2  }
0x2ff: {  	v11 =	vtrunc.f32 v13;
	v3 =	vld [tilespmem:s5+$0xFFFFFF80];
	vm0 =	vgt.f32 v8, $0.0e+00;
	v10 =	vtrunc.f32 v8  }
0x300: {  	vm1 =	vle.f32 v8, $2.220000000e+02;
	v13 =	vld [tilespmem:s11+$0xFFFFFF80];
	v8 =	vcvt.f32.s32 v10;
	v10 =	vcvt.f32.s32 v11;
	[tilespmem:s21+$0x0] =	vst v2  }
0x301: {  	s10 =	sadd.s32 $0x2, s10;
	vm2 =	vgt.f32 v12, $0.0e+00;
	v2 =	vtrunc.f32 v12;
	vm0 =	vmand vm0, vm1;
	v9 =	vld.idx.msk [tilespmem:v9+s4+$0x0], $0xffff  }
0x302: {  	p0 =	slt.u32 s10, $0x3E;
	vm1 =	vle.f32 v12, $2.220000000e+02;
	v2 =	vcvt.f32.s32 v2;
	v8 =	vnsel vm0, $0x0, v8;
	v11 =	vld [tilespmem:s20+$0xFFFFFF60]  }
0x303: {  	v4 =	vtrunc.f32 v4;
	vm0 =	vgt.f32 v7, $0.0e+00;
	v12 =	vtrunc.f32 v7;
	v15 =	vld [tilespmem:s31+$0xFFFFFF60]  }
0x304: {  	vm3 =	vle.f32 v7, $2.220000000e+02;
	v4 =	vcvt.f32.s32 v4;
	v7 =	vcvt.f32.s32 v12;
	v12 =	vld [tilespmem:s20+$0xFFFFFFE0]  }
0x305: {  	vm1 =	vmand vm2, vm1;
	v14 =	vtrunc.f32 v14;
	vm0 =	vmand vm0, vm3;
	v16 =	vld [tilespmem:s5+$0x80]  }
0x306: {  	v14 =	vcvt.f32.s32 v14;
	v2 =	vnsel vm1, $0x0, v2;
	v10 =	vld.idx.msk [tilespmem:v10+s4+$0x0], $0xffff;
	v7 =	vnsel vm0, $0x0, v7  }
0x307: {  	v6 =	vmul.f32 v9, v6;
	v8 =	vld.idx.msk [tilespmem:v8+s4+$0x0], $0xffff;
	vm0 =	vgt.f32 v11, $0.0e+00;
	v9 =	vtrunc.f32 v11  }
0x308: {  	vm1 =	vle.f32 v11, $2.220000000e+02;
	v17 =	vld [tilespmem:s11+$0x80];
	v9 =	vcvt.f32.s32 v9;
	v11 =	vtrunc.f32 v15  }
0x309: {  	v5 =	vsub.f32 v6, v5;
	vm0 =	vmand vm0, vm1;
	v6 =	vld [tilespmem:s8+$0xC0];
	v11 =	vcvt.f32.s32 v11  }
0x30a: {  	v4 =	vld.idx.msk [tilespmem:v4+s4+$0x0], $0xffff;
	v9 =	vnsel vm0, $0x0, v9  }
0x30b: {  	[tilespmem:s23+$0xFFFFFF40] =	vst v5;
	v5 =	vld.idx.msk [tilespmem:v7+s4+$0x0], $0xffff  }
0x30c: {  	v7 =	vld [tilespmem:s22+$0xC0]  }
0x30d: {  	v8 =	vmul.f32 v8, v16;
	v2 =	vld.idx.msk [tilespmem:v2+s4+$0x0], $0xffff;
	v10 =	vmul.f32 v10, v17  }
0x30e: {  	v14 =	vld.idx.msk [tilespmem:v14+s4+$0x0], $0xffff  }
0x30f: {  	v8 =	vsub.f32 v10, v8;
	v10 =	vld [tilespmem:s8+$0xFFFFFF40]  }
0x310: {  	s23 =	sadd.s32 $0x100, s23;
	v15 =	vld [tilespmem:s22+$0xFFFFFF40]  }
0x311: {  	v5 =	vmul.f32 v5, v6;
	[tilespmem:s23+$0xFFFFFF90] =	vst v8;
	v8 =	vld [tilespmem:s8+$0xFFFFFFC0];
	v4 =	vmul.f32 v4, v7  }
0x312: {  	v6 =	vld [tilespmem:s11+$0x10]  }
0x313: {  	v2 =	vmul.f32 v2, v3;
	v3 =	vld [tilespmem:s5+$0x10];
	v4 =	vsub.f32 v4, v5  }
0x314: {  	v5 =	vmul.f32 v14, v13;
	v7 =	vld [tilespmem:s22+$0xFFFFFFC0];
	vm0 =	vgt.f32 v10, $0.0e+00;
	v13 =	vtrunc.f32 v10  }
0x315: {  	vm1 =	vle.f32 v10, $2.220000000e+02;
	v10 =	vcvt.f32.s32 v13;
	v13 =	vtrunc.f32 v15;
	[tilespmem:s7+$0xFFFFFFD0] =	vst v4;
	v4 =	vld.idx.msk [tilespmem:v9+s4+$0x0], $0xffff  }
0x316: {  	v2 =	vsub.f32 v5, v2;
	vm0 =	vmand vm0, vm1;
	v5 =	vcvt.f32.s32 v13;
	v9 =	vld [tilespmem:s22+$0x50]  }
0x317: {  	v10 =	vnsel vm0, $0x0, v10;
	v13 =	vld [tilespmem:s8+$0x50]  }
0x318: {  	v6 =	vtrunc.f32 v6;
	[tilespmem:s23+$0xFFFFFF10] =	vst v2;
	vm0 =	vgt.f32 v3, $0.0e+00;
	v2 =	vtrunc.f32 v3;
	v11 =	vld.idx.msk [tilespmem:v11+s4+$0x0], $0xffff  }
0x319: {  	vm1 =	vle.f32 v3, $2.220000000e+02;
	v3 =	vcvt.f32.s32 v6;
	v14 =	vld [tilespmem:s5+$0xFFFFFF10];
	v2 =	vcvt.f32.s32 v2  }
0x31a: {  	vm0 =	vmand vm0, vm1;
	v6 =	vld [tilespmem:s11+$0xFFFFFF10]  }
0x31b: {  	v4 =	vmul.f32 v4, v12;
	v15 =	vld [tilespmem:s5+$0xFFFFFF90];
	v2 =	vnsel vm0, $0x0, v2  }
0x31c: {  	v9 =	vtrunc.f32 v9;
	v12 =	vld [tilespmem:s11+$0xFFFFFF90];
	vm0 =	vgt.f32 v13, $0.0e+00;
	v16 =	vtrunc.f32 v13  }
0x31d: {  	vm1 =	vle.f32 v13, $2.220000000e+02;
	v9 =	vcvt.f32.s32 v9;
	v10 =	vld.idx.msk [tilespmem:v10+s4+$0x0], $0xffff;
	v13 =	vcvt.f32.s32 v16  }
0x31e: {  	vm0 =	vmand vm0, vm1;
	vm2 =	vgt.f32 v14, $0.0e+00;
	v16 =	vtrunc.f32 v14;
	v17 =	vld [tilespmem:s5+$0x90]  }
0x31f: {  	vm1 =	vle.f32 v14, $2.220000000e+02;
	v14 =	vcvt.f32.s32 v16;
	v3 =	vld.idx.msk [tilespmem:v3+s4+$0x0], $0xffff;
	v13 =	vnsel vm0, $0x0, v13  }
0x320: {  	vm0 =	vmand vm2, vm1;
	v6 =	vtrunc.f32 v6;
	v2 =	vld.idx.msk [tilespmem:v2+s4+$0x0], $0xffff  }
0x321: {  	v6 =	vcvt.f32.s32 v6;
	v14 =	vnsel vm0, $0x0, v14;
	v16 =	vld [tilespmem:s11+$0x90]  }
0x322: {  	v18 =	vld [tilespmem:s8+$0xD0]  }
0x323: {  	v8 =	vmul.f32 v10, v8;
	v9 =	vld.idx.msk [tilespmem:v9+s4+$0x0], $0xffff  }
0x324: {  	v10 =	vld.idx.msk [tilespmem:v13+s4+$0x0], $0xffff  }
0x325: {  	v13 =	vld [tilespmem:s22+$0xD0]  }
0x326: {  	v2 =	vmul.f32 v2, v17;
	v14 =	vld.idx.msk [tilespmem:v14+s4+$0x0], $0xffff;
	v3 =	vmul.f32 v3, v16  }
0x327: {  	v6 =	vld.idx.msk [tilespmem:v6+s4+$0x0], $0xffff  }
0x328: {  	v2 =	vsub.f32 v3, v2;
	v3 =	vld.idx.msk [tilespmem:v5+s4+$0x0], $0xffff  }
0x329: {  	v5 =	vld [tilespmem:s31+$0xFFFFFFE0]  }
0x32a: {  	[tilespmem:s23+$0xFFFFFFA0] =	vst v2;
	v2 =	vmul.f32 v9, v13;
	v9 =	vmul.f32 v10, v18;
	v1 =	vld.idx.msk [tilespmem:v1+s4+$0x0], $0xffff  }
0x32b: {  	v10 =	vld [tilespmem:s11+$0x20]  }
0x32c: {  	v13 =	vmul.f32 v14, v15;
	v14 =	vld [tilespmem:s5+$0x20];
	v2 =	vsub.f32 v2, v9  }
0x32d: {  	v6 =	vmul.f32 v6, v12;
	v0 =	vld.idx.msk [tilespmem:v0+s4+$0x0], $0xffff  }
0x32e: {  	v3 =	vmul.f32 v3, v7;
	[tilespmem:s7+$0xFFFFFFE0] =	vst v2;
	v2 =	vmul.f32 v11, v5;
	v5 =	vld [tilespmem:s30+$0xFFFFFFF0];
	s30 =	smov.u32 s20;
	s20 =	smov.u32 s8;
	s8 =	smov.u32 s5  }
0x32f: {  	v6 =	vsub.f32 v6, v13;
	v7 =	vld [tilespmem:s22+$0x60]  }
0x330: {  	v3 =	vsub.f32 v3, v8;
	v8 =	vld [tilespmem:s20+$0x60];
	v2 =	vsub.f32 v2, v4  }
0x331: {  	[tilespmem:s23+$0xFFFFFF20] =	vst v6;
	vm0 =	vgt.f32 v14, $0.0e+00;
	v4 =	vtrunc.f32 v14;
	v6 =	vtrunc.f32 v10;
	v9 =	vld [tilespmem:s29+$0xFFFFFFF0];
	s29 =	smov.u32 s31;
	s31 =	smov.u32 s22;
	s22 =	smov.u32 s11  }
0x332: {  	vm1 =	vle.f32 v14, $2.220000000e+02;
	v10 =	vld [tilespmem:s5+$0xFFFFFF20];
	v4 =	vcvt.f32.s32 v4;
	v6 =	vcvt.f32.s32 v6;
	[tilespmem:s7+$0xFFFFFF50] =	vst v3  }
0x333: {  	vm0 =	vmand vm0, vm1;
	v3 =	vld [tilespmem:s11+$0xFFFFFF20];
	[tilespmem:s21+$0xFFFFFF70] =	vst v2;
	v1 =	vmul.f32 v1, v5  }
0x334: {  	v2 =	vld [tilespmem:s5+$0xFFFFFFA0];
	v4 =	vnsel vm0, $0x0, v4  }
0x335: {  	v7 =	vtrunc.f32 v7;
	v5 =	vld [tilespmem:s11+$0xFFFFFFA0];
	vm0 =	vgt.f32 v8, $0.0e+00;
	v11 =	vtrunc.f32 v8  }
0x336: {  	vm1 =	vle.f32 v8, $2.220000000e+02;
	v7 =	vcvt.f32.s32 v7;
	v12 =	vld [tilespmem:s20+$0xFFFFFF50];
	v8 =	vcvt.f32.s32 v11  }
0x337: {  	vm0 =	vmand vm0, vm1;
	vm2 =	vgt.f32 v10, $0.0e+00;
	v11 =	vtrunc.f32 v10;
	v13 =	vld [tilespmem:s5+$0xA0]  }
0x338: {  	vm1 =	vle.f32 v10, $2.220000000e+02;
	v10 =	vcvt.f32.s32 v11;
	v6 =	vld.idx.msk [tilespmem:v6+s4+$0x0], $0xffff;
	v8 =	vnsel vm0, $0x0, v8  }
0x339: {  	v0 =	vmul.f32 v0, v9;
	vm0 =	vmand vm2, vm1;
	v3 =	vtrunc.f32 v3;
	v4 =	vld.idx.msk [tilespmem:v4+s4+$0x0], $0xffff  }
0x33a: {  	v3 =	vcvt.f32.s32 v3;
	v9 =	vnsel vm0, $0x0, v10;
	v10 =	vld [tilespmem:s11+$0xA0]  }
0x33b: {  	vm0 =	vgt.f32 v12, $0.0e+00;
	vm1 =	vle.f32 v12, $2.220000000e+02;
	v11 =	vtrunc.f32 v12;
	v12 =	vld [tilespmem:s20+$0xE0]  }
0x33c: {  	v0 =	vsub.f32 v0, v1;
	vm0 =	vmand vm0, vm1;
	v11 =	vcvt.f32.s32 v11;
	v7 =	vld.idx.msk [tilespmem:v7+s4+$0x0], $0xffff  }
0x33d: {  	v1 =	vld.idx.msk [tilespmem:v8+s4+$0x0], $0xffff  }
0x33e: {  	v8 =	vnsel vm0, $0x0, v11;
	v11 =	vld [tilespmem:s31+$0xE0];
	[tilespmem:s1+$0xFFFFFF80] =	vst v0;
	s1 =	smov.u32 s21;
	s21 =	smov.u32 s7;
	s7 =	smov.u32 s23  }
0x33f: {  	v4 =	vmul.f32 v4, v13;
	v0 =	vld.idx.msk [tilespmem:v9+s4+$0x0], $0xffff;
	v6 =	vmul.f32 v6, v10  }
0x340: {  	v3 =	vld.idx.msk [tilespmem:v3+s4+$0x0], $0xffff  }
0x341: {  	v4 =	vsub.f32 v6, v4;
	v6 =	vld [tilespmem:s31+$0xFFFFFF50]  }
0x342: {  	v9 =	vld [tilespmem:s20+$0xFFFFFFD0]  }
0x343: {  	v1 =	vmul.f32 v1, v12;
	[tilespmem:s23+$0xFFFFFFB0] =	vst v4;
	v4 =	vld.idx.msk [tilespmem:v8+s4+$0x0], $0xffff;
	v7 =	vmul.f32 v7, v11  }
0x344: {  	v8 =	vld [tilespmem:s11+$0x30]  }
0x345: {  	v0 =	vmul.f32 v0, v2;
	v2 =	vld [tilespmem:s5+$0x30];
	v1 =	vsub.f32 v7, v1  }
0x346: {  	v3 =	vmul.f32 v3, v5;
	v5 =	vld [tilespmem:s31+$0xFFFFFFD0];
	v6 =	vtrunc.f32 v6  }
0x347: {  	v10 =	vcvt.f32.s32 v6;
	[tilespmem:s21+$0xFFFFFFF0] =	vst v1;
	v1 =	vld [tilespmem:s30+$0xFFFFFF70]  }
0x348: {  	v0 =	vsub.f32 v3, v0;
	v3 =	vld [tilespmem:s31+$0x70]  }
0x349: {  	v11 =	vmul.f32 v4, v9;
	v4 =	vld [tilespmem:s20+$0x70]  }
0x34a: {  	v6 =	vtrunc.f32 v8;
	[tilespmem:s23+$0xFFFFFF30] =	vst v0;
	vm0 =	vgt.f32 v2, $0.0e+00;
	v0 =	vtrunc.f32 v2;
	v8 =	vld [tilespmem:s29+$0xFFFFFF70]  }
0x34b: {  	vm1 =	vle.f32 v2, $2.220000000e+02;
	v2 =	vcvt.f32.s32 v6;
	v9 =	vld [tilespmem:s5+$0xFFFFFF30];
	v0 =	vcvt.f32.s32 v0  }
0x34c: {  	vm1 =	vmand vm0, vm1;
	v12 =	vld [tilespmem:s11+$0xFFFFFF30];
	vm0 =	vgt.f32 v1, $0.0e+00;
	v6 =	vtrunc.f32 v1  }
0x34d: {  	v7 =	vld [tilespmem:s5+$0xFFFFFFB0];
	v0 =	vnsel vm1, $0x0, v0;
	vm1 =	vle.f32 v1, $2.220000000e+02;
	v1 =	vcvt.f32.s32 v6  }
0x34e: {  	v3 =	vtrunc.f32 v3;
	v6 =	vld [tilespmem:s11+$0xFFFFFFB0];
	vm2 =	vgt.f32 v4, $0.0e+00;
	v13 =	vtrunc.f32 v4  }
0x34f: {  	vm3 =	vle.f32 v4, $2.220000000e+02;
	v3 =	vcvt.f32.s32 v3;
	v10 =	vld.idx.msk [tilespmem:v10+s4+$0x0], $0xffff;
	v4 =	vcvt.f32.s32 v13  }
0x350: {  	vm2 =	vmand vm2, vm3;
	vm4 =	vgt.f32 v9, $0.0e+00;
	v13 =	vtrunc.f32 v9;
	v14 =	vld [tilespmem:s5+$0xB0]  }
0x351: {  	vm3 =	vle.f32 v9, $2.220000000e+02;
	v9 =	vcvt.f32.s32 v13;
	v13 =	vld.idx.msk [tilespmem:v2+s4+$0x0], $0xffff;
	v4 =	vnsel vm2, $0x0, v4  }
0x352: {  	vm2 =	vmand vm4, vm3;
	v2 =	vtrunc.f32 v12;
	v12 =	vld.idx.msk [tilespmem:v0+s4+$0x0], $0xffff;
	v0 =	vtrunc.f32 v8  }
0x353: {  	vm0 =	vmand vm0, vm1;
	v15 =	vnsel vm2, $0x0, v9;
	v9 =	vcvt.f32.s32 v2;
	v16 =	vld [tilespmem:s11+$0xB0]  }
.Ltmp1:
0x354: {  	v1 =	vnsel vm0, $0x0, v1;
	v0 =	vcvt.f32.s32 v0;
	v2 =	vld [tilespmem:s20+$0xF0];
	(pc) =	sbr.rel @p0 .LBB2_4-.Ltmp1, $4  }
0x355: {  	v5 =	vmul.f32 v10, v5;
	v3 =	vld.idx.msk [tilespmem:v3+s4+$0x0], $0xffff  }
0x356: {  	v4 =	vld.idx.msk [tilespmem:v4+s4+$0x0], $0xffff  }
0x357: {  	v8 =	vsub.f32 v5, v11;
	v5 =	vld [tilespmem:s31+$0xF0]  }
0x358: {  	s11 =	sadd.s32 $0x200, s11;
	v12 =	vmul.f32 v12, v14;
	v10 =	vld.idx.msk [tilespmem:v15+s4+$0x0], $0xffff;
	v11 =	vmul.f32 v13, v16  }
0x359: {  	_ =	sdelay $0x3  }
0x35a: {  	v9 =	vld.idx.msk [tilespmem:v9+s4+$0x0], $0xffff;
	_ =	sdelay $0x3  }
0x35b: {  	v11 =	vsub.f32 v11, v12  }
0x35c: {  	v7 =	vmul.f32 v10, v7;
	v6 =	vmul.f32 v9, v6  }
0x35d: {  	[tilespmem:s23+$0xFFFFFFC0] =	vst v11  }
0x35e: {  	v47 =	vld [tilespmem:s8+$0x40];
	v6 =	vsub.f32 v6, v7  }
0x35f: {  	v11 =	vld [tilespmem:s22+$0x40]  }
0x360: {  	[tilespmem:s23+$0xFFFFFF40] =	vst v6  }
0x361: {  	v6 =	vld [tilespmem:s8+$0xFFFFFF40]  }
0x362: {  	v50 =	vld [tilespmem:s22+$0xFFFFFF40]  }
0x363: {  	vm0 =	vgt.f32 v47, $0.0e+00;
	v48 =	vtrunc.f32 v47  }
0x364: {  	v49 =	vtrunc.f32 v11;
	vm1 =	vle.f32 v47, $2.220000000e+02;
	v7 =	vcvt.f32.s32 v48  }
0x365: {  	v9 =	vcvt.f32.s32 v49;
	vm0 =	vmand vm0, vm1  }
0x366: {  	v7 =	vnsel vm0, $0x0, v7  }
0x367: {  	v52 =	vtrunc.f32 v6;
	vm9 =	vgt.f32 v6, $0.0e+00;
	v10 =	vtrunc.f32 v50  }
0x368: {  	v51 =	vld [tilespmem:s8+$0xC0];
	vm10 =	vle.f32 v6, $2.220000000e+02;
	v53 =	vcvt.f32.s32 v52;
	v10 =	vcvt.f32.s32 v10  }
0x369: {  	v54 =	vld [tilespmem:s22+$0xC0];
	vm0 =	vmand vm9, vm10  }
0x36a: {  	v13 =	vld [tilespmem:s8+$0xFFFFFFC0];
	v6 =	vnsel vm0, $0x0, v53  }
0x36b: {  	v9 =	vld.idx.msk [tilespmem:v9+s4+$0x0], $0xffff  }
0x36c: {  	v7 =	vld.idx.msk [tilespmem:v7+s4+$0x0], $0xffff  }
0x36d: {  	v55 =	vld [tilespmem:s22+$0xFFFFFFC0]  }
0x36e: {  	v56 =	vld.idx.msk [tilespmem:v10+s4+$0x0], $0xffff  }
0x36f: {  	v6 =	vld.idx.msk [tilespmem:v6+s4+$0x0], $0xffff;
	_ =	sdelay $0x1  }
0x370: {  	v9 =	vmul.f32 v9, v54;
	v7 =	vmul.f32 v7, v51;
	_ =	sdelay $0x1  }
0x371: {  	v7 =	vsub.f32 v9, v7  }
0x372: {  	v9 =	vmul.f32 v56, v55;
	v6 =	vmul.f32 v6, v13  }
0x373: {  	[tilespmem:s7+$0xFFFFFFD0] =	vst v7  }
0x374: {  	v57 =	vld [tilespmem:s8+$0x50];
	v6 =	vsub.f32 v9, v6  }
0x375: {  	v7 =	vld [tilespmem:s22+$0x50]  }
0x376: {  	[tilespmem:s7+$0xFFFFFF50] =	vst v6  }
0x377: {  	v60 =	vld [tilespmem:s8+$0xFFFFFF50]  }
0x378: {  	v61 =	vld [tilespmem:s22+$0xFFFFFF50]  }
0x379: {  	vm11 =	vgt.f32 v57, $0.0e+00;
	v58 =	vtrunc.f32 v57  }
0x37a: {  	v7 =	vtrunc.f32 v7;
	vm12 =	vle.f32 v57, $2.220000000e+02;
	v59 =	vcvt.f32.s32 v58  }
0x37b: {  	v7 =	vcvt.f32.s32 v7;
	vm0 =	vmand vm11, vm12  }
0x37c: {  	v6 =	vnsel vm0, $0x0, v59  }
0x37d: {  	v63 =	vtrunc.f32 v60;
	vm13 =	vgt.f32 v60, $0.0e+00;
	v10 =	vtrunc.f32 v61  }
0x37e: {  	v62 =	vld [tilespmem:s8+$0xD0];
	vm14 =	vle.f32 v60, $2.220000000e+02;
	v16 =	vcvt.f32.s32 v63;
	v10 =	vcvt.f32.s32 v10  }
0x37f: {  	v17 =	vld [tilespmem:s22+$0xD0];
	vm0 =	vmand vm13, vm14  }
0x380: {  	v18 =	vld [tilespmem:s8+$0xFFFFFFD0];
	v9 =	vnsel vm0, $0x0, v16  }
0x381: {  	v7 =	vld.idx.msk [tilespmem:v7+s4+$0x0], $0xffff  }
0x382: {  	v6 =	vld.idx.msk [tilespmem:v6+s4+$0x0], $0xffff  }
0x383: {  	v19 =	vld [tilespmem:s22+$0xFFFFFFD0]  }
0x384: {  	v20 =	vld.idx.msk [tilespmem:v10+s4+$0x0], $0xffff  }
0x385: {  	v9 =	vld.idx.msk [tilespmem:v9+s4+$0x0], $0xffff;
	_ =	sdelay $0x1  }
0x386: {  	[tilespmem:s21+$0xFFFFFF60] =	vst v8;
	v7 =	vmul.f32 v7, v17;
	v6 =	vmul.f32 v6, v62  }
0x387: {  	v24 =	vld [tilespmem:s31+$0xFFFFFF60]  }
0x388: {  	v23 =	vld [tilespmem:s20+$0xFFFFFF60];
	v6 =	vsub.f32 v7, v6  }
0x389: {  	v7 =	vmul.f32 v20, v19;
	v22 =	vmul.f32 v9, v18  }
0x38a: {  	[tilespmem:s7+$0xFFFFFFE0] =	vst v6  }
0x38b: {  	v21 =	vld [tilespmem:s8+$0x60];
	v7 =	vsub.f32 v7, v22  }
0x38c: {  	v8 =	vtrunc.f32 v24;
	v6 =	vld [tilespmem:s22+$0x60]  }
0x38d: {  	v28 =	vtrunc.f32 v23;
	v8 =	vcvt.f32.s32 v8;
	[tilespmem:s7+$0xFFFFFF60] =	vst v7  }
0x38e: {  	vm2 =	vgt.f32 v23, $0.0e+00;
	vm5 =	vle.f32 v23, $2.220000000e+02;
	v29 =	vcvt.f32.s32 v28;
	v27 =	vld [tilespmem:s8+$0xFFFFFF60]  }
0x38f: {  	vm6 =	vmand vm2, vm5;
	v30 =	vld [tilespmem:s22+$0xFFFFFF60]  }
0x390: {  	v9 =	vnsel vm6, $0x0, v29;
	vm15 =	vgt.f32 v21, $0.0e+00;
	v25 =	vtrunc.f32 v21  }
0x391: {  	v31 =	vld [tilespmem:s20+$0xFFFFFFE0];
	v6 =	vtrunc.f32 v6;
	vm4 =	vle.f32 v21, $2.220000000e+02;
	v26 =	vcvt.f32.s32 v25  }
0x392: {  	v15 =	vld [tilespmem:s31+$0xFFFFFFE0];
	v6 =	vcvt.f32.s32 v6;
	vm0 =	vmand vm15, vm4  }
0x393: {  	v8 =	vld.idx.msk [tilespmem:v8+s4+$0x0], $0xffff;
	v7 =	vnsel vm0, $0x0, v26  }
0x394: {  	v32 =	vld [tilespmem:s8+$0xE0];
	v14 =	vtrunc.f32 v27;
	vm7 =	vgt.f32 v27, $0.0e+00;
	v11 =	vtrunc.f32 v30  }
0x395: {  	v34 =	vld [tilespmem:s22+$0xE0];
	vm8 =	vle.f32 v27, $2.220000000e+02;
	v33 =	vcvt.f32.s32 v14;
	v11 =	vcvt.f32.s32 v11  }
0x396: {  	v9 =	vld.idx.msk [tilespmem:v9+s4+$0x0], $0xffff;
	vm0 =	vmand vm7, vm8  }
0x397: {  	v16 =	vld [tilespmem:s8+$0xFFFFFFE0];
	v10 =	vnsel vm0, $0x0, v33  }
0x398: {  	v6 =	vld.idx.msk [tilespmem:v6+s4+$0x0], $0xffff  }
0x399: {  	v7 =	vld.idx.msk [tilespmem:v7+s4+$0x0], $0xffff  }
0x39a: {  	v35 =	vld [tilespmem:s22+$0xFFFFFFE0]  }
0x39b: {  	v8 =	vmul.f32 v8, v15;
	v9 =	vmul.f32 v9, v31;
	v11 =	vld.idx.msk [tilespmem:v11+s4+$0x0], $0xffff  }
0x39c: {  	v10 =	vld.idx.msk [tilespmem:v10+s4+$0x0], $0xffff  }
0x39d: {  	v36 =	vsub.f32 v8, v9  }
0x39e: {  	v6 =	vmul.f32 v6, v34;
	v7 =	vmul.f32 v7, v32  }
0x39f: {  	v1 =	vld.idx.msk [tilespmem:v1+s4+$0x0], $0xffff;
	[tilespmem:s21+$0xFFFFFF70] =	vst v36  }
0x3a0: {  	v40 =	vld [tilespmem:s20+$0xFFFFFF70];
	v6 =	vsub.f32 v6, v7  }
0x3a1: {  	v0 =	vld.idx.msk [tilespmem:v0+s4+$0x0], $0xffff;
	v7 =	vmul.f32 v11, v35;
	v39 =	vmul.f32 v10, v16  }
0x3a2: {  	v41 =	vld [tilespmem:s31+$0xFFFFFF70];
	[tilespmem:s7+$0xFFFFFFF0] =	vst v6  }
0x3a3: {  	v38 =	vld [tilespmem:s8+$0x70];
	v6 =	vsub.f32 v7, v39  }
0x3a4: {  	v48 =	vld [tilespmem:s30+$0xFFFFFFF0]  }
0x3a5: {  	v45 =	vtrunc.f32 v40;
	v37 =	vld [tilespmem:s22+$0x70];
	[tilespmem:s7+$0xFFFFFF70] =	vst v6  }
0x3a6: {  	vm11 =	vgt.f32 v40, $0.0e+00;
	vm12 =	vle.f32 v40, $2.220000000e+02;
	v46 =	vcvt.f32.s32 v45;
	v44 =	vld [tilespmem:s8+$0xFFFFFF70]  }
0x3a7: {  	vm13 =	vmand vm11, vm12;
	v47 =	vld [tilespmem:s22+$0xFFFFFF70]  }
0x3a8: {  	v49 =	vld [tilespmem:s29+$0xFFFFFFF0];
	v10 =	vnsel vm13, $0x0, v46;
	v7 =	vtrunc.f32 v41;
	v42 =	vtrunc.f32 v38  }
0x3a9: {  	v54 =	vld [tilespmem:s20+$0xFFFFFFF0];
	vm9 =	vgt.f32 v38, $0.0e+00;
	vm10 =	vle.f32 v38, $2.220000000e+02;
	v43 =	vcvt.f32.s32 v42  }
0x3aa: {  	v17 =	vld [tilespmem:s31+$0xFFFFFFF0];
	v7 =	vcvt.f32.s32 v7;
	v8 =	vtrunc.f32 v37;
	vm0 =	vmand vm9, vm10  }
0x3ab: {  	v50 =	vld [tilespmem:s8+$0xF0];
	v8 =	vcvt.f32.s32 v8;
	v6 =	vnsel vm0, $0x0, v43  }
0x3ac: {  	v53 =	vld [tilespmem:s22+$0xF0];
	v51 =	vtrunc.f32 v44;
	vm14 =	vgt.f32 v44, $0.0e+00;
	v11 =	vtrunc.f32 v47  }
0x3ad: {  	v10 =	vld.idx.msk [tilespmem:v10+s4+$0x0], $0xffff;
	vm15 =	vle.f32 v44, $2.220000000e+02;
	v52 =	vcvt.f32.s32 v51;
	v11 =	vcvt.f32.s32 v11  }
0x3ae: {  	v18 =	vld [tilespmem:s8+$0xFFFFFFF0];
	vm0 =	vmand vm14, vm15  }
0x3af: {  	v19 =	vld [tilespmem:s22+$0xFFFFFFF0];
	v9 =	vnsel vm0, $0x0, v52  }
0x3b0: {  	v7 =	vld.idx.msk [tilespmem:v7+s4+$0x0], $0xffff  }
0x3b1: {  	v8 =	vld.idx.msk [tilespmem:v8+s4+$0x0], $0xffff  }
0x3b2: {  	v6 =	vld.idx.msk [tilespmem:v6+s4+$0x0], $0xffff  }
0x3b3: {  	v11 =	vld.idx.msk [tilespmem:v11+s4+$0x0], $0xffff  }
0x3b4: {  	v9 =	vld.idx.msk [tilespmem:v9+s4+$0x0], $0xffff  }
0x3b5: {  	v2 =	vmul.f32 v4, v2;
	v3 =	vmul.f32 v3, v5  }
0x3b6: {  	v1 =	vmul.f32 v1, v48;
	v0 =	vmul.f32 v0, v49  }
0x3b7: {  	v2 =	vsub.f32 v3, v2;
	v57 =	vmul.f32 v10, v54;
	v58 =	vmul.f32 v7, v17  }
0x3b8: {  	v0 =	vsub.f32 v0, v1;
	v55 =	vmul.f32 v8, v53;
	v56 =	vmul.f32 v6, v50  }
0x3b9: {  	[tilespmem:s21+$0x0] =	vst v2;
	v62 =	vsub.f32 v58, v57;
	v61 =	vmul.f32 v11, v19;
	v60 =	vmul.f32 v9, v18  }
0x3ba: {  	[tilespmem:s1+$0xFFFFFF80] =	vst v0;
	v59 =	vsub.f32 v55, v56  }
0x3bb: {  	[tilespmem:s21+$0xFFFFFF80] =	vst v62;
	v63 =	vsub.f32 v61, v60  }
0x3bc: {  	[tilespmem:s7+$0x0] =	vst v59  }
0x3bd: {  	s30 =	simm.s32 $0x4100;
	[tilespmem:s7+$0xFFFFFF80] =	vst v63  }
0x3be: {  	[tilespmem:s30], [sflag:$0x2] =	stream.linear.gather [hbm4b:s15+s4], $0x4000, $0x38;
	[tilespmem:$0x14100] =	vst v63  }
0x3bf: {  	s1 =	simm.s32 $0x1;
	s31 =	simm.s32 $0xC100  }
0x3c0: {  	[tilespmem:s31], [sflag:$0x4] =	stream.linear.gather [hbm4b:s16+s4], $0x4000, $0x38;
	[tilespmem:$0x14100] =	vst v63  }
.LBB2_6:
0x3c1: {  	_ =	swait.ge [sflag:s24], $0x4000  }
0x3c2: {  	[sflag:s24] =	ssyncset.done $0x0  }
0x3c3: {  	[sflag:s24] =	ssyncadd.s32 $0xFFFFC000  }
0x3c4: {  	_ =	swait.ge [sflag:s25], $0x4000  }
0x3c5: {  	[sflag:s25] =	ssyncset.done $0x0  }
0x3c6: {  	s5 =	simm.s32 $0x8200;
	[sflag:s25] =	ssyncadd.s32 $0xFFFFC000  }
0x3c7: {  	s7 =	simm.s32 $0x200;
	v0 =	vld [tilespmem:s5+$0x0]  }
0x3c8: {  	v1 =	vld [tilespmem:s7+$0x0];
	_ =	sdelay $0x4  }
0x3c9: {  	vm0 =	vgt.f32 v1, $0.0e+00;
	v2 =	vtrunc.f32 v1;
	v0 =	vtrunc.f32 v0  }
0x3ca: {  	vm1 =	vle.f32 v1, $2.220000000e+02;
	v1 =	vcvt.f32.s32 v2;
	v0 =	vcvt.f32.s32 v0  }
0x3cb: {  	vm0 =	vmand vm0, vm1  }
0x3cc: {  	v1 =	vnsel vm0, $0x0, v1;
	_ =	sdelay $0x1  }
0x3cd: {  	v3 =	vld [tilespmem:s5+$0x80]  }
0x3ce: {  	v2 =	vld [tilespmem:s7+$0x80]  }
0x3cf: {  	v0 =	vld.idx.msk [tilespmem:v0+s4+$0x0], $0xffff  }
0x3d0: {  	v1 =	vld.idx.msk [tilespmem:v1+s4+$0x0], $0xffff;
	_ =	sdelay $0x4  }
0x3d1: {  	v0 =	vmul.f32 v0, v3;
	v1 =	vmul.f32 v1, v2;
	_ =	sdelay $0x1  }
0x3d2: {  	v2 =	vld [tilespmem:s7+$0xFFFFFF00];
	v0 =	vsub.f32 v0, v1  }
0x3d3: {  	s30 =	simm.s32 $0x101F0;
	v1 =	vld [tilespmem:s5+$0xFFFFFF00]  }
0x3d4: {  	[tilespmem:s30+$0xFFFFFF90] =	vst.add.f32.msk $0xffff, v0  }
0x3d5: {  	v0 =	vld [tilespmem:s5+$0x10]  }
0x3d6: {  	v3 =	vld [tilespmem:s7+$0x10]  }
0x3d7: {  	v4 =	vtrunc.f32 v2  }
0x3d8: {  	vm0 =	vgt.f32 v2, $0.0e+00;
	vm1 =	vle.f32 v2, $2.220000000e+02;
	v2 =	vcvt.f32.s32 v4  }
0x3d9: {  	vm0 =	vmand vm0, vm1;
	v1 =	vtrunc.f32 v1  }
0x3da: {  	v2 =	vnsel vm0, $0x0, v2;
	v1 =	vcvt.f32.s32 v1  }
0x3db: {  	vm0 =	vgt.f32 v3, $0.0e+00;
	v4 =	vtrunc.f32 v3;
	v0 =	vtrunc.f32 v0  }
0x3dc: {  	v5 =	vld [tilespmem:s5+$0xFFFFFF80];
	vm1 =	vle.f32 v3, $2.220000000e+02;
	v3 =	vcvt.f32.s32 v4;
	v0 =	vcvt.f32.s32 v0  }
0x3dd: {  	v6 =	vld [tilespmem:s7+$0x90];
	vm0 =	vmand vm0, vm1  }
0x3de: {  	v4 =	vld [tilespmem:s7+$0xFFFFFF80];
	v3 =	vnsel vm0, $0x0, v3  }
0x3df: {  	v2 =	vld.idx.msk [tilespmem:v2+s4+$0x0], $0xffff  }
0x3e0: {  	v1 =	vld.idx.msk [tilespmem:v1+s4+$0x0], $0xffff  }
0x3e1: {  	v7 =	vld [tilespmem:s5+$0x90]  }
0x3e2: {  	v0 =	vld.idx.msk [tilespmem:v0+s4+$0x0], $0xffff  }
0x3e3: {  	v3 =	vld.idx.msk [tilespmem:v3+s4+$0x0], $0xffff;
	_ =	sdelay $0x1  }
0x3e4: {  	v2 =	vmul.f32 v2, v4;
	v1 =	vmul.f32 v1, v5;
	_ =	sdelay $0x1  }
0x3e5: {  	v1 =	vsub.f32 v1, v2  }
0x3e6: {  	v0 =	vmul.f32 v0, v7;
	v2 =	vmul.f32 v3, v6  }
0x3e7: {  	[tilespmem:s30+$0xFFFFFF10] =	vst.add.f32.msk $0xffff, v1  }
0x3e8: {  	v1 =	vld [tilespmem:s7+$0xFFFFFF10];
	v0 =	vsub.f32 v0, v2  }
0x3e9: {  	v2 =	vld [tilespmem:s5+$0xFFFFFF10]  }
0x3ea: {  	[tilespmem:s30+$0xFFFFFFA0] =	vst.add.f32.msk $0xffff, v0  }
0x3eb: {  	v0 =	vld [tilespmem:s5+$0x20]  }
0x3ec: {  	v3 =	vld [tilespmem:s7+$0x20]  }
0x3ed: {  	v4 =	vtrunc.f32 v1  }
0x3ee: {  	vm0 =	vgt.f32 v1, $0.0e+00;
	vm1 =	vle.f32 v1, $2.220000000e+02;
	v1 =	vcvt.f32.s32 v4  }
0x3ef: {  	v2 =	vtrunc.f32 v2;
	vm0 =	vmand vm0, vm1  }
0x3f0: {  	v2 =	vcvt.f32.s32 v2;
	v1 =	vnsel vm0, $0x0, v1  }
0x3f1: {  	vm0 =	vgt.f32 v3, $0.0e+00;
	v4 =	vtrunc.f32 v3;
	v0 =	vtrunc.f32 v0  }
0x3f2: {  	v5 =	vld [tilespmem:s5+$0xFFFFFF90];
	vm1 =	vle.f32 v3, $2.220000000e+02;
	v3 =	vcvt.f32.s32 v4;
	v0 =	vcvt.f32.s32 v0  }
0x3f3: {  	v6 =	vld [tilespmem:s7+$0xA0];
	vm0 =	vmand vm0, vm1  }
0x3f4: {  	v4 =	vld [tilespmem:s7+$0xFFFFFF90];
	v3 =	vnsel vm0, $0x0, v3  }
0x3f5: {  	v1 =	vld.idx.msk [tilespmem:v1+s4+$0x0], $0xffff  }
0x3f6: {  	v2 =	vld.idx.msk [tilespmem:v2+s4+$0x0], $0xffff  }
0x3f7: {  	v7 =	vld [tilespmem:s5+$0xA0]  }
0x3f8: {  	v0 =	vld.idx.msk [tilespmem:v0+s4+$0x0], $0xffff  }
0x3f9: {  	v3 =	vld.idx.msk [tilespmem:v3+s4+$0x0], $0xffff;
	_ =	sdelay $0x1  }
0x3fa: {  	v1 =	vmul.f32 v1, v4;
	v2 =	vmul.f32 v2, v5;
	_ =	sdelay $0x1  }
0x3fb: {  	v1 =	vsub.f32 v2, v1  }
0x3fc: {  	v0 =	vmul.f32 v0, v7;
	v2 =	vmul.f32 v3, v6  }
0x3fd: {  	[tilespmem:s30+$0xFFFFFF20] =	vst.add.f32.msk $0xffff, v1  }
0x3fe: {  	v1 =	vld [tilespmem:s7+$0xFFFFFF20];
	v0 =	vsub.f32 v0, v2  }
0x3ff: {  	v2 =	vld [tilespmem:s5+$0xFFFFFF20]  }
0x400: {  	[tilespmem:s30+$0xFFFFFFB0] =	vst.add.f32.msk $0xffff, v0  }
0x401: {  	v0 =	vld [tilespmem:s5+$0x30]  }
0x402: {  	v3 =	vld [tilespmem:s7+$0x30]  }
0x403: {  	v4 =	vtrunc.f32 v1  }
0x404: {  	vm0 =	vgt.f32 v1, $0.0e+00;
	vm1 =	vle.f32 v1, $2.220000000e+02;
	v1 =	vcvt.f32.s32 v4  }
0x405: {  	vm0 =	vmand vm0, vm1;
	v2 =	vtrunc.f32 v2  }
0x406: {  	v2 =	vcvt.f32.s32 v2;
	v1 =	vnsel vm0, $0x0, v1  }
0x407: {  	vm0 =	vgt.f32 v3, $0.0e+00;
	v4 =	vtrunc.f32 v3;
	v0 =	vtrunc.f32 v0  }
0x408: {  	v5 =	vld [tilespmem:s5+$0xFFFFFFA0];
	vm1 =	vle.f32 v3, $2.220000000e+02;
	v3 =	vcvt.f32.s32 v4;
	v0 =	vcvt.f32.s32 v0  }
0x409: {  	v6 =	vld [tilespmem:s7+$0xB0];
	vm0 =	vmand vm0, vm1  }
0x40a: {  	v4 =	vld [tilespmem:s7+$0xFFFFFFA0];
	v3 =	vnsel vm0, $0x0, v3  }
0x40b: {  	v1 =	vld.idx.msk [tilespmem:v1+s4+$0x0], $0xffff  }
0x40c: {  	v2 =	vld.idx.msk [tilespmem:v2+s4+$0x0], $0xffff  }
0x40d: {  	v7 =	vld [tilespmem:s5+$0xB0]  }
0x40e: {  	v0 =	vld.idx.msk [tilespmem:v0+s4+$0x0], $0xffff  }
0x40f: {  	v3 =	vld.idx.msk [tilespmem:v3+s4+$0x0], $0xffff;
	_ =	sdelay $0x1  }
0x410: {  	v1 =	vmul.f32 v1, v4;
	v2 =	vmul.f32 v2, v5;
	_ =	sdelay $0x1  }
0x411: {  	v1 =	vsub.f32 v2, v1  }
0x412: {  	v0 =	vmul.f32 v0, v7;
	v2 =	vmul.f32 v3, v6  }
0x413: {  	[tilespmem:s30+$0xFFFFFF30] =	vst.add.f32.msk $0xffff, v1  }
0x414: {  	v1 =	vld [tilespmem:s7+$0xFFFFFF30];
	v0 =	vsub.f32 v0, v2;
	_ =	sdelay $0x1  }
0x415: {  	[tilespmem:s30+$0xFFFFFFC0] =	vst.add.f32.msk $0xffff, v0  }
0x416: {  	v0 =	vld [tilespmem:s5+$0x40]  }
0x417: {  	v2 =	vld [tilespmem:s7+$0x40]  }
0x418: {  	v3 =	vtrunc.f32 v1  }
0x419: {  	s20 =	simm.s32 $0x400;
	vm0 =	vgt.f32 v1, $0.0e+00;
	vm1 =	vle.f32 v1, $2.220000000e+02;
	v1 =	vcvt.f32.s32 v3  }
0x41a: {  	s29 =	simm.s32 $0x8400;
	v8 =	vld [tilespmem:s20+$0xFFFFFF00];
	vm0 =	vmand vm0, vm1  }
0x41b: {  	v11 =	vld [tilespmem:s29+$0xFFFFFF00];
	v1 =	vnsel vm0, $0x0, v1  }
0x41c: {  	v7 =	vld [tilespmem:s20+$0x0];
	vm0 =	vgt.f32 v2, $0.0e+00;
	v5 =	vtrunc.f32 v2;
	v0 =	vtrunc.f32 v0  }
0x41d: {  	v3 =	vld [tilespmem:s5+$0xFFFFFF30];
	vm1 =	vle.f32 v2, $2.220000000e+02;
	v2 =	vcvt.f32.s32 v5;
	v0 =	vcvt.f32.s32 v0  }
0x41e: {  	v12 =	vld [tilespmem:s20+$0xFFFFFF80];
	vm0 =	vmand vm0, vm1  }
0x41f: {  	v5 =	vld [tilespmem:s29+$0x0];
	v2 =	vnsel vm0, $0x0, v2  }
0x420: {  	v14 =	vld [tilespmem:s29+$0xFFFFFF80]  }
0x421: {  	v10 =	vtrunc.f32 v7;
	v9 =	vld [tilespmem:s7+$0xC0];
	vm1 =	vle.f32 v7, $2.220000000e+02  }
0x422: {  	v3 =	vtrunc.f32 v3;
	vm0 =	vgt.f32 v7, $0.0e+00;
	v7 =	vcvt.f32.s32 v10;
	v10 =	vld [tilespmem:s5+$0xC0]  }
0x423: {  	v3 =	vcvt.f32.s32 v3;
	v0 =	vld.idx.msk [tilespmem:v0+s4+$0x0], $0xffff  }
0x424: {  	vm0 =	vmand vm0, vm1;
	v5 =	vtrunc.f32 v5;
	v2 =	vld.idx.msk [tilespmem:v2+s4+$0x0], $0xffff  }
0x425: {  	v4 =	vld [tilespmem:s7+$0xFFFFFFB0];
	v7 =	vnsel vm0, $0x0, v7;
	v5 =	vcvt.f32.s32 v5  }
0x426: {  	v6 =	vld [tilespmem:s5+$0xFFFFFFB0]  }
0x427: {  	v13 =	vtrunc.f32 v8;
	v1 =	vld.idx.msk [tilespmem:v1+s4+$0x0], $0xffff  }
0x428: {  	v13 =	vcvt.f32.s32 v13;
	vm1 =	vle.f32 v8, $2.220000000e+02;
	vm0 =	vgt.f32 v8, $0.0e+00;
	v8 =	vld [tilespmem:s20+$0x80]  }
0x429: {  	v3 =	vld.idx.msk [tilespmem:v3+s4+$0x0], $0xffff;
	v0 =	vmul.f32 v0, v10;
	v2 =	vmul.f32 v2, v9  }
0x42a: {  	vm0 =	vmand vm0, vm1;
	v7 =	vld.idx.msk [tilespmem:v7+s4+$0x0], $0xffff  }
0x42b: {  	v10 =	vnsel vm0, $0x0, v13;
	v9 =	vtrunc.f32 v11;
	v5 =	vld.idx.msk [tilespmem:v5+s4+$0x0], $0xffff;
	v0 =	vsub.f32 v0, v2  }
0x42c: {  	v9 =	vcvt.f32.s32 v9;
	v2 =	vld [tilespmem:s29+$0x80]  }
0x42d: {  	[tilespmem:s30+$0xFFFFFFD0] =	vst.add.f32.msk $0xffff, v0  }
0x42e: {  	v0 =	vmul.f32 v1, v4;
	v1 =	vmul.f32 v3, v6;
	v3 =	vld [tilespmem:s5+$0x50]  }
0x42f: {  	v4 =	vld [tilespmem:s7+$0x50]  }
0x430: {  	v0 =	vsub.f32 v1, v0;
	v1 =	vld.idx.msk [tilespmem:v10+s4+$0x0], $0xffff  }
0x431: {  	v10 =	vld [tilespmem:s7+$0xD0];
	v2 =	vmul.f32 v5, v2;
	v5 =	vmul.f32 v7, v8  }
0x432: {  	v6 =	vld.idx.msk [tilespmem:v9+s4+$0x0], $0xffff  }
0x433: {  	[tilespmem:s30+$0xFFFFFF40] =	vst.add.f32.msk $0xffff, v0;
	v0 =	vsub.f32 v2, v5  }
0x434: {  	s31 =	simm.s32 $0x102F0;
	v2 =	vld [tilespmem:s7+$0xFFFFFF40];
	v3 =	vtrunc.f32 v3  }
0x435: {  	v7 =	vtrunc.f32 v4;
	[tilespmem:s31+$0xFFFFFF90] =	vst.add.f32.msk $0xffff, v0;
	v3 =	vcvt.f32.s32 v3  }
0x436: {  	vm0 =	vgt.f32 v4, $0.0e+00;
	vm1 =	vle.f32 v4, $2.220000000e+02;
	v0 =	vcvt.f32.s32 v7;
	v7 =	vld [tilespmem:s20+$0x10]  }
0x437: {  	vm0 =	vmand vm0, vm1;
	v4 =	vld [tilespmem:s29+$0x10]  }
0x438: {  	v5 =	vld [tilespmem:s5+$0xFFFFFF40];
	v0 =	vnsel vm0, $0x0, v0  }
0x439: {  	v8 =	vld [tilespmem:s7+$0xFFFFFFC0];
	v1 =	vmul.f32 v1, v12;
	v6 =	vmul.f32 v6, v14  }
0x43a: {  	v9 =	vld [tilespmem:s5+$0xFFFFFFC0]  }
0x43b: {  	v1 =	vsub.f32 v6, v1;
	v3 =	vld.idx.msk [tilespmem:v3+s4+$0x0], $0xffff;
	vm0 =	vgt.f32 v7, $0.0e+00  }
0x43c: {  	v6 =	vtrunc.f32 v7;
	v4 =	vtrunc.f32 v4;
	vm1 =	vle.f32 v7, $2.220000000e+02;
	v7 =	vld [tilespmem:s5+$0xD0]  }
0x43d: {  	v0 =	vld.idx.msk [tilespmem:v0+s4+$0x0], $0xffff;
	v6 =	vcvt.f32.s32 v6;
	v4 =	vcvt.f32.s32 v4  }
0x43e: {  	[tilespmem:s31+$0xFFFFFF10] =	vst.add.f32.msk $0xffff, v1;
	vm0 =	vmand vm0, vm1  }
0x43f: {  	v1 =	vld [tilespmem:s20+$0xFFFFFF10];
	v6 =	vnsel vm0, $0x0, v6  }
0x440: {  	v11 =	vtrunc.f32 v2;
	v12 =	vld [tilespmem:s29+$0xFFFFFF10]  }
0x441: {  	v5 =	vtrunc.f32 v5;
	v11 =	vcvt.f32.s32 v11;
	v13 =	vld [tilespmem:s20+$0xFFFFFF90];
	vm1 =	vle.f32 v2, $2.220000000e+02  }
0x442: {  	vm0 =	vgt.f32 v2, $0.0e+00;
	v2 =	vld [tilespmem:s20+$0x90];
	v3 =	vmul.f32 v3, v7;
	v0 =	vmul.f32 v0, v10  }
0x443: {  	v5 =	vcvt.f32.s32 v5;
	vm0 =	vmand vm0, vm1;
	v4 =	vld.idx.msk [tilespmem:v4+s4+$0x0], $0xffff  }
0x444: {  	v7 =	vnsel vm0, $0x0, v11;
	v10 =	vtrunc.f32 v1;
	v6 =	vld.idx.msk [tilespmem:v6+s4+$0x0], $0xffff;
	v0 =	vsub.f32 v3, v0  }
0x445: {  	vm0 =	vgt.f32 v1, $0.0e+00;
	vm1 =	vle.f32 v1, $2.220000000e+02;
	v1 =	vcvt.f32.s32 v10;
	v3 =	vld [tilespmem:s29+$0x90]  }
0x446: {  	vm0 =	vmand vm0, vm1;
	v10 =	vtrunc.f32 v12;
	[tilespmem:s30+$0xFFFFFFE0] =	vst.add.f32.msk $0xffff, v0  }
0x447: {  	v1 =	vnsel vm0, $0x0, v1;
	v0 =	vcvt.f32.s32 v10;
	v10 =	vld [tilespmem:s5+$0x60]  }
0x448: {  	v11 =	vld [tilespmem:s7+$0x60]  }
0x449: {  	v5 =	vld.idx.msk [tilespmem:v5+s4+$0x0], $0xffff  }
0x44a: {  	v12 =	vld [tilespmem:s29+$0xFFFFFF90];
	v3 =	vmul.f32 v4, v3;
	v2 =	vmul.f32 v6, v2  }
0x44b: {  	v4 =	vld.idx.msk [tilespmem:v7+s4+$0x0], $0xffff  }
0x44c: {  	v1 =	vld.idx.msk [tilespmem:v1+s4+$0x0], $0xffff;
	v2 =	vsub.f32 v3, v2  }
0x44d: {  	v0 =	vld.idx.msk [tilespmem:v0+s4+$0x0], $0xffff;
	v3 =	vtrunc.f32 v11;
	v6 =	vtrunc.f32 v10  }
0x44e: {  	[tilespmem:s31+$0xFFFFFFA0] =	vst.add.f32.msk $0xffff, v2;
	v2 =	vcvt.f32.s32 v3;
	v3 =	vcvt.f32.s32 v6  }
0x44f: {  	vm0 =	vgt.f32 v11, $0.0e+00;
	vm1 =	vle.f32 v11, $2.220000000e+02;
	v7 =	vld [tilespmem:s20+$0x20]  }
0x450: {  	vm0 =	vmand vm0, vm1;
	v6 =	vld [tilespmem:s29+$0x20]  }
0x451: {  	s21 =	simm.s32 $0x8600;
	v2 =	vnsel vm0, $0x0, v2  }
0x452: {  	v17 =	vld [tilespmem:s21+$0xFFFFFF80];
	v5 =	vmul.f32 v5, v9;
	v4 =	vmul.f32 v4, v8  }
0x453: {  	v8 =	vld [tilespmem:s7+$0xE0];
	v1 =	vmul.f32 v1, v13  }
0x454: {  	v4 =	vsub.f32 v5, v4;
	v0 =	vmul.f32 v0, v12;
	v3 =	vld.idx.msk [tilespmem:v3+s4+$0x0], $0xffff;
	vm0 =	vgt.f32 v7, $0.0e+00  }
0x455: {  	v5 =	vtrunc.f32 v7;
	v6 =	vtrunc.f32 v6;
	vm1 =	vle.f32 v7, $2.220000000e+02;
	v7 =	vld [tilespmem:s5+$0xE0]  }
0x456: {  	v2 =	vld.idx.msk [tilespmem:v2+s4+$0x0], $0xffff;
	v5 =	vcvt.f32.s32 v5;
	v6 =	vcvt.f32.s32 v6  }
0x457: {  	[tilespmem:s30+$0xFFFFFF50] =	vst.add.f32.msk $0xffff, v4;
	v0 =	vsub.f32 v0, v1;
	vm0 =	vmand vm0, vm1  }
0x458: {  	v4 =	vld [tilespmem:s7+$0xFFFFFF50];
	v1 =	vnsel vm0, $0x0, v5  }
0x459: {  	[tilespmem:s31+$0xFFFFFF20] =	vst.add.f32.msk $0xffff, v0  }
0x45a: {  	v0 =	vld [tilespmem:s20+$0xFFFFFF20]  }
0x45b: {  	v5 =	vld [tilespmem:s20+$0xA0];
	v3 =	vmul.f32 v3, v7;
	v2 =	vmul.f32 v2, v8  }
0x45c: {  	v6 =	vld.idx.msk [tilespmem:v6+s4+$0x0], $0xffff  }
0x45d: {  	v1 =	vld.idx.msk [tilespmem:v1+s4+$0x0], $0xffff;
	v2 =	vsub.f32 v3, v2  }
0x45e: {  	v3 =	vld [tilespmem:s29+$0xA0]  }
0x45f: {  	[tilespmem:s30+$0xFFFFFFF0] =	vst.add.f32.msk $0xffff, v2  }
0x460: {  	v7 =	vld [tilespmem:s5+$0x70]  }
0x461: {  	vm0 =	vgt.f32 v4, $0.0e+00;
	v2 =	vtrunc.f32 v4;
	v8 =	vld [tilespmem:s7+$0x70]  }
0x462: {  	v9 =	vld [tilespmem:s29+$0xFFFFFF20];
	vm1 =	vle.f32 v4, $2.220000000e+02;
	v4 =	vtrunc.f32 v0;
	v2 =	vcvt.f32.s32 v2  }
0x463: {  	v10 =	vld [tilespmem:s7+$0xFFFFFFD0];
	vm0 =	vmand vm0, vm1;
	v3 =	vmul.f32 v6, v3;
	v1 =	vmul.f32 v1, v5  }
0x464: {  	v13 =	vld [tilespmem:s5+$0xFFFFFFD0];
	vm2 =	vgt.f32 v0, $0.0e+00;
	vm3 =	vle.f32 v0, $2.220000000e+02;
	v0 =	vcvt.f32.s32 v4  }
0x465: {  	vm1 =	vmand vm2, vm3;
	v4 =	vld [tilespmem:s20+$0xFFFFFFA0];
	v2 =	vnsel vm0, $0x0, v2;
	v1 =	vsub.f32 v3, v1  }
0x466: {  	v0 =	vnsel vm1, $0x0, v0;
	v3 =	vld [tilespmem:s5+$0xFFFFFF50];
	v6 =	vtrunc.f32 v8;
	v7 =	vtrunc.f32 v7  }
0x467: {  	vm0 =	vgt.f32 v8, $0.0e+00;
	[tilespmem:s31+$0xFFFFFFB0] =	vst.add.f32.msk $0xffff, v1;
	v1 =	vcvt.f32.s32 v7;
	v7 =	vtrunc.f32 v9  }
0x468: {  	vm1 =	vle.f32 v8, $2.220000000e+02;
	v6 =	vcvt.f32.s32 v6;
	v9 =	vld [tilespmem:s29+$0x30];
	v7 =	vcvt.f32.s32 v7  }
0x469: {  	vm0 =	vmand vm0, vm1;
	v8 =	vld [tilespmem:s20+$0x30]  }
0x46a: {  	v11 =	vld [tilespmem:s7+$0xF0];
	v6 =	vnsel vm0, $0x0, v6  }
0x46b: {  	v5 =	vld [tilespmem:s29+$0xFFFFFFA0];
	v3 =	vtrunc.f32 v3  }
0x46c: {  	v0 =	vld.idx.msk [tilespmem:v0+s4+$0x0], $0xffff;
	v3 =	vcvt.f32.s32 v3  }
0x46d: {  	v1 =	vld.idx.msk [tilespmem:v1+s4+$0x0], $0xffff  }
0x46e: {  	vm0 =	vgt.f32 v8, $0.0e+00;
	v12 =	vtrunc.f32 v8;
	v9 =	vtrunc.f32 v9;
	v7 =	vld.idx.msk [tilespmem:v7+s4+$0x0], $0xffff  }
0x46f: {  	vm1 =	vle.f32 v8, $2.220000000e+02;
	v8 =	vcvt.f32.s32 v12;
	v9 =	vcvt.f32.s32 v9;
	v6 =	vld.idx.msk [tilespmem:v6+s4+$0x0], $0xffff  }
0x470: {  	vm0 =	vmand vm0, vm1;
	v12 =	vld [tilespmem:s5+$0xF0]  }
0x471: {  	v2 =	vld.idx.msk [tilespmem:v2+s4+$0x0], $0xffff;
	v8 =	vnsel vm0, $0x0, v8  }
0x472: {  	v3 =	vld.idx.msk [tilespmem:v3+s4+$0x0], $0xffff  }
0x473: {  	s23 =	simm.s32 $0x600;
	v0 =	vmul.f32 v0, v4;
	v4 =	vmul.f32 v7, v5;
	v5 =	vld [tilespmem:s20+$0xB0]  }
0x474: {  	v6 =	vmul.f32 v6, v11;
	v11 =	vld [tilespmem:s23+$0x0]  }
0x475: {  	v1 =	vmul.f32 v1, v12;
	v7 =	vld.idx.msk [tilespmem:v9+s4+$0x0], $0xffff  }
0x476: {  	v0 =	vsub.f32 v4, v0;
	v4 =	vld.idx.msk [tilespmem:v8+s4+$0x0], $0xffff  }
0x477: {  	v8 =	vld [tilespmem:s29+$0xB0];
	v1 =	vsub.f32 v1, v6  }
0x478: {  	[tilespmem:s31+$0xFFFFFF30] =	vst.add.f32.msk $0xffff, v0  }
0x479: {  	[tilespmem:s30+$0x0] =	vst.add.f32.msk $0xffff, v1  }
0x47a: {  	v2 =	vmul.f32 v2, v10;
	v3 =	vmul.f32 v3, v13;
	v0 =	vld [tilespmem:s20+$0xFFFFFF30]  }
0x47b: {  	v1 =	vld [tilespmem:s29+$0xFFFFFF30]  }
0x47c: {  	v13 =	vld [tilespmem:s23+$0xFFFFFF00];
	v2 =	vsub.f32 v3, v2;
	v6 =	vmul.f32 v7, v8;
	v4 =	vmul.f32 v4, v5  }
0x47d: {  	v3 =	vld [tilespmem:s20+$0xFFFFFFB0]  }
0x47e: {  	[tilespmem:s30+$0xFFFFFF60] =	vst.add.f32.msk $0xffff, v2;
	v4 =	vsub.f32 v6, v4  }
0x47f: {  	v9 =	vld [tilespmem:s5+$0xFFFFFF60]  }
0x480: {  	v2 =	vtrunc.f32 v0;
	vm0 =	vgt.f32 v0, $0.0e+00;
	v1 =	vtrunc.f32 v1;
	[tilespmem:s31+$0xFFFFFFC0] =	vst.add.f32.msk $0xffff, v4  }
0x481: {  	vm1 =	vle.f32 v0, $2.220000000e+02;
	v0 =	vcvt.f32.s32 v2;
	v2 =	vcvt.f32.s32 v1;
	v7 =	vld [tilespmem:s29+$0x40]  }
0x482: {  	vm0 =	vmand vm0, vm1;
	v8 =	vld [tilespmem:s20+$0x40]  }
0x483: {  	v5 =	vld [tilespmem:s29+$0xFFFFFFB0];
	v4 =	vnsel vm0, $0x0, v0  }
0x484: {  	v6 =	vld [tilespmem:s7+$0xFFFFFF60]  }
0x485: {  	v1 =	vld [tilespmem:s5+$0xFFFFFFE0];
	v9 =	vtrunc.f32 v9  }
0x486: {  	v14 =	vld [tilespmem:s20+$0xC0];
	v9 =	vcvt.f32.s32 v9  }
0x487: {  	v7 =	vtrunc.f32 v7;
	v2 =	vld.idx.msk [tilespmem:v2+s4+$0x0], $0xffff;
	v10 =	vtrunc.f32 v8;
	vm0 =	vgt.f32 v8, $0.0e+00  }
0x488: {  	vm1 =	vle.f32 v8, $2.220000000e+02;
	v4 =	vld.idx.msk [tilespmem:v4+s4+$0x0], $0xffff;
	v7 =	vcvt.f32.s32 v7;
	v8 =	vcvt.f32.s32 v10  }
0x489: {  	v12 =	vtrunc.f32 v6;
	v10 =	vld [tilespmem:s21+$0x0];
	vm0 =	vmand vm0, vm1;
	vm1 =	vle.f32 v6, $2.220000000e+02  }
0x48a: {  	v16 =	vld [tilespmem:s29+$0xC0];
	v8 =	vnsel vm0, $0x0, v8;
	vm0 =	vgt.f32 v6, $0.0e+00;
	v6 =	vcvt.f32.s32 v12  }
0x48b: {  	v15 =	vtrunc.f32 v11;
	v0 =	vld [tilespmem:s7+$0xFFFFFFE0];
	vm0 =	vmand vm0, vm1;
	vm1 =	vle.f32 v11, $2.220000000e+02  }
0x48c: {  	v12 =	vld [tilespmem:s21+$0xFFFFFF00];
	v6 =	vnsel vm0, $0x0, v6;
	vm0 =	vgt.f32 v11, $0.0e+00;
	v11 =	vcvt.f32.s32 v15  }
0x48d: {  	v9 =	vld.idx.msk [tilespmem:v9+s4+$0x0], $0xffff;
	v2 =	vmul.f32 v2, v5;
	vm0 =	vmand vm0, vm1  }
0x48e: {  	v10 =	vtrunc.f32 v10;
	v3 =	vmul.f32 v4, v3;
	v7 =	vld.idx.msk [tilespmem:v7+s4+$0x0], $0xffff;
	v11 =	vnsel vm0, $0x0, v11  }
0x48f: {  	v58 =	vtrunc.f32 v13;
	vm1 =	vle.f32 v13, $2.220000000e+02;
	v10 =	vcvt.f32.s32 v10;
	v8 =	vld.idx.msk [tilespmem:v8+s4+$0x0], $0xffff  }
0x490: {  	v15 =	vld [tilespmem:s23+$0xFFFFFF80];
	vm0 =	vgt.f32 v13, $0.0e+00;
	v13 =	vcvt.f32.s32 v58;
	v2 =	vsub.f32 v2, v3  }
0x491: {  	vm0 =	vmand vm0, vm1;
	v6 =	vld.idx.msk [tilespmem:v6+s4+$0x0], $0xffff  }
0x492: {  	v13 =	vnsel vm0, $0x0, v13;
	[tilespmem:s31+$0xFFFFFF40] =	vst.add.f32.msk $0xffff, v2  }
0x493: {  	v11 =	vld.idx.msk [tilespmem:v11+s4+$0x0], $0xffff  }
0x494: {  	v7 =	vmul.f32 v7, v16;
	v8 =	vmul.f32 v8, v14;
	v14 =	vld [tilespmem:s23+$0x80]  }
0x495: {  	v12 =	vtrunc.f32 v12;
	v10 =	vld.idx.msk [tilespmem:v10+s4+$0x0], $0xffff  }
0x496: {  	v12 =	vcvt.f32.s32 v12;
	v7 =	vsub.f32 v7, v8;
	v8 =	vld [tilespmem:s21+$0x80]  }
0x497: {  	v3 =	vld.idx.msk [tilespmem:v13+s4+$0x0], $0xffff  }
0x498: {  	[tilespmem:s31+$0xFFFFFFD0] =	vst.add.f32.msk $0xffff, v7  }
0x499: {  	v4 =	vld [tilespmem:s29+$0x50]  }
0x49a: {  	v1 =	vmul.f32 v9, v1;
	v0 =	vmul.f32 v6, v0;
	v5 =	vld [tilespmem:s20+$0x50]  }
0x49b: {  	v13 =	vld [tilespmem:s29+$0xFFFFFFC0];
	v8 =	vmul.f32 v10, v8;
	v10 =	vmul.f32 v11, v14  }
0x49c: {  	v7 =	vld.idx.msk [tilespmem:v12+s4+$0x0], $0xffff;
	v0 =	vsub.f32 v1, v0  }
0x49d: {  	v12 =	vld [tilespmem:s20+$0xFFFFFFC0];
	v2 =	vsub.f32 v8, v10  }
0x49e: {  	s22 =	simm.s32 $0x103F0;
	[tilespmem:s30+$0xFFFFFF70] =	vst.add.f32.msk $0xffff, v0  }
0x49f: {  	vm0 =	vgt.f32 v5, $0.0e+00;
	v4 =	vtrunc.f32 v4;
	[tilespmem:s22+$0xFFFFFF90] =	vst.add.f32.msk $0xffff, v2  }
0x4a0: {  	v11 =	vtrunc.f32 v5;
	vm1 =	vle.f32 v5, $2.220000000e+02;
	v4 =	vcvt.f32.s32 v4;
	v5 =	vld [tilespmem:s21+$0x10]  }
0x4a1: {  	v2 =	vcvt.f32.s32 v11;
	v11 =	vld [tilespmem:s23+$0x10]  }
0x4a2: {  	v14 =	vld [tilespmem:s20+$0xD0];
	vm0 =	vmand vm0, vm1  }
0x4a3: {  	v3 =	vmul.f32 v3, v15;
	v63 =	vld [tilespmem:s7+$0xFFFFFFF0];
	v7 =	vmul.f32 v7, v17;
	v2 =	vnsel vm0, $0x0, v2  }
0x4a4: {  	v8 =	vld [tilespmem:s20+$0xFFFFFF40]  }
0x4a5: {  	v10 =	vld [tilespmem:s29+$0xFFFFFF40];
	v3 =	vsub.f32 v7, v3  }
0x4a6: {  	v4 =	vld.idx.msk [tilespmem:v4+s4+$0x0], $0xffff;
	vm0 =	vgt.f32 v11, $0.0e+00;
	v7 =	vtrunc.f32 v11;
	v5 =	vtrunc.f32 v5  }
0x4a7: {  	vm1 =	vle.f32 v11, $2.220000000e+02;
	v11 =	vld [tilespmem:s29+$0xD0];
	v7 =	vcvt.f32.s32 v7;
	v5 =	vcvt.f32.s32 v5  }
0x4a8: {  	v2 =	vld.idx.msk [tilespmem:v2+s4+$0x0], $0xffff;
	vm0 =	vmand vm0, vm1  }
0x4a9: {  	[tilespmem:s22+$0xFFFFFF10] =	vst.add.f32.msk $0xffff, v3;
	v7 =	vnsel vm0, $0x0, v7  }
0x4aa: {  	v3 =	vld [tilespmem:s23+$0xFFFFFF10]  }
0x4ab: {  	v15 =	vtrunc.f32 v8;
	v59 =	vld [tilespmem:s21+$0xFFFFFF10];
	v10 =	vtrunc.f32 v10  }
0x4ac: {  	v15 =	vcvt.f32.s32 v15;
	vm1 =	vle.f32 v8, $2.220000000e+02;
	vm0 =	vgt.f32 v8, $0.0e+00;
	v8 =	vld [tilespmem:s23+$0x90]  }
0x4ad: {  	v4 =	vmul.f32 v4, v11;
	v2 =	vmul.f32 v2, v14;
	v5 =	vld.idx.msk [tilespmem:v5+s4+$0x0], $0xffff  }
0x4ae: {  	v10 =	vcvt.f32.s32 v10;
	vm0 =	vmand vm0, vm1;
	v7 =	vld.idx.msk [tilespmem:v7+s4+$0x0], $0xffff  }
0x4af: {  	v11 =	vnsel vm0, $0x0, v15;
	v14 =	vtrunc.f32 v3;
	v2 =	vsub.f32 v4, v2;
	v4 =	vld [tilespmem:s21+$0x90]  }
0x4b0: {  	v60 =	vld [tilespmem:s23+$0xFFFFFF90];
	vm1 =	vle.f32 v3, $2.220000000e+02;
	vm0 =	vgt.f32 v3, $0.0e+00;
	v3 =	vcvt.f32.s32 v14  }
0x4b1: {  	vm0 =	vmand vm0, vm1;
	v14 =	vtrunc.f32 v59;
	[tilespmem:s31+$0xFFFFFFE0] =	vst.add.f32.msk $0xffff, v2  }
0x4b2: {  	v3 =	vnsel vm0, $0x0, v3;
	v2 =	vcvt.f32.s32 v14;
	v14 =	vld [tilespmem:s29+$0x60]  }
0x4b3: {  	v15 =	vld [tilespmem:s20+$0x60]  }
0x4b4: {  	v4 =	vmul.f32 v5, v4;
	v5 =	vmul.f32 v7, v8;
	v7 =	vld.idx.msk [tilespmem:v11+s4+$0x0], $0xffff  }
0x4b5: {  	v8 =	vld.idx.msk [tilespmem:v10+s4+$0x0], $0xffff  }
0x4b6: {  	v61 =	vld [tilespmem:s21+$0xFFFFFF90]  }
0x4b7: {  	v3 =	vld.idx.msk [tilespmem:v3+s4+$0x0], $0xffff;
	v4 =	vsub.f32 v4, v5  }
0x4b8: {  	v2 =	vld.idx.msk [tilespmem:v2+s4+$0x0], $0xffff;
	vm0 =	vgt.f32 v15, $0.0e+00;
	v5 =	vtrunc.f32 v15;
	v6 =	vtrunc.f32 v14  }
0x4b9: {  	vm1 =	vle.f32 v15, $2.220000000e+02;
	[tilespmem:s22+$0xFFFFFFA0] =	vst.add.f32.msk $0xffff, v4;
	v4 =	vcvt.f32.s32 v5;
	v5 =	vcvt.f32.s32 v6  }
0x4ba: {  	vm0 =	vmand vm0, vm1;
	v6 =	vld [tilespmem:s23+$0x20];
	v0 =	vmul.f32 v7, v12;
	v7 =	vmul.f32 v8, v13  }
0x4bb: {  	v1 =	vld [tilespmem:s21+$0x20];
	v4 =	vnsel vm0, $0x0, v4  }
0x4bc: {  	v9 =	vld [tilespmem:s20+$0xE0];
	v0 =	vsub.f32 v7, v0  }
0x4bd: {  	v8 =	vld [tilespmem:s7+$0xFFFFFF70]  }
0x4be: {  	[tilespmem:s31+$0xFFFFFF50] =	vst.add.f32.msk $0xffff, v0  }
0x4bf: {  	v3 =	vmul.f32 v3, v60;
	v2 =	vmul.f32 v2, v61;
	v5 =	vld.idx.msk [tilespmem:v5+s4+$0x0], $0xffff;
	vm0 =	vgt.f32 v6, $0.0e+00  }
0x4c0: {  	v7 =	vtrunc.f32 v6;
	v1 =	vtrunc.f32 v1;
	vm1 =	vle.f32 v6, $2.220000000e+02;
	v4 =	vld.idx.msk [tilespmem:v4+s4+$0x0], $0xffff  }
0x4c1: {  	v2 =	vsub.f32 v2, v3;
	v6 =	vcvt.f32.s32 v7;
	v1 =	vcvt.f32.s32 v1;
	v7 =	vld [tilespmem:s29+$0xE0]  }
0x4c2: {  	v3 =	vld [tilespmem:s20+$0xFFFFFF50];
	vm0 =	vmand vm0, vm1  }
0x4c3: {  	[tilespmem:s22+$0xFFFFFF20] =	vst.add.f32.msk $0xffff, v2;
	v0 =	vnsel vm0, $0x0, v6  }
0x4c4: {  	v2 =	vld [tilespmem:s23+$0xFFFFFF20]  }
0x4c5: {  	v6 =	vld [tilespmem:s23+$0xA0]  }
0x4c6: {  	v5 =	vmul.f32 v5, v7;
	v4 =	vmul.f32 v4, v9;
	v7 =	vld [tilespmem:s21+$0xA0]  }
0x4c7: {  	v1 =	vld.idx.msk [tilespmem:v1+s4+$0x0], $0xffff  }
0x4c8: {  	v0 =	vld.idx.msk [tilespmem:v0+s4+$0x0], $0xffff;
	v4 =	vsub.f32 v5, v4  }
0x4c9: {  	v15 =	vld [tilespmem:s29+$0xFFFFFFD0];
	vm0 =	vgt.f32 v3, $0.0e+00  }
0x4ca: {  	vm1 =	vle.f32 v3, $2.220000000e+02;
	v5 =	vtrunc.f32 v3;
	vm2 =	vgt.f32 v2, $0.0e+00;
	[tilespmem:s31+$0xFFFFFFF0] =	vst.add.f32.msk $0xffff, v4  }
0x4cb: {  	vm3 =	vle.f32 v2, $2.220000000e+02;
	v3 =	vcvt.f32.s32 v5;
	v5 =	vtrunc.f32 v2;
	v4 =	vld [tilespmem:s29+$0x70]  }
0x4cc: {  	vm0 =	vmand vm0, vm1;
	vm1 =	vmand vm2, vm3;
	v2 =	vcvt.f32.s32 v5;
	v5 =	vld [tilespmem:s20+$0x70]  }
0x4cd: {  	v10 =	vld [tilespmem:s23+$0xFFFFFFA0];
	v3 =	vnsel vm0, $0x0, v3;
	v1 =	vmul.f32 v1, v7;
	v0 =	vmul.f32 v0, v6  }
0x4ce: {  	v9 =	vld [tilespmem:s21+$0xFFFFFF20];
	v2 =	vnsel vm1, $0x0, v2  }
0x4cf: {  	v0 =	vsub.f32 v1, v0;
	v1 =	vld [tilespmem:s29+$0xFFFFFF50]  }
0x4d0: {  	v12 =	vtrunc.f32 v8;
	v13 =	vld [tilespmem:s20+$0xF0]  }
0x4d1: {  	v6 =	vld [tilespmem:s21+$0xFFFFFFA0];
	vm0 =	vgt.f32 v5, $0.0e+00;
	v7 =	vtrunc.f32 v5;
	v4 =	vtrunc.f32 v4  }
0x4d2: {  	v3 =	vld.idx.msk [tilespmem:v3+s4+$0x0], $0xffff;
	vm1 =	vle.f32 v5, $2.220000000e+02;
	v5 =	vcvt.f32.s32 v7;
	v4 =	vcvt.f32.s32 v4  }
0x4d3: {  	v12 =	vcvt.f32.s32 v12;
	v9 =	vtrunc.f32 v9;
	v2 =	vld.idx.msk [tilespmem:v2+s4+$0x0], $0xffff;
	vm0 =	vmand vm0, vm1  }
0x4d4: {  	[tilespmem:s22+$0xFFFFFFB0] =	vst.add.f32.msk $0xffff, v0;
	v0 =	vnsel vm0, $0x0, v5;
	v5 =	vcvt.f32.s32 v9;
	v1 =	vtrunc.f32 v1  }
0x4d5: {  	vm1 =	vle.f32 v8, $2.220000000e+02;
	v9 =	vld [tilespmem:s21+$0x30];
	vm0 =	vgt.f32 v8, $0.0e+00;
	v1 =	vcvt.f32.s32 v1  }
0x4d6: {  	v11 =	vld [tilespmem:s23+$0x30];
	vm0 =	vmand vm0, vm1  }
0x4d7: {  	v8 =	vnsel vm0, $0x0, v12;
	v12 =	vld [tilespmem:s29+$0xF0]  }
0x4d8: {  	v4 =	vld.idx.msk [tilespmem:v4+s4+$0x0], $0xffff  }
0x4d9: {  	v0 =	vld.idx.msk [tilespmem:v0+s4+$0x0], $0xffff  }
0x4da: {  	v9 =	vtrunc.f32 v9;
	v5 =	vld.idx.msk [tilespmem:v5+s4+$0x0], $0xffff  }
0x4db: {  	v9 =	vcvt.f32.s32 v9;
	v14 =	vld.idx.msk [tilespmem:v1+s4+$0x0], $0xffff;
	v1 =	vtrunc.f32 v11  }
0x4dc: {  	v7 =	vld [tilespmem:s20+$0xFFFFFFD0];
	vm0 =	vgt.f32 v11, $0.0e+00;
	vm1 =	vle.f32 v11, $2.220000000e+02;
	v1 =	vcvt.f32.s32 v1  }
0x4dd: {  	vm0 =	vmand vm0, vm1;
	v62 =	vld.idx.msk [tilespmem:v8+s4+$0x0], $0xffff  }
0x4de: {  	v11 =	vld [tilespmem:s5+$0xFFFFFF70];
	v8 =	vnsel vm0, $0x0, v1  }
0x4df: {  	v2 =	vmul.f32 v2, v10;
	v4 =	vmul.f32 v4, v12;
	v12 =	vld [tilespmem:s23+$0xB0]  }
0x4e0: {  	v0 =	vmul.f32 v0, v13;
	v1 =	vld [tilespmem:s5+$0xFFFFFFF0];
	v5 =	vmul.f32 v5, v6  }
0x4e1: {  	v6 =	vld.idx.msk [tilespmem:v9+s4+$0x0], $0xffff  }
0x4e2: {  	v0 =	vsub.f32 v4, v0;
	v2 =	vsub.f32 v5, v2;
	v5 =	vld [tilespmem:s21+$0xB0]  }
0x4e3: {  	v4 =	vld.idx.msk [tilespmem:v8+s4+$0x0], $0xffff  }
0x4e4: {  	[tilespmem:s31+$0x0] =	vst.add.f32.msk $0xffff, v0  }
0x4e5: {  	v0 =	vmul.f32 v3, v7;
	v3 =	vmul.f32 v14, v15;
	[tilespmem:s22+$0xFFFFFF30] =	vst.add.f32.msk $0xffff, v2  }
0x4e6: {  	v2 =	vld [tilespmem:s23+$0xFFFFFF30]  }
0x4e7: {  	v0 =	vsub.f32 v3, v0;
	v3 =	vld [tilespmem:s21+$0xFFFFFF30]  }
0x4e8: {  	v8 =	vld [tilespmem:s23+$0xFFFFFFB0];
	v5 =	vmul.f32 v6, v5;
	v4 =	vmul.f32 v4, v12  }
0x4e9: {  	[tilespmem:s31+$0xFFFFFF60] =	vst.add.f32.msk $0xffff, v0  }
0x4ea: {  	v0 =	vtrunc.f32 v11;
	v4 =	vsub.f32 v5, v4;
	v5 =	vld [tilespmem:s20+$0xFFFFFF60]  }
0x4eb: {  	v0 =	vcvt.f32.s32 v0;
	v7 =	vld [tilespmem:s29+$0xFFFFFF60];
	v6 =	vtrunc.f32 v2  }
0x4ec: {  	vm0 =	vgt.f32 v2, $0.0e+00;
	vm1 =	vle.f32 v2, $2.220000000e+02;
	v2 =	vcvt.f32.s32 v6;
	[tilespmem:s22+$0xFFFFFFC0] =	vst.add.f32.msk $0xffff, v4  }
0x4ed: {  	v3 =	vtrunc.f32 v3;
	vm0 =	vmand vm0, vm1;
	v11 =	vld [tilespmem:s21+$0x40]  }
0x4ee: {  	v12 =	vcvt.f32.s32 v3;
	v10 =	vnsel vm0, $0x0, v2;
	v13 =	vld [tilespmem:s23+$0x40]  }
0x4ef: {  	v9 =	vld [tilespmem:s21+$0xFFFFFFB0];
	v2 =	vtrunc.f32 v5  }
0x4f0: {  	v3 =	vld [tilespmem:s20+$0xFFFFFFE0];
	vm0 =	vgt.f32 v5, $0.0e+00;
	vm1 =	vle.f32 v5, $2.220000000e+02;
	v14 =	vcvt.f32.s32 v2  }
0x4f1: {  	v4 =	vld [tilespmem:s29+$0xFFFFFFE0];
	v5 =	vtrunc.f32 v7;
	vm0 =	vmand vm0, vm1  }
0x4f2: {  	v2 =	vmul.f32 v62, v63;
	v6 =	vcvt.f32.s32 v5;
	v5 =	vld.idx.msk [tilespmem:v0+s4+$0x0], $0xffff;
	v7 =	vnsel vm0, $0x0, v14  }
0x4f3: {  	v10 =	vld.idx.msk [tilespmem:v10+s4+$0x0], $0xffff;
	vm0 =	vgt.f32 v13, $0.0e+00;
	v0 =	vtrunc.f32 v13;
	v11 =	vtrunc.f32 v11  }
0x4f4: {  	s8 =	simm.s32 $0x8800;
	s7 =	simm.s32 $0x4;
	s5 =	simm.s32 $0x600;
	v12 =	vld.idx.msk [tilespmem:v12+s4+$0x0], $0xffff;
	vm1 =	vle.f32 v13, $2.220000000e+02;
	v13 =	vcvt.f32.s32 v0;
	v11 =	vcvt.f32.s32 v11  }
.LBB2_7:
0x4f5: {  	v14 =	vld [tilespmem:s8+$0x0];
	vm0 =	vmand vm0, vm1;
	s23 =	sadd.s32 $0x200, s23;
	s10 =	smov.u32 s22  }
0x4f6: {  	v15 =	vld [tilespmem:s23+$0x0];
	v13 =	vnsel vm0, $0x0, v13  }
0x4f7: {  	v0 =	vmul.f32 v5, v1;
	v16 =	vld [tilespmem:s23+$0xFFFFFF00]  }
0x4f8: {  	v5 =	vmul.f32 v10, v8;
	v1 =	vld [tilespmem:s8+$0xFFFFFF00]  }
0x4f9: {  	v8 =	vmul.f32 v12, v9;
	v0 =	vsub.f32 v0, v2;
	v9 =	vld [tilespmem:s5+$0xC0]  }
0x4fa: {  	v2 =	vld.idx.msk [tilespmem:v11+s4+$0x0], $0xffff  }
0x4fb: {  	v11 =	vtrunc.f32 v14;
	vm0 =	vgt.f32 v15, $0.0e+00;
	v10 =	vtrunc.f32 v15;
	v12 =	vld.idx.msk [tilespmem:v13+s4+$0x0], $0xffff  }
0x4fc: {  	vm1 =	vle.f32 v15, $2.220000000e+02;
	v11 =	vcvt.f32.s32 v11;
	v10 =	vcvt.f32.s32 v10;
	v13 =	vld [tilespmem:s21+$0xC0]  }
0x4fd: {  	vm2 =	vgt.f32 v16, $0.0e+00;
	v15 =	vtrunc.f32 v16;
	vm0 =	vmand vm0, vm1;
	v14 =	vld [tilespmem:s23+$0xFFFFFF80]  }
0x4fe: {  	vm1 =	vle.f32 v16, $2.220000000e+02;
	v15 =	vcvt.f32.s32 v15;
	v17 =	vld [tilespmem:s8+$0xFFFFFF80];
	v10 =	vnsel vm0, $0x0, v10  }
0x4ff: {  	v5 =	vsub.f32 v8, v5;
	v1 =	vtrunc.f32 v1;
	vm0 =	vmand vm2, vm1;
	v7 =	vld.idx.msk [tilespmem:v7+s4+$0x0], $0xffff  }
0x500: {  	v1 =	vcvt.f32.s32 v1;
	v8 =	vnsel vm0, $0x0, v15;
	v6 =	vld.idx.msk [tilespmem:v6+s4+$0x0], $0xffff  }
0x501: {  	s7 =	sadd.s32 $0x2, s7;
	v9 =	vmul.f32 v12, v9;
	v15 =	vld [tilespmem:s23+$0x80];
	v2 =	vmul.f32 v2, v13  }
0x502: {  	p0 =	slt.u32 s7, $0x3E;
	v11 =	vld.idx.msk [tilespmem:v11+s4+$0x0], $0xffff  }
0x503: {  	v10 =	vld.idx.msk [tilespmem:v10+s4+$0x0], $0xffff;
	v2 =	vsub.f32 v2, v9  }
0x504: {  	v9 =	vld [tilespmem:s8+$0x80]  }
0x505: {  	[tilespmem:s22+$0xFFFFFFD0] =	vst.add.f32.msk $0xffff, v2;
	v2 =	vmul.f32 v7, v3  }
0x506: {  	v4 =	vmul.f32 v6, v4;
	v3 =	vld [tilespmem:s21+$0x50]  }
0x507: {  	v6 =	vld [tilespmem:s5+$0x50]  }
0x508: {  	v2 =	vsub.f32 v4, v2;
	v7 =	vld.idx.msk [tilespmem:v8+s4+$0x0], $0xffff  }
0x509: {  	v8 =	vmul.f32 v10, v15;
	v1 =	vld.idx.msk [tilespmem:v1+s4+$0x0], $0xffff;
	v4 =	vmul.f32 v11, v9  }
0x50a: {  	[tilespmem:s22+$0xFFFFFF40] =	vst.add.f32.msk $0xffff, v5  }
0x50b: {  	v4 =	vsub.f32 v4, v8;
	v5 =	vld [tilespmem:s5+$0xFFFFFF40]  }
0x50c: {  	s22 =	sadd.s32 $0x100, s22;
	v3 =	vtrunc.f32 v3;
	v8 =	vld [tilespmem:s21+$0xFFFFFF40];
	vm0 =	vgt.f32 v6, $0.0e+00;
	v9 =	vtrunc.f32 v6  }
0x50d: {  	vm1 =	vle.f32 v6, $2.220000000e+02;
	v3 =	vcvt.f32.s32 v3;
	[tilespmem:s22+$0xFFFFFF90] =	vst.add.f32.msk $0xffff, v4;
	v4 =	vcvt.f32.s32 v9  }
0x50e: {  	v6 =	vmul.f32 v7, v14;
	vm0 =	vmand vm0, vm1;
	v7 =	vld [tilespmem:s8+$0x10]  }
0x50f: {  	v1 =	vmul.f32 v1, v17;
	v9 =	vld [tilespmem:s23+$0x10];
	v4 =	vnsel vm0, $0x0, v4  }
0x510: {  	v10 =	vld [tilespmem:s5+$0xFFFFFFC0];
	vm0 =	vgt.f32 v5, $0.0e+00;
	vm1 =	vle.f32 v5, $2.220000000e+02;
	v5 =	vtrunc.f32 v5  }
0x511: {  	v1 =	vsub.f32 v1, v6;
	v6 =	vld [tilespmem:s21+$0xFFFFFFC0];
	v5 =	vcvt.f32.s32 v5;
	v8 =	vtrunc.f32 v8  }
0x512: {  	vm0 =	vmand vm0, vm1;
	v8 =	vcvt.f32.s32 v8;
	v11 =	vld [tilespmem:s5+$0xD0]  }
0x513: {  	v5 =	vnsel vm0, $0x0, v5;
	v3 =	vld.idx.msk [tilespmem:v3+s4+$0x0], $0xffff  }
0x514: {  	v7 =	vtrunc.f32 v7;
	vm0 =	vgt.f32 v9, $0.0e+00;
	v12 =	vtrunc.f32 v9;
	v4 =	vld.idx.msk [tilespmem:v4+s4+$0x0], $0xffff  }
0x515: {  	vm1 =	vle.f32 v9, $2.220000000e+02;
	v7 =	vcvt.f32.s32 v7;
	v9 =	vcvt.f32.s32 v12;
	v12 =	vld [tilespmem:s21+$0xD0]  }
0x516: {  	vm0 =	vmand vm0, vm1;
	[tilespmem:s22+$0xFFFFFF10] =	vst.add.f32.msk $0xffff, v1  }
0x517: {  	v1 =	vld [tilespmem:s23+$0xFFFFFF10];
	v9 =	vnsel vm0, $0x0, v9  }
0x518: {  	v13 =	vld [tilespmem:s8+$0xFFFFFF10]  }
0x519: {  	v14 =	vld [tilespmem:s23+$0xFFFFFF90]  }
0x51a: {  	v4 =	vmul.f32 v4, v11;
	v15 =	vld [tilespmem:s23+$0x90];
	v3 =	vmul.f32 v3, v12  }
0x51b: {  	v7 =	vld.idx.msk [tilespmem:v7+s4+$0x0], $0xffff  }
0x51c: {  	vm0 =	vgt.f32 v1, $0.0e+00;
	v11 =	vtrunc.f32 v1;
	v9 =	vld.idx.msk [tilespmem:v9+s4+$0x0], $0xffff;
	v3 =	vsub.f32 v3, v4  }
0x51d: {  	vm1 =	vle.f32 v1, $2.220000000e+02;
	v1 =	vcvt.f32.s32 v11;
	v4 =	vtrunc.f32 v13;
	v11 =	vld [tilespmem:s8+$0x90]  }
0x51e: {  	vm0 =	vmand vm0, vm1;
	v4 =	vcvt.f32.s32 v4;
	[tilespmem:s10+$0xFFFFFFE0] =	vst.add.f32.msk $0xffff, v3  }
0x51f: {  	v1 =	vnsel vm0, $0x0, v1;
	v3 =	vld [tilespmem:s21+$0x60]  }
0x520: {  	v12 =	vld [tilespmem:s5+$0x60]  }
0x521: {  	v13 =	vld [tilespmem:s8+$0xFFFFFF90]  }
0x522: {  	v9 =	vmul.f32 v9, v15;
	v7 =	vmul.f32 v7, v11;
	v5 =	vld.idx.msk [tilespmem:v5+s4+$0x0], $0xffff  }
0x523: {  	v8 =	vld.idx.msk [tilespmem:v8+s4+$0x0], $0xffff  }
0x524: {  	v1 =	vld.idx.msk [tilespmem:v1+s4+$0x0], $0xffff;
	v7 =	vsub.f32 v7, v9  }
0x525: {  	v3 =	vtrunc.f32 v3;
	v4 =	vld.idx.msk [tilespmem:v4+s4+$0x0], $0xffff;
	vm0 =	vgt.f32 v12, $0.0e+00;
	v9 =	vtrunc.f32 v12  }
0x526: {  	vm1 =	vle.f32 v12, $2.220000000e+02;
	v3 =	vcvt.f32.s32 v3;
	[tilespmem:s22+$0xFFFFFFA0] =	vst.add.f32.msk $0xffff, v7;
	v7 =	vcvt.f32.s32 v9  }
0x527: {  	vm0 =	vmand vm0, vm1;
	v9 =	vld [tilespmem:s8+$0x20]  }
0x528: {  	v5 =	vmul.f32 v5, v10;
	v11 =	vld [tilespmem:s23+$0x20];
	v7 =	vnsel vm0, $0x0, v7  }
0x529: {  	v6 =	vmul.f32 v8, v6;
	[tilespmem:s31+$0xFFFFFF70] =	vst.add.f32.msk $0xffff, v2  }
0x52a: {  	v1 =	vmul.f32 v1, v14;
	v2 =	vld [tilespmem:s20+$0xFFFFFF70]  }
0x52b: {  	v4 =	vmul.f32 v4, v13;
	v5 =	vsub.f32 v6, v5;
	v6 =	vld [tilespmem:s5+$0xE0]  }
0x52c: {  	v3 =	vld.idx.msk [tilespmem:v3+s4+$0x0], $0xffff  }
0x52d: {  	v9 =	vtrunc.f32 v9;
	vm0 =	vgt.f32 v11, $0.0e+00;
	v8 =	vtrunc.f32 v11;
	v7 =	vld.idx.msk [tilespmem:v7+s4+$0x0], $0xffff  }
0x52e: {  	vm1 =	vle.f32 v11, $2.220000000e+02;
	v9 =	vcvt.f32.s32 v9;
	v8 =	vcvt.f32.s32 v8;
	v10 =	vld [tilespmem:s21+$0xE0]  }
0x52f: {  	v1 =	vsub.f32 v4, v1;
	vm0 =	vmand vm0, vm1;
	[tilespmem:s10+$0xFFFFFF50] =	vst.add.f32.msk $0xffff, v5;
	v4 =	vtrunc.f32 v2  }
0x530: {  	v5 =	vnsel vm0, $0x0, v8;
	v8 =	vld [tilespmem:s5+$0xFFFFFF50];
	vm0 =	vgt.f32 v2, $0.0e+00;
	v4 =	vcvt.f32.s32 v4  }
0x531: {  	vm1 =	vle.f32 v2, $2.220000000e+02;
	[tilespmem:s22+$0xFFFFFF20] =	vst.add.f32.msk $0xffff, v1  }
0x532: {  	vm0 =	vmand vm0, vm1;
	v1 =	vld [tilespmem:s23+$0xFFFFFF20]  }
0x533: {  	v6 =	vmul.f32 v7, v6;
	v4 =	vnsel vm0, $0x0, v4;
	v2 =	vld [tilespmem:s23+$0xA0];
	v3 =	vmul.f32 v3, v10  }
0x534: {  	v7 =	vld.idx.msk [tilespmem:v9+s4+$0x0], $0xffff  }
0x535: {  	v5 =	vld.idx.msk [tilespmem:v5+s4+$0x0], $0xffff;
	vm0 =	vgt.f32 v8, $0.0e+00;
	v9 =	vtrunc.f32 v8;
	v3 =	vsub.f32 v3, v6  }
0x536: {  	vm1 =	vle.f32 v8, $2.220000000e+02;
	v6 =	vld [tilespmem:s8+$0xA0];
	v8 =	vcvt.f32.s32 v9  }
0x537: {  	vm2 =	vgt.f32 v1, $0.0e+00;
	vm3 =	vle.f32 v1, $2.220000000e+02;
	v1 =	vtrunc.f32 v1;
	[tilespmem:s10+$0xFFFFFFF0] =	vst.add.f32.msk $0xffff, v3  }
0x538: {  	vm0 =	vmand vm0, vm1;
	vm2 =	vmand vm2, vm3;
	v1 =	vcvt.f32.s32 v1;
	v3 =	vld [tilespmem:s21+$0x70]  }
0x539: {  	v8 =	vnsel vm0, $0x0, v8;
	v9 =	vld [tilespmem:s5+$0x70]  }
0x53a: {  	v10 =	vld [tilespmem:s8+$0xFFFFFF20];
	v1 =	vnsel vm2, $0x0, v1  }
0x53b: {  	v2 =	vmul.f32 v5, v2;
	v11 =	vld [tilespmem:s23+$0xFFFFFFA0];
	v6 =	vmul.f32 v7, v6  }
0x53c: {  	v5 =	vld [tilespmem:s8+$0xFFFFFFA0]  }
0x53d: {  	v2 =	vsub.f32 v6, v2;
	v6 =	vld [tilespmem:s21+$0xFFFFFF50]  }
0x53e: {  	v3 =	vtrunc.f32 v3;
	v7 =	vld.idx.msk [tilespmem:v8+s4+$0x0], $0xffff;
	vm0 =	vgt.f32 v9, $0.0e+00;
	v8 =	vtrunc.f32 v9  }
0x53f: {  	vm1 =	vle.f32 v9, $2.220000000e+02;
	v3 =	vcvt.f32.s32 v3;
	v1 =	vld.idx.msk [tilespmem:v1+s4+$0x0], $0xffff;
	v8 =	vcvt.f32.s32 v8  }
0x540: {  	v9 =	vtrunc.f32 v10;
	vm0 =	vmand vm0, vm1;
	v10 =	vld [tilespmem:s5+$0xFFFFFFD0]  }
0x541: {  	v9 =	vcvt.f32.s32 v9;
	[tilespmem:s22+$0xFFFFFFB0] =	vst.add.f32.msk $0xffff, v2;
	v2 =	vnsel vm0, $0x0, v8  }
0x542: {  	v8 =	vld [tilespmem:s8+$0x30];
	v6 =	vtrunc.f32 v6  }
0x543: {  	v12 =	vld [tilespmem:s23+$0x30];
	v6 =	vcvt.f32.s32 v6  }
0x544: {  	v13 =	vld [tilespmem:s5+$0xF0]  }
0x545: {  	v11 =	vmul.f32 v1, v11;
	v7 =	vmul.f32 v7, v10;
	v1 =	vld.idx.msk [tilespmem:v3+s4+$0x0], $0xffff  }
0x546: {  	v2 =	vld.idx.msk [tilespmem:v2+s4+$0x0], $0xffff  }
0x547: {  	v3 =	vld [tilespmem:s21+$0xF0]  }
0x548: {  	v9 =	vld.idx.msk [tilespmem:v9+s4+$0x0], $0xffff  }
0x549: {  	v6 =	vld.idx.msk [tilespmem:v6+s4+$0x0], $0xffff  }
0x54a: {  	v8 =	vtrunc.f32 v8;
	vm0 =	vgt.f32 v12, $0.0e+00;
	v10 =	vtrunc.f32 v12;
	v14 =	vld [tilespmem:s21+$0xFFFFFFD0]  }
0x54b: {  	vm1 =	vle.f32 v12, $2.220000000e+02;
	v8 =	vcvt.f32.s32 v8;
	v10 =	vcvt.f32.s32 v10;
	v12 =	vld [tilespmem:s29+$0xFFFFFF70]  }
0x54c: {  	vm0 =	vmand vm0, vm1;
	v2 =	vmul.f32 v2, v13;
	v1 =	vmul.f32 v1, v3;
	v3 =	vld.idx.msk [tilespmem:v4+s4+$0x0], $0xffff  }
0x54d: {  	v4 =	vnsel vm0, $0x0, v10;
	v10 =	vld [tilespmem:s20+$0xFFFFFFF0];
	s20 =	smov.u32 s5;
	s5 =	smov.u32 s23  }
0x54e: {  	v5 =	vmul.f32 v9, v5;
	v2 =	vsub.f32 v1, v2;
	v1 =	vld [tilespmem:s29+$0xFFFFFFF0];
	s29 =	smov.u32 s21;
	s21 =	smov.u32 s8  }
0x54f: {  	v13 =	vld [tilespmem:s23+$0xB0];
	v6 =	vmul.f32 v6, v14  }
0x550: {  	v5 =	vsub.f32 v5, v11;
	[tilespmem:s10+$0x0] =	vst.add.f32.msk $0xffff, v2;
	v2 =	vtrunc.f32 v12  }
0x551: {  	v11 =	vld.idx.msk [tilespmem:v8+s4+$0x0], $0xffff;
	v6 =	vsub.f32 v6, v7;
	v7 =	vcvt.f32.s32 v2  }
0x552: {  	v4 =	vld.idx.msk [tilespmem:v4+s4+$0x0], $0xffff;
	v2 =	vmul.f32 v3, v10  }
0x553: {  	v3 =	vld [tilespmem:s8+$0xB0]  }
0x554: {  	[tilespmem:s22+$0xFFFFFF30] =	vst.add.f32.msk $0xffff, v5  }
0x555: {  	v5 =	vld [tilespmem:s23+$0xFFFFFF30]  }
0x556: {  	v10 =	vld [tilespmem:s8+$0xFFFFFF30]  }
0x557: {  	v8 =	vld [tilespmem:s23+$0xFFFFFFB0]  }
0x558: {  	v4 =	vmul.f32 v4, v13;
	v9 =	vld [tilespmem:s8+$0xFFFFFFB0];
	v3 =	vmul.f32 v11, v3  }
0x559: {  	[tilespmem:s10+$0xFFFFFF60] =	vst.add.f32.msk $0xffff, v6  }
0x55a: {  	vm0 =	vgt.f32 v5, $0.0e+00;
	v6 =	vtrunc.f32 v5;
	v3 =	vsub.f32 v3, v4;
	v4 =	vld [tilespmem:s20+$0xFFFFFF60]  }
0x55b: {  	vm1 =	vle.f32 v5, $2.220000000e+02;
	v5 =	vcvt.f32.s32 v6;
	v6 =	vtrunc.f32 v10;
	v10 =	vld [tilespmem:s29+$0xFFFFFF60]  }
0x55c: {  	vm0 =	vmand vm0, vm1;
	v11 =	vcvt.f32.s32 v6;
	[tilespmem:s22+$0xFFFFFFC0] =	vst.add.f32.msk $0xffff, v3  }
0x55d: {  	v12 =	vnsel vm0, $0x0, v5;
	v13 =	vld [tilespmem:s8+$0x40]  }
0x55e: {  	v14 =	vld [tilespmem:s23+$0x40]  }
0x55f: {  	v3 =	vld [tilespmem:s20+$0xFFFFFFE0];
	vm0 =	vgt.f32 v4, $0.0e+00;
	vm1 =	vle.f32 v4, $2.220000000e+02;
	v5 =	vtrunc.f32 v4  }
.Ltmp2:
0x560: {  	v4 =	vld [tilespmem:s29+$0xFFFFFFE0];
	vm0 =	vmand vm0, vm1;
	v15 =	vcvt.f32.s32 v5;
	v5 =	vtrunc.f32 v10;
	(pc) =	sbr.rel @p0 .LBB2_7-.Ltmp2, $4  }
0x561: {  	v6 =	vcvt.f32.s32 v5;
	v5 =	vld.idx.msk [tilespmem:v7+s4+$0x0], $0xffff  }
0x562: {  	v10 =	vld.idx.msk [tilespmem:v12+s4+$0x0], $0xffff;
	v7 =	vnsel vm0, $0x0, v15  }
0x563: {  	v15 =	vtrunc.f32 v13;
	v12 =	vld.idx.msk [tilespmem:v11+s4+$0x0], $0xffff;
	vm0 =	vgt.f32 v14, $0.0e+00;
	v11 =	vtrunc.f32 v14  }
0x564: {  	s8 =	sadd.s32 $0x200, s8;
	vm1 =	vle.f32 v14, $2.220000000e+02;
	v13 =	vcvt.f32.s32 v11;
	v11 =	vcvt.f32.s32 v15;
	[tilespmem:s30+$0xFFFFFF80] =	vst.add.f32.msk $0xffff, v0;
	s30 =	smov.u32 s31;
	s31 =	smov.u32 s10  }
0x565: {  	_ =	sdelay $0x2  }
0x566: {  	v0 =	vmul.f32 v10, v8;
	v8 =	vmul.f32 v12, v9;
	_ =	sdelay $0x1  }
0x567: {  	v0 =	vsub.f32 v8, v0;
	_ =	sdelay $0x1  }
0x568: {  	vm0 =	vmand vm0, vm1;
	[tilespmem:s22+$0xFFFFFF40] =	vst.add.f32.msk $0xffff, v0  }
0x569: {  	v8 =	vnsel vm0, $0x0, v13;
	v0 =	vld [tilespmem:s5+$0xFFFFFF40]  }
0x56a: {  	v9 =	vld [tilespmem:s21+$0xFFFFFF40];
	_ =	sdelay $0x1  }
0x56b: {  	v11 =	vld.idx.msk [tilespmem:v11+s4+$0x0], $0xffff  }
0x56c: {  	v10 =	vld [tilespmem:s5+$0xC0]  }
0x56d: {  	v8 =	vld.idx.msk [tilespmem:v8+s4+$0x0], $0xffff;
	v12 =	vtrunc.f32 v0;
	vm0 =	vgt.f32 v0, $0.0e+00  }
0x56e: {  	vm1 =	vle.f32 v0, $2.220000000e+02;
	v9 =	vtrunc.f32 v9;
	v0 =	vcvt.f32.s32 v12;
	v12 =	vld [tilespmem:s21+$0xC0]  }
0x56f: {  	v9 =	vcvt.f32.s32 v9  }
0x570: {  	vm0 =	vmand vm0, vm1  }
0x571: {  	v0 =	vnsel vm0, $0x0, v0;
	_ =	sdelay $0x1  }
0x572: {  	v13 =	vld [tilespmem:s5+$0xFFFFFFC0];
	v8 =	vmul.f32 v8, v10;
	v11 =	vmul.f32 v11, v12  }
0x573: {  	v10 =	vld [tilespmem:s21+$0xFFFFFFC0]  }
0x574: {  	v9 =	vld.idx.msk [tilespmem:v9+s4+$0x0], $0xffff;
	v8 =	vsub.f32 v11, v8  }
0x575: {  	v0 =	vld.idx.msk [tilespmem:v0+s4+$0x0], $0xffff  }
0x576: {  	[tilespmem:s22+$0xFFFFFFD0] =	vst.add.f32.msk $0xffff, v8  }
0x577: {  	v8 =	vld [tilespmem:s21+$0x50]  }
0x578: {  	v11 =	vld [tilespmem:s5+$0x50];
	_ =	sdelay $0x1  }
0x579: {  	v9 =	vmul.f32 v9, v10;
	v0 =	vmul.f32 v0, v13;
	_ =	sdelay $0x1  }
0x57a: {  	v0 =	vsub.f32 v9, v0  }
0x57b: {  	vm0 =	vgt.f32 v11, $0.0e+00;
	v9 =	vtrunc.f32 v11;
	v8 =	vtrunc.f32 v8  }
0x57c: {  	vm1 =	vle.f32 v11, $2.220000000e+02;
	[tilespmem:s22+$0xFFFFFF50] =	vst.add.f32.msk $0xffff, v0;
	v0 =	vcvt.f32.s32 v9;
	v8 =	vcvt.f32.s32 v8  }
0x57d: {  	vm0 =	vmand vm0, vm1;
	v9 =	vld [tilespmem:s5+$0xFFFFFF50]  }
0x57e: {  	v0 =	vnsel vm0, $0x0, v0  }
0x57f: {  	v10 =	vld [tilespmem:s21+$0xFFFFFF50];
	_ =	sdelay $0x1  }
0x580: {  	v11 =	vld [tilespmem:s5+$0xD0]  }
0x581: {  	v12 =	vtrunc.f32 v9;
	v8 =	vld.idx.msk [tilespmem:v8+s4+$0x0], $0xffff  }
0x582: {  	vm0 =	vgt.f32 v9, $0.0e+00;
	vm1 =	vle.f32 v9, $2.220000000e+02;
	v9 =	vcvt.f32.s32 v12;
	v0 =	vld.idx.msk [tilespmem:v0+s4+$0x0], $0xffff  }
0x583: {  	v10 =	vtrunc.f32 v10;
	vm0 =	vmand vm0, vm1;
	v12 =	vld [tilespmem:s21+$0xD0]  }
0x584: {  	v10 =	vcvt.f32.s32 v10;
	v9 =	vnsel vm0, $0x0, v9;
	_ =	sdelay $0x3  }
0x585: {  	v8 =	vmul.f32 v8, v12;
	v0 =	vmul.f32 v0, v11;
	v11 =	vld [tilespmem:s5+$0xFFFFFFD0]  }
0x586: {  	v9 =	vld.idx.msk [tilespmem:v9+s4+$0x0], $0xffff  }
0x587: {  	v0 =	vsub.f32 v8, v0;
	v8 =	vld.idx.msk [tilespmem:v10+s4+$0x0], $0xffff  }
0x588: {  	v10 =	vld [tilespmem:s21+$0xFFFFFFD0]  }
0x589: {  	[tilespmem:s22+$0xFFFFFFE0] =	vst.add.f32.msk $0xffff, v0  }
0x58a: {  	v0 =	vld [tilespmem:s21+$0x60]  }
0x58b: {  	v12 =	vld [tilespmem:s5+$0x60];
	_ =	sdelay $0x1  }
0x58c: {  	v9 =	vmul.f32 v9, v11;
	v8 =	vmul.f32 v8, v10;
	_ =	sdelay $0x1  }
0x58d: {  	v8 =	vsub.f32 v8, v9  }
0x58e: {  	vm0 =	vgt.f32 v12, $0.0e+00;
	v9 =	vtrunc.f32 v12;
	v0 =	vtrunc.f32 v0  }
0x58f: {  	vm1 =	vle.f32 v12, $2.220000000e+02;
	v9 =	vcvt.f32.s32 v9;
	v0 =	vcvt.f32.s32 v0  }
0x590: {  	[tilespmem:s22+$0xFFFFFF60] =	vst.add.f32.msk $0xffff, v8;
	vm0 =	vmand vm0, vm1  }
0x591: {  	v8 =	vld [tilespmem:s5+$0xFFFFFF60];
	v9 =	vnsel vm0, $0x0, v9;
	_ =	sdelay $0x1  }
0x592: {  	v10 =	vld [tilespmem:s21+$0xFFFFFF60]  }
0x593: {  	v11 =	vld [tilespmem:s5+$0xE0]  }
0x594: {  	v0 =	vld.idx.msk [tilespmem:v0+s4+$0x0], $0xffff  }
0x595: {  	v12 =	vtrunc.f32 v8;
	v9 =	vld.idx.msk [tilespmem:v9+s4+$0x0], $0xffff  }
0x596: {  	vm0 =	vgt.f32 v8, $0.0e+00;
	vm1 =	vle.f32 v8, $2.220000000e+02;
	v8 =	vcvt.f32.s32 v12;
	v12 =	vld [tilespmem:s21+$0xE0]  }
0x597: {  	v7 =	vld.idx.msk [tilespmem:v7+s4+$0x0], $0xffff;
	v10 =	vtrunc.f32 v10;
	vm0 =	vmand vm0, vm1  }
0x598: {  	v6 =	vld.idx.msk [tilespmem:v6+s4+$0x0], $0xffff;
	v10 =	vcvt.f32.s32 v10;
	v8 =	vnsel vm0, $0x0, v8;
	_ =	sdelay $0x2  }
0x599: {  	v13 =	vld [tilespmem:s5+$0xFFFFFFE0];
	v0 =	vmul.f32 v0, v12;
	v9 =	vmul.f32 v9, v11  }
0x59a: {  	v11 =	vld [tilespmem:s21+$0xFFFFFFE0]  }
0x59b: {  	v3 =	vmul.f32 v7, v3;
	v4 =	vmul.f32 v6, v4;
	v8 =	vld.idx.msk [tilespmem:v8+s4+$0x0], $0xffff;
	v0 =	vsub.f32 v0, v9  }
0x59c: {  	v9 =	vld.idx.msk [tilespmem:v10+s4+$0x0], $0xffff  }
0x59d: {  	[tilespmem:s22+$0xFFFFFFF0] =	vst.add.f32.msk $0xffff, v0;
	v0 =	vsub.f32 v4, v3  }
0x59e: {  	v4 =	vld [tilespmem:s5+$0x70]  }
0x59f: {  	[tilespmem:s31+$0xFFFFFF70] =	vst.add.f32.msk $0xffff, v0  }
0x5a0: {  	v7 =	vld [tilespmem:s20+$0xFFFFFF70]  }
0x5a1: {  	v0 =	vmul.f32 v8, v13;
	v6 =	vmul.f32 v9, v11  }
0x5a2: {  	v3 =	vld [tilespmem:s21+$0x70]  }
0x5a3: {  	v0 =	vsub.f32 v6, v0  }
0x5a4: {  	v6 =	vld [tilespmem:s29+$0xFFFFFF70];
	vm0 =	vgt.f32 v4, $0.0e+00;
	v8 =	vtrunc.f32 v4;
	vm1 =	vle.f32 v4, $2.220000000e+02  }
0x5a5: {  	[tilespmem:s22+$0xFFFFFF70] =	vst.add.f32.msk $0xffff, v0;
	v0 =	vcvt.f32.s32 v8;
	vm0 =	vmand vm0, vm1;
	v8 =	vtrunc.f32 v7  }
0x5a6: {  	v4 =	vld [tilespmem:s5+$0xFFFFFF70];
	vm2 =	vgt.f32 v7, $0.0e+00;
	vm1 =	vle.f32 v7, $2.220000000e+02;
	v8 =	vcvt.f32.s32 v8  }
0x5a7: {  	v3 =	vtrunc.f32 v3;
	v0 =	vnsel vm0, $0x0, v0;
	vm0 =	vmand vm2, vm1  }
0x5a8: {  	v3 =	vcvt.f32.s32 v3;
	v7 =	vnsel vm0, $0x0, v8;
	v8 =	vld [tilespmem:s21+$0xFFFFFF70]  }
0x5a9: {  	v9 =	vld [tilespmem:s5+$0xF0]  }
0x5aa: {  	v11 =	vld [tilespmem:s20+$0xFFFFFFF0];
	v6 =	vtrunc.f32 v6  }
0x5ab: {  	v12 =	vld [tilespmem:s29+$0xFFFFFFF0];
	v6 =	vcvt.f32.s32 v6;
	v10 =	vtrunc.f32 v4  }
0x5ac: {  	v13 =	vld [tilespmem:s5+$0xFFFFFFF0];
	vm0 =	vgt.f32 v4, $0.0e+00;
	vm1 =	vle.f32 v4, $2.220000000e+02;
	v10 =	vcvt.f32.s32 v10  }
0x5ad: {  	v14 =	vld [tilespmem:s21+$0xFFFFFFF0];
	vm0 =	vmand vm0, vm1;
	v8 =	vtrunc.f32 v8  }
0x5ae: {  	v3 =	vld.idx.msk [tilespmem:v3+s4+$0x0], $0xffff;
	v10 =	vnsel vm0, $0x0, v10;
	v8 =	vcvt.f32.s32 v8  }
0x5af: {  	v4 =	vld [tilespmem:s21+$0xF0]  }
0x5b0: {  	v0 =	vld.idx.msk [tilespmem:v0+s4+$0x0], $0xffff  }
0x5b1: {  	v7 =	vld.idx.msk [tilespmem:v7+s4+$0x0], $0xffff  }
0x5b2: {  	v6 =	vld.idx.msk [tilespmem:v6+s4+$0x0], $0xffff  }
0x5b3: {  	v10 =	vld.idx.msk [tilespmem:v10+s4+$0x0], $0xffff  }
0x5b4: {  	v8 =	vld.idx.msk [tilespmem:v8+s4+$0x0], $0xffff;
	_ =	sdelay $0x1  }
0x5b5: {  	v3 =	vmul.f32 v3, v4;
	v0 =	vmul.f32 v0, v9  }
0x5b6: {  	v1 =	vmul.f32 v5, v1  }
0x5b7: {  	v0 =	vsub.f32 v3, v0;
	v3 =	vmul.f32 v7, v11;
	v4 =	vmul.f32 v6, v12  }
0x5b8: {  	v1 =	vsub.f32 v1, v2;
	s29 =	sshll.u32 s1, $0xF;
	s1 =	sadd.s32 $0x1, s1;
	v2 =	vmul.f32 v10, v13;
	v5 =	vmul.f32 v8, v14  }
0x5b9: {  	p0 =	sge.u32 s1, s6;
	[tilespmem:s22+$0x0] =	vst.add.f32.msk $0xffff, v0;
	v0 =	vsub.f32 v4, v3  }
0x5ba: {  	[tilespmem:s30+$0xFFFFFF80] =	vst.add.f32.msk $0xffff, v1;
	s5 =	sadd.s32 @!p0 s29, s9;
	v1 =	vsub.f32 v5, v2  }
0x5bb: {  	s5 =	sshrl.u32 @!p0 s5, $0x3;
	[tilespmem:s31+$0xFFFFFF80] =	vst.add.f32.msk $0xffff, v0  }
0x5bc: {  	s8 =	simm.s32 @!p0 $0x0;
	s10 =	simm.s32 @!p0 $0x100;
	s7 =	sadd.s32 @!p0 s2, s5;
	[tilespmem:s22+$0xFFFFFF80] =	vst.add.f32.msk $0xffff, v1  }
0x5bd: {  	[tilespmem:s10], [sflag:$0x1] =	stream.linear.gather @!p0 [hbm4b:s7+s8], $0x4000, $0x38;
	[tilespmem:$0x14100] =	vst v63  }
0x5be: {  	s5 =	sadd.s32 @!p0 s3, s5;
	s7 =	simm.s32 @!p0 $0x8100  }
0x5bf: {  	[tilespmem:s7], [sflag:$0x3] =	stream.linear.gather @!p0 [hbm4b:s5+s8], $0x4000, $0x38;
	[tilespmem:$0x14100] =	vst v63  }
0x5c0: {  	_ =	swait.ge [sflag:s26], $0x4000  }
0x5c1: {  	[sflag:s26] =	ssyncset.done $0x0  }
0x5c2: {  	[sflag:s26] =	ssyncadd.s32 $0xFFFFC000  }
0x5c3: {  	_ =	swait.ge [sflag:s28], $0x4000  }
0x5c4: {  	[sflag:s28] =	ssyncset.done $0x0  }
0x5c5: {  	s10 =	simm.s32 $0xC200;
	[sflag:s28] =	ssyncadd.s32 $0xFFFFC000  }
0x5c6: {  	s11 =	simm.s32 $0x4200;
	v0 =	vld [tilespmem:s10+$0x0]  }
0x5c7: {  	v1 =	vld [tilespmem:s11+$0x0];
	_ =	sdelay $0x4  }
0x5c8: {  	vm0 =	vgt.f32 v1, $0.0e+00;
	v2 =	vtrunc.f32 v1;
	v0 =	vtrunc.f32 v0  }
0x5c9: {  	vm1 =	vle.f32 v1, $2.220000000e+02;
	v1 =	vcvt.f32.s32 v2;
	v0 =	vcvt.f32.s32 v0  }
0x5ca: {  	vm0 =	vmand vm0, vm1  }
0x5cb: {  	v1 =	vnsel vm0, $0x0, v1;
	_ =	sdelay $0x1  }
0x5cc: {  	v3 =	vld [tilespmem:s10+$0x80]  }
0x5cd: {  	v2 =	vld [tilespmem:s11+$0x80]  }
0x5ce: {  	v0 =	vld.idx.msk [tilespmem:v0+s4+$0x0], $0xffff  }
0x5cf: {  	v1 =	vld.idx.msk [tilespmem:v1+s4+$0x0], $0xffff;
	_ =	sdelay $0x4  }
0x5d0: {  	v0 =	vmul.f32 v0, v3;
	v1 =	vmul.f32 v1, v2;
	_ =	sdelay $0x1  }
0x5d1: {  	v2 =	vld [tilespmem:s11+$0xFFFFFF00];
	v0 =	vsub.f32 v0, v1  }
0x5d2: {  	s30 =	simm.s32 $0x121F0;
	v1 =	vld [tilespmem:s10+$0xFFFFFF00]  }
0x5d3: {  	[tilespmem:s30+$0xFFFFFF90] =	vst.add.f32.msk $0xffff, v0  }
0x5d4: {  	v0 =	vld [tilespmem:s10+$0x10]  }
0x5d5: {  	v3 =	vld [tilespmem:s11+$0x10]  }
0x5d6: {  	v4 =	vtrunc.f32 v2  }
0x5d7: {  	vm0 =	vgt.f32 v2, $0.0e+00;
	vm1 =	vle.f32 v2, $2.220000000e+02;
	v2 =	vcvt.f32.s32 v4  }
0x5d8: {  	vm0 =	vmand vm0, vm1;
	v1 =	vtrunc.f32 v1  }
0x5d9: {  	v2 =	vnsel vm0, $0x0, v2;
	v1 =	vcvt.f32.s32 v1  }
0x5da: {  	vm0 =	vgt.f32 v3, $0.0e+00;
	v4 =	vtrunc.f32 v3;
	v0 =	vtrunc.f32 v0  }
0x5db: {  	v5 =	vld [tilespmem:s10+$0xFFFFFF80];
	vm1 =	vle.f32 v3, $2.220000000e+02;
	v3 =	vcvt.f32.s32 v4;
	v0 =	vcvt.f32.s32 v0  }
0x5dc: {  	v6 =	vld [tilespmem:s11+$0x90];
	vm0 =	vmand vm0, vm1  }
0x5dd: {  	v4 =	vld [tilespmem:s11+$0xFFFFFF80];
	v3 =	vnsel vm0, $0x0, v3  }
0x5de: {  	v2 =	vld.idx.msk [tilespmem:v2+s4+$0x0], $0xffff  }
0x5df: {  	v1 =	vld.idx.msk [tilespmem:v1+s4+$0x0], $0xffff  }
0x5e0: {  	v7 =	vld [tilespmem:s10+$0x90]  }
0x5e1: {  	v0 =	vld.idx.msk [tilespmem:v0+s4+$0x0], $0xffff  }
0x5e2: {  	v3 =	vld.idx.msk [tilespmem:v3+s4+$0x0], $0xffff;
	_ =	sdelay $0x1  }
0x5e3: {  	v2 =	vmul.f32 v2, v4;
	v1 =	vmul.f32 v1, v5;
	_ =	sdelay $0x1  }
0x5e4: {  	v1 =	vsub.f32 v1, v2  }
0x5e5: {  	v0 =	vmul.f32 v0, v7;
	v2 =	vmul.f32 v3, v6  }
0x5e6: {  	[tilespmem:s30+$0xFFFFFF10] =	vst.add.f32.msk $0xffff, v1  }
0x5e7: {  	v1 =	vld [tilespmem:s11+$0xFFFFFF10];
	v0 =	vsub.f32 v0, v2  }
0x5e8: {  	v2 =	vld [tilespmem:s10+$0xFFFFFF10]  }
0x5e9: {  	[tilespmem:s30+$0xFFFFFFA0] =	vst.add.f32.msk $0xffff, v0  }
0x5ea: {  	v0 =	vld [tilespmem:s10+$0x20]  }
0x5eb: {  	v3 =	vld [tilespmem:s11+$0x20]  }
0x5ec: {  	v4 =	vtrunc.f32 v1  }
0x5ed: {  	vm0 =	vgt.f32 v1, $0.0e+00;
	vm1 =	vle.f32 v1, $2.220000000e+02;
	v1 =	vcvt.f32.s32 v4  }
0x5ee: {  	v2 =	vtrunc.f32 v2;
	vm0 =	vmand vm0, vm1  }
0x5ef: {  	v2 =	vcvt.f32.s32 v2;
	v1 =	vnsel vm0, $0x0, v1  }
0x5f0: {  	vm0 =	vgt.f32 v3, $0.0e+00;
	v4 =	vtrunc.f32 v3;
	v0 =	vtrunc.f32 v0  }
0x5f1: {  	v5 =	vld [tilespmem:s10+$0xFFFFFF90];
	vm1 =	vle.f32 v3, $2.220000000e+02;
	v3 =	vcvt.f32.s32 v4;
	v0 =	vcvt.f32.s32 v0  }
0x5f2: {  	v6 =	vld [tilespmem:s11+$0xA0];
	vm0 =	vmand vm0, vm1  }
0x5f3: {  	v4 =	vld [tilespmem:s11+$0xFFFFFF90];
	v3 =	vnsel vm0, $0x0, v3  }
0x5f4: {  	v1 =	vld.idx.msk [tilespmem:v1+s4+$0x0], $0xffff  }
0x5f5: {  	v2 =	vld.idx.msk [tilespmem:v2+s4+$0x0], $0xffff  }
0x5f6: {  	v7 =	vld [tilespmem:s10+$0xA0]  }
0x5f7: {  	v0 =	vld.idx.msk [tilespmem:v0+s4+$0x0], $0xffff  }
0x5f8: {  	v3 =	vld.idx.msk [tilespmem:v3+s4+$0x0], $0xffff;
	_ =	sdelay $0x1  }
0x5f9: {  	v1 =	vmul.f32 v1, v4;
	v2 =	vmul.f32 v2, v5;
	_ =	sdelay $0x1  }
0x5fa: {  	v1 =	vsub.f32 v2, v1  }
0x5fb: {  	v0 =	vmul.f32 v0, v7;
	v2 =	vmul.f32 v3, v6  }
0x5fc: {  	[tilespmem:s30+$0xFFFFFF20] =	vst.add.f32.msk $0xffff, v1  }
0x5fd: {  	v1 =	vld [tilespmem:s11+$0xFFFFFF20];
	v0 =	vsub.f32 v0, v2  }
0x5fe: {  	v2 =	vld [tilespmem:s10+$0xFFFFFF20]  }
0x5ff: {  	[tilespmem:s30+$0xFFFFFFB0] =	vst.add.f32.msk $0xffff, v0  }
0x600: {  	v0 =	vld [tilespmem:s10+$0x30]  }
0x601: {  	v3 =	vld [tilespmem:s11+$0x30]  }
0x602: {  	v4 =	vtrunc.f32 v1  }
0x603: {  	vm0 =	vgt.f32 v1, $0.0e+00;
	vm1 =	vle.f32 v1, $2.220000000e+02;
	v1 =	vcvt.f32.s32 v4  }
0x604: {  	vm0 =	vmand vm0, vm1;
	v2 =	vtrunc.f32 v2  }
0x605: {  	v2 =	vcvt.f32.s32 v2;
	v1 =	vnsel vm0, $0x0, v1  }
0x606: {  	vm0 =	vgt.f32 v3, $0.0e+00;
	v4 =	vtrunc.f32 v3;
	v0 =	vtrunc.f32 v0  }
0x607: {  	v5 =	vld [tilespmem:s10+$0xFFFFFFA0];
	vm1 =	vle.f32 v3, $2.220000000e+02;
	v3 =	vcvt.f32.s32 v4;
	v0 =	vcvt.f32.s32 v0  }
0x608: {  	v6 =	vld [tilespmem:s11+$0xB0];
	vm0 =	vmand vm0, vm1  }
0x609: {  	v4 =	vld [tilespmem:s11+$0xFFFFFFA0];
	v3 =	vnsel vm0, $0x0, v3  }
0x60a: {  	v1 =	vld.idx.msk [tilespmem:v1+s4+$0x0], $0xffff  }
0x60b: {  	v2 =	vld.idx.msk [tilespmem:v2+s4+$0x0], $0xffff  }
0x60c: {  	v7 =	vld [tilespmem:s10+$0xB0]  }
0x60d: {  	v0 =	vld.idx.msk [tilespmem:v0+s4+$0x0], $0xffff  }
0x60e: {  	v3 =	vld.idx.msk [tilespmem:v3+s4+$0x0], $0xffff;
	_ =	sdelay $0x1  }
0x60f: {  	v1 =	vmul.f32 v1, v4;
	v2 =	vmul.f32 v2, v5;
	_ =	sdelay $0x1  }
0x610: {  	v1 =	vsub.f32 v2, v1  }
0x611: {  	v0 =	vmul.f32 v0, v7;
	v2 =	vmul.f32 v3, v6  }
0x612: {  	[tilespmem:s30+$0xFFFFFF30] =	vst.add.f32.msk $0xffff, v1  }
0x613: {  	v1 =	vld [tilespmem:s11+$0xFFFFFF30];
	v0 =	vsub.f32 v0, v2;
	_ =	sdelay $0x1  }
0x614: {  	[tilespmem:s30+$0xFFFFFFC0] =	vst.add.f32.msk $0xffff, v0  }
0x615: {  	v0 =	vld [tilespmem:s10+$0x40]  }
0x616: {  	v2 =	vld [tilespmem:s11+$0x40]  }
0x617: {  	v3 =	vtrunc.f32 v1  }
0x618: {  	s20 =	simm.s32 $0x4400;
	vm0 =	vgt.f32 v1, $0.0e+00;
	vm1 =	vle.f32 v1, $2.220000000e+02;
	v1 =	vcvt.f32.s32 v3  }
0x619: {  	s31 =	simm.s32 $0xC400;
	v8 =	vld [tilespmem:s20+$0xFFFFFF00];
	vm0 =	vmand vm0, vm1  }
0x61a: {  	v11 =	vld [tilespmem:s31+$0xFFFFFF00];
	v1 =	vnsel vm0, $0x0, v1  }
0x61b: {  	v7 =	vld [tilespmem:s20+$0x0];
	vm0 =	vgt.f32 v2, $0.0e+00;
	v5 =	vtrunc.f32 v2;
	v0 =	vtrunc.f32 v0  }
0x61c: {  	v3 =	vld [tilespmem:s10+$0xFFFFFF30];
	vm1 =	vle.f32 v2, $2.220000000e+02;
	v2 =	vcvt.f32.s32 v5;
	v0 =	vcvt.f32.s32 v0  }
0x61d: {  	v12 =	vld [tilespmem:s20+$0xFFFFFF80];
	vm0 =	vmand vm0, vm1  }
0x61e: {  	v5 =	vld [tilespmem:s31+$0x0];
	v2 =	vnsel vm0, $0x0, v2  }
0x61f: {  	v14 =	vld [tilespmem:s31+$0xFFFFFF80]  }
0x620: {  	v10 =	vtrunc.f32 v7;
	v9 =	vld [tilespmem:s11+$0xC0];
	vm1 =	vle.f32 v7, $2.220000000e+02  }
0x621: {  	v3 =	vtrunc.f32 v3;
	vm0 =	vgt.f32 v7, $0.0e+00;
	v7 =	vcvt.f32.s32 v10;
	v10 =	vld [tilespmem:s10+$0xC0]  }
0x622: {  	v3 =	vcvt.f32.s32 v3;
	v0 =	vld.idx.msk [tilespmem:v0+s4+$0x0], $0xffff  }
0x623: {  	vm0 =	vmand vm0, vm1;
	v5 =	vtrunc.f32 v5;
	v2 =	vld.idx.msk [tilespmem:v2+s4+$0x0], $0xffff  }
0x624: {  	v4 =	vld [tilespmem:s11+$0xFFFFFFB0];
	v7 =	vnsel vm0, $0x0, v7;
	v5 =	vcvt.f32.s32 v5  }
0x625: {  	v6 =	vld [tilespmem:s10+$0xFFFFFFB0]  }
0x626: {  	v13 =	vtrunc.f32 v8;
	v1 =	vld.idx.msk [tilespmem:v1+s4+$0x0], $0xffff  }
0x627: {  	v13 =	vcvt.f32.s32 v13;
	vm1 =	vle.f32 v8, $2.220000000e+02;
	vm0 =	vgt.f32 v8, $0.0e+00;
	v8 =	vld [tilespmem:s20+$0x80]  }
0x628: {  	v3 =	vld.idx.msk [tilespmem:v3+s4+$0x0], $0xffff;
	v0 =	vmul.f32 v0, v10;
	v2 =	vmul.f32 v2, v9  }
0x629: {  	vm0 =	vmand vm0, vm1;
	v7 =	vld.idx.msk [tilespmem:v7+s4+$0x0], $0xffff  }
0x62a: {  	v10 =	vnsel vm0, $0x0, v13;
	v9 =	vtrunc.f32 v11;
	v5 =	vld.idx.msk [tilespmem:v5+s4+$0x0], $0xffff;
	v0 =	vsub.f32 v0, v2  }
0x62b: {  	v9 =	vcvt.f32.s32 v9;
	v2 =	vld [tilespmem:s31+$0x80]  }
0x62c: {  	[tilespmem:s30+$0xFFFFFFD0] =	vst.add.f32.msk $0xffff, v0  }
0x62d: {  	v0 =	vmul.f32 v1, v4;
	v1 =	vmul.f32 v3, v6;
	v3 =	vld [tilespmem:s10+$0x50]  }
0x62e: {  	v4 =	vld [tilespmem:s11+$0x50]  }
0x62f: {  	v0 =	vsub.f32 v1, v0;
	v1 =	vld.idx.msk [tilespmem:v10+s4+$0x0], $0xffff  }
0x630: {  	v10 =	vld [tilespmem:s11+$0xD0];
	v2 =	vmul.f32 v5, v2;
	v5 =	vmul.f32 v7, v8  }
0x631: {  	v6 =	vld.idx.msk [tilespmem:v9+s4+$0x0], $0xffff  }
0x632: {  	[tilespmem:s30+$0xFFFFFF40] =	vst.add.f32.msk $0xffff, v0;
	v0 =	vsub.f32 v2, v5  }
0x633: {  	s21 =	simm.s32 $0x122F0;
	v2 =	vld [tilespmem:s11+$0xFFFFFF40];
	v3 =	vtrunc.f32 v3  }
0x634: {  	v7 =	vtrunc.f32 v4;
	[tilespmem:s21+$0xFFFFFF90] =	vst.add.f32.msk $0xffff, v0;
	v3 =	vcvt.f32.s32 v3  }
0x635: {  	vm0 =	vgt.f32 v4, $0.0e+00;
	vm1 =	vle.f32 v4, $2.220000000e+02;
	v0 =	vcvt.f32.s32 v7;
	v7 =	vld [tilespmem:s20+$0x10]  }
0x636: {  	vm0 =	vmand vm0, vm1;
	v4 =	vld [tilespmem:s31+$0x10]  }
0x637: {  	v5 =	vld [tilespmem:s10+$0xFFFFFF40];
	v0 =	vnsel vm0, $0x0, v0  }
0x638: {  	v8 =	vld [tilespmem:s11+$0xFFFFFFC0];
	v1 =	vmul.f32 v1, v12;
	v6 =	vmul.f32 v6, v14  }
0x639: {  	v9 =	vld [tilespmem:s10+$0xFFFFFFC0]  }
0x63a: {  	v1 =	vsub.f32 v6, v1;
	v3 =	vld.idx.msk [tilespmem:v3+s4+$0x0], $0xffff;
	vm0 =	vgt.f32 v7, $0.0e+00  }
0x63b: {  	v6 =	vtrunc.f32 v7;
	v4 =	vtrunc.f32 v4;
	vm1 =	vle.f32 v7, $2.220000000e+02;
	v7 =	vld [tilespmem:s10+$0xD0]  }
0x63c: {  	v0 =	vld.idx.msk [tilespmem:v0+s4+$0x0], $0xffff;
	v6 =	vcvt.f32.s32 v6;
	v4 =	vcvt.f32.s32 v4  }
0x63d: {  	[tilespmem:s21+$0xFFFFFF10] =	vst.add.f32.msk $0xffff, v1;
	vm0 =	vmand vm0, vm1  }
0x63e: {  	v1 =	vld [tilespmem:s20+$0xFFFFFF10];
	v6 =	vnsel vm0, $0x0, v6  }
0x63f: {  	v11 =	vtrunc.f32 v2;
	v12 =	vld [tilespmem:s31+$0xFFFFFF10]  }
0x640: {  	v5 =	vtrunc.f32 v5;
	v11 =	vcvt.f32.s32 v11;
	v13 =	vld [tilespmem:s20+$0xFFFFFF90];
	vm1 =	vle.f32 v2, $2.220000000e+02  }
0x641: {  	vm0 =	vgt.f32 v2, $0.0e+00;
	v2 =	vld [tilespmem:s20+$0x90];
	v3 =	vmul.f32 v3, v7;
	v0 =	vmul.f32 v0, v10  }
0x642: {  	v5 =	vcvt.f32.s32 v5;
	vm0 =	vmand vm0, vm1;
	v4 =	vld.idx.msk [tilespmem:v4+s4+$0x0], $0xffff  }
0x643: {  	v7 =	vnsel vm0, $0x0, v11;
	v10 =	vtrunc.f32 v1;
	v6 =	vld.idx.msk [tilespmem:v6+s4+$0x0], $0xffff;
	v0 =	vsub.f32 v3, v0  }
0x644: {  	vm0 =	vgt.f32 v1, $0.0e+00;
	vm1 =	vle.f32 v1, $2.220000000e+02;
	v1 =	vcvt.f32.s32 v10;
	v3 =	vld [tilespmem:s31+$0x90]  }
0x645: {  	vm0 =	vmand vm0, vm1;
	v10 =	vtrunc.f32 v12;
	[tilespmem:s30+$0xFFFFFFE0] =	vst.add.f32.msk $0xffff, v0  }
0x646: {  	v1 =	vnsel vm0, $0x0, v1;
	v0 =	vcvt.f32.s32 v10;
	v10 =	vld [tilespmem:s10+$0x60]  }
0x647: {  	v11 =	vld [tilespmem:s11+$0x60]  }
0x648: {  	v5 =	vld.idx.msk [tilespmem:v5+s4+$0x0], $0xffff  }
0x649: {  	v12 =	vld [tilespmem:s31+$0xFFFFFF90];
	v3 =	vmul.f32 v4, v3;
	v2 =	vmul.f32 v6, v2  }
0x64a: {  	v4 =	vld.idx.msk [tilespmem:v7+s4+$0x0], $0xffff  }
0x64b: {  	v1 =	vld.idx.msk [tilespmem:v1+s4+$0x0], $0xffff;
	v2 =	vsub.f32 v3, v2  }
0x64c: {  	v0 =	vld.idx.msk [tilespmem:v0+s4+$0x0], $0xffff;
	v3 =	vtrunc.f32 v11;
	v6 =	vtrunc.f32 v10  }
0x64d: {  	[tilespmem:s21+$0xFFFFFFA0] =	vst.add.f32.msk $0xffff, v2;
	v2 =	vcvt.f32.s32 v3;
	v3 =	vcvt.f32.s32 v6  }
0x64e: {  	vm0 =	vgt.f32 v11, $0.0e+00;
	vm1 =	vle.f32 v11, $2.220000000e+02;
	v7 =	vld [tilespmem:s20+$0x20]  }
0x64f: {  	vm0 =	vmand vm0, vm1;
	v6 =	vld [tilespmem:s31+$0x20]  }
0x650: {  	s22 =	simm.s32 $0xC600;
	v2 =	vnsel vm0, $0x0, v2  }
0x651: {  	v17 =	vld [tilespmem:s22+$0xFFFFFF80];
	v5 =	vmul.f32 v5, v9;
	v4 =	vmul.f32 v4, v8  }
0x652: {  	v8 =	vld [tilespmem:s11+$0xE0];
	v1 =	vmul.f32 v1, v13  }
0x653: {  	v4 =	vsub.f32 v5, v4;
	v0 =	vmul.f32 v0, v12;
	v3 =	vld.idx.msk [tilespmem:v3+s4+$0x0], $0xffff;
	vm0 =	vgt.f32 v7, $0.0e+00  }
0x654: {  	v5 =	vtrunc.f32 v7;
	v6 =	vtrunc.f32 v6;
	vm1 =	vle.f32 v7, $2.220000000e+02;
	v7 =	vld [tilespmem:s10+$0xE0]  }
0x655: {  	v2 =	vld.idx.msk [tilespmem:v2+s4+$0x0], $0xffff;
	v5 =	vcvt.f32.s32 v5;
	v6 =	vcvt.f32.s32 v6  }
0x656: {  	[tilespmem:s30+$0xFFFFFF50] =	vst.add.f32.msk $0xffff, v4;
	v0 =	vsub.f32 v0, v1;
	vm0 =	vmand vm0, vm1  }
0x657: {  	v4 =	vld [tilespmem:s11+$0xFFFFFF50];
	v1 =	vnsel vm0, $0x0, v5  }
0x658: {  	[tilespmem:s21+$0xFFFFFF20] =	vst.add.f32.msk $0xffff, v0  }
0x659: {  	v0 =	vld [tilespmem:s20+$0xFFFFFF20]  }
0x65a: {  	v5 =	vld [tilespmem:s20+$0xA0];
	v3 =	vmul.f32 v3, v7;
	v2 =	vmul.f32 v2, v8  }
0x65b: {  	v6 =	vld.idx.msk [tilespmem:v6+s4+$0x0], $0xffff  }
0x65c: {  	v1 =	vld.idx.msk [tilespmem:v1+s4+$0x0], $0xffff;
	v2 =	vsub.f32 v3, v2  }
0x65d: {  	v3 =	vld [tilespmem:s31+$0xA0]  }
0x65e: {  	[tilespmem:s30+$0xFFFFFFF0] =	vst.add.f32.msk $0xffff, v2  }
0x65f: {  	v7 =	vld [tilespmem:s10+$0x70]  }
0x660: {  	vm0 =	vgt.f32 v4, $0.0e+00;
	v2 =	vtrunc.f32 v4;
	v8 =	vld [tilespmem:s11+$0x70]  }
0x661: {  	v9 =	vld [tilespmem:s31+$0xFFFFFF20];
	vm1 =	vle.f32 v4, $2.220000000e+02;
	v4 =	vtrunc.f32 v0;
	v2 =	vcvt.f32.s32 v2  }
0x662: {  	v10 =	vld [tilespmem:s11+$0xFFFFFFD0];
	vm0 =	vmand vm0, vm1;
	v3 =	vmul.f32 v6, v3;
	v1 =	vmul.f32 v1, v5  }
0x663: {  	v13 =	vld [tilespmem:s10+$0xFFFFFFD0];
	vm2 =	vgt.f32 v0, $0.0e+00;
	vm3 =	vle.f32 v0, $2.220000000e+02;
	v0 =	vcvt.f32.s32 v4  }
0x664: {  	vm1 =	vmand vm2, vm3;
	v4 =	vld [tilespmem:s20+$0xFFFFFFA0];
	v2 =	vnsel vm0, $0x0, v2;
	v1 =	vsub.f32 v3, v1  }
0x665: {  	v0 =	vnsel vm1, $0x0, v0;
	v3 =	vld [tilespmem:s10+$0xFFFFFF50];
	v6 =	vtrunc.f32 v8;
	v7 =	vtrunc.f32 v7  }
0x666: {  	vm0 =	vgt.f32 v8, $0.0e+00;
	[tilespmem:s21+$0xFFFFFFB0] =	vst.add.f32.msk $0xffff, v1;
	v1 =	vcvt.f32.s32 v7;
	v7 =	vtrunc.f32 v9  }
0x667: {  	vm1 =	vle.f32 v8, $2.220000000e+02;
	v6 =	vcvt.f32.s32 v6;
	v9 =	vld [tilespmem:s31+$0x30];
	v7 =	vcvt.f32.s32 v7  }
0x668: {  	vm0 =	vmand vm0, vm1;
	v8 =	vld [tilespmem:s20+$0x30]  }
0x669: {  	v11 =	vld [tilespmem:s11+$0xF0];
	v6 =	vnsel vm0, $0x0, v6  }
0x66a: {  	v5 =	vld [tilespmem:s31+$0xFFFFFFA0];
	v3 =	vtrunc.f32 v3  }
0x66b: {  	v0 =	vld.idx.msk [tilespmem:v0+s4+$0x0], $0xffff;
	v3 =	vcvt.f32.s32 v3  }
0x66c: {  	v1 =	vld.idx.msk [tilespmem:v1+s4+$0x0], $0xffff  }
0x66d: {  	vm0 =	vgt.f32 v8, $0.0e+00;
	v12 =	vtrunc.f32 v8;
	v9 =	vtrunc.f32 v9;
	v7 =	vld.idx.msk [tilespmem:v7+s4+$0x0], $0xffff  }
0x66e: {  	vm1 =	vle.f32 v8, $2.220000000e+02;
	v8 =	vcvt.f32.s32 v12;
	v9 =	vcvt.f32.s32 v9;
	v6 =	vld.idx.msk [tilespmem:v6+s4+$0x0], $0xffff  }
0x66f: {  	vm0 =	vmand vm0, vm1;
	v12 =	vld [tilespmem:s10+$0xF0]  }
0x670: {  	v2 =	vld.idx.msk [tilespmem:v2+s4+$0x0], $0xffff;
	v8 =	vnsel vm0, $0x0, v8  }
0x671: {  	v3 =	vld.idx.msk [tilespmem:v3+s4+$0x0], $0xffff  }
0x672: {  	s5 =	simm.s32 $0x4600;
	v0 =	vmul.f32 v0, v4;
	v4 =	vmul.f32 v7, v5;
	v5 =	vld [tilespmem:s20+$0xB0]  }
0x673: {  	v6 =	vmul.f32 v6, v11;
	v11 =	vld [tilespmem:s5+$0x0]  }
0x674: {  	v1 =	vmul.f32 v1, v12;
	v7 =	vld.idx.msk [tilespmem:v9+s4+$0x0], $0xffff  }
0x675: {  	v0 =	vsub.f32 v4, v0;
	v4 =	vld.idx.msk [tilespmem:v8+s4+$0x0], $0xffff  }
0x676: {  	v8 =	vld [tilespmem:s31+$0xB0];
	v1 =	vsub.f32 v1, v6  }
0x677: {  	[tilespmem:s21+$0xFFFFFF30] =	vst.add.f32.msk $0xffff, v0  }
0x678: {  	[tilespmem:s30+$0x0] =	vst.add.f32.msk $0xffff, v1  }
0x679: {  	v2 =	vmul.f32 v2, v10;
	v3 =	vmul.f32 v3, v13;
	v0 =	vld [tilespmem:s20+$0xFFFFFF30]  }
0x67a: {  	v1 =	vld [tilespmem:s31+$0xFFFFFF30]  }
0x67b: {  	v13 =	vld [tilespmem:s5+$0xFFFFFF00];
	v2 =	vsub.f32 v3, v2;
	v6 =	vmul.f32 v7, v8;
	v4 =	vmul.f32 v4, v5  }
0x67c: {  	v3 =	vld [tilespmem:s20+$0xFFFFFFB0]  }
0x67d: {  	[tilespmem:s30+$0xFFFFFF60] =	vst.add.f32.msk $0xffff, v2;
	v4 =	vsub.f32 v6, v4  }
0x67e: {  	v9 =	vld [tilespmem:s10+$0xFFFFFF60]  }
0x67f: {  	v2 =	vtrunc.f32 v0;
	vm0 =	vgt.f32 v0, $0.0e+00;
	v1 =	vtrunc.f32 v1;
	[tilespmem:s21+$0xFFFFFFC0] =	vst.add.f32.msk $0xffff, v4  }
0x680: {  	vm1 =	vle.f32 v0, $2.220000000e+02;
	v0 =	vcvt.f32.s32 v2;
	v2 =	vcvt.f32.s32 v1;
	v7 =	vld [tilespmem:s31+$0x40]  }
0x681: {  	vm0 =	vmand vm0, vm1;
	v8 =	vld [tilespmem:s20+$0x40]  }
0x682: {  	v5 =	vld [tilespmem:s31+$0xFFFFFFB0];
	v4 =	vnsel vm0, $0x0, v0  }
0x683: {  	v6 =	vld [tilespmem:s11+$0xFFFFFF60]  }
0x684: {  	v1 =	vld [tilespmem:s10+$0xFFFFFFE0];
	v9 =	vtrunc.f32 v9  }
0x685: {  	v14 =	vld [tilespmem:s20+$0xC0];
	v9 =	vcvt.f32.s32 v9  }
0x686: {  	v7 =	vtrunc.f32 v7;
	v2 =	vld.idx.msk [tilespmem:v2+s4+$0x0], $0xffff;
	v10 =	vtrunc.f32 v8;
	vm0 =	vgt.f32 v8, $0.0e+00  }
0x687: {  	vm1 =	vle.f32 v8, $2.220000000e+02;
	v4 =	vld.idx.msk [tilespmem:v4+s4+$0x0], $0xffff;
	v7 =	vcvt.f32.s32 v7;
	v8 =	vcvt.f32.s32 v10  }
0x688: {  	v12 =	vtrunc.f32 v6;
	v10 =	vld [tilespmem:s22+$0x0];
	vm0 =	vmand vm0, vm1;
	vm1 =	vle.f32 v6, $2.220000000e+02  }
0x689: {  	v16 =	vld [tilespmem:s31+$0xC0];
	v8 =	vnsel vm0, $0x0, v8;
	vm0 =	vgt.f32 v6, $0.0e+00;
	v6 =	vcvt.f32.s32 v12  }
0x68a: {  	v15 =	vtrunc.f32 v11;
	v0 =	vld [tilespmem:s11+$0xFFFFFFE0];
	vm0 =	vmand vm0, vm1;
	vm1 =	vle.f32 v11, $2.220000000e+02  }
0x68b: {  	v12 =	vld [tilespmem:s22+$0xFFFFFF00];
	v6 =	vnsel vm0, $0x0, v6;
	vm0 =	vgt.f32 v11, $0.0e+00;
	v11 =	vcvt.f32.s32 v15  }
0x68c: {  	v9 =	vld.idx.msk [tilespmem:v9+s4+$0x0], $0xffff;
	v2 =	vmul.f32 v2, v5;
	vm0 =	vmand vm0, vm1  }
0x68d: {  	v10 =	vtrunc.f32 v10;
	v3 =	vmul.f32 v4, v3;
	v7 =	vld.idx.msk [tilespmem:v7+s4+$0x0], $0xffff;
	v11 =	vnsel vm0, $0x0, v11  }
0x68e: {  	v58 =	vtrunc.f32 v13;
	vm1 =	vle.f32 v13, $2.220000000e+02;
	v10 =	vcvt.f32.s32 v10;
	v8 =	vld.idx.msk [tilespmem:v8+s4+$0x0], $0xffff  }
0x68f: {  	v15 =	vld [tilespmem:s5+$0xFFFFFF80];
	vm0 =	vgt.f32 v13, $0.0e+00;
	v13 =	vcvt.f32.s32 v58;
	v2 =	vsub.f32 v2, v3  }
0x690: {  	vm0 =	vmand vm0, vm1;
	v6 =	vld.idx.msk [tilespmem:v6+s4+$0x0], $0xffff  }
0x691: {  	v13 =	vnsel vm0, $0x0, v13;
	[tilespmem:s21+$0xFFFFFF40] =	vst.add.f32.msk $0xffff, v2  }
0x692: {  	v11 =	vld.idx.msk [tilespmem:v11+s4+$0x0], $0xffff  }
0x693: {  	v7 =	vmul.f32 v7, v16;
	v8 =	vmul.f32 v8, v14;
	v14 =	vld [tilespmem:s5+$0x80]  }
0x694: {  	v12 =	vtrunc.f32 v12;
	v10 =	vld.idx.msk [tilespmem:v10+s4+$0x0], $0xffff  }
0x695: {  	v12 =	vcvt.f32.s32 v12;
	v7 =	vsub.f32 v7, v8;
	v8 =	vld [tilespmem:s22+$0x80]  }
0x696: {  	v3 =	vld.idx.msk [tilespmem:v13+s4+$0x0], $0xffff  }
0x697: {  	[tilespmem:s21+$0xFFFFFFD0] =	vst.add.f32.msk $0xffff, v7  }
0x698: {  	v4 =	vld [tilespmem:s31+$0x50]  }
0x699: {  	v1 =	vmul.f32 v9, v1;
	v0 =	vmul.f32 v6, v0;
	v5 =	vld [tilespmem:s20+$0x50]  }
0x69a: {  	v13 =	vld [tilespmem:s31+$0xFFFFFFC0];
	v8 =	vmul.f32 v10, v8;
	v10 =	vmul.f32 v11, v14  }
0x69b: {  	v7 =	vld.idx.msk [tilespmem:v12+s4+$0x0], $0xffff;
	v0 =	vsub.f32 v1, v0  }
0x69c: {  	v12 =	vld [tilespmem:s20+$0xFFFFFFC0];
	v2 =	vsub.f32 v8, v10  }
0x69d: {  	s23 =	simm.s32 $0x123F0;
	[tilespmem:s30+$0xFFFFFF70] =	vst.add.f32.msk $0xffff, v0  }
0x69e: {  	vm0 =	vgt.f32 v5, $0.0e+00;
	v4 =	vtrunc.f32 v4;
	[tilespmem:s23+$0xFFFFFF90] =	vst.add.f32.msk $0xffff, v2  }
0x69f: {  	v11 =	vtrunc.f32 v5;
	vm1 =	vle.f32 v5, $2.220000000e+02;
	v4 =	vcvt.f32.s32 v4;
	v5 =	vld [tilespmem:s22+$0x10]  }
0x6a0: {  	v2 =	vcvt.f32.s32 v11;
	v11 =	vld [tilespmem:s5+$0x10]  }
0x6a1: {  	v14 =	vld [tilespmem:s20+$0xD0];
	vm0 =	vmand vm0, vm1  }
0x6a2: {  	v3 =	vmul.f32 v3, v15;
	v63 =	vld [tilespmem:s11+$0xFFFFFFF0];
	v7 =	vmul.f32 v7, v17;
	v2 =	vnsel vm0, $0x0, v2  }
0x6a3: {  	v8 =	vld [tilespmem:s20+$0xFFFFFF40]  }
0x6a4: {  	v10 =	vld [tilespmem:s31+$0xFFFFFF40];
	v3 =	vsub.f32 v7, v3  }
0x6a5: {  	v4 =	vld.idx.msk [tilespmem:v4+s4+$0x0], $0xffff;
	vm0 =	vgt.f32 v11, $0.0e+00;
	v7 =	vtrunc.f32 v11;
	v5 =	vtrunc.f32 v5  }
0x6a6: {  	vm1 =	vle.f32 v11, $2.220000000e+02;
	v11 =	vld [tilespmem:s31+$0xD0];
	v7 =	vcvt.f32.s32 v7;
	v5 =	vcvt.f32.s32 v5  }
0x6a7: {  	v2 =	vld.idx.msk [tilespmem:v2+s4+$0x0], $0xffff;
	vm0 =	vmand vm0, vm1  }
0x6a8: {  	[tilespmem:s23+$0xFFFFFF10] =	vst.add.f32.msk $0xffff, v3;
	v7 =	vnsel vm0, $0x0, v7  }
0x6a9: {  	v3 =	vld [tilespmem:s5+$0xFFFFFF10]  }
0x6aa: {  	v15 =	vtrunc.f32 v8;
	v59 =	vld [tilespmem:s22+$0xFFFFFF10];
	v10 =	vtrunc.f32 v10  }
0x6ab: {  	v15 =	vcvt.f32.s32 v15;
	vm1 =	vle.f32 v8, $2.220000000e+02;
	vm0 =	vgt.f32 v8, $0.0e+00;
	v8 =	vld [tilespmem:s5+$0x90]  }
0x6ac: {  	v4 =	vmul.f32 v4, v11;
	v2 =	vmul.f32 v2, v14;
	v5 =	vld.idx.msk [tilespmem:v5+s4+$0x0], $0xffff  }
0x6ad: {  	v10 =	vcvt.f32.s32 v10;
	vm0 =	vmand vm0, vm1;
	v7 =	vld.idx.msk [tilespmem:v7+s4+$0x0], $0xffff  }
0x6ae: {  	v11 =	vnsel vm0, $0x0, v15;
	v14 =	vtrunc.f32 v3;
	v2 =	vsub.f32 v4, v2;
	v4 =	vld [tilespmem:s22+$0x90]  }
0x6af: {  	v60 =	vld [tilespmem:s5+$0xFFFFFF90];
	vm1 =	vle.f32 v3, $2.220000000e+02;
	vm0 =	vgt.f32 v3, $0.0e+00;
	v3 =	vcvt.f32.s32 v14  }
0x6b0: {  	vm0 =	vmand vm0, vm1;
	v14 =	vtrunc.f32 v59;
	[tilespmem:s21+$0xFFFFFFE0] =	vst.add.f32.msk $0xffff, v2  }
0x6b1: {  	v3 =	vnsel vm0, $0x0, v3;
	v2 =	vcvt.f32.s32 v14;
	v14 =	vld [tilespmem:s31+$0x60]  }
0x6b2: {  	v15 =	vld [tilespmem:s20+$0x60]  }
0x6b3: {  	v4 =	vmul.f32 v5, v4;
	v5 =	vmul.f32 v7, v8;
	v7 =	vld.idx.msk [tilespmem:v11+s4+$0x0], $0xffff  }
0x6b4: {  	v8 =	vld.idx.msk [tilespmem:v10+s4+$0x0], $0xffff  }
0x6b5: {  	v61 =	vld [tilespmem:s22+$0xFFFFFF90]  }
0x6b6: {  	v3 =	vld.idx.msk [tilespmem:v3+s4+$0x0], $0xffff;
	v4 =	vsub.f32 v4, v5  }
0x6b7: {  	v2 =	vld.idx.msk [tilespmem:v2+s4+$0x0], $0xffff;
	vm0 =	vgt.f32 v15, $0.0e+00;
	v5 =	vtrunc.f32 v15;
	v6 =	vtrunc.f32 v14  }
0x6b8: {  	vm1 =	vle.f32 v15, $2.220000000e+02;
	[tilespmem:s23+$0xFFFFFFA0] =	vst.add.f32.msk $0xffff, v4;
	v4 =	vcvt.f32.s32 v5;
	v5 =	vcvt.f32.s32 v6  }
0x6b9: {  	vm0 =	vmand vm0, vm1;
	v6 =	vld [tilespmem:s5+$0x20];
	v0 =	vmul.f32 v7, v12;
	v7 =	vmul.f32 v8, v13  }
0x6ba: {  	v1 =	vld [tilespmem:s22+$0x20];
	v4 =	vnsel vm0, $0x0, v4  }
0x6bb: {  	v9 =	vld [tilespmem:s20+$0xE0];
	v0 =	vsub.f32 v7, v0  }
0x6bc: {  	v8 =	vld [tilespmem:s11+$0xFFFFFF70]  }
0x6bd: {  	[tilespmem:s21+$0xFFFFFF50] =	vst.add.f32.msk $0xffff, v0  }
0x6be: {  	v3 =	vmul.f32 v3, v60;
	v2 =	vmul.f32 v2, v61;
	v5 =	vld.idx.msk [tilespmem:v5+s4+$0x0], $0xffff;
	vm0 =	vgt.f32 v6, $0.0e+00  }
0x6bf: {  	v7 =	vtrunc.f32 v6;
	v1 =	vtrunc.f32 v1;
	vm1 =	vle.f32 v6, $2.220000000e+02;
	v4 =	vld.idx.msk [tilespmem:v4+s4+$0x0], $0xffff  }
0x6c0: {  	v2 =	vsub.f32 v2, v3;
	v6 =	vcvt.f32.s32 v7;
	v1 =	vcvt.f32.s32 v1;
	v7 =	vld [tilespmem:s31+$0xE0]  }
0x6c1: {  	v3 =	vld [tilespmem:s20+$0xFFFFFF50];
	vm0 =	vmand vm0, vm1  }
0x6c2: {  	[tilespmem:s23+$0xFFFFFF20] =	vst.add.f32.msk $0xffff, v2;
	v0 =	vnsel vm0, $0x0, v6  }
0x6c3: {  	v2 =	vld [tilespmem:s5+$0xFFFFFF20]  }
0x6c4: {  	v6 =	vld [tilespmem:s5+$0xA0]  }
0x6c5: {  	v5 =	vmul.f32 v5, v7;
	v4 =	vmul.f32 v4, v9;
	v7 =	vld [tilespmem:s22+$0xA0]  }
0x6c6: {  	v1 =	vld.idx.msk [tilespmem:v1+s4+$0x0], $0xffff  }
0x6c7: {  	v0 =	vld.idx.msk [tilespmem:v0+s4+$0x0], $0xffff;
	v4 =	vsub.f32 v5, v4  }
0x6c8: {  	v15 =	vld [tilespmem:s31+$0xFFFFFFD0];
	vm0 =	vgt.f32 v3, $0.0e+00  }
0x6c9: {  	vm1 =	vle.f32 v3, $2.220000000e+02;
	v5 =	vtrunc.f32 v3;
	vm2 =	vgt.f32 v2, $0.0e+00;
	[tilespmem:s21+$0xFFFFFFF0] =	vst.add.f32.msk $0xffff, v4  }
0x6ca: {  	vm3 =	vle.f32 v2, $2.220000000e+02;
	v3 =	vcvt.f32.s32 v5;
	v5 =	vtrunc.f32 v2;
	v4 =	vld [tilespmem:s31+$0x70]  }
0x6cb: {  	vm0 =	vmand vm0, vm1;
	vm1 =	vmand vm2, vm3;
	v2 =	vcvt.f32.s32 v5;
	v5 =	vld [tilespmem:s20+$0x70]  }
0x6cc: {  	v10 =	vld [tilespmem:s5+$0xFFFFFFA0];
	v3 =	vnsel vm0, $0x0, v3;
	v1 =	vmul.f32 v1, v7;
	v0 =	vmul.f32 v0, v6  }
0x6cd: {  	v9 =	vld [tilespmem:s22+$0xFFFFFF20];
	v2 =	vnsel vm1, $0x0, v2  }
0x6ce: {  	v0 =	vsub.f32 v1, v0;
	v1 =	vld [tilespmem:s31+$0xFFFFFF50]  }
0x6cf: {  	v12 =	vtrunc.f32 v8;
	v13 =	vld [tilespmem:s20+$0xF0]  }
0x6d0: {  	v6 =	vld [tilespmem:s22+$0xFFFFFFA0];
	vm0 =	vgt.f32 v5, $0.0e+00;
	v7 =	vtrunc.f32 v5;
	v4 =	vtrunc.f32 v4  }
0x6d1: {  	v3 =	vld.idx.msk [tilespmem:v3+s4+$0x0], $0xffff;
	vm1 =	vle.f32 v5, $2.220000000e+02;
	v5 =	vcvt.f32.s32 v7;
	v4 =	vcvt.f32.s32 v4  }
0x6d2: {  	v12 =	vcvt.f32.s32 v12;
	v9 =	vtrunc.f32 v9;
	v2 =	vld.idx.msk [tilespmem:v2+s4+$0x0], $0xffff;
	vm0 =	vmand vm0, vm1  }
0x6d3: {  	[tilespmem:s23+$0xFFFFFFB0] =	vst.add.f32.msk $0xffff, v0;
	v0 =	vnsel vm0, $0x0, v5;
	v5 =	vcvt.f32.s32 v9;
	v1 =	vtrunc.f32 v1  }
0x6d4: {  	vm1 =	vle.f32 v8, $2.220000000e+02;
	v9 =	vld [tilespmem:s22+$0x30];
	vm0 =	vgt.f32 v8, $0.0e+00;
	v1 =	vcvt.f32.s32 v1  }
0x6d5: {  	v11 =	vld [tilespmem:s5+$0x30];
	vm0 =	vmand vm0, vm1  }
0x6d6: {  	v8 =	vnsel vm0, $0x0, v12;
	v12 =	vld [tilespmem:s31+$0xF0]  }
0x6d7: {  	v4 =	vld.idx.msk [tilespmem:v4+s4+$0x0], $0xffff  }
0x6d8: {  	v0 =	vld.idx.msk [tilespmem:v0+s4+$0x0], $0xffff  }
0x6d9: {  	v9 =	vtrunc.f32 v9;
	v5 =	vld.idx.msk [tilespmem:v5+s4+$0x0], $0xffff  }
0x6da: {  	v9 =	vcvt.f32.s32 v9;
	v14 =	vld.idx.msk [tilespmem:v1+s4+$0x0], $0xffff;
	v1 =	vtrunc.f32 v11  }
0x6db: {  	v7 =	vld [tilespmem:s20+$0xFFFFFFD0];
	vm0 =	vgt.f32 v11, $0.0e+00;
	vm1 =	vle.f32 v11, $2.220000000e+02;
	v1 =	vcvt.f32.s32 v1  }
0x6dc: {  	vm0 =	vmand vm0, vm1;
	v62 =	vld.idx.msk [tilespmem:v8+s4+$0x0], $0xffff  }
0x6dd: {  	v11 =	vld [tilespmem:s10+$0xFFFFFF70];
	v8 =	vnsel vm0, $0x0, v1  }
0x6de: {  	v2 =	vmul.f32 v2, v10;
	v4 =	vmul.f32 v4, v12;
	v12 =	vld [tilespmem:s5+$0xB0]  }
0x6df: {  	v0 =	vmul.f32 v0, v13;
	v1 =	vld [tilespmem:s10+$0xFFFFFFF0];
	v5 =	vmul.f32 v5, v6  }
0x6e0: {  	v6 =	vld.idx.msk [tilespmem:v9+s4+$0x0], $0xffff  }
0x6e1: {  	v0 =	vsub.f32 v4, v0;
	v2 =	vsub.f32 v5, v2;
	v5 =	vld [tilespmem:s22+$0xB0]  }
0x6e2: {  	v4 =	vld.idx.msk [tilespmem:v8+s4+$0x0], $0xffff  }
0x6e3: {  	[tilespmem:s21+$0x0] =	vst.add.f32.msk $0xffff, v0  }
0x6e4: {  	v0 =	vmul.f32 v3, v7;
	v3 =	vmul.f32 v14, v15;
	[tilespmem:s23+$0xFFFFFF30] =	vst.add.f32.msk $0xffff, v2  }
0x6e5: {  	v2 =	vld [tilespmem:s5+$0xFFFFFF30]  }
0x6e6: {  	v0 =	vsub.f32 v3, v0;
	v3 =	vld [tilespmem:s22+$0xFFFFFF30]  }
0x6e7: {  	v8 =	vld [tilespmem:s5+$0xFFFFFFB0];
	v5 =	vmul.f32 v6, v5;
	v4 =	vmul.f32 v4, v12  }
0x6e8: {  	[tilespmem:s21+$0xFFFFFF60] =	vst.add.f32.msk $0xffff, v0  }
0x6e9: {  	v0 =	vtrunc.f32 v11;
	v4 =	vsub.f32 v5, v4;
	v5 =	vld [tilespmem:s20+$0xFFFFFF60]  }
0x6ea: {  	v0 =	vcvt.f32.s32 v0;
	v7 =	vld [tilespmem:s31+$0xFFFFFF60];
	v6 =	vtrunc.f32 v2  }
0x6eb: {  	vm0 =	vgt.f32 v2, $0.0e+00;
	vm1 =	vle.f32 v2, $2.220000000e+02;
	v2 =	vcvt.f32.s32 v6;
	[tilespmem:s23+$0xFFFFFFC0] =	vst.add.f32.msk $0xffff, v4  }
0x6ec: {  	v3 =	vtrunc.f32 v3;
	vm0 =	vmand vm0, vm1;
	v11 =	vld [tilespmem:s22+$0x40]  }
0x6ed: {  	v12 =	vcvt.f32.s32 v3;
	v10 =	vnsel vm0, $0x0, v2;
	v13 =	vld [tilespmem:s5+$0x40]  }
0x6ee: {  	v9 =	vld [tilespmem:s22+$0xFFFFFFB0];
	v2 =	vtrunc.f32 v5  }
0x6ef: {  	v3 =	vld [tilespmem:s20+$0xFFFFFFE0];
	vm0 =	vgt.f32 v5, $0.0e+00;
	vm1 =	vle.f32 v5, $2.220000000e+02;
	v14 =	vcvt.f32.s32 v2  }
0x6f0: {  	v4 =	vld [tilespmem:s31+$0xFFFFFFE0];
	v5 =	vtrunc.f32 v7;
	vm0 =	vmand vm0, vm1  }
0x6f1: {  	v2 =	vmul.f32 v62, v63;
	v6 =	vcvt.f32.s32 v5;
	v5 =	vld.idx.msk [tilespmem:v0+s4+$0x0], $0xffff;
	v7 =	vnsel vm0, $0x0, v14  }
0x6f2: {  	v10 =	vld.idx.msk [tilespmem:v10+s4+$0x0], $0xffff;
	vm0 =	vgt.f32 v13, $0.0e+00;
	v0 =	vtrunc.f32 v13;
	v11 =	vtrunc.f32 v11  }
0x6f3: {  	s8 =	simm.s32 $0x4;
	s7 =	simm.s32 $0x4600;
	s10 =	simm.s32 $0xC800;
	v12 =	vld.idx.msk [tilespmem:v12+s4+$0x0], $0xffff;
	vm1 =	vle.f32 v13, $2.220000000e+02;
	v13 =	vcvt.f32.s32 v0;
	v11 =	vcvt.f32.s32 v11  }
.LBB2_9:
0x6f4: {  	v14 =	vld [tilespmem:s10+$0x0];
	vm0 =	vmand vm0, vm1;
	s5 =	sadd.s32 $0x200, s5;
	s11 =	smov.u32 s23  }
0x6f5: {  	v15 =	vld [tilespmem:s5+$0x0];
	v13 =	vnsel vm0, $0x0, v13  }
0x6f6: {  	v0 =	vmul.f32 v5, v1;
	v16 =	vld [tilespmem:s5+$0xFFFFFF00]  }
0x6f7: {  	v5 =	vmul.f32 v10, v8;
	v1 =	vld [tilespmem:s10+$0xFFFFFF00]  }
0x6f8: {  	v8 =	vmul.f32 v12, v9;
	v0 =	vsub.f32 v0, v2;
	v9 =	vld [tilespmem:s7+$0xC0]  }
0x6f9: {  	v2 =	vld.idx.msk [tilespmem:v11+s4+$0x0], $0xffff  }
0x6fa: {  	v11 =	vtrunc.f32 v14;
	vm0 =	vgt.f32 v15, $0.0e+00;
	v10 =	vtrunc.f32 v15;
	v12 =	vld.idx.msk [tilespmem:v13+s4+$0x0], $0xffff  }
0x6fb: {  	vm1 =	vle.f32 v15, $2.220000000e+02;
	v11 =	vcvt.f32.s32 v11;
	v10 =	vcvt.f32.s32 v10;
	v13 =	vld [tilespmem:s22+$0xC0]  }
0x6fc: {  	vm2 =	vgt.f32 v16, $0.0e+00;
	v15 =	vtrunc.f32 v16;
	vm0 =	vmand vm0, vm1;
	v14 =	vld [tilespmem:s5+$0xFFFFFF80]  }
0x6fd: {  	vm1 =	vle.f32 v16, $2.220000000e+02;
	v15 =	vcvt.f32.s32 v15;
	v17 =	vld [tilespmem:s10+$0xFFFFFF80];
	v10 =	vnsel vm0, $0x0, v10  }
0x6fe: {  	v5 =	vsub.f32 v8, v5;
	v1 =	vtrunc.f32 v1;
	vm0 =	vmand vm2, vm1;
	v7 =	vld.idx.msk [tilespmem:v7+s4+$0x0], $0xffff  }
0x6ff: {  	v1 =	vcvt.f32.s32 v1;
	v8 =	vnsel vm0, $0x0, v15;
	v6 =	vld.idx.msk [tilespmem:v6+s4+$0x0], $0xffff  }
0x700: {  	s8 =	sadd.s32 $0x2, s8;
	v9 =	vmul.f32 v12, v9;
	v15 =	vld [tilespmem:s5+$0x80];
	v2 =	vmul.f32 v2, v13  }
0x701: {  	p1 =	slt.u32 s8, $0x3E;
	v11 =	vld.idx.msk [tilespmem:v11+s4+$0x0], $0xffff  }
0x702: {  	v10 =	vld.idx.msk [tilespmem:v10+s4+$0x0], $0xffff;
	v2 =	vsub.f32 v2, v9  }
0x703: {  	v9 =	vld [tilespmem:s10+$0x80]  }
0x704: {  	[tilespmem:s23+$0xFFFFFFD0] =	vst.add.f32.msk $0xffff, v2;
	v2 =	vmul.f32 v7, v3  }
0x705: {  	v4 =	vmul.f32 v6, v4;
	v3 =	vld [tilespmem:s22+$0x50]  }
0x706: {  	v6 =	vld [tilespmem:s7+$0x50]  }
0x707: {  	v2 =	vsub.f32 v4, v2;
	v7 =	vld.idx.msk [tilespmem:v8+s4+$0x0], $0xffff  }
0x708: {  	v8 =	vmul.f32 v10, v15;
	v1 =	vld.idx.msk [tilespmem:v1+s4+$0x0], $0xffff;
	v4 =	vmul.f32 v11, v9  }
0x709: {  	[tilespmem:s23+$0xFFFFFF40] =	vst.add.f32.msk $0xffff, v5  }
0x70a: {  	v4 =	vsub.f32 v4, v8;
	v5 =	vld [tilespmem:s7+$0xFFFFFF40]  }
0x70b: {  	s23 =	sadd.s32 $0x100, s23;
	v3 =	vtrunc.f32 v3;
	v8 =	vld [tilespmem:s22+$0xFFFFFF40];
	vm0 =	vgt.f32 v6, $0.0e+00;
	v9 =	vtrunc.f32 v6  }
0x70c: {  	vm1 =	vle.f32 v6, $2.220000000e+02;
	v3 =	vcvt.f32.s32 v3;
	[tilespmem:s23+$0xFFFFFF90] =	vst.add.f32.msk $0xffff, v4;
	v4 =	vcvt.f32.s32 v9  }
0x70d: {  	v6 =	vmul.f32 v7, v14;
	vm0 =	vmand vm0, vm1;
	v7 =	vld [tilespmem:s10+$0x10]  }
0x70e: {  	v1 =	vmul.f32 v1, v17;
	v9 =	vld [tilespmem:s5+$0x10];
	v4 =	vnsel vm0, $0x0, v4  }
0x70f: {  	v10 =	vld [tilespmem:s7+$0xFFFFFFC0];
	vm0 =	vgt.f32 v5, $0.0e+00;
	vm1 =	vle.f32 v5, $2.220000000e+02;
	v5 =	vtrunc.f32 v5  }
0x710: {  	v1 =	vsub.f32 v1, v6;
	v6 =	vld [tilespmem:s22+$0xFFFFFFC0];
	v5 =	vcvt.f32.s32 v5;
	v8 =	vtrunc.f32 v8  }
0x711: {  	vm0 =	vmand vm0, vm1;
	v8 =	vcvt.f32.s32 v8;
	v11 =	vld [tilespmem:s7+$0xD0]  }
0x712: {  	v5 =	vnsel vm0, $0x0, v5;
	v3 =	vld.idx.msk [tilespmem:v3+s4+$0x0], $0xffff  }
0x713: {  	v7 =	vtrunc.f32 v7;
	vm0 =	vgt.f32 v9, $0.0e+00;
	v12 =	vtrunc.f32 v9;
	v4 =	vld.idx.msk [tilespmem:v4+s4+$0x0], $0xffff  }
0x714: {  	vm1 =	vle.f32 v9, $2.220000000e+02;
	v7 =	vcvt.f32.s32 v7;
	v9 =	vcvt.f32.s32 v12;
	v12 =	vld [tilespmem:s22+$0xD0]  }
0x715: {  	vm0 =	vmand vm0, vm1;
	[tilespmem:s23+$0xFFFFFF10] =	vst.add.f32.msk $0xffff, v1  }
0x716: {  	v1 =	vld [tilespmem:s5+$0xFFFFFF10];
	v9 =	vnsel vm0, $0x0, v9  }
0x717: {  	v13 =	vld [tilespmem:s10+$0xFFFFFF10]  }
0x718: {  	v14 =	vld [tilespmem:s5+$0xFFFFFF90]  }
0x719: {  	v4 =	vmul.f32 v4, v11;
	v15 =	vld [tilespmem:s5+$0x90];
	v3 =	vmul.f32 v3, v12  }
0x71a: {  	v7 =	vld.idx.msk [tilespmem:v7+s4+$0x0], $0xffff  }
0x71b: {  	vm0 =	vgt.f32 v1, $0.0e+00;
	v11 =	vtrunc.f32 v1;
	v9 =	vld.idx.msk [tilespmem:v9+s4+$0x0], $0xffff;
	v3 =	vsub.f32 v3, v4  }
0x71c: {  	vm1 =	vle.f32 v1, $2.220000000e+02;
	v1 =	vcvt.f32.s32 v11;
	v4 =	vtrunc.f32 v13;
	v11 =	vld [tilespmem:s10+$0x90]  }
0x71d: {  	vm0 =	vmand vm0, vm1;
	v4 =	vcvt.f32.s32 v4;
	[tilespmem:s11+$0xFFFFFFE0] =	vst.add.f32.msk $0xffff, v3  }
0x71e: {  	v1 =	vnsel vm0, $0x0, v1;
	v3 =	vld [tilespmem:s22+$0x60]  }
0x71f: {  	v12 =	vld [tilespmem:s7+$0x60]  }
0x720: {  	v13 =	vld [tilespmem:s10+$0xFFFFFF90]  }
0x721: {  	v9 =	vmul.f32 v9, v15;
	v7 =	vmul.f32 v7, v11;
	v5 =	vld.idx.msk [tilespmem:v5+s4+$0x0], $0xffff  }
0x722: {  	v8 =	vld.idx.msk [tilespmem:v8+s4+$0x0], $0xffff  }
0x723: {  	v1 =	vld.idx.msk [tilespmem:v1+s4+$0x0], $0xffff;
	v7 =	vsub.f32 v7, v9  }
0x724: {  	v3 =	vtrunc.f32 v3;
	v4 =	vld.idx.msk [tilespmem:v4+s4+$0x0], $0xffff;
	vm0 =	vgt.f32 v12, $0.0e+00;
	v9 =	vtrunc.f32 v12  }
0x725: {  	vm1 =	vle.f32 v12, $2.220000000e+02;
	v3 =	vcvt.f32.s32 v3;
	[tilespmem:s23+$0xFFFFFFA0] =	vst.add.f32.msk $0xffff, v7;
	v7 =	vcvt.f32.s32 v9  }
0x726: {  	vm0 =	vmand vm0, vm1;
	v9 =	vld [tilespmem:s10+$0x20]  }
0x727: {  	v5 =	vmul.f32 v5, v10;
	v11 =	vld [tilespmem:s5+$0x20];
	v7 =	vnsel vm0, $0x0, v7  }
0x728: {  	v6 =	vmul.f32 v8, v6;
	[tilespmem:s21+$0xFFFFFF70] =	vst.add.f32.msk $0xffff, v2  }
0x729: {  	v1 =	vmul.f32 v1, v14;
	v2 =	vld [tilespmem:s20+$0xFFFFFF70]  }
0x72a: {  	v4 =	vmul.f32 v4, v13;
	v5 =	vsub.f32 v6, v5;
	v6 =	vld [tilespmem:s7+$0xE0]  }
0x72b: {  	v3 =	vld.idx.msk [tilespmem:v3+s4+$0x0], $0xffff  }
0x72c: {  	v9 =	vtrunc.f32 v9;
	vm0 =	vgt.f32 v11, $0.0e+00;
	v8 =	vtrunc.f32 v11;
	v7 =	vld.idx.msk [tilespmem:v7+s4+$0x0], $0xffff  }
0x72d: {  	vm1 =	vle.f32 v11, $2.220000000e+02;
	v9 =	vcvt.f32.s32 v9;
	v8 =	vcvt.f32.s32 v8;
	v10 =	vld [tilespmem:s22+$0xE0]  }
0x72e: {  	v1 =	vsub.f32 v4, v1;
	vm0 =	vmand vm0, vm1;
	[tilespmem:s11+$0xFFFFFF50] =	vst.add.f32.msk $0xffff, v5;
	v4 =	vtrunc.f32 v2  }
0x72f: {  	v5 =	vnsel vm0, $0x0, v8;
	v8 =	vld [tilespmem:s7+$0xFFFFFF50];
	vm0 =	vgt.f32 v2, $0.0e+00;
	v4 =	vcvt.f32.s32 v4  }
0x730: {  	vm1 =	vle.f32 v2, $2.220000000e+02;
	[tilespmem:s23+$0xFFFFFF20] =	vst.add.f32.msk $0xffff, v1  }
0x731: {  	vm0 =	vmand vm0, vm1;
	v1 =	vld [tilespmem:s5+$0xFFFFFF20]  }
0x732: {  	v6 =	vmul.f32 v7, v6;
	v4 =	vnsel vm0, $0x0, v4;
	v2 =	vld [tilespmem:s5+$0xA0];
	v3 =	vmul.f32 v3, v10  }
0x733: {  	v7 =	vld.idx.msk [tilespmem:v9+s4+$0x0], $0xffff  }
0x734: {  	v5 =	vld.idx.msk [tilespmem:v5+s4+$0x0], $0xffff;
	vm0 =	vgt.f32 v8, $0.0e+00;
	v9 =	vtrunc.f32 v8;
	v3 =	vsub.f32 v3, v6  }
0x735: {  	vm1 =	vle.f32 v8, $2.220000000e+02;
	v6 =	vld [tilespmem:s10+$0xA0];
	v8 =	vcvt.f32.s32 v9  }
0x736: {  	vm2 =	vgt.f32 v1, $0.0e+00;
	vm3 =	vle.f32 v1, $2.220000000e+02;
	v1 =	vtrunc.f32 v1;
	[tilespmem:s11+$0xFFFFFFF0] =	vst.add.f32.msk $0xffff, v3  }
0x737: {  	vm0 =	vmand vm0, vm1;
	vm2 =	vmand vm2, vm3;
	v1 =	vcvt.f32.s32 v1;
	v3 =	vld [tilespmem:s22+$0x70]  }
0x738: {  	v8 =	vnsel vm0, $0x0, v8;
	v9 =	vld [tilespmem:s7+$0x70]  }
0x739: {  	v10 =	vld [tilespmem:s10+$0xFFFFFF20];
	v1 =	vnsel vm2, $0x0, v1  }
0x73a: {  	v2 =	vmul.f32 v5, v2;
	v11 =	vld [tilespmem:s5+$0xFFFFFFA0];
	v6 =	vmul.f32 v7, v6  }
0x73b: {  	v5 =	vld [tilespmem:s10+$0xFFFFFFA0]  }
0x73c: {  	v2 =	vsub.f32 v6, v2;
	v6 =	vld [tilespmem:s22+$0xFFFFFF50]  }
0x73d: {  	v3 =	vtrunc.f32 v3;
	v7 =	vld.idx.msk [tilespmem:v8+s4+$0x0], $0xffff;
	vm0 =	vgt.f32 v9, $0.0e+00;
	v8 =	vtrunc.f32 v9  }
0x73e: {  	vm1 =	vle.f32 v9, $2.220000000e+02;
	v3 =	vcvt.f32.s32 v3;
	v1 =	vld.idx.msk [tilespmem:v1+s4+$0x0], $0xffff;
	v8 =	vcvt.f32.s32 v8  }
0x73f: {  	v9 =	vtrunc.f32 v10;
	vm0 =	vmand vm0, vm1;
	v10 =	vld [tilespmem:s7+$0xFFFFFFD0]  }
0x740: {  	v9 =	vcvt.f32.s32 v9;
	[tilespmem:s23+$0xFFFFFFB0] =	vst.add.f32.msk $0xffff, v2;
	v2 =	vnsel vm0, $0x0, v8  }
0x741: {  	v8 =	vld [tilespmem:s10+$0x30];
	v6 =	vtrunc.f32 v6  }
0x742: {  	v12 =	vld [tilespmem:s5+$0x30];
	v6 =	vcvt.f32.s32 v6  }
0x743: {  	v13 =	vld [tilespmem:s7+$0xF0]  }
0x744: {  	v11 =	vmul.f32 v1, v11;
	v7 =	vmul.f32 v7, v10;
	v1 =	vld.idx.msk [tilespmem:v3+s4+$0x0], $0xffff  }
0x745: {  	v2 =	vld.idx.msk [tilespmem:v2+s4+$0x0], $0xffff  }
0x746: {  	v3 =	vld [tilespmem:s22+$0xF0]  }
0x747: {  	v9 =	vld.idx.msk [tilespmem:v9+s4+$0x0], $0xffff  }
0x748: {  	v6 =	vld.idx.msk [tilespmem:v6+s4+$0x0], $0xffff  }
0x749: {  	v8 =	vtrunc.f32 v8;
	vm0 =	vgt.f32 v12, $0.0e+00;
	v10 =	vtrunc.f32 v12;
	v14 =	vld [tilespmem:s22+$0xFFFFFFD0]  }
0x74a: {  	vm1 =	vle.f32 v12, $2.220000000e+02;
	v8 =	vcvt.f32.s32 v8;
	v10 =	vcvt.f32.s32 v10;
	v12 =	vld [tilespmem:s31+$0xFFFFFF70]  }
0x74b: {  	vm0 =	vmand vm0, vm1;
	v2 =	vmul.f32 v2, v13;
	v1 =	vmul.f32 v1, v3;
	v3 =	vld.idx.msk [tilespmem:v4+s4+$0x0], $0xffff  }
0x74c: {  	v4 =	vnsel vm0, $0x0, v10;
	v10 =	vld [tilespmem:s20+$0xFFFFFFF0];
	s20 =	smov.u32 s7;
	s7 =	smov.u32 s5  }
0x74d: {  	v5 =	vmul.f32 v9, v5;
	v2 =	vsub.f32 v1, v2;
	v1 =	vld [tilespmem:s31+$0xFFFFFFF0];
	s31 =	smov.u32 s22;
	s22 =	smov.u32 s10  }
0x74e: {  	v13 =	vld [tilespmem:s5+$0xB0];
	v6 =	vmul.f32 v6, v14  }
0x74f: {  	v5 =	vsub.f32 v5, v11;
	[tilespmem:s11+$0x0] =	vst.add.f32.msk $0xffff, v2;
	v2 =	vtrunc.f32 v12  }
0x750: {  	v11 =	vld.idx.msk [tilespmem:v8+s4+$0x0], $0xffff;
	v6 =	vsub.f32 v6, v7;
	v7 =	vcvt.f32.s32 v2  }
0x751: {  	v4 =	vld.idx.msk [tilespmem:v4+s4+$0x0], $0xffff;
	v2 =	vmul.f32 v3, v10  }
0x752: {  	v3 =	vld [tilespmem:s10+$0xB0]  }
0x753: {  	[tilespmem:s23+$0xFFFFFF30] =	vst.add.f32.msk $0xffff, v5  }
0x754: {  	v5 =	vld [tilespmem:s5+$0xFFFFFF30]  }
0x755: {  	v10 =	vld [tilespmem:s10+$0xFFFFFF30]  }
0x756: {  	v8 =	vld [tilespmem:s5+$0xFFFFFFB0]  }
0x757: {  	v4 =	vmul.f32 v4, v13;
	v9 =	vld [tilespmem:s10+$0xFFFFFFB0];
	v3 =	vmul.f32 v11, v3  }
0x758: {  	[tilespmem:s11+$0xFFFFFF60] =	vst.add.f32.msk $0xffff, v6  }
0x759: {  	vm0 =	vgt.f32 v5, $0.0e+00;
	v6 =	vtrunc.f32 v5;
	v3 =	vsub.f32 v3, v4;
	v4 =	vld [tilespmem:s20+$0xFFFFFF60]  }
0x75a: {  	vm1 =	vle.f32 v5, $2.220000000e+02;
	v5 =	vcvt.f32.s32 v6;
	v6 =	vtrunc.f32 v10;
	v10 =	vld [tilespmem:s31+$0xFFFFFF60]  }
0x75b: {  	vm0 =	vmand vm0, vm1;
	v11 =	vcvt.f32.s32 v6;
	[tilespmem:s23+$0xFFFFFFC0] =	vst.add.f32.msk $0xffff, v3  }
0x75c: {  	v12 =	vnsel vm0, $0x0, v5;
	v13 =	vld [tilespmem:s10+$0x40]  }
0x75d: {  	v14 =	vld [tilespmem:s5+$0x40]  }
0x75e: {  	v3 =	vld [tilespmem:s20+$0xFFFFFFE0];
	vm0 =	vgt.f32 v4, $0.0e+00;
	vm1 =	vle.f32 v4, $2.220000000e+02;
	v5 =	vtrunc.f32 v4  }
.Ltmp3:
0x75f: {  	v4 =	vld [tilespmem:s31+$0xFFFFFFE0];
	vm0 =	vmand vm0, vm1;
	v15 =	vcvt.f32.s32 v5;
	v5 =	vtrunc.f32 v10;
	(pc) =	sbr.rel @p1 .LBB2_9-.Ltmp3, $4  }
0x760: {  	v6 =	vcvt.f32.s32 v5;
	v5 =	vld.idx.msk [tilespmem:v7+s4+$0x0], $0xffff  }
0x761: {  	v10 =	vld.idx.msk [tilespmem:v12+s4+$0x0], $0xffff;
	v7 =	vnsel vm0, $0x0, v15  }
0x762: {  	v15 =	vtrunc.f32 v13;
	v12 =	vld.idx.msk [tilespmem:v11+s4+$0x0], $0xffff;
	vm0 =	vgt.f32 v14, $0.0e+00;
	v11 =	vtrunc.f32 v14  }
0x763: {  	s10 =	sadd.s32 $0x200, s10;
	vm1 =	vle.f32 v14, $2.220000000e+02;
	v13 =	vcvt.f32.s32 v11;
	v11 =	vcvt.f32.s32 v15;
	[tilespmem:s30+$0xFFFFFF80] =	vst.add.f32.msk $0xffff, v0;
	s30 =	smov.u32 s21;
	s21 =	smov.u32 s11  }
0x764: {  	_ =	sdelay $0x2  }
0x765: {  	v0 =	vmul.f32 v10, v8;
	v56 =	vmul.f32 v12, v9;
	_ =	sdelay $0x1  }
0x766: {  	v0 =	vsub.f32 v56, v0;
	_ =	sdelay $0x1  }
0x767: {  	[tilespmem:s23+$0xFFFFFF40] =	vst.add.f32.msk $0xffff, v0  }
0x768: {  	v0 =	vld [tilespmem:s7+$0xFFFFFF40]  }
0x769: {  	v58 =	vld [tilespmem:s22+$0xFFFFFF40];
	_ =	sdelay $0x2  }
0x76a: {  	vm0 =	vmand vm0, vm1  }
0x76b: {  	v57 =	vnsel vm0, $0x0, v13  }
0x76c: {  	v60 =	vtrunc.f32 v0;
	vm12 =	vgt.f32 v0, $0.0e+00;
	v9 =	vtrunc.f32 v58  }
0x76d: {  	v59 =	vld [tilespmem:s7+$0xC0];
	vm13 =	vle.f32 v0, $2.220000000e+02;
	v61 =	vcvt.f32.s32 v60;
	v9 =	vcvt.f32.s32 v9  }
0x76e: {  	v62 =	vld [tilespmem:s22+$0xC0];
	vm0 =	vmand vm12, vm13  }
0x76f: {  	v11 =	vld.idx.msk [tilespmem:v11+s4+$0x0], $0xffff;
	v0 =	vnsel vm0, $0x0, v61  }
0x770: {  	v8 =	vld.idx.msk [tilespmem:v57+s4+$0x0], $0xffff  }
0x771: {  	v63 =	vld [tilespmem:s7+$0xFFFFFFC0]  }
0x772: {  	v16 =	vld [tilespmem:s22+$0xFFFFFFC0]  }
0x773: {  	v9 =	vld.idx.msk [tilespmem:v9+s4+$0x0], $0xffff  }
0x774: {  	v0 =	vld.idx.msk [tilespmem:v0+s4+$0x0], $0xffff  }
0x775: {  	v11 =	vmul.f32 v11, v62;
	v8 =	vmul.f32 v8, v59;
	_ =	sdelay $0x1  }
0x776: {  	v8 =	vsub.f32 v11, v8;
	_ =	sdelay $0x1  }
0x777: {  	[tilespmem:s23+$0xFFFFFFD0] =	vst.add.f32.msk $0xffff, v8;
	v9 =	vmul.f32 v9, v16;
	v0 =	vmul.f32 v0, v63  }
0x778: {  	v8 =	vld [tilespmem:s22+$0x50]  }
0x779: {  	v17 =	vld [tilespmem:s7+$0x50];
	v0 =	vsub.f32 v9, v0;
	_ =	sdelay $0x1  }
0x77a: {  	[tilespmem:s23+$0xFFFFFF50] =	vst.add.f32.msk $0xffff, v0  }
0x77b: {  	v20 =	vld [tilespmem:s7+$0xFFFFFF50]  }
0x77c: {  	v21 =	vld [tilespmem:s22+$0xFFFFFF50]  }
0x77d: {  	vm14 =	vgt.f32 v17, $0.0e+00;
	v18 =	vtrunc.f32 v17;
	v8 =	vtrunc.f32 v8  }
0x77e: {  	vm15 =	vle.f32 v17, $2.220000000e+02;
	v19 =	vcvt.f32.s32 v18;
	v8 =	vcvt.f32.s32 v8  }
0x77f: {  	vm0 =	vmand vm14, vm15  }
0x780: {  	v0 =	vnsel vm0, $0x0, v19  }
0x781: {  	v23 =	vtrunc.f32 v20;
	vm4 =	vgt.f32 v20, $0.0e+00;
	v10 =	vtrunc.f32 v21  }
0x782: {  	v22 =	vld [tilespmem:s7+$0xD0];
	vm5 =	vle.f32 v20, $2.220000000e+02;
	v24 =	vcvt.f32.s32 v23;
	v10 =	vcvt.f32.s32 v10  }
0x783: {  	v25 =	vld [tilespmem:s22+$0xD0];
	vm0 =	vmand vm4, vm5  }
0x784: {  	v8 =	vld.idx.msk [tilespmem:v8+s4+$0x0], $0xffff;
	v9 =	vnsel vm0, $0x0, v24  }
0x785: {  	v0 =	vld.idx.msk [tilespmem:v0+s4+$0x0], $0xffff  }
0x786: {  	v26 =	vld [tilespmem:s7+$0xFFFFFFD0]  }
0x787: {  	v28 =	vld [tilespmem:s22+$0xFFFFFFD0]  }
0x788: {  	v27 =	vld.idx.msk [tilespmem:v10+s4+$0x0], $0xffff  }
0x789: {  	v9 =	vld.idx.msk [tilespmem:v9+s4+$0x0], $0xffff  }
0x78a: {  	v8 =	vmul.f32 v8, v25;
	v0 =	vmul.f32 v0, v22;
	_ =	sdelay $0x1  }
0x78b: {  	v0 =	vsub.f32 v8, v0;
	_ =	sdelay $0x1  }
0x78c: {  	[tilespmem:s23+$0xFFFFFFE0] =	vst.add.f32.msk $0xffff, v0;
	v8 =	vmul.f32 v27, v28;
	v9 =	vmul.f32 v9, v26  }
0x78d: {  	v0 =	vld [tilespmem:s22+$0x60]  }
0x78e: {  	v29 =	vld [tilespmem:s7+$0x60];
	v8 =	vsub.f32 v8, v9;
	_ =	sdelay $0x1  }
0x78f: {  	[tilespmem:s23+$0xFFFFFF60] =	vst.add.f32.msk $0xffff, v8  }
0x790: {  	v8 =	vld [tilespmem:s7+$0xFFFFFF60]  }
0x791: {  	v31 =	vld [tilespmem:s22+$0xFFFFFF60]  }
0x792: {  	vm6 =	vgt.f32 v29, $0.0e+00;
	v30 =	vtrunc.f32 v29;
	v0 =	vtrunc.f32 v0  }
0x793: {  	vm7 =	vle.f32 v29, $2.220000000e+02;
	v9 =	vcvt.f32.s32 v30;
	v0 =	vcvt.f32.s32 v0  }
0x794: {  	vm0 =	vmand vm6, vm7  }
0x795: {  	v7 =	vld.idx.msk [tilespmem:v7+s4+$0x0], $0xffff;
	v9 =	vnsel vm0, $0x0, v9  }
0x796: {  	v6 =	vld.idx.msk [tilespmem:v6+s4+$0x0], $0xffff;
	v33 =	vtrunc.f32 v8;
	vm8 =	vgt.f32 v8, $0.0e+00;
	v10 =	vtrunc.f32 v31  }
0x797: {  	v32 =	vld [tilespmem:s7+$0xE0];
	vm9 =	vle.f32 v8, $2.220000000e+02;
	v34 =	vcvt.f32.s32 v33;
	v10 =	vcvt.f32.s32 v10  }
0x798: {  	v35 =	vld [tilespmem:s22+$0xE0];
	vm0 =	vmand vm8, vm9  }
0x799: {  	v0 =	vld.idx.msk [tilespmem:v0+s4+$0x0], $0xffff;
	v8 =	vnsel vm0, $0x0, v34  }
0x79a: {  	v9 =	vld.idx.msk [tilespmem:v9+s4+$0x0], $0xffff  }
0x79b: {  	v36 =	vld [tilespmem:s7+$0xFFFFFFE0]  }
0x79c: {  	v3 =	vmul.f32 v7, v3;
	v4 =	vmul.f32 v6, v4;
	v37 =	vld [tilespmem:s22+$0xFFFFFFE0]  }
0x79d: {  	v38 =	vld.idx.msk [tilespmem:v10+s4+$0x0], $0xffff  }
0x79e: {  	v39 =	vsub.f32 v4, v3;
	v8 =	vld.idx.msk [tilespmem:v8+s4+$0x0], $0xffff  }
0x79f: {  	v0 =	vmul.f32 v0, v35;
	v9 =	vmul.f32 v9, v32  }
0x7a0: {  	[tilespmem:s21+$0xFFFFFF70] =	vst.add.f32.msk $0xffff, v39  }
0x7a1: {  	v45 =	vld [tilespmem:s31+$0xFFFFFF70];
	v0 =	vsub.f32 v0, v9  }
0x7a2: {  	v44 =	vld [tilespmem:s20+$0xFFFFFF70]  }
0x7a3: {  	[tilespmem:s23+$0xFFFFFFF0] =	vst.add.f32.msk $0xffff, v0;
	v43 =	vmul.f32 v38, v37;
	v42 =	vmul.f32 v8, v36  }
0x7a4: {  	v41 =	vld [tilespmem:s7+$0x70]  }
0x7a5: {  	v0 =	vsub.f32 v43, v42  }
0x7a6: {  	v6 =	vtrunc.f32 v45;
	v40 =	vld [tilespmem:s22+$0x70]  }
0x7a7: {  	v6 =	vcvt.f32.s32 v6;
	[tilespmem:s23+$0xFFFFFF70] =	vst.add.f32.msk $0xffff, v0  }
0x7a8: {  	v49 =	vtrunc.f32 v44;
	v48 =	vld [tilespmem:s7+$0xFFFFFF70]  }
0x7a9: {  	vm12 =	vgt.f32 v44, $0.0e+00;
	vm13 =	vle.f32 v44, $2.220000000e+02;
	v46 =	vtrunc.f32 v41;
	v51 =	vld [tilespmem:s22+$0xFFFFFF70]  }
0x7aa: {  	vm10 =	vgt.f32 v41, $0.0e+00;
	vm11 =	vle.f32 v41, $2.220000000e+02;
	v47 =	vcvt.f32.s32 v46  }
0x7ab: {  	v55 =	vld [tilespmem:s20+$0xFFFFFFF0];
	v8 =	vcvt.f32.s32 v49;
	v3 =	vtrunc.f32 v40;
	vm0 =	vmand vm10, vm11  }
0x7ac: {  	v56 =	vld [tilespmem:s31+$0xFFFFFFF0];
	v3 =	vcvt.f32.s32 v3;
	v0 =	vnsel vm0, $0x0, v47;
	vm0 =	vmand vm12, vm13  }
0x7ad: {  	v6 =	vld.idx.msk [tilespmem:v6+s4+$0x0], $0xffff;
	v50 =	vnsel vm0, $0x0, v8  }
0x7ae: {  	v52 =	vld [tilespmem:s7+$0xF0];
	v53 =	vtrunc.f32 v48;
	vm14 =	vgt.f32 v48, $0.0e+00;
	v8 =	vtrunc.f32 v51  }
0x7af: {  	v54 =	vld [tilespmem:s22+$0xF0];
	vm15 =	vle.f32 v48, $2.220000000e+02;
	v10 =	vcvt.f32.s32 v53;
	v8 =	vcvt.f32.s32 v8  }
0x7b0: {  	v57 =	vld [tilespmem:s7+$0xFFFFFFF0];
	vm0 =	vmand vm14, vm15  }
0x7b1: {  	v14 =	vld [tilespmem:s22+$0xFFFFFFF0];
	v10 =	vnsel vm0, $0x0, v10  }
0x7b2: {  	v3 =	vld.idx.msk [tilespmem:v3+s4+$0x0], $0xffff  }
0x7b3: {  	v0 =	vld.idx.msk [tilespmem:v0+s4+$0x0], $0xffff  }
0x7b4: {  	v7 =	vld.idx.msk [tilespmem:v50+s4+$0x0], $0xffff  }
0x7b5: {  	v8 =	vld.idx.msk [tilespmem:v8+s4+$0x0], $0xffff  }
0x7b6: {  	v10 =	vld.idx.msk [tilespmem:v10+s4+$0x0], $0xffff;
	_ =	sdelay $0x1  }
0x7b7: {  	v1 =	vmul.f32 v5, v1  }
0x7b8: {  	v3 =	vmul.f32 v3, v54;
	v0 =	vmul.f32 v0, v52  }
0x7b9: {  	v1 =	vsub.f32 v1, v2;
	v59 =	vmul.f32 v6, v56;
	v58 =	vmul.f32 v7, v55  }
0x7ba: {  	v0 =	vsub.f32 v3, v0;
	v61 =	vmul.f32 v8, v14;
	v60 =	vmul.f32 v10, v57  }
0x7bb: {  	[tilespmem:s30+$0xFFFFFF80] =	vst.add.f32.msk $0xffff, v1;
	v62 =	vsub.f32 v59, v58  }
0x7bc: {  	s5 =	sadd.s32 @!p0 s29, s13;
	[tilespmem:s23+$0x0] =	vst.add.f32.msk $0xffff, v0;
	v63 =	vsub.f32 v61, v60  }
0x7bd: {  	s5 =	sshrl.u32 @!p0 s5, $0x3;
	[tilespmem:s21+$0xFFFFFF80] =	vst.add.f32.msk $0xffff, v62  }
0x7be: {  	s8 =	simm.s32 @!p0 $0x0;
	s10 =	simm.s32 @!p0 $0x4100;
	s7 =	sadd.s32 @!p0 s2, s5;
	[tilespmem:s23+$0xFFFFFF80] =	vst.add.f32.msk $0xffff, v63  }
0x7bf: {  	[tilespmem:s10], [sflag:$0x2] =	stream.linear.gather @!p0 [hbm4b:s7+s8], $0x4000, $0x38;
	[tilespmem:$0x14100] =	vst v63  }
0x7c0: {  	s5 =	sadd.s32 @!p0 s3, s5;
	s7 =	simm.s32 @!p0 $0xC100  }
0x7c1: {  	[tilespmem:s7], [sflag:$0x4] =	stream.linear.gather @!p0 [hbm4b:s5+s8], $0x4000, $0x38;
	[tilespmem:$0x14100] =	vst v63  }
0x7c2: {  	p0 =	sne.s32 s1, s6  }
.Ltmp4:
0x7c3: {  	_ = 	snop;
	(pc) =	sbr.rel @p0 .LBB2_6-.Ltmp4, $1  }
0x7c4: {  	_ =	sdelay $0x3  }
0x7c5: {  	s0 =	sadd.s32 $0x1, s0  }
0x7c6: {  	s1 =	simm.s32 $0x80;
	p0 =	sne.s32 s0, s18  }
.Ltmp5:
0x7c7: {  	s5 =	simm.s32 $0x400;
	s7 =	simm.s32 $0x10100;
	(pc) =	sbr.rel @p0 .LBB2_1-.Ltmp5, $4  }
0x7c8: {  	[hbm4b:s17+s1] =	stream.strided.scatter [tilespmem:s7], [sflag:$0x5], $0x4000, s5, s1, $0x38;
	[tilespmem:$0x14100] =	vst v63  }
0x7c9: {  	_ =	swait.ge [sflag:s19], $0x4000  }
0x7ca: {  	[sflag:s19] =	ssyncset.done $0x0  }
0x7cb: {  	[sflag:s19] =	ssyncadd.s32 $0xFFFFC000  }
0x7cc: {  	_ =	sfence.sel $0x180000  }
0x7cd: {  	[bflag:$0x0] =	sbarrier.arrive $0xFFFF  }
0x7ce: {  	_ =	strace $0x90000047  }
0x7cf: {  	s0 =	stileid.u32;
	[bflag:$0x2] =	sbarrier.arrive $0xFFFF  }
0x7d0: {  	p0 =	sne.s32 s0, $0x0;
	s0 =	rddreg [dreg:$0x3]  }
0x7d1: {  	s0 =	sadd.s32 @!p0 $0x100000, s0  }
0x7d2: {  	[sflag:s0] =	ssyncadd.tile.s32 @!p0 $0x1;
	_ =	shalt  }
.Lfunc_end2:
_tile_overlayer_lowered:
.L_overlay_start_2:
0x7d3: {  	(tag) =	ssettag $0x2  }
0x7d4: {  	s0 =	rddreg [dreg:$0x0];
	s2 =	stileid.u32  }
0x7d5: {  	s1 =	rddreg [dreg:$0x1];
	p0 =	sne.s32 s2, $0x0  }
0x7d6: {  	s3 =	rddreg [dreg:$0x2];
	[bflag:$0x3] =	sbarrier.arrive $0xFFFF;
	s2 =	simm.s32 @!p0 $0x1C05  }
0x7d7: {  	[timem:s3], [sflag:s2] =	dma.local @!p0 [hbm:s0], s1  }
0x7d8: {  	s0 =	simm.s32 @!p0 $0x5  }
0x7d9: {  	_ =	swait.ge @!p0 [sflag:s0], s1  }
0x7da: {  	s1 =	ssub.s32 @!p0 $0x0, s1;
	[sflag:s0] =	ssyncset.done @!p0 $0x0  }
0x7db: {  	[sflag:s0] =	ssyncadd.s32 @!p0 s1  }
0x7dc: {  	[bflag:$0x3] =	sbarrier.arrive $0xFFFF  }
0x7dd: {  	_ =	shalt  }

</sc_bundles>
